<compile_context>
chip_gen: v7x
topology: tpu7x:2x2x1
jax: 0.10.2.dev20260603
libtpu: 0.0.44.dev20260713+nightly
codegen_flags: <defaults>
</compile_context>

<pallas_src>
import functools

import numpy as np

import jax
import jax.numpy as jnp
from jax import lax
from jax.experimental import pallas as pl
from jax.experimental.pallas import tpu as pltpu
from jax.experimental.pallas import tpu_sc as plsc

_N = 10000
_E = 320000
_F = 128
_NG = 16
_NPAD = 10240
_CHUNK = 128
_NTILES = 32
_CPT = 80
_EPAD = _NTILES * _CPT * _CHUNK
_SINK = _NPAD - _N
_RPS = _NPAD // 16


def _sc_mesh():
    return plsc.VectorSubcoreMesh(core_axis_name="c", subcore_axis_name="s")


_DG = 128


def _deg_body(ei_hbm, ones_hbm, zeros_hbm, out_hbm, acc, dst_v, ones_v):
    cid = lax.axis_index("c")
    sid = lax.axis_index("s")
    wid = sid * 2 + cid
    pltpu.sync_copy(zeros_hbm, ones_v)
    for k in range(_RPS // _CHUNK):
        pltpu.sync_copy(ones_v,
                        acc.at[pl.ds(sid * _RPS + k * _CHUNK, _CHUNK)])
    pltpu.sync_copy(ones_hbm, ones_v)
    plsc.subcore_barrier()

    half = _CPT // 2
    for hf in range(2):
        pltpu.sync_copy(ei_hbm.at[1, pl.ds(wid * _CPT + hf * half, half)],
                        dst_v)

        def body(j, carry):
            pltpu.sync_copy(ones_v, acc.at[dst_v.at[j]], add=True)
            return carry

        lax.fori_loop(0, half, body, 0)
    plsc.subcore_barrier()
    pltpu.sync_copy(acc.at[pl.ds(sid * _RPS, _RPS)],
                    out_hbm.at[cid, pl.ds(sid * _RPS, _RPS)])


def _make_deg_call():
    return pl.kernel(
        _deg_body,
        out_type=jax.ShapeDtypeStruct((2, _NPAD, _DG), jnp.float32),
        mesh=_sc_mesh(),
        scratch_types=[
            pltpu.VMEM_SHARED((_NPAD, _DG), jnp.float32),
            pltpu.VMEM((_CPT // 2, _CHUNK), jnp.int32),
            pltpu.VMEM((_CHUNK, _DG), jnp.float32),
        ],
    )


def _agg_body(y_hbm, ei_hbm, zeros_hbm, out_hbm,
              acc, src_v, dst_v, rows_v, sg0, sg1):
    cid = lax.axis_index("c")
    sid = lax.axis_index("s")
    wid = sid * 2 + cid
    pltpu.sync_copy(zeros_hbm, rows_v.at[0])
    for k in range(_RPS // _CHUNK):
        pltpu.sync_copy(rows_v.at[0],
                        acc.at[pl.ds(sid * _RPS + k * _CHUNK, _CHUNK)])
    plsc.subcore_barrier()

    half = _CPT // 2
    for hf in range(2):
        base = wid * _CPT + hf * half
        pltpu.sync_copy(ei_hbm.at[0, pl.ds(base, half)], src_v)
        pltpu.sync_copy(ei_hbm.at[1, pl.ds(base, half)], dst_v)
        pltpu.async_copy(y_hbm.at[src_v.at[0]], rows_v.at[0], sg0)

        def body(i, carry):
            j0 = 2 * i
            j1 = 2 * i + 1

            pltpu.async_copy(y_hbm.at[src_v.at[j1]], rows_v.at[1], sg1)
            pltpu.make_async_copy(y_hbm.at[src_v.at[j0]], rows_v.at[0],
                                  sg0).wait()
            pltpu.sync_copy(rows_v.at[0], acc.at[dst_v.at[j0]], add=True)

            @pl.when(j0 + 2 < half)
            def _():
                pltpu.async_copy(y_hbm.at[src_v.at[j0 + 2]], rows_v.at[0],
                                 sg0)

            pltpu.make_async_copy(y_hbm.at[src_v.at[j1]], rows_v.at[1],
                                  sg1).wait()
            pltpu.sync_copy(rows_v.at[1], acc.at[dst_v.at[j1]], add=True)
            return carry

        lax.fori_loop(0, half // 2, body, 0)
    plsc.subcore_barrier()
    pltpu.sync_copy(acc.at[pl.ds(sid * _RPS, _RPS)],
                    out_hbm.at[cid, pl.ds(sid * _RPS, _RPS)])


def _make_agg_call():
    return pl.kernel(
        _agg_body,
        out_type=jax.ShapeDtypeStruct((2, _NPAD, _F), jnp.float32),
        mesh=_sc_mesh(),
        scratch_types=[
            pltpu.VMEM_SHARED((_NPAD, _F), jnp.float32),
            pltpu.VMEM((_CPT // 2, _CHUNK), jnp.int32),
            pltpu.VMEM((_CPT // 2, _CHUNK), jnp.int32),
            pltpu.VMEM((2, _CHUNK, _F), jnp.float32),
            pltpu.SemaphoreType.DMA,
            pltpu.SemaphoreType.DMA,
        ],
    )


def _mm_body(x_ref, w_ref, xw_ref):
    xw_ref[...] = jnp.dot(x_ref[...], w_ref[...],
                          preferred_element_type=jnp.float32)


def _make_mm_call():
    blk = 1000
    return pl.pallas_call(
        _mm_body,
        grid=(_N // blk,),
        in_specs=[
            pl.BlockSpec((blk, _F), lambda i: (i, 0)),
            pl.BlockSpec((_F, _F), lambda i: (0, 0)),
        ],
        out_specs=[pl.BlockSpec((blk, _F), lambda i: (i, 0))],
        out_shape=[jax.ShapeDtypeStruct((_N, _F), jnp.float32)],
    )


def _pre_body(xw_ref, dp_ref, y_ref, dis_ref):
    d = dp_ref[0, :, 0:1] + dp_ref[1, :, 0:1] + 1.0
    dis = lax.rsqrt(d)
    y_ref[...] = xw_ref[...] * dis
    dis_ref[...] = jnp.broadcast_to(dis, dis_ref.shape)


def _make_pre_call():
    blk = 1000
    return pl.pallas_call(
        _pre_body,
        grid=(_N // blk,),
        in_specs=[
            pl.BlockSpec((blk, _F), lambda i: (i, 0)),
            pl.BlockSpec((2, blk, _DG), lambda i: (0, i, 0)),
        ],
        out_specs=[
            pl.BlockSpec((blk, _F), lambda i: (i, 0)),
            pl.BlockSpec((blk, 8), lambda i: (i, 0)),
        ],
        out_shape=[
            jax.ShapeDtypeStruct((_N, _F), jnp.float32),
            jax.ShapeDtypeStruct((_N, 8), jnp.float32),
        ],
    )


def _mid_body(ap_ref, xw_ref, dis_ref, b_ref, g_ref, be_ref,
              w_ref, xwn_ref, yn_ref):
    dis = dis_ref[:, 0:1]
    t = (dis * (ap_ref[0] + ap_ref[1])
         + (dis * dis) * xw_ref[...] + b_ref[...])
    mu = jnp.mean(t, axis=1, keepdims=True)
    tcen = t - mu
    var = jnp.mean(tcen * tcen, axis=1, keepdims=True)
    h = jnp.maximum(tcen * lax.rsqrt(var + 1e-5) * g_ref[...] + be_ref[...],
                    0.0)
    xwn = jnp.dot(h, w_ref[...], preferred_element_type=jnp.float32)
    xwn_ref[...] = xwn
    yn_ref[...] = xwn * dis


def _make_mid_call():
    blk = 1000
    row = lambda i: (i, 0)
    fixed = lambda i: (0, 0)
    return pl.pallas_call(
        _mid_body,
        grid=(_N // blk,),
        in_specs=[
            pl.BlockSpec((2, blk, _F), lambda i: (0, i, 0)),
            pl.BlockSpec((blk, _F), row),
            pl.BlockSpec((blk, 8), row),
            pl.BlockSpec((1, _F), fixed),
            pl.BlockSpec((1, _F), fixed),
            pl.BlockSpec((1, _F), fixed),
            pl.BlockSpec((_F, _F), fixed),
        ],
        out_specs=[pl.BlockSpec((blk, _F), row)] * 2,
        out_shape=[jax.ShapeDtypeStruct((_N, _F), jnp.float32)] * 2,
    )


def _fin_body(ap_ref, xw_ref, dis_ref, b_ref, g_ref, be_ref,
              batch_ref, aW1_ref, ab1_ref, aW2_ref, ab2_ref,
              cW1_ref, cb1_ref, cW2_ref, cb2_ref,
              logits_ref, val_ref, sums, maxs, cnts):
    i = pl.program_id(0)
    blk = xw_ref.shape[0]

    dis = dis_ref[:, 0:1]
    t = (dis * (ap_ref[0] + ap_ref[1])
         + (dis * dis) * xw_ref[...] + b_ref[...])
    mu = jnp.mean(t, axis=1, keepdims=True)
    tcen = t - mu
    var = jnp.mean(tcen * tcen, axis=1, keepdims=True)
    h = jnp.maximum(tcen * lax.rsqrt(var + 1e-5) * g_ref[...] + be_ref[...],
                    0.0)

    @pl.when(i == 0)
    def _():
        sums[...] = jnp.zeros_like(sums)
        maxs[...] = jnp.full_like(maxs, -1e30)
        cnts[...] = jnp.zeros_like(cnts)

    bvec = batch_ref[0, 0, :]
    onehot = (bvec[:, None] == lax.broadcasted_iota(jnp.int32, (blk, _NG), 1)
              ).astype(jnp.float32)
    dn = (((0,), (0,)), ((), ()))
    sums[...] += lax.dot_general(onehot, h, dn,
                                 preferred_element_type=jnp.float32)
    cnts[...] += lax.dot_general(onehot, jnp.ones_like(h), dn,
                                 preferred_element_type=jnp.float32)
    parts = []
    for g in range(_NG):
        parts.append(jnp.max(h * onehot[:, g:g + 1], axis=0, keepdims=True))
    maxs[...] = jnp.maximum(maxs[...], jnp.concatenate(parts, axis=0))

    @pl.when(i == pl.num_programs(0) - 1)
    def _():
        cnt = cnts[...]
        mean = sums[...] / jnp.maximum(cnt, 1.0)
        xmax = jnp.where(cnt > 0, maxs[...], 0.0)
        emb = jnp.concatenate([mean, xmax], axis=1)
        a = jnp.tanh(jnp.dot(emb, aW1_ref[...],
                             preferred_element_type=jnp.float32)
                     + ab1_ref[...])
        logits_ref[...] = jnp.dot(a, aW2_ref[...],
                                  preferred_element_type=jnp.float32
                                  ) + ab2_ref[...]
        c = jnp.tanh(jnp.dot(emb, cW1_ref[...],
                             preferred_element_type=jnp.float32)
                     + cb1_ref[...])
        val_ref[...] = jnp.dot(c, cW2_ref[...],
                               preferred_element_type=jnp.float32
                               ) + cb2_ref[...]


def _make_fin_call():
    blk = 1000
    row = lambda i: (i, 0)
    fixed = lambda i: (0, 0)
    return pl.pallas_call(
        _fin_body,
        grid=(_N // blk,),
        in_specs=[
            pl.BlockSpec((2, blk, _F), lambda i: (0, i, 0)),
            pl.BlockSpec((blk, _F), row),
            pl.BlockSpec((blk, 8), row),
            pl.BlockSpec((1, _F), fixed),
            pl.BlockSpec((1, _F), fixed),
            pl.BlockSpec((1, _F), fixed),
            pl.BlockSpec((1, 1, 1000), lambda i: (i, 0, 0)),
            pl.BlockSpec((2 * _F, _F), fixed),
            pl.BlockSpec((1, _F), fixed),
            pl.BlockSpec((_F, 2 * _F), fixed),
            pl.BlockSpec((1, 2 * _F), fixed),
            pl.BlockSpec((2 * _F, _F), fixed),
            pl.BlockSpec((1, _F), fixed),
            pl.BlockSpec((_F, _F), fixed),
            pl.BlockSpec((1, _F), fixed),
        ],
        out_specs=[
            pl.BlockSpec((_NG, 2 * _F), fixed),
            pl.BlockSpec((_NG, _F), fixed),
        ],
        out_shape=[
            jax.ShapeDtypeStruct((_NG, 2 * _F), jnp.float32),
            jax.ShapeDtypeStruct((_NG, _F), jnp.float32),
        ],
        scratch_shapes=[
            pltpu.VMEM((_NG, _F), jnp.float32),
            pltpu.VMEM((_NG, _F), jnp.float32),
            pltpu.VMEM((_NG, _F), jnp.float32),
        ],
    )


def kernel(x, edge_index, batch, W1, b1, W2, b2, W3, b3, g1, be1, g2, be2,
           g3, be3, aW1, ab1, aW2, ab2, cW1, cb1, cW2, cb2):
    src = edge_index[0]
    dst = edge_index[1]

    pad = _EPAD - _E
    ar = np.arange(pad, dtype=np.int32)
    ei_pad = jnp.asarray(np.stack([ar % _N, _N + ar % _SINK]))
    ei2d = jnp.concatenate([edge_index, ei_pad], axis=1).reshape(
        2, _NTILES * _CPT, _CHUNK)

    batch3d = batch.reshape(_N // 1000, 1, 1000)
    ones_c = jnp.ones((_CHUNK, _DG), jnp.float32)
    zs = jnp.zeros((_CHUNK, _F), jnp.float32)

    b1r, b2r, b3r = (v.reshape(1, _F) for v in (b1, b2, b3))
    g1r, g2r, g3r = (v.reshape(1, _F) for v in (g1, g2, g3))
    be1r, be2r, be3r = (v.reshape(1, _F) for v in (be1, be2, be3))
    ab1r = ab1.reshape(1, _F)
    cb1r = cb1.reshape(1, _F)
    aW2p = jnp.zeros((_F, 2 * _F), jnp.float32).at[:, :160].set(aW2)
    ab2p = jnp.zeros((1, 2 * _F), jnp.float32).at[0, :160].set(ab2)
    cW2p = jnp.zeros((_F, _F), jnp.float32).at[:, 0:1].set(cW2)
    cb2p = jnp.zeros((1, _F), jnp.float32).at[0, 0].set(cb2[0])

    deg_call = _make_deg_call()
    agg_call = _make_agg_call()
    mm_call = _make_mm_call()
    pre_call = _make_pre_call()
    mid_call = _make_mid_call()
    fin_call = _make_fin_call()

    xw1, = mm_call(x, W1)
    degp = deg_call(ei2d, ones_c, zs)

    y1, dis8 = pre_call(xw1, degp)
    agg1 = agg_call(y1, ei2d, zs)
    xw2, y2 = mid_call(agg1, xw1, dis8, b1r, g1r, be1r, W2)
    agg2 = agg_call(y2, ei2d, zs)
    xw3, y3 = mid_call(agg2, xw2, dis8, b2r, g2r, be2r, W3)
    agg3 = agg_call(y3, ei2d, zs)
    logits_pad, val2d = fin_call(agg3, xw3, dis8, b3r, g3r,
                                 be3r, batch3d, aW1, ab1r, aW2p, ab2p,
                                 cW1, cb1r, cW2p, cb2p)
    return logits_pad[:, :160], val2d[:, 0]

# --- scband reference (transcript-rebuilt; emitter-appended) ---
"""Pipeline reference for scband-gnnpolicy-74801150427176 (READ-ONLY COPY).

The authoritative reference and input builder live on the scoring server;
editing this copy changes nothing except your own understanding.
"""

import jax, jax.numpy as jnp
import numpy as np

N = 10000
E = 320000
FEAT = 128
HID = 128
NACT = 160
NGRAPH = 16


def _glorot(key, shape):
    fan_in = shape[0]
    return jax.random.normal(key, shape, jnp.float32) / jnp.sqrt(float(fan_in))


def setup_inputs(seed: int = 0):
    key = jax.random.key(seed)
    ks = jax.random.split(key, 24)
    inp = {}
    inp["x"] = jax.random.normal(ks[0], (N, FEAT), jnp.float32)
    inp["edge_index"] = jax.random.randint(ks[1], (2, E), 0, N, dtype=jnp.int32)
    inp["batch"] = jnp.sort(jax.random.randint(ks[2], (N,), 0, NGRAPH, dtype=jnp.int32))
    # GCNConv weights (linear before propagate, bias after aggregation)
    inp["W1"] = _glorot(ks[3], (FEAT, HID)); inp["b1"] = jnp.zeros((HID,), jnp.float32)
    inp["W2"] = _glorot(ks[4], (HID, HID));  inp["b2"] = jnp.zeros((HID,), jnp.float32)
    inp["W3"] = _glorot(ks[5], (HID, HID));  inp["b3"] = jnp.zeros((HID,), jnp.float32)
    # LayerNorm params
    inp["g1"] = jnp.ones((HID,), jnp.float32); inp["be1"] = jnp.zeros((HID,), jnp.float32)
    inp["g2"] = jnp.ones((HID,), jnp.float32); inp["be2"] = jnp.zeros((HID,), jnp.float32)
    inp["g3"] = jnp.ones((HID,), jnp.float32); inp["be3"] = jnp.zeros((HID,), jnp.float32)
    # Actor head
    inp["aW1"] = _glorot(ks[6], (2 * HID, HID)); inp["ab1"] = jnp.zeros((HID,), jnp.float32)
    inp["aW2"] = _glorot(ks[7], (HID, NACT)) * 0.01; inp["ab2"] = jnp.zeros((NACT,), jnp.float32)
    # Critic head
    inp["cW1"] = _glorot(ks[8], (2 * HID, HID)); inp["cb1"] = jnp.zeros((HID,), jnp.float32)
    inp["cW2"] = _glorot(ks[9], (HID, 1)); inp["cb2"] = jnp.zeros((1,), jnp.float32)
    return inp


def _ln(x, g, b):
    mu = x.mean(-1, keepdims=True)
    var = x.var(-1, keepdims=True)
    return (x - mu) / jnp.sqrt(var + 1e-5) * g + b


def _gcn(x, W, b, src, dst, deg_inv_sqrt):
    xw = x @ W
    norm = deg_inv_sqrt[src] * deg_inv_sqrt[dst]
    msg = xw[src] * norm[:, None]
    agg = jax.ops.segment_sum(msg, dst, num_segments=N)
    # self-loop contribution (A + I with symmetric normalization)
    agg = agg + xw * (deg_inv_sqrt * deg_inv_sqrt)[:, None]
    return agg + b


def reference(x, edge_index, batch, W1, b1, W2, b2, W3, b3, g1, be1, g2, be2, g3, be3, aW1, ab1, aW2, ab2, cW1, cb1, cW2, cb2):
    src = edge_index[0]
    dst = edge_index[1]
    deg = jax.ops.segment_sum(jnp.ones((E,), jnp.float32), dst, num_segments=N) + 1.0
    dis = deg ** -0.5
    h = jax.nn.relu(_ln(_gcn(x, W1, b1, src, dst, dis), g1, be1))
    h = jax.nn.relu(_ln(_gcn(h, W2, b2, src, dst, dis), g2, be2))
    h = jax.nn.relu(_ln(_gcn(h, W3, b3, src, dst, dis), g3, be3))
    counts = jax.ops.segment_sum(jnp.ones((N,), jnp.float32), batch, num_segments=NGRAPH)
    x_mean = jax.ops.segment_sum(h, batch, num_segments=NGRAPH) / jnp.maximum(counts, 1.0)[:, None]
    x_max = jax.ops.segment_max(h, batch, num_segments=NGRAPH)
    x_max = jnp.where(counts[:, None] > 0, x_max, 0.0)
    emb = jnp.concatenate([x_mean, x_max], axis=-1)
    logits = jnp.tanh(emb @ aW1 + ab1) @ aW2 + ab2
    value = (jnp.tanh(emb @ cW1 + cb1) @ cW2 + cb2)[:, 0]
    return logits, value

if __name__ == "__main__":
    import jax
    _d = setup_inputs()
    print(jax.jit(kernel)(*tuple(_d.values())))

</pallas_src>

<mosaic_0001>
#map = affine_map<(d0, d1) -> (0, 0, 0)>
#map1 = affine_map<(d0, d1) -> (0, 0)>
module attributes {stable_mosaic.version = 14 : i64} {
  func.func @_deg_body(%arg0: i32, %arg1: i32, %arg2: memref<2x2560x128xi32, #tpu.memory_space<hbm>>, %arg3: memref<128x128xf32, #tpu.memory_space<hbm>>, %arg4: memref<128x128xf32, #tpu.memory_space<hbm>>, %arg5: memref<2x10240x128xf32, #tpu.memory_space<hbm>>, %arg6: memref<10240x128xf32, #tpu.memory_space<vmem_shared>>, %arg7: memref<40x128xi32, #tpu.memory_space<vmem>>, %arg8: memref<128x128xf32, #tpu.memory_space<vmem>>) attributes {dimension_semantics = [#tpu.dimension_semantics<core_parallel>, #tpu.dimension_semantics<subcore_parallel>], iteration_bounds = array<i64: 2, 16>, scalar_prefetch = 0 : i64, scratch_operands = 3 : i64, tpu.core_type = #tpu.core_type<sc_vector_subcore>, window_params = [{transform_indices = #map}, {transform_indices = #map1}, {transform_indices = #map1}, {transform_indices = #map}]} {
    %mul3A = arith.constant 2 : i32
    %mul3A_0 = arith.muli %arg1, %mul3A : i32
    %add3A = arith.addi %mul3A_0, %arg0 : i32
    "tpu.region"() ({
      %run_scoped3A_46 = tpu.sem_alloc : memref<!tpu.dma_semaphore, #tpu.memory_space<semaphore_mem>>
      tpu.enqueue_dma source(%arg4 : memref<128x128xf32, #tpu.memory_space<hbm>>) target(%arg8 : memref<128x128xf32, #tpu.memory_space<vmem>>) target_semaphore(%run_scoped3A_46 : memref<!tpu.dma_semaphore, #tpu.memory_space<semaphore_mem>>)
      tpu.wait_dma2 semaphore(%run_scoped3A_46 : memref<!tpu.dma_semaphore, #tpu.memory_space<semaphore_mem>>) src(%arg4 : memref<128x128xf32, #tpu.memory_space<hbm>>) dst(%arg8 : memref<128x128xf32, #tpu.memory_space<vmem>>)
      tpu.yield
    }) : () -> ()
    %mul3A_1 = arith.constant 640 : i32
    %mul3A_2 = arith.muli %arg1, %mul3A_1 : i32
    %add3A_3 = arith.constant 0 : i32
    %add3A_4 = arith.addi %mul3A_2, %add3A_3 : i32
    "tpu.region"() ({
      %run_scoped3A_46 = tpu.sem_alloc : memref<!tpu.dma_semaphore, #tpu.memory_space<semaphore_mem>>
      %dma_start3A = arith.constant 0 : i32
      %dma_start3A_47 = tpu.memref_slice %arg6[%add3A_4, %dma_start3A] : memref<10240x128xf32, #tpu.memory_space<vmem_shared>> -> memref<128x128xf32, #tpu.memory_space<vmem_shared>>
      %dma_start3A_48 = arith.constant 0 : i32
      %dma_start3A_49 = tpu.memref_slice %arg6[%add3A_4, %dma_start3A_48] : memref<10240x128xf32, #tpu.memory_space<vmem_shared>> -> memref<128x128xf32, #tpu.memory_space<vmem_shared>>
      tpu.enqueue_dma source(%arg8 : memref<128x128xf32, #tpu.memory_space<vmem>>) target(%dma_start3A_49 : memref<128x128xf32, #tpu.memory_space<vmem_shared>>) target_semaphore(%run_scoped3A_46 : memref<!tpu.dma_semaphore, #tpu.memory_space<semaphore_mem>>)
      %dma_wait3A = arith.constant 0 : i32
      %dma_wait3A_50 = tpu.memref_slice %arg6[%add3A_4, %dma_wait3A] : memref<10240x128xf32, #tpu.memory_space<vmem_shared>> -> memref<128x128xf32, #tpu.memory_space<vmem_shared>>
      %dma_wait3A_51 = arith.constant 0 : i32
      %dma_wait3A_52 = tpu.memref_slice %arg6[%add3A_4, %dma_wait3A_51] : memref<10240x128xf32, #tpu.memory_space<vmem_shared>> -> memref<128x128xf32, #tpu.memory_space<vmem_shared>>
      tpu.wait_dma2 semaphore(%run_scoped3A_46 : memref<!tpu.dma_semaphore, #tpu.memory_space<semaphore_mem>>) src(%arg8 : memref<128x128xf32, #tpu.memory_space<vmem>>) dst(%dma_wait3A_52 : memref<128x128xf32, #tpu.memory_space<vmem_shared>>)
      tpu.yield
    }) : () -> ()
    %mul3A_5 = arith.constant 640 : i32
    %mul3A_6 = arith.muli %arg1, %mul3A_5 : i32
    %add3A_7 = arith.constant 128 : i32
    %add3A_8 = arith.addi %mul3A_6, %add3A_7 : i32
    "tpu.region"() ({
      %run_scoped3A_46 = tpu.sem_alloc : memref<!tpu.dma_semaphore, #tpu.memory_space<semaphore_mem>>
      %dma_start3A = arith.constant 0 : i32
      %dma_start3A_47 = tpu.memref_slice %arg6[%add3A_8, %dma_start3A] : memref<10240x128xf32, #tpu.memory_space<vmem_shared>> -> memref<128x128xf32, #tpu.memory_space<vmem_shared>>
      %dma_start3A_48 = arith.constant 0 : i32
      %dma_start3A_49 = tpu.memref_slice %arg6[%add3A_8, %dma_start3A_48] : memref<10240x128xf32, #tpu.memory_space<vmem_shared>> -> memref<128x128xf32, #tpu.memory_space<vmem_shared>>
      tpu.enqueue_dma source(%arg8 : memref<128x128xf32, #tpu.memory_space<vmem>>) target(%dma_start3A_49 : memref<128x128xf32, #tpu.memory_space<vmem_shared>>) target_semaphore(%run_scoped3A_46 : memref<!tpu.dma_semaphore, #tpu.memory_space<semaphore_mem>>)
      %dma_wait3A = arith.constant 0 : i32
      %dma_wait3A_50 = tpu.memref_slice %arg6[%add3A_8, %dma_wait3A] : memref<10240x128xf32, #tpu.memory_space<vmem_shared>> -> memref<128x128xf32, #tpu.memory_space<vmem_shared>>
      %dma_wait3A_51 = arith.constant 0 : i32
      %dma_wait3A_52 = tpu.memref_slice %arg6[%add3A_8, %dma_wait3A_51] : memref<10240x128xf32, #tpu.memory_space<vmem_shared>> -> memref<128x128xf32, #tpu.memory_space<vmem_shared>>
      tpu.wait_dma2 semaphore(%run_scoped3A_46 : memref<!tpu.dma_semaphore, #tpu.memory_space<semaphore_mem>>) src(%arg8 : memref<128x128xf32, #tpu.memory_space<vmem>>) dst(%dma_wait3A_52 : memref<128x128xf32, #tpu.memory_space<vmem_shared>>)
      tpu.yield
    }) : () -> ()
    %mul3A_9 = arith.constant 640 : i32
    %mul3A_10 = arith.muli %arg1, %mul3A_9 : i32
    %add3A_11 = arith.constant 256 : i32
    %add3A_12 = arith.addi %mul3A_10, %add3A_11 : i32
    "tpu.region"() ({
      %run_scoped3A_46 = tpu.sem_alloc : memref<!tpu.dma_semaphore, #tpu.memory_space<semaphore_mem>>
      %dma_start3A = arith.constant 0 : i32
      %dma_start3A_47 = tpu.memref_slice %arg6[%add3A_12, %dma_start3A] : memref<10240x128xf32, #tpu.memory_space<vmem_shared>> -> memref<128x128xf32, #tpu.memory_space<vmem_shared>>
      %dma_start3A_48 = arith.constant 0 : i32
      %dma_start3A_49 = tpu.memref_slice %arg6[%add3A_12, %dma_start3A_48] : memref<10240x128xf32, #tpu.memory_space<vmem_shared>> -> memref<128x128xf32, #tpu.memory_space<vmem_shared>>
      tpu.enqueue_dma source(%arg8 : memref<128x128xf32, #tpu.memory_space<vmem>>) target(%dma_start3A_49 : memref<128x128xf32, #tpu.memory_space<vmem_shared>>) target_semaphore(%run_scoped3A_46 : memref<!tpu.dma_semaphore, #tpu.memory_space<semaphore_mem>>)
      %dma_wait3A = arith.constant 0 : i32
      %dma_wait3A_50 = tpu.memref_slice %arg6[%add3A_12, %dma_wait3A] : memref<10240x128xf32, #tpu.memory_space<vmem_shared>> -> memref<128x128xf32, #tpu.memory_space<vmem_shared>>
      %dma_wait3A_51 = arith.constant 0 : i32
      %dma_wait3A_52 = tpu.memref_slice %arg6[%add3A_12, %dma_wait3A_51] : memref<10240x128xf32, #tpu.memory_space<vmem_shared>> -> memref<128x128xf32, #tpu.memory_space<vmem_shared>>
      tpu.wait_dma2 semaphore(%run_scoped3A_46 : memref<!tpu.dma_semaphore, #tpu.memory_space<semaphore_mem>>) src(%arg8 : memref<128x128xf32, #tpu.memory_space<vmem>>) dst(%dma_wait3A_52 : memref<128x128xf32, #tpu.memory_space<vmem_shared>>)
      tpu.yield
    }) : () -> ()
    %mul3A_13 = arith.constant 640 : i32
    %mul3A_14 = arith.muli %arg1, %mul3A_13 : i32
    %add3A_15 = arith.constant 384 : i32
    %add3A_16 = arith.addi %mul3A_14, %add3A_15 : i32
    "tpu.region"() ({
      %run_scoped3A_46 = tpu.sem_alloc : memref<!tpu.dma_semaphore, #tpu.memory_space<semaphore_mem>>
      %dma_start3A = arith.constant 0 : i32
      %dma_start3A_47 = tpu.memref_slice %arg6[%add3A_16, %dma_start3A] : memref<10240x128xf32, #tpu.memory_space<vmem_shared>> -> memref<128x128xf32, #tpu.memory_space<vmem_shared>>
      %dma_start3A_48 = arith.constant 0 : i32
      %dma_start3A_49 = tpu.memref_slice %arg6[%add3A_16, %dma_start3A_48] : memref<10240x128xf32, #tpu.memory_space<vmem_shared>> -> memref<128x128xf32, #tpu.memory_space<vmem_shared>>
      tpu.enqueue_dma source(%arg8 : memref<128x128xf32, #tpu.memory_space<vmem>>) target(%dma_start3A_49 : memref<128x128xf32, #tpu.memory_space<vmem_shared>>) target_semaphore(%run_scoped3A_46 : memref<!tpu.dma_semaphore, #tpu.memory_space<semaphore_mem>>)
      %dma_wait3A = arith.constant 0 : i32
      %dma_wait3A_50 = tpu.memref_slice %arg6[%add3A_16, %dma_wait3A] : memref<10240x128xf32, #tpu.memory_space<vmem_shared>> -> memref<128x128xf32, #tpu.memory_space<vmem_shared>>
      %dma_wait3A_51 = arith.constant 0 : i32
      %dma_wait3A_52 = tpu.memref_slice %arg6[%add3A_16, %dma_wait3A_51] : memref<10240x128xf32, #tpu.memory_space<vmem_shared>> -> memref<128x128xf32, #tpu.memory_space<vmem_shared>>
      tpu.wait_dma2 semaphore(%run_scoped3A_46 : memref<!tpu.dma_semaphore, #tpu.memory_space<semaphore_mem>>) src(%arg8 : memref<128x128xf32, #tpu.memory_space<vmem>>) dst(%dma_wait3A_52 : memref<128x128xf32, #tpu.memory_space<vmem_shared>>)
      tpu.yield
    }) : () -> ()
    %mul3A_17 = arith.constant 640 : i32
    %mul3A_18 = arith.muli %arg1, %mul3A_17 : i32
    %add3A_19 = arith.constant 512 : i32
    %add3A_20 = arith.addi %mul3A_18, %add3A_19 : i32
    "tpu.region"() ({
      %run_scoped3A_46 = tpu.sem_alloc : memref<!tpu.dma_semaphore, #tpu.memory_space<semaphore_mem>>
      %dma_start3A = arith.constant 0 : i32
      %dma_start3A_47 = tpu.memref_slice %arg6[%add3A_20, %dma_start3A] : memref<10240x128xf32, #tpu.memory_space<vmem_shared>> -> memref<128x128xf32, #tpu.memory_space<vmem_shared>>
      %dma_start3A_48 = arith.constant 0 : i32
      %dma_start3A_49 = tpu.memref_slice %arg6[%add3A_20, %dma_start3A_48] : memref<10240x128xf32, #tpu.memory_space<vmem_shared>> -> memref<128x128xf32, #tpu.memory_space<vmem_shared>>
      tpu.enqueue_dma source(%arg8 : memref<128x128xf32, #tpu.memory_space<vmem>>) target(%dma_start3A_49 : memref<128x128xf32, #tpu.memory_space<vmem_shared>>) target_semaphore(%run_scoped3A_46 : memref<!tpu.dma_semaphore, #tpu.memory_space<semaphore_mem>>)
      %dma_wait3A = arith.constant 0 : i32
      %dma_wait3A_50 = tpu.memref_slice %arg6[%add3A_20, %dma_wait3A] : memref<10240x128xf32, #tpu.memory_space<vmem_shared>> -> memref<128x128xf32, #tpu.memory_space<vmem_shared>>
      %dma_wait3A_51 = arith.constant 0 : i32
      %dma_wait3A_52 = tpu.memref_slice %arg6[%add3A_20, %dma_wait3A_51] : memref<10240x128xf32, #tpu.memory_space<vmem_shared>> -> memref<128x128xf32, #tpu.memory_space<vmem_shared>>
      tpu.wait_dma2 semaphore(%run_scoped3A_46 : memref<!tpu.dma_semaphore, #tpu.memory_space<semaphore_mem>>) src(%arg8 : memref<128x128xf32, #tpu.memory_space<vmem>>) dst(%dma_wait3A_52 : memref<128x128xf32, #tpu.memory_space<vmem_shared>>)
      tpu.yield
    }) : () -> ()
    "tpu.region"() ({
      %run_scoped3A_46 = tpu.sem_alloc : memref<!tpu.dma_semaphore, #tpu.memory_space<semaphore_mem>>
      tpu.enqueue_dma source(%arg3 : memref<128x128xf32, #tpu.memory_space<hbm>>) target(%arg8 : memref<128x128xf32, #tpu.memory_space<vmem>>) target_semaphore(%run_scoped3A_46 : memref<!tpu.dma_semaphore, #tpu.memory_space<semaphore_mem>>)
      tpu.wait_dma2 semaphore(%run_scoped3A_46 : memref<!tpu.dma_semaphore, #tpu.memory_space<semaphore_mem>>) src(%arg3 : memref<128x128xf32, #tpu.memory_space<hbm>>) dst(%arg8 : memref<128x128xf32, #tpu.memory_space<vmem>>)
      tpu.yield
    }) : () -> ()
    %barrier3A = arith.constant 0 : index
    tpu.barrier barrier_id(%barrier3A)
    %mul3A_21 = arith.constant 80 : i32
    %mul3A_22 = arith.muli %add3A, %mul3A_21 : i32
    %add3A_23 = arith.constant 0 : i32
    %add3A_24 = arith.addi %mul3A_22, %add3A_23 : i32
    %run_scoped3A = arith.constant 1 : i32
    "tpu.region"() ({
      %run_scoped3A_46 = tpu.sem_alloc : memref<!tpu.dma_semaphore, #tpu.memory_space<semaphore_mem>>
      %dma_start3A = arith.constant 0 : i32
      %dma_start3A_47 = tpu.memref_slice %arg2[%run_scoped3A, %add3A_24, %dma_start3A] : memref<2x2560x128xi32, #tpu.memory_space<hbm>> -> memref<1x40x128xi32, #tpu.memory_space<hbm>>
      %dma_start3A_48 = tpu.memref_squeeze %dma_start3A_47 : memref<1x40x128xi32, #tpu.memory_space<hbm>> -> memref<40x128xi32, #tpu.memory_space<hbm>>
      %dma_start3A_49 = arith.constant 0 : i32
      %dma_start3A_50 = tpu.memref_slice %arg2[%run_scoped3A, %add3A_24, %dma_start3A_49] : memref<2x2560x128xi32, #tpu.memory_space<hbm>> -> memref<1x40x128xi32, #tpu.memory_space<hbm>>
      %dma_start3A_51 = tpu.memref_squeeze %dma_start3A_50 : memref<1x40x128xi32, #tpu.memory_space<hbm>> -> memref<40x128xi32, #tpu.memory_space<hbm>>
      tpu.enqueue_dma source(%dma_start3A_51 : memref<40x128xi32, #tpu.memory_space<hbm>>) target(%arg7 : memref<40x128xi32, #tpu.memory_space<vmem>>) target_semaphore(%run_scoped3A_46 : memref<!tpu.dma_semaphore, #tpu.memory_space<semaphore_mem>>)
      %dma_wait3A = arith.constant 0 : i32
      %dma_wait3A_52 = tpu.memref_slice %arg2[%run_scoped3A, %add3A_24, %dma_wait3A] : memref<2x2560x128xi32, #tpu.memory_space<hbm>> -> memref<1x40x128xi32, #tpu.memory_space<hbm>>
      %dma_wait3A_53 = tpu.memref_squeeze %dma_wait3A_52 : memref<1x40x128xi32, #tpu.memory_space<hbm>> -> memref<40x128xi32, #tpu.memory_space<hbm>>
      %dma_wait3A_54 = arith.constant 0 : i32
      %dma_wait3A_55 = tpu.memref_slice %arg2[%run_scoped3A, %add3A_24, %dma_wait3A_54] : memref<2x2560x128xi32, #tpu.memory_space<hbm>> -> memref<1x40x128xi32, #tpu.memory_space<hbm>>
      %dma_wait3A_56 = tpu.memref_squeeze %dma_wait3A_55 : memref<1x40x128xi32, #tpu.memory_space<hbm>> -> memref<40x128xi32, #tpu.memory_space<hbm>>
      tpu.wait_dma2 semaphore(%run_scoped3A_46 : memref<!tpu.dma_semaphore, #tpu.memory_space<semaphore_mem>>) src(%dma_wait3A_56 : memref<40x128xi32, #tpu.memory_space<hbm>>) dst(%arg7 : memref<40x128xi32, #tpu.memory_space<vmem>>)
      tpu.yield
    }) : () -> ()
    %scan3A = arith.constant 0 : i32
    %scan3A_25 = arith.constant 0 : i32
    %scan3A_26 = arith.constant 40 : i32
    %scan3A_27 = arith.addi %scan3A_25, %scan3A_26 : i32
    %scan3A_28 = arith.constant 1 : i32
    scf.for %scan3A_46 = %scan3A_25 to %scan3A_27 step %scan3A_28  : i32 {
      "tpu.region"() ({
        %run_scoped3A_47 = tpu.sem_alloc : memref<!tpu.dma_semaphore, #tpu.memory_space<semaphore_mem>>
        %dma_start3A = arith.constant 0 : i32
        %dma_start3A_48 = tpu.memref_slice %arg7[%scan3A_46, %dma_start3A] : memref<40x128xi32, #tpu.memory_space<vmem>> -> memref<1x128xi32, #tpu.memory_space<vmem>>
        %dma_start3A_49 = tpu.memref_squeeze %dma_start3A_48 : memref<1x128xi32, #tpu.memory_space<vmem>> -> memref<128xi32, #tpu.memory_space<vmem>>
        %dma_start3A_50 = arith.constant 0 : i32
        %dma_start3A_51 = arith.constant 0 : i32
        %dma_start3A_52 = tpu.memref_slice %arg6[%dma_start3A_50, %dma_start3A_51] : memref<10240x128xf32, #tpu.memory_space<vmem_shared>> -> memref<10240x128xf32, #tpu.memory_space<vmem_shared>>
        tpu.enqueue_indirect_dma source(%arg8 : memref<128x128xf32, #tpu.memory_space<vmem>>) target(%dma_start3A_52 : memref<10240x128xf32, #tpu.memory_space<vmem_shared>>) offsets(%dma_start3A_49 : memref<128xi32, #tpu.memory_space<vmem>>) semaphore(%run_scoped3A_47 : memref<!tpu.dma_semaphore, #tpu.memory_space<semaphore_mem>>) {add = true}
        %dma_wait3A = arith.constant 0 : i32
        %dma_wait3A_53 = tpu.memref_slice %arg7[%scan3A_46, %dma_wait3A] : memref<40x128xi32, #tpu.memory_space<vmem>> -> memref<1x128xi32, #tpu.memory_space<vmem>>
        %dma_wait3A_54 = tpu.memref_squeeze %dma_wait3A_53 : memref<1x128xi32, #tpu.memory_space<vmem>> -> memref<128xi32, #tpu.memory_space<vmem>>
        %dma_wait3A_55 = arith.constant 0 : i32
        %dma_wait3A_56 = arith.constant 0 : i32
        %dma_wait3A_57 = tpu.memref_slice %arg6[%dma_wait3A_55, %dma_wait3A_56] : memref<10240x128xf32, #tpu.memory_space<vmem_shared>> -> memref<10240x128xf32, #tpu.memory_space<vmem_shared>>
        tpu.wait_indirect_dma semaphore(%run_scoped3A_47 : memref<!tpu.dma_semaphore, #tpu.memory_space<semaphore_mem>>) src(%arg8 : memref<128x128xf32, #tpu.memory_space<vmem>>) dst(%dma_wait3A_57 : memref<10240x128xf32, #tpu.memory_space<vmem_shared>>)
        tpu.yield
      }) : () -> ()
    }
    %scan3A_29 = arith.constant 40 : i32
    %mul3A_30 = arith.constant 80 : i32
    %mul3A_31 = arith.muli %add3A, %mul3A_30 : i32
    %add3A_32 = arith.constant 40 : i32
    %add3A_33 = arith.addi %mul3A_31, %add3A_32 : i32
    %run_scoped3A_34 = arith.constant 1 : i32
    "tpu.region"() ({
      %run_scoped3A_46 = tpu.sem_alloc : memref<!tpu.dma_semaphore, #tpu.memory_space<semaphore_mem>>
      %dma_start3A = arith.constant 0 : i32
      %dma_start3A_47 = tpu.memref_slice %arg2[%run_scoped3A_34, %add3A_33, %dma_start3A] : memref<2x2560x128xi32, #tpu.memory_space<hbm>> -> memref<1x40x128xi32, #tpu.memory_space<hbm>>
      %dma_start3A_48 = tpu.memref_squeeze %dma_start3A_47 : memref<1x40x128xi32, #tpu.memory_space<hbm>> -> memref<40x128xi32, #tpu.memory_space<hbm>>
      %dma_start3A_49 = arith.constant 0 : i32
      %dma_start3A_50 = tpu.memref_slice %arg2[%run_scoped3A_34, %add3A_33, %dma_start3A_49] : memref<2x2560x128xi32, #tpu.memory_space<hbm>> -> memref<1x40x128xi32, #tpu.memory_space<hbm>>
      %dma_start3A_51 = tpu.memref_squeeze %dma_start3A_50 : memref<1x40x128xi32, #tpu.memory_space<hbm>> -> memref<40x128xi32, #tpu.memory_space<hbm>>
      tpu.enqueue_dma source(%dma_start3A_51 : memref<40x128xi32, #tpu.memory_space<hbm>>) target(%arg7 : memref<40x128xi32, #tpu.memory_space<vmem>>) target_semaphore(%run_scoped3A_46 : memref<!tpu.dma_semaphore, #tpu.memory_space<semaphore_mem>>)
      %dma_wait3A = arith.constant 0 : i32
      %dma_wait3A_52 = tpu.memref_slice %arg2[%run_scoped3A_34, %add3A_33, %dma_wait3A] : memref<2x2560x128xi32, #tpu.memory_space<hbm>> -> memref<1x40x128xi32, #tpu.memory_space<hbm>>
      %dma_wait3A_53 = tpu.memref_squeeze %dma_wait3A_52 : memref<1x40x128xi32, #tpu.memory_space<hbm>> -> memref<40x128xi32, #tpu.memory_space<hbm>>
      %dma_wait3A_54 = arith.constant 0 : i32
      %dma_wait3A_55 = tpu.memref_slice %arg2[%run_scoped3A_34, %add3A_33, %dma_wait3A_54] : memref<2x2560x128xi32, #tpu.memory_space<hbm>> -> memref<1x40x128xi32, #tpu.memory_space<hbm>>
      %dma_wait3A_56 = tpu.memref_squeeze %dma_wait3A_55 : memref<1x40x128xi32, #tpu.memory_space<hbm>> -> memref<40x128xi32, #tpu.memory_space<hbm>>
      tpu.wait_dma2 semaphore(%run_scoped3A_46 : memref<!tpu.dma_semaphore, #tpu.memory_space<semaphore_mem>>) src(%dma_wait3A_56 : memref<40x128xi32, #tpu.memory_space<hbm>>) dst(%arg7 : memref<40x128xi32, #tpu.memory_space<vmem>>)
      tpu.yield
    }) : () -> ()
    %scan3A_35 = arith.constant 0 : i32
    %scan3A_36 = arith.constant 0 : i32
    %scan3A_37 = arith.constant 40 : i32
    %scan3A_38 = arith.addi %scan3A_36, %scan3A_37 : i32
    %scan3A_39 = arith.constant 1 : i32
    scf.for %scan3A_46 = %scan3A_36 to %scan3A_38 step %scan3A_39  : i32 {
      "tpu.region"() ({
        %run_scoped3A_47 = tpu.sem_alloc : memref<!tpu.dma_semaphore, #tpu.memory_space<semaphore_mem>>
        %dma_start3A = arith.constant 0 : i32
        %dma_start3A_48 = tpu.memref_slice %arg7[%scan3A_46, %dma_start3A] : memref<40x128xi32, #tpu.memory_space<vmem>> -> memref<1x128xi32, #tpu.memory_space<vmem>>
        %dma_start3A_49 = tpu.memref_squeeze %dma_start3A_48 : memref<1x128xi32, #tpu.memory_space<vmem>> -> memref<128xi32, #tpu.memory_space<vmem>>
        %dma_start3A_50 = arith.constant 0 : i32
        %dma_start3A_51 = arith.constant 0 : i32
        %dma_start3A_52 = tpu.memref_slice %arg6[%dma_start3A_50, %dma_start3A_51] : memref<10240x128xf32, #tpu.memory_space<vmem_shared>> -> memref<10240x128xf32, #tpu.memory_space<vmem_shared>>
        tpu.enqueue_indirect_dma source(%arg8 : memref<128x128xf32, #tpu.memory_space<vmem>>) target(%dma_start3A_52 : memref<10240x128xf32, #tpu.memory_space<vmem_shared>>) offsets(%dma_start3A_49 : memref<128xi32, #tpu.memory_space<vmem>>) semaphore(%run_scoped3A_47 : memref<!tpu.dma_semaphore, #tpu.memory_space<semaphore_mem>>) {add = true}
        %dma_wait3A = arith.constant 0 : i32
        %dma_wait3A_53 = tpu.memref_slice %arg7[%scan3A_46, %dma_wait3A] : memref<40x128xi32, #tpu.memory_space<vmem>> -> memref<1x128xi32, #tpu.memory_space<vmem>>
        %dma_wait3A_54 = tpu.memref_squeeze %dma_wait3A_53 : memref<1x128xi32, #tpu.memory_space<vmem>> -> memref<128xi32, #tpu.memory_space<vmem>>
        %dma_wait3A_55 = arith.constant 0 : i32
        %dma_wait3A_56 = arith.constant 0 : i32
        %dma_wait3A_57 = tpu.memref_slice %arg6[%dma_wait3A_55, %dma_wait3A_56] : memref<10240x128xf32, #tpu.memory_space<vmem_shared>> -> memref<10240x128xf32, #tpu.memory_space<vmem_shared>>
        tpu.wait_indirect_dma semaphore(%run_scoped3A_47 : memref<!tpu.dma_semaphore, #tpu.memory_space<semaphore_mem>>) src(%arg8 : memref<128x128xf32, #tpu.memory_space<vmem>>) dst(%dma_wait3A_57 : memref<10240x128xf32, #tpu.memory_space<vmem_shared>>)
        tpu.yield
      }) : () -> ()
    }
    %scan3A_40 = arith.constant 40 : i32
    %barrier3A_41 = arith.constant 0 : index
    tpu.barrier barrier_id(%barrier3A_41)
    %mul3A_42 = arith.constant 640 : i32
    %mul3A_43 = arith.muli %arg1, %mul3A_42 : i32
    %mul3A_44 = arith.constant 640 : i32
    %mul3A_45 = arith.muli %arg1, %mul3A_44 : i32
    "tpu.region"() ({
      %run_scoped3A_46 = tpu.sem_alloc : memref<!tpu.dma_semaphore, #tpu.memory_space<semaphore_mem>>
      %dma_start3A = arith.constant 0 : i32
      %dma_start3A_47 = tpu.memref_slice %arg5[%arg0, %mul3A_45, %dma_start3A] : memref<2x10240x128xf32, #tpu.memory_space<hbm>> -> memref<1x640x128xf32, #tpu.memory_space<hbm>>
      %dma_start3A_48 = tpu.memref_squeeze %dma_start3A_47 : memref<1x640x128xf32, #tpu.memory_space<hbm>> -> memref<640x128xf32, #tpu.memory_space<hbm>>
      %dma_start3A_49 = arith.constant 0 : i32
      %dma_start3A_50 = tpu.memref_slice %arg6[%mul3A_43, %dma_start3A_49] : memref<10240x128xf32, #tpu.memory_space<vmem_shared>> -> memref<640x128xf32, #tpu.memory_space<vmem_shared>>
      tpu.enqueue_dma source(%dma_start3A_50 : memref<640x128xf32, #tpu.memory_space<vmem_shared>>) target(%dma_start3A_48 : memref<640x128xf32, #tpu.memory_space<hbm>>) target_semaphore(%run_scoped3A_46 : memref<!tpu.dma_semaphore, #tpu.memory_space<semaphore_mem>>)
      %dma_wait3A = arith.constant 0 : i32
      %dma_wait3A_51 = tpu.memref_slice %arg5[%arg0, %mul3A_45, %dma_wait3A] : memref<2x10240x128xf32, #tpu.memory_space<hbm>> -> memref<1x640x128xf32, #tpu.memory_space<hbm>>
      %dma_wait3A_52 = tpu.memref_squeeze %dma_wait3A_51 : memref<1x640x128xf32, #tpu.memory_space<hbm>> -> memref<640x128xf32, #tpu.memory_space<hbm>>
      %dma_wait3A_53 = arith.constant 0 : i32
      %dma_wait3A_54 = tpu.memref_slice %arg6[%mul3A_43, %dma_wait3A_53] : memref<10240x128xf32, #tpu.memory_space<vmem_shared>> -> memref<640x128xf32, #tpu.memory_space<vmem_shared>>
      tpu.wait_dma2 semaphore(%run_scoped3A_46 : memref<!tpu.dma_semaphore, #tpu.memory_space<semaphore_mem>>) src(%dma_wait3A_54 : memref<640x128xf32, #tpu.memory_space<vmem_shared>>) dst(%dma_wait3A_52 : memref<640x128xf32, #tpu.memory_space<hbm>>)
      tpu.yield
    }) : () -> ()
    return
  }
}

#map = affine_map<(d0, d1) -> (0, 0)>
#map1 = affine_map<(d0, d1) -> (0, 0, 0)>
module attributes {stable_mosaic.version = 14 : i64} {
  func.func @_agg_body(%arg0: i32, %arg1: i32, %arg2: memref<10000x128xf32, #tpu.memory_space<hbm>>, %arg3: memref<2x2560x128xi32, #tpu.memory_space<hbm>>, %arg4: memref<128x128xf32, #tpu.memory_space<hbm>>, %arg5: memref<2x10240x128xf32, #tpu.memory_space<hbm>>, %arg6: memref<10240x128xf32, #tpu.memory_space<vmem_shared>>, %arg7: memref<40x128xi32, #tpu.memory_space<vmem>>, %arg8: memref<40x128xi32, #tpu.memory_space<vmem>>, %arg9: memref<2x128x128xf32, #tpu.memory_space<vmem>>, %arg10: memref<!tpu.dma_semaphore, #tpu.memory_space<semaphore_mem>>, %arg11: memref<!tpu.dma_semaphore, #tpu.memory_space<semaphore_mem>>) attributes {dimension_semantics = [#tpu.dimension_semantics<core_parallel>, #tpu.dimension_semantics<subcore_parallel>], iteration_bounds = array<i64: 2, 16>, scalar_prefetch = 0 : i64, scratch_operands = 6 : i64, tpu.core_type = #tpu.core_type<sc_vector_subcore>, window_params = [{transform_indices = #map}, {transform_indices = #map1}, {transform_indices = #map}, {transform_indices = #map1}]} {
    %mul3A = arith.constant 2 : i32
    %mul3A_0 = arith.muli %arg1, %mul3A : i32
    %add3A = arith.addi %mul3A_0, %arg0 : i32
    %run_scoped3A = arith.constant 0 : i32
    "tpu.region"() ({
      %run_scoped3A_77 = tpu.sem_alloc : memref<!tpu.dma_semaphore, #tpu.memory_space<semaphore_mem>>
      %dma_start3A_78 = arith.constant 0 : i32
      %dma_start3A_79 = arith.constant 0 : i32
      %dma_start3A_80 = tpu.memref_slice %arg9[%run_scoped3A, %dma_start3A_78, %dma_start3A_79] : memref<2x128x128xf32, #tpu.memory_space<vmem>> -> memref<1x128x128xf32, #tpu.memory_space<vmem>>
      %dma_start3A_81 = tpu.memref_squeeze %dma_start3A_80 : memref<1x128x128xf32, #tpu.memory_space<vmem>> -> memref<128x128xf32, #tpu.memory_space<vmem>>
      %dma_start3A_82 = arith.constant 0 : i32
      %dma_start3A_83 = arith.constant 0 : i32
      %dma_start3A_84 = tpu.memref_slice %arg9[%run_scoped3A, %dma_start3A_82, %dma_start3A_83] : memref<2x128x128xf32, #tpu.memory_space<vmem>> -> memref<1x128x128xf32, #tpu.memory_space<vmem>>
      %dma_start3A_85 = tpu.memref_squeeze %dma_start3A_84 : memref<1x128x128xf32, #tpu.memory_space<vmem>> -> memref<128x128xf32, #tpu.memory_space<vmem>>
      tpu.enqueue_dma source(%arg4 : memref<128x128xf32, #tpu.memory_space<hbm>>) target(%dma_start3A_85 : memref<128x128xf32, #tpu.memory_space<vmem>>) target_semaphore(%run_scoped3A_77 : memref<!tpu.dma_semaphore, #tpu.memory_space<semaphore_mem>>)
      %dma_wait3A = arith.constant 0 : i32
      %dma_wait3A_86 = arith.constant 0 : i32
      %dma_wait3A_87 = tpu.memref_slice %arg9[%run_scoped3A, %dma_wait3A, %dma_wait3A_86] : memref<2x128x128xf32, #tpu.memory_space<vmem>> -> memref<1x128x128xf32, #tpu.memory_space<vmem>>
      %dma_wait3A_88 = tpu.memref_squeeze %dma_wait3A_87 : memref<1x128x128xf32, #tpu.memory_space<vmem>> -> memref<128x128xf32, #tpu.memory_space<vmem>>
      %dma_wait3A_89 = arith.constant 0 : i32
      %dma_wait3A_90 = arith.constant 0 : i32
      %dma_wait3A_91 = tpu.memref_slice %arg9[%run_scoped3A, %dma_wait3A_89, %dma_wait3A_90] : memref<2x128x128xf32, #tpu.memory_space<vmem>> -> memref<1x128x128xf32, #tpu.memory_space<vmem>>
      %dma_wait3A_92 = tpu.memref_squeeze %dma_wait3A_91 : memref<1x128x128xf32, #tpu.memory_space<vmem>> -> memref<128x128xf32, #tpu.memory_space<vmem>>
      tpu.wait_dma2 semaphore(%run_scoped3A_77 : memref<!tpu.dma_semaphore, #tpu.memory_space<semaphore_mem>>) src(%arg4 : memref<128x128xf32, #tpu.memory_space<hbm>>) dst(%dma_wait3A_92 : memref<128x128xf32, #tpu.memory_space<vmem>>)
      tpu.yield
    }) : () -> ()
    %mul3A_1 = arith.constant 640 : i32
    %mul3A_2 = arith.muli %arg1, %mul3A_1 : i32
    %add3A_3 = arith.constant 0 : i32
    %add3A_4 = arith.addi %mul3A_2, %add3A_3 : i32
    %run_scoped3A_5 = arith.constant 0 : i32
    "tpu.region"() ({
      %run_scoped3A_77 = tpu.sem_alloc : memref<!tpu.dma_semaphore, #tpu.memory_space<semaphore_mem>>
      %dma_start3A_78 = arith.constant 0 : i32
      %dma_start3A_79 = arith.constant 0 : i32
      %dma_start3A_80 = tpu.memref_slice %arg9[%run_scoped3A_5, %dma_start3A_78, %dma_start3A_79] : memref<2x128x128xf32, #tpu.memory_space<vmem>> -> memref<1x128x128xf32, #tpu.memory_space<vmem>>
      %dma_start3A_81 = tpu.memref_squeeze %dma_start3A_80 : memref<1x128x128xf32, #tpu.memory_space<vmem>> -> memref<128x128xf32, #tpu.memory_space<vmem>>
      %dma_start3A_82 = arith.constant 0 : i32
      %dma_start3A_83 = tpu.memref_slice %arg6[%add3A_4, %dma_start3A_82] : memref<10240x128xf32, #tpu.memory_space<vmem_shared>> -> memref<128x128xf32, #tpu.memory_space<vmem_shared>>
      %dma_start3A_84 = arith.constant 0 : i32
      %dma_start3A_85 = tpu.memref_slice %arg6[%add3A_4, %dma_start3A_84] : memref<10240x128xf32, #tpu.memory_space<vmem_shared>> -> memref<128x128xf32, #tpu.memory_space<vmem_shared>>
      %dma_start3A_86 = arith.constant 0 : i32
      %dma_start3A_87 = arith.constant 0 : i32
      %dma_start3A_88 = tpu.memref_slice %arg9[%run_scoped3A_5, %dma_start3A_86, %dma_start3A_87] : memref<2x128x128xf32, #tpu.memory_space<vmem>> -> memref<1x128x128xf32, #tpu.memory_space<vmem>>
      %dma_start3A_89 = tpu.memref_squeeze %dma_start3A_88 : memref<1x128x128xf32, #tpu.memory_space<vmem>> -> memref<128x128xf32, #tpu.memory_space<vmem>>
      tpu.enqueue_dma source(%dma_start3A_89 : memref<128x128xf32, #tpu.memory_space<vmem>>) target(%dma_start3A_85 : memref<128x128xf32, #tpu.memory_space<vmem_shared>>) target_semaphore(%run_scoped3A_77 : memref<!tpu.dma_semaphore, #tpu.memory_space<semaphore_mem>>)
      %dma_wait3A = arith.constant 0 : i32
      %dma_wait3A_90 = arith.constant 0 : i32
      %dma_wait3A_91 = tpu.memref_slice %arg9[%run_scoped3A_5, %dma_wait3A, %dma_wait3A_90] : memref<2x128x128xf32, #tpu.memory_space<vmem>> -> memref<1x128x128xf32, #tpu.memory_space<vmem>>
      %dma_wait3A_92 = tpu.memref_squeeze %dma_wait3A_91 : memref<1x128x128xf32, #tpu.memory_space<vmem>> -> memref<128x128xf32, #tpu.memory_space<vmem>>
      %dma_wait3A_93 = arith.constant 0 : i32
      %dma_wait3A_94 = tpu.memref_slice %arg6[%add3A_4, %dma_wait3A_93] : memref<10240x128xf32, #tpu.memory_space<vmem_shared>> -> memref<128x128xf32, #tpu.memory_space<vmem_shared>>
      %dma_wait3A_95 = arith.constant 0 : i32
      %dma_wait3A_96 = tpu.memref_slice %arg6[%add3A_4, %dma_wait3A_95] : memref<10240x128xf32, #tpu.memory_space<vmem_shared>> -> memref<128x128xf32, #tpu.memory_space<vmem_shared>>
      %dma_wait3A_97 = arith.constant 0 : i32
      %dma_wait3A_98 = arith.constant 0 : i32
      %dma_wait3A_99 = tpu.memref_slice %arg9[%run_scoped3A_5, %dma_wait3A_97, %dma_wait3A_98] : memref<2x128x128xf32, #tpu.memory_space<vmem>> -> memref<1x128x128xf32, #tpu.memory_space<vmem>>
      %dma_wait3A_100 = tpu.memref_squeeze %dma_wait3A_99 : memref<1x128x128xf32, #tpu.memory_space<vmem>> -> memref<128x128xf32, #tpu.memory_space<vmem>>
      tpu.wait_dma2 semaphore(%run_scoped3A_77 : memref<!tpu.dma_semaphore, #tpu.memory_space<semaphore_mem>>) src(%dma_wait3A_100 : memref<128x128xf32, #tpu.memory_space<vmem>>) dst(%dma_wait3A_96 : memref<128x128xf32, #tpu.memory_space<vmem_shared>>)
      tpu.yield
    }) : () -> ()
    %mul3A_6 = arith.constant 640 : i32
    %mul3A_7 = arith.muli %arg1, %mul3A_6 : i32
    %add3A_8 = arith.constant 128 : i32
    %add3A_9 = arith.addi %mul3A_7, %add3A_8 : i32
    %run_scoped3A_10 = arith.constant 0 : i32
    "tpu.region"() ({
      %run_scoped3A_77 = tpu.sem_alloc : memref<!tpu.dma_semaphore, #tpu.memory_space<semaphore_mem>>
      %dma_start3A_78 = arith.constant 0 : i32
      %dma_start3A_79 = arith.constant 0 : i32
      %dma_start3A_80 = tpu.memref_slice %arg9[%run_scoped3A_10, %dma_start3A_78, %dma_start3A_79] : memref<2x128x128xf32, #tpu.memory_space<vmem>> -> memref<1x128x128xf32, #tpu.memory_space<vmem>>
      %dma_start3A_81 = tpu.memref_squeeze %dma_start3A_80 : memref<1x128x128xf32, #tpu.memory_space<vmem>> -> memref<128x128xf32, #tpu.memory_space<vmem>>
      %dma_start3A_82 = arith.constant 0 : i32
      %dma_start3A_83 = tpu.memref_slice %arg6[%add3A_9, %dma_start3A_82] : memref<10240x128xf32, #tpu.memory_space<vmem_shared>> -> memref<128x128xf32, #tpu.memory_space<vmem_shared>>
      %dma_start3A_84 = arith.constant 0 : i32
      %dma_start3A_85 = tpu.memref_slice %arg6[%add3A_9, %dma_start3A_84] : memref<10240x128xf32, #tpu.memory_space<vmem_shared>> -> memref<128x128xf32, #tpu.memory_space<vmem_shared>>
      %dma_start3A_86 = arith.constant 0 : i32
      %dma_start3A_87 = arith.constant 0 : i32
      %dma_start3A_88 = tpu.memref_slice %arg9[%run_scoped3A_10, %dma_start3A_86, %dma_start3A_87] : memref<2x128x128xf32, #tpu.memory_space<vmem>> -> memref<1x128x128xf32, #tpu.memory_space<vmem>>
      %dma_start3A_89 = tpu.memref_squeeze %dma_start3A_88 : memref<1x128x128xf32, #tpu.memory_space<vmem>> -> memref<128x128xf32, #tpu.memory_space<vmem>>
      tpu.enqueue_dma source(%dma_start3A_89 : memref<128x128xf32, #tpu.memory_space<vmem>>) target(%dma_start3A_85 : memref<128x128xf32, #tpu.memory_space<vmem_shared>>) target_semaphore(%run_scoped3A_77 : memref<!tpu.dma_semaphore, #tpu.memory_space<semaphore_mem>>)
      %dma_wait3A = arith.constant 0 : i32
      %dma_wait3A_90 = arith.constant 0 : i32
      %dma_wait3A_91 = tpu.memref_slice %arg9[%run_scoped3A_10, %dma_wait3A, %dma_wait3A_90] : memref<2x128x128xf32, #tpu.memory_space<vmem>> -> memref<1x128x128xf32, #tpu.memory_space<vmem>>
      %dma_wait3A_92 = tpu.memref_squeeze %dma_wait3A_91 : memref<1x128x128xf32, #tpu.memory_space<vmem>> -> memref<128x128xf32, #tpu.memory_space<vmem>>
      %dma_wait3A_93 = arith.constant 0 : i32
      %dma_wait3A_94 = tpu.memref_slice %arg6[%add3A_9, %dma_wait3A_93] : memref<10240x128xf32, #tpu.memory_space<vmem_shared>> -> memref<128x128xf32, #tpu.memory_space<vmem_shared>>
      %dma_wait3A_95 = arith.constant 0 : i32
      %dma_wait3A_96 = tpu.memref_slice %arg6[%add3A_9, %dma_wait3A_95] : memref<10240x128xf32, #tpu.memory_space<vmem_shared>> -> memref<128x128xf32, #tpu.memory_space<vmem_shared>>
      %dma_wait3A_97 = arith.constant 0 : i32
      %dma_wait3A_98 = arith.constant 0 : i32
      %dma_wait3A_99 = tpu.memref_slice %arg9[%run_scoped3A_10, %dma_wait3A_97, %dma_wait3A_98] : memref<2x128x128xf32, #tpu.memory_space<vmem>> -> memref<1x128x128xf32, #tpu.memory_space<vmem>>
      %dma_wait3A_100 = tpu.memref_squeeze %dma_wait3A_99 : memref<1x128x128xf32, #tpu.memory_space<vmem>> -> memref<128x128xf32, #tpu.memory_space<vmem>>
      tpu.wait_dma2 semaphore(%run_scoped3A_77 : memref<!tpu.dma_semaphore, #tpu.memory_space<semaphore_mem>>) src(%dma_wait3A_100 : memref<128x128xf32, #tpu.memory_space<vmem>>) dst(%dma_wait3A_96 : memref<128x128xf32, #tpu.memory_space<vmem_shared>>)
      tpu.yield
    }) : () -> ()
    %mul3A_11 = arith.constant 640 : i32
    %mul3A_12 = arith.muli %arg1, %mul3A_11 : i32
    %add3A_13 = arith.constant 256 : i32
    %add3A_14 = arith.addi %mul3A_12, %add3A_13 : i32
    %run_scoped3A_15 = arith.constant 0 : i32
    "tpu.region"() ({
      %run_scoped3A_77 = tpu.sem_alloc : memref<!tpu.dma_semaphore, #tpu.memory_space<semaphore_mem>>
      %dma_start3A_78 = arith.constant 0 : i32
      %dma_start3A_79 = arith.constant 0 : i32
      %dma_start3A_80 = tpu.memref_slice %arg9[%run_scoped3A_15, %dma_start3A_78, %dma_start3A_79] : memref<2x128x128xf32, #tpu.memory_space<vmem>> -> memref<1x128x128xf32, #tpu.memory_space<vmem>>
      %dma_start3A_81 = tpu.memref_squeeze %dma_start3A_80 : memref<1x128x128xf32, #tpu.memory_space<vmem>> -> memref<128x128xf32, #tpu.memory_space<vmem>>
      %dma_start3A_82 = arith.constant 0 : i32
      %dma_start3A_83 = tpu.memref_slice %arg6[%add3A_14, %dma_start3A_82] : memref<10240x128xf32, #tpu.memory_space<vmem_shared>> -> memref<128x128xf32, #tpu.memory_space<vmem_shared>>
      %dma_start3A_84 = arith.constant 0 : i32
      %dma_start3A_85 = tpu.memref_slice %arg6[%add3A_14, %dma_start3A_84] : memref<10240x128xf32, #tpu.memory_space<vmem_shared>> -> memref<128x128xf32, #tpu.memory_space<vmem_shared>>
      %dma_start3A_86 = arith.constant 0 : i32
      %dma_start3A_87 = arith.constant 0 : i32
      %dma_start3A_88 = tpu.memref_slice %arg9[%run_scoped3A_15, %dma_start3A_86, %dma_start3A_87] : memref<2x128x128xf32, #tpu.memory_space<vmem>> -> memref<1x128x128xf32, #tpu.memory_space<vmem>>
      %dma_start3A_89 = tpu.memref_squeeze %dma_start3A_88 : memref<1x128x128xf32, #tpu.memory_space<vmem>> -> memref<128x128xf32, #tpu.memory_space<vmem>>
      tpu.enqueue_dma source(%dma_start3A_89 : memref<128x128xf32, #tpu.memory_space<vmem>>) target(%dma_start3A_85 : memref<128x128xf32, #tpu.memory_space<vmem_shared>>) target_semaphore(%run_scoped3A_77 : memref<!tpu.dma_semaphore, #tpu.memory_space<semaphore_mem>>)
      %dma_wait3A = arith.constant 0 : i32
      %dma_wait3A_90 = arith.constant 0 : i32
      %dma_wait3A_91 = tpu.memref_slice %arg9[%run_scoped3A_15, %dma_wait3A, %dma_wait3A_90] : memref<2x128x128xf32, #tpu.memory_space<vmem>> -> memref<1x128x128xf32, #tpu.memory_space<vmem>>
      %dma_wait3A_92 = tpu.memref_squeeze %dma_wait3A_91 : memref<1x128x128xf32, #tpu.memory_space<vmem>> -> memref<128x128xf32, #tpu.memory_space<vmem>>
      %dma_wait3A_93 = arith.constant 0 : i32
      %dma_wait3A_94 = tpu.memref_slice %arg6[%add3A_14, %dma_wait3A_93] : memref<10240x128xf32, #tpu.memory_space<vmem_shared>> -> memref<128x128xf32, #tpu.memory_space<vmem_shared>>
      %dma_wait3A_95 = arith.constant 0 : i32
      %dma_wait3A_96 = tpu.memref_slice %arg6[%add3A_14, %dma_wait3A_95] : memref<10240x128xf32, #tpu.memory_space<vmem_shared>> -> memref<128x128xf32, #tpu.memory_space<vmem_shared>>
      %dma_wait3A_97 = arith.constant 0 : i32
      %dma_wait3A_98 = arith.constant 0 : i32
      %dma_wait3A_99 = tpu.memref_slice %arg9[%run_scoped3A_15, %dma_wait3A_97, %dma_wait3A_98] : memref<2x128x128xf32, #tpu.memory_space<vmem>> -> memref<1x128x128xf32, #tpu.memory_space<vmem>>
      %dma_wait3A_100 = tpu.memref_squeeze %dma_wait3A_99 : memref<1x128x128xf32, #tpu.memory_space<vmem>> -> memref<128x128xf32, #tpu.memory_space<vmem>>
      tpu.wait_dma2 semaphore(%run_scoped3A_77 : memref<!tpu.dma_semaphore, #tpu.memory_space<semaphore_mem>>) src(%dma_wait3A_100 : memref<128x128xf32, #tpu.memory_space<vmem>>) dst(%dma_wait3A_96 : memref<128x128xf32, #tpu.memory_space<vmem_shared>>)
      tpu.yield
    }) : () -> ()
    %mul3A_16 = arith.constant 640 : i32
    %mul3A_17 = arith.muli %arg1, %mul3A_16 : i32
    %add3A_18 = arith.constant 384 : i32
    %add3A_19 = arith.addi %mul3A_17, %add3A_18 : i32
    %run_scoped3A_20 = arith.constant 0 : i32
    "tpu.region"() ({
      %run_scoped3A_77 = tpu.sem_alloc : memref<!tpu.dma_semaphore, #tpu.memory_space<semaphore_mem>>
      %dma_start3A_78 = arith.constant 0 : i32
      %dma_start3A_79 = arith.constant 0 : i32
      %dma_start3A_80 = tpu.memref_slice %arg9[%run_scoped3A_20, %dma_start3A_78, %dma_start3A_79] : memref<2x128x128xf32, #tpu.memory_space<vmem>> -> memref<1x128x128xf32, #tpu.memory_space<vmem>>
      %dma_start3A_81 = tpu.memref_squeeze %dma_start3A_80 : memref<1x128x128xf32, #tpu.memory_space<vmem>> -> memref<128x128xf32, #tpu.memory_space<vmem>>
      %dma_start3A_82 = arith.constant 0 : i32
      %dma_start3A_83 = tpu.memref_slice %arg6[%add3A_19, %dma_start3A_82] : memref<10240x128xf32, #tpu.memory_space<vmem_shared>> -> memref<128x128xf32, #tpu.memory_space<vmem_shared>>
      %dma_start3A_84 = arith.constant 0 : i32
      %dma_start3A_85 = tpu.memref_slice %arg6[%add3A_19, %dma_start3A_84] : memref<10240x128xf32, #tpu.memory_space<vmem_shared>> -> memref<128x128xf32, #tpu.memory_space<vmem_shared>>
      %dma_start3A_86 = arith.constant 0 : i32
      %dma_start3A_87 = arith.constant 0 : i32
      %dma_start3A_88 = tpu.memref_slice %arg9[%run_scoped3A_20, %dma_start3A_86, %dma_start3A_87] : memref<2x128x128xf32, #tpu.memory_space<vmem>> -> memref<1x128x128xf32, #tpu.memory_space<vmem>>
      %dma_start3A_89 = tpu.memref_squeeze %dma_start3A_88 : memref<1x128x128xf32, #tpu.memory_space<vmem>> -> memref<128x128xf32, #tpu.memory_space<vmem>>
      tpu.enqueue_dma source(%dma_start3A_89 : memref<128x128xf32, #tpu.memory_space<vmem>>) target(%dma_start3A_85 : memref<128x128xf32, #tpu.memory_space<vmem_shared>>) target_semaphore(%run_scoped3A_77 : memref<!tpu.dma_semaphore, #tpu.memory_space<semaphore_mem>>)
      %dma_wait3A = arith.constant 0 : i32
      %dma_wait3A_90 = arith.constant 0 : i32
      %dma_wait3A_91 = tpu.memref_slice %arg9[%run_scoped3A_20, %dma_wait3A, %dma_wait3A_90] : memref<2x128x128xf32, #tpu.memory_space<vmem>> -> memref<1x128x128xf32, #tpu.memory_space<vmem>>
      %dma_wait3A_92 = tpu.memref_squeeze %dma_wait3A_91 : memref<1x128x128xf32, #tpu.memory_space<vmem>> -> memref<128x128xf32, #tpu.memory_space<vmem>>
      %dma_wait3A_93 = arith.constant 0 : i32
      %dma_wait3A_94 = tpu.memref_slice %arg6[%add3A_19, %dma_wait3A_93] : memref<10240x128xf32, #tpu.memory_space<vmem_shared>> -> memref<128x128xf32, #tpu.memory_space<vmem_shared>>
      %dma_wait3A_95 = arith.constant 0 : i32
      %dma_wait3A_96 = tpu.memref_slice %arg6[%add3A_19, %dma_wait3A_95] : memref<10240x128xf32, #tpu.memory_space<vmem_shared>> -> memref<128x128xf32, #tpu.memory_space<vmem_shared>>
      %dma_wait3A_97 = arith.constant 0 : i32
      %dma_wait3A_98 = arith.constant 0 : i32
      %dma_wait3A_99 = tpu.memref_slice %arg9[%run_scoped3A_20, %dma_wait3A_97, %dma_wait3A_98] : memref<2x128x128xf32, #tpu.memory_space<vmem>> -> memref<1x128x128xf32, #tpu.memory_space<vmem>>
      %dma_wait3A_100 = tpu.memref_squeeze %dma_wait3A_99 : memref<1x128x128xf32, #tpu.memory_space<vmem>> -> memref<128x128xf32, #tpu.memory_space<vmem>>
      tpu.wait_dma2 semaphore(%run_scoped3A_77 : memref<!tpu.dma_semaphore, #tpu.memory_space<semaphore_mem>>) src(%dma_wait3A_100 : memref<128x128xf32, #tpu.memory_space<vmem>>) dst(%dma_wait3A_96 : memref<128x128xf32, #tpu.memory_space<vmem_shared>>)
      tpu.yield
    }) : () -> ()
    %mul3A_21 = arith.constant 640 : i32
    %mul3A_22 = arith.muli %arg1, %mul3A_21 : i32
    %add3A_23 = arith.constant 512 : i32
    %add3A_24 = arith.addi %mul3A_22, %add3A_23 : i32
    %run_scoped3A_25 = arith.constant 0 : i32
    "tpu.region"() ({
      %run_scoped3A_77 = tpu.sem_alloc : memref<!tpu.dma_semaphore, #tpu.memory_space<semaphore_mem>>
      %dma_start3A_78 = arith.constant 0 : i32
      %dma_start3A_79 = arith.constant 0 : i32
      %dma_start3A_80 = tpu.memref_slice %arg9[%run_scoped3A_25, %dma_start3A_78, %dma_start3A_79] : memref<2x128x128xf32, #tpu.memory_space<vmem>> -> memref<1x128x128xf32, #tpu.memory_space<vmem>>
      %dma_start3A_81 = tpu.memref_squeeze %dma_start3A_80 : memref<1x128x128xf32, #tpu.memory_space<vmem>> -> memref<128x128xf32, #tpu.memory_space<vmem>>
      %dma_start3A_82 = arith.constant 0 : i32
      %dma_start3A_83 = tpu.memref_slice %arg6[%add3A_24, %dma_start3A_82] : memref<10240x128xf32, #tpu.memory_space<vmem_shared>> -> memref<128x128xf32, #tpu.memory_space<vmem_shared>>
      %dma_start3A_84 = arith.constant 0 : i32
      %dma_start3A_85 = tpu.memref_slice %arg6[%add3A_24, %dma_start3A_84] : memref<10240x128xf32, #tpu.memory_space<vmem_shared>> -> memref<128x128xf32, #tpu.memory_space<vmem_shared>>
      %dma_start3A_86 = arith.constant 0 : i32
      %dma_start3A_87 = arith.constant 0 : i32
      %dma_start3A_88 = tpu.memref_slice %arg9[%run_scoped3A_25, %dma_start3A_86, %dma_start3A_87] : memref<2x128x128xf32, #tpu.memory_space<vmem>> -> memref<1x128x128xf32, #tpu.memory_space<vmem>>
      %dma_start3A_89 = tpu.memref_squeeze %dma_start3A_88 : memref<1x128x128xf32, #tpu.memory_space<vmem>> -> memref<128x128xf32, #tpu.memory_space<vmem>>
      tpu.enqueue_dma source(%dma_start3A_89 : memref<128x128xf32, #tpu.memory_space<vmem>>) target(%dma_start3A_85 : memref<128x128xf32, #tpu.memory_space<vmem_shared>>) target_semaphore(%run_scoped3A_77 : memref<!tpu.dma_semaphore, #tpu.memory_space<semaphore_mem>>)
      %dma_wait3A = arith.constant 0 : i32
      %dma_wait3A_90 = arith.constant 0 : i32
      %dma_wait3A_91 = tpu.memref_slice %arg9[%run_scoped3A_25, %dma_wait3A, %dma_wait3A_90] : memref<2x128x128xf32, #tpu.memory_space<vmem>> -> memref<1x128x128xf32, #tpu.memory_space<vmem>>
      %dma_wait3A_92 = tpu.memref_squeeze %dma_wait3A_91 : memref<1x128x128xf32, #tpu.memory_space<vmem>> -> memref<128x128xf32, #tpu.memory_space<vmem>>
      %dma_wait3A_93 = arith.constant 0 : i32
      %dma_wait3A_94 = tpu.memref_slice %arg6[%add3A_24, %dma_wait3A_93] : memref<10240x128xf32, #tpu.memory_space<vmem_shared>> -> memref<128x128xf32, #tpu.memory_space<vmem_shared>>
      %dma_wait3A_95 = arith.constant 0 : i32
      %dma_wait3A_96 = tpu.memref_slice %arg6[%add3A_24, %dma_wait3A_95] : memref<10240x128xf32, #tpu.memory_space<vmem_shared>> -> memref<128x128xf32, #tpu.memory_space<vmem_shared>>
      %dma_wait3A_97 = arith.constant 0 : i32
      %dma_wait3A_98 = arith.constant 0 : i32
      %dma_wait3A_99 = tpu.memref_slice %arg9[%run_scoped3A_25, %dma_wait3A_97, %dma_wait3A_98] : memref<2x128x128xf32, #tpu.memory_space<vmem>> -> memref<1x128x128xf32, #tpu.memory_space<vmem>>
      %dma_wait3A_100 = tpu.memref_squeeze %dma_wait3A_99 : memref<1x128x128xf32, #tpu.memory_space<vmem>> -> memref<128x128xf32, #tpu.memory_space<vmem>>
      tpu.wait_dma2 semaphore(%run_scoped3A_77 : memref<!tpu.dma_semaphore, #tpu.memory_space<semaphore_mem>>) src(%dma_wait3A_100 : memref<128x128xf32, #tpu.memory_space<vmem>>) dst(%dma_wait3A_96 : memref<128x128xf32, #tpu.memory_space<vmem_shared>>)
      tpu.yield
    }) : () -> ()
    %barrier3A = arith.constant 0 : index
    tpu.barrier barrier_id(%barrier3A)
    %mul3A_26 = arith.constant 80 : i32
    %mul3A_27 = arith.muli %add3A, %mul3A_26 : i32
    %add3A_28 = arith.constant 0 : i32
    %add3A_29 = arith.addi %mul3A_27, %add3A_28 : i32
    %run_scoped3A_30 = arith.constant 0 : i32
    "tpu.region"() ({
      %run_scoped3A_77 = tpu.sem_alloc : memref<!tpu.dma_semaphore, #tpu.memory_space<semaphore_mem>>
      %dma_start3A_78 = arith.constant 0 : i32
      %dma_start3A_79 = tpu.memref_slice %arg3[%run_scoped3A_30, %add3A_29, %dma_start3A_78] : memref<2x2560x128xi32, #tpu.memory_space<hbm>> -> memref<1x40x128xi32, #tpu.memory_space<hbm>>
      %dma_start3A_80 = tpu.memref_squeeze %dma_start3A_79 : memref<1x40x128xi32, #tpu.memory_space<hbm>> -> memref<40x128xi32, #tpu.memory_space<hbm>>
      %dma_start3A_81 = arith.constant 0 : i32
      %dma_start3A_82 = tpu.memref_slice %arg3[%run_scoped3A_30, %add3A_29, %dma_start3A_81] : memref<2x2560x128xi32, #tpu.memory_space<hbm>> -> memref<1x40x128xi32, #tpu.memory_space<hbm>>
      %dma_start3A_83 = tpu.memref_squeeze %dma_start3A_82 : memref<1x40x128xi32, #tpu.memory_space<hbm>> -> memref<40x128xi32, #tpu.memory_space<hbm>>
      tpu.enqueue_dma source(%dma_start3A_83 : memref<40x128xi32, #tpu.memory_space<hbm>>) target(%arg7 : memref<40x128xi32, #tpu.memory_space<vmem>>) target_semaphore(%run_scoped3A_77 : memref<!tpu.dma_semaphore, #tpu.memory_space<semaphore_mem>>)
      %dma_wait3A = arith.constant 0 : i32
      %dma_wait3A_84 = tpu.memref_slice %arg3[%run_scoped3A_30, %add3A_29, %dma_wait3A] : memref<2x2560x128xi32, #tpu.memory_space<hbm>> -> memref<1x40x128xi32, #tpu.memory_space<hbm>>
      %dma_wait3A_85 = tpu.memref_squeeze %dma_wait3A_84 : memref<1x40x128xi32, #tpu.memory_space<hbm>> -> memref<40x128xi32, #tpu.memory_space<hbm>>
      %dma_wait3A_86 = arith.constant 0 : i32
      %dma_wait3A_87 = tpu.memref_slice %arg3[%run_scoped3A_30, %add3A_29, %dma_wait3A_86] : memref<2x2560x128xi32, #tpu.memory_space<hbm>> -> memref<1x40x128xi32, #tpu.memory_space<hbm>>
      %dma_wait3A_88 = tpu.memref_squeeze %dma_wait3A_87 : memref<1x40x128xi32, #tpu.memory_space<hbm>> -> memref<40x128xi32, #tpu.memory_space<hbm>>
      tpu.wait_dma2 semaphore(%run_scoped3A_77 : memref<!tpu.dma_semaphore, #tpu.memory_space<semaphore_mem>>) src(%dma_wait3A_88 : memref<40x128xi32, #tpu.memory_space<hbm>>) dst(%arg7 : memref<40x128xi32, #tpu.memory_space<vmem>>)
      tpu.yield
    }) : () -> ()
    %run_scoped3A_31 = arith.constant 1 : i32
    "tpu.region"() ({
      %run_scoped3A_77 = tpu.sem_alloc : memref<!tpu.dma_semaphore, #tpu.memory_space<semaphore_mem>>
      %dma_start3A_78 = arith.constant 0 : i32
      %dma_start3A_79 = tpu.memref_slice %arg3[%run_scoped3A_31, %add3A_29, %dma_start3A_78] : memref<2x2560x128xi32, #tpu.memory_space<hbm>> -> memref<1x40x128xi32, #tpu.memory_space<hbm>>
      %dma_start3A_80 = tpu.memref_squeeze %dma_start3A_79 : memref<1x40x128xi32, #tpu.memory_space<hbm>> -> memref<40x128xi32, #tpu.memory_space<hbm>>
      %dma_start3A_81 = arith.constant 0 : i32
      %dma_start3A_82 = tpu.memref_slice %arg3[%run_scoped3A_31, %add3A_29, %dma_start3A_81] : memref<2x2560x128xi32, #tpu.memory_space<hbm>> -> memref<1x40x128xi32, #tpu.memory_space<hbm>>
      %dma_start3A_83 = tpu.memref_squeeze %dma_start3A_82 : memref<1x40x128xi32, #tpu.memory_space<hbm>> -> memref<40x128xi32, #tpu.memory_space<hbm>>
      tpu.enqueue_dma source(%dma_start3A_83 : memref<40x128xi32, #tpu.memory_space<hbm>>) target(%arg8 : memref<40x128xi32, #tpu.memory_space<vmem>>) target_semaphore(%run_scoped3A_77 : memref<!tpu.dma_semaphore, #tpu.memory_space<semaphore_mem>>)
      %dma_wait3A = arith.constant 0 : i32
      %dma_wait3A_84 = tpu.memref_slice %arg3[%run_scoped3A_31, %add3A_29, %dma_wait3A] : memref<2x2560x128xi32, #tpu.memory_space<hbm>> -> memref<1x40x128xi32, #tpu.memory_space<hbm>>
      %dma_wait3A_85 = tpu.memref_squeeze %dma_wait3A_84 : memref<1x40x128xi32, #tpu.memory_space<hbm>> -> memref<40x128xi32, #tpu.memory_space<hbm>>
      %dma_wait3A_86 = arith.constant 0 : i32
      %dma_wait3A_87 = tpu.memref_slice %arg3[%run_scoped3A_31, %add3A_29, %dma_wait3A_86] : memref<2x2560x128xi32, #tpu.memory_space<hbm>> -> memref<1x40x128xi32, #tpu.memory_space<hbm>>
      %dma_wait3A_88 = tpu.memref_squeeze %dma_wait3A_87 : memref<1x40x128xi32, #tpu.memory_space<hbm>> -> memref<40x128xi32, #tpu.memory_space<hbm>>
      tpu.wait_dma2 semaphore(%run_scoped3A_77 : memref<!tpu.dma_semaphore, #tpu.memory_space<semaphore_mem>>) src(%dma_wait3A_88 : memref<40x128xi32, #tpu.memory_space<hbm>>) dst(%arg8 : memref<40x128xi32, #tpu.memory_space<vmem>>)
      tpu.yield
    }) : () -> ()
    %dma_start3A = arith.constant 0 : i32
    %dma_start3A_32 = arith.constant 0 : i32
    %dma_start3A_33 = arith.constant 0 : i32
    %dma_start3A_34 = arith.constant 0 : i32
    %dma_start3A_35 = tpu.memref_slice %arg9[%dma_start3A_32, %dma_start3A_33, %dma_start3A_34] : memref<2x128x128xf32, #tpu.memory_space<vmem>> -> memref<1x128x128xf32, #tpu.memory_space<vmem>>
    %dma_start3A_36 = tpu.memref_squeeze %dma_start3A_35 : memref<1x128x128xf32, #tpu.memory_space<vmem>> -> memref<128x128xf32, #tpu.memory_space<vmem>>
    %dma_start3A_37 = arith.constant 0 : i32
    %dma_start3A_38 = tpu.memref_slice %arg7[%dma_start3A, %dma_start3A_37] : memref<40x128xi32, #tpu.memory_space<vmem>> -> memref<1x128xi32, #tpu.memory_space<vmem>>
    %dma_start3A_39 = tpu.memref_squeeze %dma_start3A_38 : memref<1x128xi32, #tpu.memory_space<vmem>> -> memref<128xi32, #tpu.memory_space<vmem>>
    %dma_start3A_40 = arith.constant 0 : i32
    %dma_start3A_41 = arith.constant 0 : i32
    %dma_start3A_42 = tpu.memref_slice %arg2[%dma_start3A_40, %dma_start3A_41] : memref<10000x128xf32, #tpu.memory_space<hbm>> -> memref<10000x128xf32, #tpu.memory_space<hbm>>
    tpu.enqueue_indirect_dma source(%dma_start3A_42 : memref<10000x128xf32, #tpu.memory_space<hbm>>) target(%dma_start3A_36 : memref<128x128xf32, #tpu.memory_space<vmem>>) offsets(%dma_start3A_39 : memref<128xi32, #tpu.memory_space<vmem>>) semaphore(%arg10 : memref<!tpu.dma_semaphore, #tpu.memory_space<semaphore_mem>>)
    %scan3A = arith.constant 0 : i32
    %scan3A_43 = arith.constant 0 : i32
    %scan3A_44 = arith.constant 20 : i32
    %scan3A_45 = arith.addi %scan3A_43, %scan3A_44 : i32
    %scan3A_46 = arith.constant 1 : i32
    scf.for %scan3A_77 = %scan3A_43 to %scan3A_45 step %scan3A_46  : i32 {
      %mul3A_78 = arith.constant 2 : i32
      %mul3A_79 = arith.muli %mul3A_78, %scan3A_77 : i32
      %mul3A_80 = arith.constant 2 : i32
      %mul3A_81 = arith.muli %mul3A_80, %scan3A_77 : i32
      %add3A_82 = arith.constant 1 : i32
      %add3A_83 = arith.addi %mul3A_81, %add3A_82 : i32
      %dma_start3A_84 = arith.constant 1 : i32
      %dma_start3A_85 = arith.constant 0 : i32
      %dma_start3A_86 = arith.constant 0 : i32
      %dma_start3A_87 = tpu.memref_slice %arg9[%dma_start3A_84, %dma_start3A_85, %dma_start3A_86] : memref<2x128x128xf32, #tpu.memory_space<vmem>> -> memref<1x128x128xf32, #tpu.memory_space<vmem>>
      %dma_start3A_88 = tpu.memref_squeeze %dma_start3A_87 : memref<1x128x128xf32, #tpu.memory_space<vmem>> -> memref<128x128xf32, #tpu.memory_space<vmem>>
      %dma_start3A_89 = arith.constant 0 : i32
      %dma_start3A_90 = tpu.memref_slice %arg7[%add3A_83, %dma_start3A_89] : memref<40x128xi32, #tpu.memory_space<vmem>> -> memref<1x128xi32, #tpu.memory_space<vmem>>
      %dma_start3A_91 = tpu.memref_squeeze %dma_start3A_90 : memref<1x128xi32, #tpu.memory_space<vmem>> -> memref<128xi32, #tpu.memory_space<vmem>>
      %dma_start3A_92 = arith.constant 0 : i32
      %dma_start3A_93 = arith.constant 0 : i32
      %dma_start3A_94 = tpu.memref_slice %arg2[%dma_start3A_92, %dma_start3A_93] : memref<10000x128xf32, #tpu.memory_space<hbm>> -> memref<10000x128xf32, #tpu.memory_space<hbm>>
      tpu.enqueue_indirect_dma source(%dma_start3A_94 : memref<10000x128xf32, #tpu.memory_space<hbm>>) target(%dma_start3A_88 : memref<128x128xf32, #tpu.memory_space<vmem>>) offsets(%dma_start3A_91 : memref<128xi32, #tpu.memory_space<vmem>>) semaphore(%arg11 : memref<!tpu.dma_semaphore, #tpu.memory_space<semaphore_mem>>)
      %dma_wait3A = arith.constant 0 : i32
      %dma_wait3A_95 = arith.constant 0 : i32
      %dma_wait3A_96 = arith.constant 0 : i32
      %dma_wait3A_97 = tpu.memref_slice %arg9[%dma_wait3A, %dma_wait3A_95, %dma_wait3A_96] : memref<2x128x128xf32, #tpu.memory_space<vmem>> -> memref<1x128x128xf32, #tpu.memory_space<vmem>>
      %dma_wait3A_98 = tpu.memref_squeeze %dma_wait3A_97 : memref<1x128x128xf32, #tpu.memory_space<vmem>> -> memref<128x128xf32, #tpu.memory_space<vmem>>
      %dma_wait3A_99 = arith.constant 0 : i32
      %dma_wait3A_100 = tpu.memref_slice %arg7[%mul3A_79, %dma_wait3A_99] : memref<40x128xi32, #tpu.memory_space<vmem>> -> memref<1x128xi32, #tpu.memory_space<vmem>>
      %dma_wait3A_101 = tpu.memref_squeeze %dma_wait3A_100 : memref<1x128xi32, #tpu.memory_space<vmem>> -> memref<128xi32, #tpu.memory_space<vmem>>
      %dma_wait3A_102 = arith.constant 0 : i32
      %dma_wait3A_103 = arith.constant 0 : i32
      %dma_wait3A_104 = tpu.memref_slice %arg2[%dma_wait3A_102, %dma_wait3A_103] : memref<10000x128xf32, #tpu.memory_space<hbm>> -> memref<10000x128xf32, #tpu.memory_space<hbm>>
      tpu.wait_indirect_dma semaphore(%arg10 : memref<!tpu.dma_semaphore, #tpu.memory_space<semaphore_mem>>) src(%dma_wait3A_104 : memref<10000x128xf32, #tpu.memory_space<hbm>>) dst(%dma_wait3A_98 : memref<128x128xf32, #tpu.memory_space<vmem>>)
      %run_scoped3A_105 = arith.constant 0 : i32
      "tpu.region"() ({
        %run_scoped3A_122 = tpu.sem_alloc : memref<!tpu.dma_semaphore, #tpu.memory_space<semaphore_mem>>
        %dma_start3A_123 = arith.constant 0 : i32
        %dma_start3A_124 = arith.constant 0 : i32
        %dma_start3A_125 = tpu.memref_slice %arg9[%run_scoped3A_105, %dma_start3A_123, %dma_start3A_124] : memref<2x128x128xf32, #tpu.memory_space<vmem>> -> memref<1x128x128xf32, #tpu.memory_space<vmem>>
        %dma_start3A_126 = tpu.memref_squeeze %dma_start3A_125 : memref<1x128x128xf32, #tpu.memory_space<vmem>> -> memref<128x128xf32, #tpu.memory_space<vmem>>
        %dma_start3A_127 = arith.constant 0 : i32
        %dma_start3A_128 = tpu.memref_slice %arg8[%mul3A_79, %dma_start3A_127] : memref<40x128xi32, #tpu.memory_space<vmem>> -> memref<1x128xi32, #tpu.memory_space<vmem>>
        %dma_start3A_129 = tpu.memref_squeeze %dma_start3A_128 : memref<1x128xi32, #tpu.memory_space<vmem>> -> memref<128xi32, #tpu.memory_space<vmem>>
        %dma_start3A_130 = arith.constant 0 : i32
        %dma_start3A_131 = arith.constant 0 : i32
        %dma_start3A_132 = tpu.memref_slice %arg6[%dma_start3A_130, %dma_start3A_131] : memref<10240x128xf32, #tpu.memory_space<vmem_shared>> -> memref<10240x128xf32, #tpu.memory_space<vmem_shared>>
        tpu.enqueue_indirect_dma source(%dma_start3A_126 : memref<128x128xf32, #tpu.memory_space<vmem>>) target(%dma_start3A_132 : memref<10240x128xf32, #tpu.memory_space<vmem_shared>>) offsets(%dma_start3A_129 : memref<128xi32, #tpu.memory_space<vmem>>) semaphore(%run_scoped3A_122 : memref<!tpu.dma_semaphore, #tpu.memory_space<semaphore_mem>>) {add = true}
        %dma_wait3A_133 = arith.constant 0 : i32
        %dma_wait3A_134 = arith.constant 0 : i32
        %dma_wait3A_135 = tpu.memref_slice %arg9[%run_scoped3A_105, %dma_wait3A_133, %dma_wait3A_134] : memref<2x128x128xf32, #tpu.memory_space<vmem>> -> memref<1x128x128xf32, #tpu.memory_space<vmem>>
        %dma_wait3A_136 = tpu.memref_squeeze %dma_wait3A_135 : memref<1x128x128xf32, #tpu.memory_space<vmem>> -> memref<128x128xf32, #tpu.memory_space<vmem>>
        %dma_wait3A_137 = arith.constant 0 : i32
        %dma_wait3A_138 = tpu.memref_slice %arg8[%mul3A_79, %dma_wait3A_137] : memref<40x128xi32, #tpu.memory_space<vmem>> -> memref<1x128xi32, #tpu.memory_space<vmem>>
        %dma_wait3A_139 = tpu.memref_squeeze %dma_wait3A_138 : memref<1x128xi32, #tpu.memory_space<vmem>> -> memref<128xi32, #tpu.memory_space<vmem>>
        %dma_wait3A_140 = arith.constant 0 : i32
        %dma_wait3A_141 = arith.constant 0 : i32
        %dma_wait3A_142 = tpu.memref_slice %arg6[%dma_wait3A_140, %dma_wait3A_141] : memref<10240x128xf32, #tpu.memory_space<vmem_shared>> -> memref<10240x128xf32, #tpu.memory_space<vmem_shared>>
        tpu.wait_indirect_dma semaphore(%run_scoped3A_122 : memref<!tpu.dma_semaphore, #tpu.memory_space<semaphore_mem>>) src(%dma_wait3A_136 : memref<128x128xf32, #tpu.memory_space<vmem>>) dst(%dma_wait3A_142 : memref<10240x128xf32, #tpu.memory_space<vmem_shared>>)
        tpu.yield
      }) : () -> ()
      %add3A_106 = arith.constant 2 : i32
      %add3A_107 = arith.addi %mul3A_79, %add3A_106 : i32
      %lt3A = arith.constant 40 : i32
      %lt3A_108 = arith.cmpi slt, %add3A_107, %lt3A : i32
      %convert_element_type3A = arith.extui %lt3A_108 : i1 to i32
      %cond3A = arith.constant 0 : i32
      %cond3A_109 = arith.cmpi ne, %convert_element_type3A, %cond3A : i32
      scf.if %cond3A_109 {
        %add3A_122 = arith.constant 2 : i32
        %add3A_123 = arith.addi %mul3A_79, %add3A_122 : i32
        %dma_start3A_124 = arith.constant 0 : i32
        %dma_start3A_125 = arith.constant 0 : i32
        %dma_start3A_126 = arith.constant 0 : i32
        %dma_start3A_127 = tpu.memref_slice %arg9[%dma_start3A_124, %dma_start3A_125, %dma_start3A_126] : memref<2x128x128xf32, #tpu.memory_space<vmem>> -> memref<1x128x128xf32, #tpu.memory_space<vmem>>
        %dma_start3A_128 = tpu.memref_squeeze %dma_start3A_127 : memref<1x128x128xf32, #tpu.memory_space<vmem>> -> memref<128x128xf32, #tpu.memory_space<vmem>>
        %dma_start3A_129 = arith.constant 0 : i32
        %dma_start3A_130 = tpu.memref_slice %arg7[%add3A_123, %dma_start3A_129] : memref<40x128xi32, #tpu.memory_space<vmem>> -> memref<1x128xi32, #tpu.memory_space<vmem>>
        %dma_start3A_131 = tpu.memref_squeeze %dma_start3A_130 : memref<1x128xi32, #tpu.memory_space<vmem>> -> memref<128xi32, #tpu.memory_space<vmem>>
        %dma_start3A_132 = arith.constant 0 : i32
        %dma_start3A_133 = arith.constant 0 : i32
        %dma_start3A_134 = tpu.memref_slice %arg2[%dma_start3A_132, %dma_start3A_133] : memref<10000x128xf32, #tpu.memory_space<hbm>> -> memref<10000x128xf32, #tpu.memory_space<hbm>>
        tpu.enqueue_indirect_dma source(%dma_start3A_134 : memref<10000x128xf32, #tpu.memory_space<hbm>>) target(%dma_start3A_128 : memref<128x128xf32, #tpu.memory_space<vmem>>) offsets(%dma_start3A_131 : memref<128xi32, #tpu.memory_space<vmem>>) semaphore(%arg10 : memref<!tpu.dma_semaphore, #tpu.memory_space<semaphore_mem>>)
      } else {
      }
      %dma_wait3A_110 = arith.constant 1 : i32
      %dma_wait3A_111 = arith.constant 0 : i32
      %dma_wait3A_112 = arith.constant 0 : i32
      %dma_wait3A_113 = tpu.memref_slice %arg9[%dma_wait3A_110, %dma_wait3A_111, %dma_wait3A_112] : memref<2x128x128xf32, #tpu.memory_space<vmem>> -> memref<1x128x128xf32, #tpu.memory_space<vmem>>
      %dma_wait3A_114 = tpu.memref_squeeze %dma_wait3A_113 : memref<1x128x128xf32, #tpu.memory_space<vmem>> -> memref<128x128xf32, #tpu.memory_space<vmem>>
      %dma_wait3A_115 = arith.constant 0 : i32
      %dma_wait3A_116 = tpu.memref_slice %arg7[%add3A_83, %dma_wait3A_115] : memref<40x128xi32, #tpu.memory_space<vmem>> -> memref<1x128xi32, #tpu.memory_space<vmem>>
      %dma_wait3A_117 = tpu.memref_squeeze %dma_wait3A_116 : memref<1x128xi32, #tpu.memory_space<vmem>> -> memref<128xi32, #tpu.memory_space<vmem>>
      %dma_wait3A_118 = arith.constant 0 : i32
      %dma_wait3A_119 = arith.constant 0 : i32
      %dma_wait3A_120 = tpu.memref_slice %arg2[%dma_wait3A_118, %dma_wait3A_119] : memref<10000x128xf32, #tpu.memory_space<hbm>> -> memref<10000x128xf32, #tpu.memory_space<hbm>>
      tpu.wait_indirect_dma semaphore(%arg11 : memref<!tpu.dma_semaphore, #tpu.memory_space<semaphore_mem>>) src(%dma_wait3A_120 : memref<10000x128xf32, #tpu.memory_space<hbm>>) dst(%dma_wait3A_114 : memref<128x128xf32, #tpu.memory_space<vmem>>)
      %run_scoped3A_121 = arith.constant 1 : i32
      "tpu.region"() ({
        %run_scoped3A_122 = tpu.sem_alloc : memref<!tpu.dma_semaphore, #tpu.memory_space<semaphore_mem>>
        %dma_start3A_123 = arith.constant 0 : i32
        %dma_start3A_124 = arith.constant 0 : i32
        %dma_start3A_125 = tpu.memref_slice %arg9[%run_scoped3A_121, %dma_start3A_123, %dma_start3A_124] : memref<2x128x128xf32, #tpu.memory_space<vmem>> -> memref<1x128x128xf32, #tpu.memory_space<vmem>>
        %dma_start3A_126 = tpu.memref_squeeze %dma_start3A_125 : memref<1x128x128xf32, #tpu.memory_space<vmem>> -> memref<128x128xf32, #tpu.memory_space<vmem>>
        %dma_start3A_127 = arith.constant 0 : i32
        %dma_start3A_128 = tpu.memref_slice %arg8[%add3A_83, %dma_start3A_127] : memref<40x128xi32, #tpu.memory_space<vmem>> -> memref<1x128xi32, #tpu.memory_space<vmem>>
        %dma_start3A_129 = tpu.memref_squeeze %dma_start3A_128 : memref<1x128xi32, #tpu.memory_space<vmem>> -> memref<128xi32, #tpu.memory_space<vmem>>
        %dma_start3A_130 = arith.constant 0 : i32
        %dma_start3A_131 = arith.constant 0 : i32
        %dma_start3A_132 = tpu.memref_slice %arg6[%dma_start3A_130, %dma_start3A_131] : memref<10240x128xf32, #tpu.memory_space<vmem_shared>> -> memref<10240x128xf32, #tpu.memory_space<vmem_shared>>
        tpu.enqueue_indirect_dma source(%dma_start3A_126 : memref<128x128xf32, #tpu.memory_space<vmem>>) target(%dma_start3A_132 : memref<10240x128xf32, #tpu.memory_space<vmem_shared>>) offsets(%dma_start3A_129 : memref<128xi32, #tpu.memory_space<vmem>>) semaphore(%run_scoped3A_122 : memref<!tpu.dma_semaphore, #tpu.memory_space<semaphore_mem>>) {add = true}
        %dma_wait3A_133 = arith.constant 0 : i32
        %dma_wait3A_134 = arith.constant 0 : i32
        %dma_wait3A_135 = tpu.memref_slice %arg9[%run_scoped3A_121, %dma_wait3A_133, %dma_wait3A_134] : memref<2x128x128xf32, #tpu.memory_space<vmem>> -> memref<1x128x128xf32, #tpu.memory_space<vmem>>
        %dma_wait3A_136 = tpu.memref_squeeze %dma_wait3A_135 : memref<1x128x128xf32, #tpu.memory_space<vmem>> -> memref<128x128xf32, #tpu.memory_space<vmem>>
        %dma_wait3A_137 = arith.constant 0 : i32
        %dma_wait3A_138 = tpu.memref_slice %arg8[%add3A_83, %dma_wait3A_137] : memref<40x128xi32, #tpu.memory_space<vmem>> -> memref<1x128xi32, #tpu.memory_space<vmem>>
        %dma_wait3A_139 = tpu.memref_squeeze %dma_wait3A_138 : memref<1x128xi32, #tpu.memory_space<vmem>> -> memref<128xi32, #tpu.memory_space<vmem>>
        %dma_wait3A_140 = arith.constant 0 : i32
        %dma_wait3A_141 = arith.constant 0 : i32
        %dma_wait3A_142 = tpu.memref_slice %arg6[%dma_wait3A_140, %dma_wait3A_141] : memref<10240x128xf32, #tpu.memory_space<vmem_shared>> -> memref<10240x128xf32, #tpu.memory_space<vmem_shared>>
        tpu.wait_indirect_dma semaphore(%run_scoped3A_122 : memref<!tpu.dma_semaphore, #tpu.memory_space<semaphore_mem>>) src(%dma_wait3A_136 : memref<128x128xf32, #tpu.memory_space<vmem>>) dst(%dma_wait3A_142 : memref<10240x128xf32, #tpu.memory_space<vmem_shared>>)
        tpu.yield
      }) : () -> ()
    }
    %scan3A_47 = arith.constant 20 : i32
    %mul3A_48 = arith.constant 80 : i32
    %mul3A_49 = arith.muli %add3A, %mul3A_48 : i32
    %add3A_50 = arith.constant 40 : i32
    %add3A_51 = arith.addi %mul3A_49, %add3A_50 : i32
    %run_scoped3A_52 = arith.constant 0 : i32
    "tpu.region"() ({
      %run_scoped3A_77 = tpu.sem_alloc : memref<!tpu.dma_semaphore, #tpu.memory_space<semaphore_mem>>
      %dma_start3A_78 = arith.constant 0 : i32
      %dma_start3A_79 = tpu.memref_slice %arg3[%run_scoped3A_52, %add3A_51, %dma_start3A_78] : memref<2x2560x128xi32, #tpu.memory_space<hbm>> -> memref<1x40x128xi32, #tpu.memory_space<hbm>>
      %dma_start3A_80 = tpu.memref_squeeze %dma_start3A_79 : memref<1x40x128xi32, #tpu.memory_space<hbm>> -> memref<40x128xi32, #tpu.memory_space<hbm>>
      %dma_start3A_81 = arith.constant 0 : i32
      %dma_start3A_82 = tpu.memref_slice %arg3[%run_scoped3A_52, %add3A_51, %dma_start3A_81] : memref<2x2560x128xi32, #tpu.memory_space<hbm>> -> memref<1x40x128xi32, #tpu.memory_space<hbm>>
      %dma_start3A_83 = tpu.memref_squeeze %dma_start3A_82 : memref<1x40x128xi32, #tpu.memory_space<hbm>> -> memref<40x128xi32, #tpu.memory_space<hbm>>
      tpu.enqueue_dma source(%dma_start3A_83 : memref<40x128xi32, #tpu.memory_space<hbm>>) target(%arg7 : memref<40x128xi32, #tpu.memory_space<vmem>>) target_semaphore(%run_scoped3A_77 : memref<!tpu.dma_semaphore, #tpu.memory_space<semaphore_mem>>)
      %dma_wait3A = arith.constant 0 : i32
      %dma_wait3A_84 = tpu.memref_slice %arg3[%run_scoped3A_52, %add3A_51, %dma_wait3A] : memref<2x2560x128xi32, #tpu.memory_space<hbm>> -> memref<1x40x128xi32, #tpu.memory_space<hbm>>
      %dma_wait3A_85 = tpu.memref_squeeze %dma_wait3A_84 : memref<1x40x128xi32, #tpu.memory_space<hbm>> -> memref<40x128xi32, #tpu.memory_space<hbm>>
      %dma_wait3A_86 = arith.constant 0 : i32
      %dma_wait3A_87 = tpu.memref_slice %arg3[%run_scoped3A_52, %add3A_51, %dma_wait3A_86] : memref<2x2560x128xi32, #tpu.memory_space<hbm>> -> memref<1x40x128xi32, #tpu.memory_space<hbm>>
      %dma_wait3A_88 = tpu.memref_squeeze %dma_wait3A_87 : memref<1x40x128xi32, #tpu.memory_space<hbm>> -> memref<40x128xi32, #tpu.memory_space<hbm>>
      tpu.wait_dma2 semaphore(%run_scoped3A_77 : memref<!tpu.dma_semaphore, #tpu.memory_space<semaphore_mem>>) src(%dma_wait3A_88 : memref<40x128xi32, #tpu.memory_space<hbm>>) dst(%arg7 : memref<40x128xi32, #tpu.memory_space<vmem>>)
      tpu.yield
    }) : () -> ()
    %run_scoped3A_53 = arith.constant 1 : i32
    "tpu.region"() ({
      %run_scoped3A_77 = tpu.sem_alloc : memref<!tpu.dma_semaphore, #tpu.memory_space<semaphore_mem>>
      %dma_start3A_78 = arith.constant 0 : i32
      %dma_start3A_79 = tpu.memref_slice %arg3[%run_scoped3A_53, %add3A_51, %dma_start3A_78] : memref<2x2560x128xi32, #tpu.memory_space<hbm>> -> memref<1x40x128xi32, #tpu.memory_space<hbm>>
      %dma_start3A_80 = tpu.memref_squeeze %dma_start3A_79 : memref<1x40x128xi32, #tpu.memory_space<hbm>> -> memref<40x128xi32, #tpu.memory_space<hbm>>
      %dma_start3A_81 = arith.constant 0 : i32
      %dma_start3A_82 = tpu.memref_slice %arg3[%run_scoped3A_53, %add3A_51, %dma_start3A_81] : memref<2x2560x128xi32, #tpu.memory_space<hbm>> -> memref<1x40x128xi32, #tpu.memory_space<hbm>>
      %dma_start3A_83 = tpu.memref_squeeze %dma_start3A_82 : memref<1x40x128xi32, #tpu.memory_space<hbm>> -> memref<40x128xi32, #tpu.memory_space<hbm>>
      tpu.enqueue_dma source(%dma_start3A_83 : memref<40x128xi32, #tpu.memory_space<hbm>>) target(%arg8 : memref<40x128xi32, #tpu.memory_space<vmem>>) target_semaphore(%run_scoped3A_77 : memref<!tpu.dma_semaphore, #tpu.memory_space<semaphore_mem>>)
      %dma_wait3A = arith.constant 0 : i32
      %dma_wait3A_84 = tpu.memref_slice %arg3[%run_scoped3A_53, %add3A_51, %dma_wait3A] : memref<2x2560x128xi32, #tpu.memory_space<hbm>> -> memref<1x40x128xi32, #tpu.memory_space<hbm>>
      %dma_wait3A_85 = tpu.memref_squeeze %dma_wait3A_84 : memref<1x40x128xi32, #tpu.memory_space<hbm>> -> memref<40x128xi32, #tpu.memory_space<hbm>>
      %dma_wait3A_86 = arith.constant 0 : i32
      %dma_wait3A_87 = tpu.memref_slice %arg3[%run_scoped3A_53, %add3A_51, %dma_wait3A_86] : memref<2x2560x128xi32, #tpu.memory_space<hbm>> -> memref<1x40x128xi32, #tpu.memory_space<hbm>>
      %dma_wait3A_88 = tpu.memref_squeeze %dma_wait3A_87 : memref<1x40x128xi32, #tpu.memory_space<hbm>> -> memref<40x128xi32, #tpu.memory_space<hbm>>
      tpu.wait_dma2 semaphore(%run_scoped3A_77 : memref<!tpu.dma_semaphore, #tpu.memory_space<semaphore_mem>>) src(%dma_wait3A_88 : memref<40x128xi32, #tpu.memory_space<hbm>>) dst(%arg8 : memref<40x128xi32, #tpu.memory_space<vmem>>)
      tpu.yield
    }) : () -> ()
    %dma_start3A_54 = arith.constant 0 : i32
    %dma_start3A_55 = arith.constant 0 : i32
    %dma_start3A_56 = arith.constant 0 : i32
    %dma_start3A_57 = arith.constant 0 : i32
    %dma_start3A_58 = tpu.memref_slice %arg9[%dma_start3A_55, %dma_start3A_56, %dma_start3A_57] : memref<2x128x128xf32, #tpu.memory_space<vmem>> -> memref<1x128x128xf32, #tpu.memory_space<vmem>>
    %dma_start3A_59 = tpu.memref_squeeze %dma_start3A_58 : memref<1x128x128xf32, #tpu.memory_space<vmem>> -> memref<128x128xf32, #tpu.memory_space<vmem>>
    %dma_start3A_60 = arith.constant 0 : i32
    %dma_start3A_61 = tpu.memref_slice %arg7[%dma_start3A_54, %dma_start3A_60] : memref<40x128xi32, #tpu.memory_space<vmem>> -> memref<1x128xi32, #tpu.memory_space<vmem>>
    %dma_start3A_62 = tpu.memref_squeeze %dma_start3A_61 : memref<1x128xi32, #tpu.memory_space<vmem>> -> memref<128xi32, #tpu.memory_space<vmem>>
    %dma_start3A_63 = arith.constant 0 : i32
    %dma_start3A_64 = arith.constant 0 : i32
    %dma_start3A_65 = tpu.memref_slice %arg2[%dma_start3A_63, %dma_start3A_64] : memref<10000x128xf32, #tpu.memory_space<hbm>> -> memref<10000x128xf32, #tpu.memory_space<hbm>>
    tpu.enqueue_indirect_dma source(%dma_start3A_65 : memref<10000x128xf32, #tpu.memory_space<hbm>>) target(%dma_start3A_59 : memref<128x128xf32, #tpu.memory_space<vmem>>) offsets(%dma_start3A_62 : memref<128xi32, #tpu.memory_space<vmem>>) semaphore(%arg10 : memref<!tpu.dma_semaphore, #tpu.memory_space<semaphore_mem>>)
    %scan3A_66 = arith.constant 0 : i32
    %scan3A_67 = arith.constant 0 : i32
    %scan3A_68 = arith.constant 20 : i32
    %scan3A_69 = arith.addi %scan3A_67, %scan3A_68 : i32
    %scan3A_70 = arith.constant 1 : i32
    scf.for %scan3A_77 = %scan3A_67 to %scan3A_69 step %scan3A_70  : i32 {
      %mul3A_78 = arith.constant 2 : i32
      %mul3A_79 = arith.muli %mul3A_78, %scan3A_77 : i32
      %mul3A_80 = arith.constant 2 : i32
      %mul3A_81 = arith.muli %mul3A_80, %scan3A_77 : i32
      %add3A_82 = arith.constant 1 : i32
      %add3A_83 = arith.addi %mul3A_81, %add3A_82 : i32
      %dma_start3A_84 = arith.constant 1 : i32
      %dma_start3A_85 = arith.constant 0 : i32
      %dma_start3A_86 = arith.constant 0 : i32
      %dma_start3A_87 = tpu.memref_slice %arg9[%dma_start3A_84, %dma_start3A_85, %dma_start3A_86] : memref<2x128x128xf32, #tpu.memory_space<vmem>> -> memref<1x128x128xf32, #tpu.memory_space<vmem>>
      %dma_start3A_88 = tpu.memref_squeeze %dma_start3A_87 : memref<1x128x128xf32, #tpu.memory_space<vmem>> -> memref<128x128xf32, #tpu.memory_space<vmem>>
      %dma_start3A_89 = arith.constant 0 : i32
      %dma_start3A_90 = tpu.memref_slice %arg7[%add3A_83, %dma_start3A_89] : memref<40x128xi32, #tpu.memory_space<vmem>> -> memref<1x128xi32, #tpu.memory_space<vmem>>
      %dma_start3A_91 = tpu.memref_squeeze %dma_start3A_90 : memref<1x128xi32, #tpu.memory_space<vmem>> -> memref<128xi32, #tpu.memory_space<vmem>>
      %dma_start3A_92 = arith.constant 0 : i32
      %dma_start3A_93 = arith.constant 0 : i32
      %dma_start3A_94 = tpu.memref_slice %arg2[%dma_start3A_92, %dma_start3A_93] : memref<10000x128xf32, #tpu.memory_space<hbm>> -> memref<10000x128xf32, #tpu.memory_space<hbm>>
      tpu.enqueue_indirect_dma source(%dma_start3A_94 : memref<10000x128xf32, #tpu.memory_space<hbm>>) target(%dma_start3A_88 : memref<128x128xf32, #tpu.memory_space<vmem>>) offsets(%dma_start3A_91 : memref<128xi32, #tpu.memory_space<vmem>>) semaphore(%arg11 : memref<!tpu.dma_semaphore, #tpu.memory_space<semaphore_mem>>)
      %dma_wait3A = arith.constant 0 : i32
      %dma_wait3A_95 = arith.constant 0 : i32
      %dma_wait3A_96 = arith.constant 0 : i32
      %dma_wait3A_97 = tpu.memref_slice %arg9[%dma_wait3A, %dma_wait3A_95, %dma_wait3A_96] : memref<2x128x128xf32, #tpu.memory_space<vmem>> -> memref<1x128x128xf32, #tpu.memory_space<vmem>>
      %dma_wait3A_98 = tpu.memref_squeeze %dma_wait3A_97 : memref<1x128x128xf32, #tpu.memory_space<vmem>> -> memref<128x128xf32, #tpu.memory_space<vmem>>
      %dma_wait3A_99 = arith.constant 0 : i32
      %dma_wait3A_100 = tpu.memref_slice %arg7[%mul3A_79, %dma_wait3A_99] : memref<40x128xi32, #tpu.memory_space<vmem>> -> memref<1x128xi32, #tpu.memory_space<vmem>>
      %dma_wait3A_101 = tpu.memref_squeeze %dma_wait3A_100 : memref<1x128xi32, #tpu.memory_space<vmem>> -> memref<128xi32, #tpu.memory_space<vmem>>
      %dma_wait3A_102 = arith.constant 0 : i32
      %dma_wait3A_103 = arith.constant 0 : i32
      %dma_wait3A_104 = tpu.memref_slice %arg2[%dma_wait3A_102, %dma_wait3A_103] : memref<10000x128xf32, #tpu.memory_space<hbm>> -> memref<10000x128xf32, #tpu.memory_space<hbm>>
      tpu.wait_indirect_dma semaphore(%arg10 : memref<!tpu.dma_semaphore, #tpu.memory_space<semaphore_mem>>) src(%dma_wait3A_104 : memref<10000x128xf32, #tpu.memory_space<hbm>>) dst(%dma_wait3A_98 : memref<128x128xf32, #tpu.memory_space<vmem>>)
      %run_scoped3A_105 = arith.constant 0 : i32
      "tpu.region"() ({
        %run_scoped3A_122 = tpu.sem_alloc : memref<!tpu.dma_semaphore, #tpu.memory_space<semaphore_mem>>
        %dma_start3A_123 = arith.constant 0 : i32
        %dma_start3A_124 = arith.constant 0 : i32
        %dma_start3A_125 = tpu.memref_slice %arg9[%run_scoped3A_105, %dma_start3A_123, %dma_start3A_124] : memref<2x128x128xf32, #tpu.memory_space<vmem>> -> memref<1x128x128xf32, #tpu.memory_space<vmem>>
        %dma_start3A_126 = tpu.memref_squeeze %dma_start3A_125 : memref<1x128x128xf32, #tpu.memory_space<vmem>> -> memref<128x128xf32, #tpu.memory_space<vmem>>
        %dma_start3A_127 = arith.constant 0 : i32
        %dma_start3A_128 = tpu.memref_slice %arg8[%mul3A_79, %dma_start3A_127] : memref<40x128xi32, #tpu.memory_space<vmem>> -> memref<1x128xi32, #tpu.memory_space<vmem>>
        %dma_start3A_129 = tpu.memref_squeeze %dma_start3A_128 : memref<1x128xi32, #tpu.memory_space<vmem>> -> memref<128xi32, #tpu.memory_space<vmem>>
        %dma_start3A_130 = arith.constant 0 : i32
        %dma_start3A_131 = arith.constant 0 : i32
        %dma_start3A_132 = tpu.memref_slice %arg6[%dma_start3A_130, %dma_start3A_131] : memref<10240x128xf32, #tpu.memory_space<vmem_shared>> -> memref<10240x128xf32, #tpu.memory_space<vmem_shared>>
        tpu.enqueue_indirect_dma source(%dma_start3A_126 : memref<128x128xf32, #tpu.memory_space<vmem>>) target(%dma_start3A_132 : memref<10240x128xf32, #tpu.memory_space<vmem_shared>>) offsets(%dma_start3A_129 : memref<128xi32, #tpu.memory_space<vmem>>) semaphore(%run_scoped3A_122 : memref<!tpu.dma_semaphore, #tpu.memory_space<semaphore_mem>>) {add = true}
        %dma_wait3A_133 = arith.constant 0 : i32
        %dma_wait3A_134 = arith.constant 0 : i32
        %dma_wait3A_135 = tpu.memref_slice %arg9[%run_scoped3A_105, %dma_wait3A_133, %dma_wait3A_134] : memref<2x128x128xf32, #tpu.memory_space<vmem>> -> memref<1x128x128xf32, #tpu.memory_space<vmem>>
        %dma_wait3A_136 = tpu.memref_squeeze %dma_wait3A_135 : memref<1x128x128xf32, #tpu.memory_space<vmem>> -> memref<128x128xf32, #tpu.memory_space<vmem>>
        %dma_wait3A_137 = arith.constant 0 : i32
        %dma_wait3A_138 = tpu.memref_slice %arg8[%mul3A_79, %dma_wait3A_137] : memref<40x128xi32, #tpu.memory_space<vmem>> -> memref<1x128xi32, #tpu.memory_space<vmem>>
        %dma_wait3A_139 = tpu.memref_squeeze %dma_wait3A_138 : memref<1x128xi32, #tpu.memory_space<vmem>> -> memref<128xi32, #tpu.memory_space<vmem>>
        %dma_wait3A_140 = arith.constant 0 : i32
        %dma_wait3A_141 = arith.constant 0 : i32
        %dma_wait3A_142 = tpu.memref_slice %arg6[%dma_wait3A_140, %dma_wait3A_141] : memref<10240x128xf32, #tpu.memory_space<vmem_shared>> -> memref<10240x128xf32, #tpu.memory_space<vmem_shared>>
        tpu.wait_indirect_dma semaphore(%run_scoped3A_122 : memref<!tpu.dma_semaphore, #tpu.memory_space<semaphore_mem>>) src(%dma_wait3A_136 : memref<128x128xf32, #tpu.memory_space<vmem>>) dst(%dma_wait3A_142 : memref<10240x128xf32, #tpu.memory_space<vmem_shared>>)
        tpu.yield
      }) : () -> ()
      %add3A_106 = arith.constant 2 : i32
      %add3A_107 = arith.addi %mul3A_79, %add3A_106 : i32
      %lt3A = arith.constant 40 : i32
      %lt3A_108 = arith.cmpi slt, %add3A_107, %lt3A : i32
      %convert_element_type3A = arith.extui %lt3A_108 : i1 to i32
      %cond3A = arith.constant 0 : i32
      %cond3A_109 = arith.cmpi ne, %convert_element_type3A, %cond3A : i32
      scf.if %cond3A_109 {
        %add3A_122 = arith.constant 2 : i32
        %add3A_123 = arith.addi %mul3A_79, %add3A_122 : i32
        %dma_start3A_124 = arith.constant 0 : i32
        %dma_start3A_125 = arith.constant 0 : i32
        %dma_start3A_126 = arith.constant 0 : i32
        %dma_start3A_127 = tpu.memref_slice %arg9[%dma_start3A_124, %dma_start3A_125, %dma_start3A_126] : memref<2x128x128xf32, #tpu.memory_space<vmem>> -> memref<1x128x128xf32, #tpu.memory_space<vmem>>
        %dma_start3A_128 = tpu.memref_squeeze %dma_start3A_127 : memref<1x128x128xf32, #tpu.memory_space<vmem>> -> memref<128x128xf32, #tpu.memory_space<vmem>>
        %dma_start3A_129 = arith.constant 0 : i32
        %dma_start3A_130 = tpu.memref_slice %arg7[%add3A_123, %dma_start3A_129] : memref<40x128xi32, #tpu.memory_space<vmem>> -> memref<1x128xi32, #tpu.memory_space<vmem>>
        %dma_start3A_131 = tpu.memref_squeeze %dma_start3A_130 : memref<1x128xi32, #tpu.memory_space<vmem>> -> memref<128xi32, #tpu.memory_space<vmem>>
        %dma_start3A_132 = arith.constant 0 : i32
        %dma_start3A_133 = arith.constant 0 : i32
        %dma_start3A_134 = tpu.memref_slice %arg2[%dma_start3A_132, %dma_start3A_133] : memref<10000x128xf32, #tpu.memory_space<hbm>> -> memref<10000x128xf32, #tpu.memory_space<hbm>>
        tpu.enqueue_indirect_dma source(%dma_start3A_134 : memref<10000x128xf32, #tpu.memory_space<hbm>>) target(%dma_start3A_128 : memref<128x128xf32, #tpu.memory_space<vmem>>) offsets(%dma_start3A_131 : memref<128xi32, #tpu.memory_space<vmem>>) semaphore(%arg10 : memref<!tpu.dma_semaphore, #tpu.memory_space<semaphore_mem>>)
      } else {
      }
      %dma_wait3A_110 = arith.constant 1 : i32
      %dma_wait3A_111 = arith.constant 0 : i32
      %dma_wait3A_112 = arith.constant 0 : i32
      %dma_wait3A_113 = tpu.memref_slice %arg9[%dma_wait3A_110, %dma_wait3A_111, %dma_wait3A_112] : memref<2x128x128xf32, #tpu.memory_space<vmem>> -> memref<1x128x128xf32, #tpu.memory_space<vmem>>
      %dma_wait3A_114 = tpu.memref_squeeze %dma_wait3A_113 : memref<1x128x128xf32, #tpu.memory_space<vmem>> -> memref<128x128xf32, #tpu.memory_space<vmem>>
      %dma_wait3A_115 = arith.constant 0 : i32
      %dma_wait3A_116 = tpu.memref_slice %arg7[%add3A_83, %dma_wait3A_115] : memref<40x128xi32, #tpu.memory_space<vmem>> -> memref<1x128xi32, #tpu.memory_space<vmem>>
      %dma_wait3A_117 = tpu.memref_squeeze %dma_wait3A_116 : memref<1x128xi32, #tpu.memory_space<vmem>> -> memref<128xi32, #tpu.memory_space<vmem>>
      %dma_wait3A_118 = arith.constant 0 : i32
      %dma_wait3A_119 = arith.constant 0 : i32
      %dma_wait3A_120 = tpu.memref_slice %arg2[%dma_wait3A_118, %dma_wait3A_119] : memref<10000x128xf32, #tpu.memory_space<hbm>> -> memref<10000x128xf32, #tpu.memory_space<hbm>>
      tpu.wait_indirect_dma semaphore(%arg11 : memref<!tpu.dma_semaphore, #tpu.memory_space<semaphore_mem>>) src(%dma_wait3A_120 : memref<10000x128xf32, #tpu.memory_space<hbm>>) dst(%dma_wait3A_114 : memref<128x128xf32, #tpu.memory_space<vmem>>)
      %run_scoped3A_121 = arith.constant 1 : i32
      "tpu.region"() ({
        %run_scoped3A_122 = tpu.sem_alloc : memref<!tpu.dma_semaphore, #tpu.memory_space<semaphore_mem>>
        %dma_start3A_123 = arith.constant 0 : i32
        %dma_start3A_124 = arith.constant 0 : i32
        %dma_start3A_125 = tpu.memref_slice %arg9[%run_scoped3A_121, %dma_start3A_123, %dma_start3A_124] : memref<2x128x128xf32, #tpu.memory_space<vmem>> -> memref<1x128x128xf32, #tpu.memory_space<vmem>>
        %dma_start3A_126 = tpu.memref_squeeze %dma_start3A_125 : memref<1x128x128xf32, #tpu.memory_space<vmem>> -> memref<128x128xf32, #tpu.memory_space<vmem>>
        %dma_start3A_127 = arith.constant 0 : i32
        %dma_start3A_128 = tpu.memref_slice %arg8[%add3A_83, %dma_start3A_127] : memref<40x128xi32, #tpu.memory_space<vmem>> -> memref<1x128xi32, #tpu.memory_space<vmem>>
        %dma_start3A_129 = tpu.memref_squeeze %dma_start3A_128 : memref<1x128xi32, #tpu.memory_space<vmem>> -> memref<128xi32, #tpu.memory_space<vmem>>
        %dma_start3A_130 = arith.constant 0 : i32
        %dma_start3A_131 = arith.constant 0 : i32
        %dma_start3A_132 = tpu.memref_slice %arg6[%dma_start3A_130, %dma_start3A_131] : memref<10240x128xf32, #tpu.memory_space<vmem_shared>> -> memref<10240x128xf32, #tpu.memory_space<vmem_shared>>
        tpu.enqueue_indirect_dma source(%dma_start3A_126 : memref<128x128xf32, #tpu.memory_space<vmem>>) target(%dma_start3A_132 : memref<10240x128xf32, #tpu.memory_space<vmem_shared>>) offsets(%dma_start3A_129 : memref<128xi32, #tpu.memory_space<vmem>>) semaphore(%run_scoped3A_122 : memref<!tpu.dma_semaphore, #tpu.memory_space<semaphore_mem>>) {add = true}
        %dma_wait3A_133 = arith.constant 0 : i32
        %dma_wait3A_134 = arith.constant 0 : i32
        %dma_wait3A_135 = tpu.memref_slice %arg9[%run_scoped3A_121, %dma_wait3A_133, %dma_wait3A_134] : memref<2x128x128xf32, #tpu.memory_space<vmem>> -> memref<1x128x128xf32, #tpu.memory_space<vmem>>
        %dma_wait3A_136 = tpu.memref_squeeze %dma_wait3A_135 : memref<1x128x128xf32, #tpu.memory_space<vmem>> -> memref<128x128xf32, #tpu.memory_space<vmem>>
        %dma_wait3A_137 = arith.constant 0 : i32
        %dma_wait3A_138 = tpu.memref_slice %arg8[%add3A_83, %dma_wait3A_137] : memref<40x128xi32, #tpu.memory_space<vmem>> -> memref<1x128xi32, #tpu.memory_space<vmem>>
        %dma_wait3A_139 = tpu.memref_squeeze %dma_wait3A_138 : memref<1x128xi32, #tpu.memory_space<vmem>> -> memref<128xi32, #tpu.memory_space<vmem>>
        %dma_wait3A_140 = arith.constant 0 : i32
        %dma_wait3A_141 = arith.constant 0 : i32
        %dma_wait3A_142 = tpu.memref_slice %arg6[%dma_wait3A_140, %dma_wait3A_141] : memref<10240x128xf32, #tpu.memory_space<vmem_shared>> -> memref<10240x128xf32, #tpu.memory_space<vmem_shared>>
        tpu.wait_indirect_dma semaphore(%run_scoped3A_122 : memref<!tpu.dma_semaphore, #tpu.memory_space<semaphore_mem>>) src(%dma_wait3A_136 : memref<128x128xf32, #tpu.memory_space<vmem>>) dst(%dma_wait3A_142 : memref<10240x128xf32, #tpu.memory_space<vmem_shared>>)
        tpu.yield
      }) : () -> ()
    }
    %scan3A_71 = arith.constant 20 : i32
    %barrier3A_72 = arith.constant 0 : index
    tpu.barrier barrier_id(%barrier3A_72)
    %mul3A_73 = arith.constant 640 : i32
    %mul3A_74 = arith.muli %arg1, %mul3A_73 : i32
    %mul3A_75 = arith.constant 640 : i32
    %mul3A_76 = arith.muli %arg1, %mul3A_75 : i32
    "tpu.region"() ({
      %run_scoped3A_77 = tpu.sem_alloc : memref<!tpu.dma_semaphore, #tpu.memory_space<semaphore_mem>>
      %dma_start3A_78 = arith.constant 0 : i32
      %dma_start3A_79 = tpu.memref_slice %arg5[%arg0, %mul3A_76, %dma_start3A_78] : memref<2x10240x128xf32, #tpu.memory_space<hbm>> -> memref<1x640x128xf32, #tpu.memory_space<hbm>>
      %dma_start3A_80 = tpu.memref_squeeze %dma_start3A_79 : memref<1x640x128xf32, #tpu.memory_space<hbm>> -> memref<640x128xf32, #tpu.memory_space<hbm>>
      %dma_start3A_81 = arith.constant 0 : i32
      %dma_start3A_82 = tpu.memref_slice %arg6[%mul3A_74, %dma_start3A_81] : memref<10240x128xf32, #tpu.memory_space<vmem_shared>> -> memref<640x128xf32, #tpu.memory_space<vmem_shared>>
      tpu.enqueue_dma source(%dma_start3A_82 : memref<640x128xf32, #tpu.memory_space<vmem_shared>>) target(%dma_start3A_80 : memref<640x128xf32, #tpu.memory_space<hbm>>) target_semaphore(%run_scoped3A_77 : memref<!tpu.dma_semaphore, #tpu.memory_space<semaphore_mem>>)
      %dma_wait3A = arith.constant 0 : i32
      %dma_wait3A_83 = tpu.memref_slice %arg5[%arg0, %mul3A_76, %dma_wait3A] : memref<2x10240x128xf32, #tpu.memory_space<hbm>> -> memref<1x640x128xf32, #tpu.memory_space<hbm>>
      %dma_wait3A_84 = tpu.memref_squeeze %dma_wait3A_83 : memref<1x640x128xf32, #tpu.memory_space<hbm>> -> memref<640x128xf32, #tpu.memory_space<hbm>>
      %dma_wait3A_85 = arith.constant 0 : i32
      %dma_wait3A_86 = tpu.memref_slice %arg6[%mul3A_74, %dma_wait3A_85] : memref<10240x128xf32, #tpu.memory_space<vmem_shared>> -> memref<640x128xf32, #tpu.memory_space<vmem_shared>>
      tpu.wait_dma2 semaphore(%run_scoped3A_77 : memref<!tpu.dma_semaphore, #tpu.memory_space<semaphore_mem>>) src(%dma_wait3A_86 : memref<640x128xf32, #tpu.memory_space<vmem_shared>>) dst(%dma_wait3A_84 : memref<640x128xf32, #tpu.memory_space<hbm>>)
      tpu.yield
    }) : () -> ()
    return
  }
}

#map = affine_map<(d0, d1) -> (0, 0)>
#map1 = affine_map<(d0, d1) -> (0, 0, 0)>
module attributes {stable_mosaic.version = 14 : i64} {
  func.func @_agg_body(%arg0: i32, %arg1: i32, %arg2: memref<10000x128xf32, #tpu.memory_space<hbm>>, %arg3: memref<2x2560x128xi32, #tpu.memory_space<hbm>>, %arg4: memref<128x128xf32, #tpu.memory_space<hbm>>, %arg5: memref<2x10240x128xf32, #tpu.memory_space<hbm>>, %arg6: memref<10240x128xf32, #tpu.memory_space<vmem_shared>>, %arg7: memref<40x128xi32, #tpu.memory_space<vmem>>, %arg8: memref<40x128xi32, #tpu.memory_space<vmem>>, %arg9: memref<2x128x128xf32, #tpu.memory_space<vmem>>, %arg10: memref<!tpu.dma_semaphore, #tpu.memory_space<semaphore_mem>>, %arg11: memref<!tpu.dma_semaphore, #tpu.memory_space<semaphore_mem>>) attributes {dimension_semantics = [#tpu.dimension_semantics<core_parallel>, #tpu.dimension_semantics<subcore_parallel>], iteration_bounds = array<i64: 2, 16>, scalar_prefetch = 0 : i64, scratch_operands = 6 : i64, tpu.core_type = #tpu.core_type<sc_vector_subcore>, window_params = [{transform_indices = #map}, {transform_indices = #map1}, {transform_indices = #map}, {transform_indices = #map1}]} {
    %mul3A = arith.constant 2 : i32
    %mul3A_0 = arith.muli %arg1, %mul3A : i32
    %add3A = arith.addi %mul3A_0, %arg0 : i32
    %run_scoped3A = arith.constant 0 : i32
    "tpu.region"() ({
      %run_scoped3A_77 = tpu.sem_alloc : memref<!tpu.dma_semaphore, #tpu.memory_space<semaphore_mem>>
      %dma_start3A_78 = arith.constant 0 : i32
      %dma_start3A_79 = arith.constant 0 : i32
      %dma_start3A_80 = tpu.memref_slice %arg9[%run_scoped3A, %dma_start3A_78, %dma_start3A_79] : memref<2x128x128xf32, #tpu.memory_space<vmem>> -> memref<1x128x128xf32, #tpu.memory_space<vmem>>
      %dma_start3A_81 = tpu.memref_squeeze %dma_start3A_80 : memref<1x128x128xf32, #tpu.memory_space<vmem>> -> memref<128x128xf32, #tpu.memory_space<vmem>>
      %dma_start3A_82 = arith.constant 0 : i32
      %dma_start3A_83 = arith.constant 0 : i32
      %dma_start3A_84 = tpu.memref_slice %arg9[%run_scoped3A, %dma_start3A_82, %dma_start3A_83] : memref<2x128x128xf32, #tpu.memory_space<vmem>> -> memref<1x128x128xf32, #tpu.memory_space<vmem>>
      %dma_start3A_85 = tpu.memref_squeeze %dma_start3A_84 : memref<1x128x128xf32, #tpu.memory_space<vmem>> -> memref<128x128xf32, #tpu.memory_space<vmem>>
      tpu.enqueue_dma source(%arg4 : memref<128x128xf32, #tpu.memory_space<hbm>>) target(%dma_start3A_85 : memref<128x128xf32, #tpu.memory_space<vmem>>) target_semaphore(%run_scoped3A_77 : memref<!tpu.dma_semaphore, #tpu.memory_space<semaphore_mem>>)
      %dma_wait3A = arith.constant 0 : i32
      %dma_wait3A_86 = arith.constant 0 : i32
      %dma_wait3A_87 = tpu.memref_slice %arg9[%run_scoped3A, %dma_wait3A, %dma_wait3A_86] : memref<2x128x128xf32, #tpu.memory_space<vmem>> -> memref<1x128x128xf32, #tpu.memory_space<vmem>>
      %dma_wait3A_88 = tpu.memref_squeeze %dma_wait3A_87 : memref<1x128x128xf32, #tpu.memory_space<vmem>> -> memref<128x128xf32, #tpu.memory_space<vmem>>
      %dma_wait3A_89 = arith.constant 0 : i32
      %dma_wait3A_90 = arith.constant 0 : i32
      %dma_wait3A_91 = tpu.memref_slice %arg9[%run_scoped3A, %dma_wait3A_89, %dma_wait3A_90] : memref<2x128x128xf32, #tpu.memory_space<vmem>> -> memref<1x128x128xf32, #tpu.memory_space<vmem>>
      %dma_wait3A_92 = tpu.memref_squeeze %dma_wait3A_91 : memref<1x128x128xf32, #tpu.memory_space<vmem>> -> memref<128x128xf32, #tpu.memory_space<vmem>>
      tpu.wait_dma2 semaphore(%run_scoped3A_77 : memref<!tpu.dma_semaphore, #tpu.memory_space<semaphore_mem>>) src(%arg4 : memref<128x128xf32, #tpu.memory_space<hbm>>) dst(%dma_wait3A_92 : memref<128x128xf32, #tpu.memory_space<vmem>>)
      tpu.yield
    }) : () -> ()
    %mul3A_1 = arith.constant 640 : i32
    %mul3A_2 = arith.muli %arg1, %mul3A_1 : i32
    %add3A_3 = arith.constant 0 : i32
    %add3A_4 = arith.addi %mul3A_2, %add3A_3 : i32
    %run_scoped3A_5 = arith.constant 0 : i32
    "tpu.region"() ({
      %run_scoped3A_77 = tpu.sem_alloc : memref<!tpu.dma_semaphore, #tpu.memory_space<semaphore_mem>>
      %dma_start3A_78 = arith.constant 0 : i32
      %dma_start3A_79 = arith.constant 0 : i32
      %dma_start3A_80 = tpu.memref_slice %arg9[%run_scoped3A_5, %dma_start3A_78, %dma_start3A_79] : memref<2x128x128xf32, #tpu.memory_space<vmem>> -> memref<1x128x128xf32, #tpu.memory_space<vmem>>
      %dma_start3A_81 = tpu.memref_squeeze %dma_start3A_80 : memref<1x128x128xf32, #tpu.memory_space<vmem>> -> memref<128x128xf32, #tpu.memory_space<vmem>>
      %dma_start3A_82 = arith.constant 0 : i32
      %dma_start3A_83 = tpu.memref_slice %arg6[%add3A_4, %dma_start3A_82] : memref<10240x128xf32, #tpu.memory_space<vmem_shared>> -> memref<128x128xf32, #tpu.memory_space<vmem_shared>>
      %dma_start3A_84 = arith.constant 0 : i32
      %dma_start3A_85 = tpu.memref_slice %arg6[%add3A_4, %dma_start3A_84] : memref<10240x128xf32, #tpu.memory_space<vmem_shared>> -> memref<128x128xf32, #tpu.memory_space<vmem_shared>>
      %dma_start3A_86 = arith.constant 0 : i32
      %dma_start3A_87 = arith.constant 0 : i32
      %dma_start3A_88 = tpu.memref_slice %arg9[%run_scoped3A_5, %dma_start3A_86, %dma_start3A_87] : memref<2x128x128xf32, #tpu.memory_space<vmem>> -> memref<1x128x128xf32, #tpu.memory_space<vmem>>
      %dma_start3A_89 = tpu.memref_squeeze %dma_start3A_88 : memref<1x128x128xf32, #tpu.memory_space<vmem>> -> memref<128x128xf32, #tpu.memory_space<vmem>>
      tpu.enqueue_dma source(%dma_start3A_89 : memref<128x128xf32, #tpu.memory_space<vmem>>) target(%dma_start3A_85 : memref<128x128xf32, #tpu.memory_space<vmem_shared>>) target_semaphore(%run_scoped3A_77 : memref<!tpu.dma_semaphore, #tpu.memory_space<semaphore_mem>>)
      %dma_wait3A = arith.constant 0 : i32
      %dma_wait3A_90 = arith.constant 0 : i32
      %dma_wait3A_91 = tpu.memref_slice %arg9[%run_scoped3A_5, %dma_wait3A, %dma_wait3A_90] : memref<2x128x128xf32, #tpu.memory_space<vmem>> -> memref<1x128x128xf32, #tpu.memory_space<vmem>>
      %dma_wait3A_92 = tpu.memref_squeeze %dma_wait3A_91 : memref<1x128x128xf32, #tpu.memory_space<vmem>> -> memref<128x128xf32, #tpu.memory_space<vmem>>
      %dma_wait3A_93 = arith.constant 0 : i32
      %dma_wait3A_94 = tpu.memref_slice %arg6[%add3A_4, %dma_wait3A_93] : memref<10240x128xf32, #tpu.memory_space<vmem_shared>> -> memref<128x128xf32, #tpu.memory_space<vmem_shared>>
      %dma_wait3A_95 = arith.constant 0 : i32
      %dma_wait3A_96 = tpu.memref_slice %arg6[%add3A_4, %dma_wait3A_95] : memref<10240x128xf32, #tpu.memory_space<vmem_shared>> -> memref<128x128xf32, #tpu.memory_space<vmem_shared>>
      %dma_wait3A_97 = arith.constant 0 : i32
      %dma_wait3A_98 = arith.constant 0 : i32
      %dma_wait3A_99 = tpu.memref_slice %arg9[%run_scoped3A_5, %dma_wait3A_97, %dma_wait3A_98] : memref<2x128x128xf32, #tpu.memory_space<vmem>> -> memref<1x128x128xf32, #tpu.memory_space<vmem>>
      %dma_wait3A_100 = tpu.memref_squeeze %dma_wait3A_99 : memref<1x128x128xf32, #tpu.memory_space<vmem>> -> memref<128x128xf32, #tpu.memory_space<vmem>>
      tpu.wait_dma2 semaphore(%run_scoped3A_77 : memref<!tpu.dma_semaphore, #tpu.memory_space<semaphore_mem>>) src(%dma_wait3A_100 : memref<128x128xf32, #tpu.memory_space<vmem>>) dst(%dma_wait3A_96 : memref<128x128xf32, #tpu.memory_space<vmem_shared>>)
      tpu.yield
    }) : () -> ()
    %mul3A_6 = arith.constant 640 : i32
    %mul3A_7 = arith.muli %arg1, %mul3A_6 : i32
    %add3A_8 = arith.constant 128 : i32
    %add3A_9 = arith.addi %mul3A_7, %add3A_8 : i32
    %run_scoped3A_10 = arith.constant 0 : i32
    "tpu.region"() ({
      %run_scoped3A_77 = tpu.sem_alloc : memref<!tpu.dma_semaphore, #tpu.memory_space<semaphore_mem>>
      %dma_start3A_78 = arith.constant 0 : i32
      %dma_start3A_79 = arith.constant 0 : i32
      %dma_start3A_80 = tpu.memref_slice %arg9[%run_scoped3A_10, %dma_start3A_78, %dma_start3A_79] : memref<2x128x128xf32, #tpu.memory_space<vmem>> -> memref<1x128x128xf32, #tpu.memory_space<vmem>>
      %dma_start3A_81 = tpu.memref_squeeze %dma_start3A_80 : memref<1x128x128xf32, #tpu.memory_space<vmem>> -> memref<128x128xf32, #tpu.memory_space<vmem>>
      %dma_start3A_82 = arith.constant 0 : i32
      %dma_start3A_83 = tpu.memref_slice %arg6[%add3A_9, %dma_start3A_82] : memref<10240x128xf32, #tpu.memory_space<vmem_shared>> -> memref<128x128xf32, #tpu.memory_space<vmem_shared>>
      %dma_start3A_84 = arith.constant 0 : i32
      %dma_start3A_85 = tpu.memref_slice %arg6[%add3A_9, %dma_start3A_84] : memref<10240x128xf32, #tpu.memory_space<vmem_shared>> -> memref<128x128xf32, #tpu.memory_space<vmem_shared>>
      %dma_start3A_86 = arith.constant 0 : i32
      %dma_start3A_87 = arith.constant 0 : i32
      %dma_start3A_88 = tpu.memref_slice %arg9[%run_scoped3A_10, %dma_start3A_86, %dma_start3A_87] : memref<2x128x128xf32, #tpu.memory_space<vmem>> -> memref<1x128x128xf32, #tpu.memory_space<vmem>>
      %dma_start3A_89 = tpu.memref_squeeze %dma_start3A_88 : memref<1x128x128xf32, #tpu.memory_space<vmem>> -> memref<128x128xf32, #tpu.memory_space<vmem>>
      tpu.enqueue_dma source(%dma_start3A_89 : memref<128x128xf32, #tpu.memory_space<vmem>>) target(%dma_start3A_85 : memref<128x128xf32, #tpu.memory_space<vmem_shared>>) target_semaphore(%run_scoped3A_77 : memref<!tpu.dma_semaphore, #tpu.memory_space<semaphore_mem>>)
      %dma_wait3A = arith.constant 0 : i32
      %dma_wait3A_90 = arith.constant 0 : i32
      %dma_wait3A_91 = tpu.memref_slice %arg9[%run_scoped3A_10, %dma_wait3A, %dma_wait3A_90] : memref<2x128x128xf32, #tpu.memory_space<vmem>> -> memref<1x128x128xf32, #tpu.memory_space<vmem>>
      %dma_wait3A_92 = tpu.memref_squeeze %dma_wait3A_91 : memref<1x128x128xf32, #tpu.memory_space<vmem>> -> memref<128x128xf32, #tpu.memory_space<vmem>>
      %dma_wait3A_93 = arith.constant 0 : i32
      %dma_wait3A_94 = tpu.memref_slice %arg6[%add3A_9, %dma_wait3A_93] : memref<10240x128xf32, #tpu.memory_space<vmem_shared>> -> memref<128x128xf32, #tpu.memory_space<vmem_shared>>
      %dma_wait3A_95 = arith.constant 0 : i32
      %dma_wait3A_96 = tpu.memref_slice %arg6[%add3A_9, %dma_wait3A_95] : memref<10240x128xf32, #tpu.memory_space<vmem_shared>> -> memref<128x128xf32, #tpu.memory_space<vmem_shared>>
      %dma_wait3A_97 = arith.constant 0 : i32
      %dma_wait3A_98 = arith.constant 0 : i32
      %dma_wait3A_99 = tpu.memref_slice %arg9[%run_scoped3A_10, %dma_wait3A_97, %dma_wait3A_98] : memref<2x128x128xf32, #tpu.memory_space<vmem>> -> memref<1x128x128xf32, #tpu.memory_space<vmem>>
      %dma_wait3A_100 = tpu.memref_squeeze %dma_wait3A_99 : memref<1x128x128xf32, #tpu.memory_space<vmem>> -> memref<128x128xf32, #tpu.memory_space<vmem>>
      tpu.wait_dma2 semaphore(%run_scoped3A_77 : memref<!tpu.dma_semaphore, #tpu.memory_space<semaphore_mem>>) src(%dma_wait3A_100 : memref<128x128xf32, #tpu.memory_space<vmem>>) dst(%dma_wait3A_96 : memref<128x128xf32, #tpu.memory_space<vmem_shared>>)
      tpu.yield
    }) : () -> ()
    %mul3A_11 = arith.constant 640 : i32
    %mul3A_12 = arith.muli %arg1, %mul3A_11 : i32
    %add3A_13 = arith.constant 256 : i32
    %add3A_14 = arith.addi %mul3A_12, %add3A_13 : i32
    %run_scoped3A_15 = arith.constant 0 : i32
    "tpu.region"() ({
      %run_scoped3A_77 = tpu.sem_alloc : memref<!tpu.dma_semaphore, #tpu.memory_space<semaphore_mem>>
      %dma_start3A_78 = arith.constant 0 : i32
      %dma_start3A_79 = arith.constant 0 : i32
      %dma_start3A_80 = tpu.memref_slice %arg9[%run_scoped3A_15, %dma_start3A_78, %dma_start3A_79] : memref<2x128x128xf32, #tpu.memory_space<vmem>> -> memref<1x128x128xf32, #tpu.memory_space<vmem>>
      %dma_start3A_81 = tpu.memref_squeeze %dma_start3A_80 : memref<1x128x128xf32, #tpu.memory_space<vmem>> -> memref<128x128xf32, #tpu.memory_space<vmem>>
      %dma_start3A_82 = arith.constant 0 : i32
      %dma_start3A_83 = tpu.memref_slice %arg6[%add3A_14, %dma_start3A_82] : memref<10240x128xf32, #tpu.memory_space<vmem_shared>> -> memref<128x128xf32, #tpu.memory_space<vmem_shared>>
      %dma_start3A_84 = arith.constant 0 : i32
      %dma_start3A_85 = tpu.memref_slice %arg6[%add3A_14, %dma_start3A_84] : memref<10240x128xf32, #tpu.memory_space<vmem_shared>> -> memref<128x128xf32, #tpu.memory_space<vmem_shared>>
      %dma_start3A_86 = arith.constant 0 : i32
      %dma_start3A_87 = arith.constant 0 : i32
      %dma_start3A_88 = tpu.memref_slice %arg9[%run_scoped3A_15, %dma_start3A_86, %dma_start3A_87] : memref<2x128x128xf32, #tpu.memory_space<vmem>> -> memref<1x128x128xf32, #tpu.memory_space<vmem>>
      %dma_start3A_89 = tpu.memref_squeeze %dma_start3A_88 : memref<1x128x128xf32, #tpu.memory_space<vmem>> -> memref<128x128xf32, #tpu.memory_space<vmem>>
      tpu.enqueue_dma source(%dma_start3A_89 : memref<128x128xf32, #tpu.memory_space<vmem>>) target(%dma_start3A_85 : memref<128x128xf32, #tpu.memory_space<vmem_shared>>) target_semaphore(%run_scoped3A_77 : memref<!tpu.dma_semaphore, #tpu.memory_space<semaphore_mem>>)
      %dma_wait3A = arith.constant 0 : i32
      %dma_wait3A_90 = arith.constant 0 : i32
      %dma_wait3A_91 = tpu.memref_slice %arg9[%run_scoped3A_15, %dma_wait3A, %dma_wait3A_90] : memref<2x128x128xf32, #tpu.memory_space<vmem>> -> memref<1x128x128xf32, #tpu.memory_space<vmem>>
      %dma_wait3A_92 = tpu.memref_squeeze %dma_wait3A_91 : memref<1x128x128xf32, #tpu.memory_space<vmem>> -> memref<128x128xf32, #tpu.memory_space<vmem>>
      %dma_wait3A_93 = arith.constant 0 : i32
      %dma_wait3A_94 = tpu.memref_slice %arg6[%add3A_14, %dma_wait3A_93] : memref<10240x128xf32, #tpu.memory_space<vmem_shared>> -> memref<128x128xf32, #tpu.memory_space<vmem_shared>>
      %dma_wait3A_95 = arith.constant 0 : i32
      %dma_wait3A_96 = tpu.memref_slice %arg6[%add3A_14, %dma_wait3A_95] : memref<10240x128xf32, #tpu.memory_space<vmem_shared>> -> memref<128x128xf32, #tpu.memory_space<vmem_shared>>
      %dma_wait3A_97 = arith.constant 0 : i32
      %dma_wait3A_98 = arith.constant 0 : i32
      %dma_wait3A_99 = tpu.memref_slice %arg9[%run_scoped3A_15, %dma_wait3A_97, %dma_wait3A_98] : memref<2x128x128xf32, #tpu.memory_space<vmem>> -> memref<1x128x128xf32, #tpu.memory_space<vmem>>
      %dma_wait3A_100 = tpu.memref_squeeze %dma_wait3A_99 : memref<1x128x128xf32, #tpu.memory_space<vmem>> -> memref<128x128xf32, #tpu.memory_space<vmem>>
      tpu.wait_dma2 semaphore(%run_scoped3A_77 : memref<!tpu.dma_semaphore, #tpu.memory_space<semaphore_mem>>) src(%dma_wait3A_100 : memref<128x128xf32, #tpu.memory_space<vmem>>) dst(%dma_wait3A_96 : memref<128x128xf32, #tpu.memory_space<vmem_shared>>)
      tpu.yield
    }) : () -> ()
    %mul3A_16 = arith.constant 640 : i32
    %mul3A_17 = arith.muli %arg1, %mul3A_16 : i32
    %add3A_18 = arith.constant 384 : i32
    %add3A_19 = arith.addi %mul3A_17, %add3A_18 : i32
    %run_scoped3A_20 = arith.constant 0 : i32
    "tpu.region"() ({
      %run_scoped3A_77 = tpu.sem_alloc : memref<!tpu.dma_semaphore, #tpu.memory_space<semaphore_mem>>
      %dma_start3A_78 = arith.constant 0 : i32
      %dma_start3A_79 = arith.constant 0 : i32
      %dma_start3A_80 = tpu.memref_slice %arg9[%run_scoped3A_20, %dma_start3A_78, %dma_start3A_79] : memref<2x128x128xf32, #tpu.memory_space<vmem>> -> memref<1x128x128xf32, #tpu.memory_space<vmem>>
      %dma_start3A_81 = tpu.memref_squeeze %dma_start3A_80 : memref<1x128x128xf32, #tpu.memory_space<vmem>> -> memref<128x128xf32, #tpu.memory_space<vmem>>
      %dma_start3A_82 = arith.constant 0 : i32
      %dma_start3A_83 = tpu.memref_slice %arg6[%add3A_19, %dma_start3A_82] : memref<10240x128xf32, #tpu.memory_space<vmem_shared>> -> memref<128x128xf32, #tpu.memory_space<vmem_shared>>
      %dma_start3A_84 = arith.constant 0 : i32
      %dma_start3A_85 = tpu.memref_slice %arg6[%add3A_19, %dma_start3A_84] : memref<10240x128xf32, #tpu.memory_space<vmem_shared>> -> memref<128x128xf32, #tpu.memory_space<vmem_shared>>
      %dma_start3A_86 = arith.constant 0 : i32
      %dma_start3A_87 = arith.constant 0 : i32
      %dma_start3A_88 = tpu.memref_slice %arg9[%run_scoped3A_20, %dma_start3A_86, %dma_start3A_87] : memref<2x128x128xf32, #tpu.memory_space<vmem>> -> memref<1x128x128xf32, #tpu.memory_space<vmem>>
      %dma_start3A_89 = tpu.memref_squeeze %dma_start3A_88 : memref<1x128x128xf32, #tpu.memory_space<vmem>> -> memref<128x128xf32, #tpu.memory_space<vmem>>
      tpu.enqueue_dma source(%dma_start3A_89 : memref<128x128xf32, #tpu.memory_space<vmem>>) target(%dma_start3A_85 : memref<128x128xf32, #tpu.memory_space<vmem_shared>>) target_semaphore(%run_scoped3A_77 : memref<!tpu.dma_semaphore, #tpu.memory_space<semaphore_mem>>)
      %dma_wait3A = arith.constant 0 : i32
      %dma_wait3A_90 = arith.constant 0 : i32
      %dma_wait3A_91 = tpu.memref_slice %arg9[%run_scoped3A_20, %dma_wait3A, %dma_wait3A_90] : memref<2x128x128xf32, #tpu.memory_space<vmem>> -> memref<1x128x128xf32, #tpu.memory_space<vmem>>
      %dma_wait3A_92 = tpu.memref_squeeze %dma_wait3A_91 : memref<1x128x128xf32, #tpu.memory_space<vmem>> -> memref<128x128xf32, #tpu.memory_space<vmem>>
      %dma_wait3A_93 = arith.constant 0 : i32
      %dma_wait3A_94 = tpu.memref_slice %arg6[%add3A_19, %dma_wait3A_93] : memref<10240x128xf32, #tpu.memory_space<vmem_shared>> -> memref<128x128xf32, #tpu.memory_space<vmem_shared>>
      %dma_wait3A_95 = arith.constant 0 : i32
      %dma_wait3A_96 = tpu.memref_slice %arg6[%add3A_19, %dma_wait3A_95] : memref<10240x128xf32, #tpu.memory_space<vmem_shared>> -> memref<128x128xf32, #tpu.memory_space<vmem_shared>>
      %dma_wait3A_97 = arith.constant 0 : i32
      %dma_wait3A_98 = arith.constant 0 : i32
      %dma_wait3A_99 = tpu.memref_slice %arg9[%run_scoped3A_20, %dma_wait3A_97, %dma_wait3A_98] : memref<2x128x128xf32, #tpu.memory_space<vmem>> -> memref<1x128x128xf32, #tpu.memory_space<vmem>>
      %dma_wait3A_100 = tpu.memref_squeeze %dma_wait3A_99 : memref<1x128x128xf32, #tpu.memory_space<vmem>> -> memref<128x128xf32, #tpu.memory_space<vmem>>
      tpu.wait_dma2 semaphore(%run_scoped3A_77 : memref<!tpu.dma_semaphore, #tpu.memory_space<semaphore_mem>>) src(%dma_wait3A_100 : memref<128x128xf32, #tpu.memory_space<vmem>>) dst(%dma_wait3A_96 : memref<128x128xf32, #tpu.memory_space<vmem_shared>>)
      tpu.yield
    }) : () -> ()
    %mul3A_21 = arith.constant 640 : i32
    %mul3A_22 = arith.muli %arg1, %mul3A_21 : i32
    %add3A_23 = arith.constant 512 : i32
    %add3A_24 = arith.addi %mul3A_22, %add3A_23 : i32
    %run_scoped3A_25 = arith.constant 0 : i32
    "tpu.region"() ({
      %run_scoped3A_77 = tpu.sem_alloc : memref<!tpu.dma_semaphore, #tpu.memory_space<semaphore_mem>>
      %dma_start3A_78 = arith.constant 0 : i32
      %dma_start3A_79 = arith.constant 0 : i32
      %dma_start3A_80 = tpu.memref_slice %arg9[%run_scoped3A_25, %dma_start3A_78, %dma_start3A_79] : memref<2x128x128xf32, #tpu.memory_space<vmem>> -> memref<1x128x128xf32, #tpu.memory_space<vmem>>
      %dma_start3A_81 = tpu.memref_squeeze %dma_start3A_80 : memref<1x128x128xf32, #tpu.memory_space<vmem>> -> memref<128x128xf32, #tpu.memory_space<vmem>>
      %dma_start3A_82 = arith.constant 0 : i32
      %dma_start3A_83 = tpu.memref_slice %arg6[%add3A_24, %dma_start3A_82] : memref<10240x128xf32, #tpu.memory_space<vmem_shared>> -> memref<128x128xf32, #tpu.memory_space<vmem_shared>>
      %dma_start3A_84 = arith.constant 0 : i32
      %dma_start3A_85 = tpu.memref_slice %arg6[%add3A_24, %dma_start3A_84] : memref<10240x128xf32, #tpu.memory_space<vmem_shared>> -> memref<128x128xf32, #tpu.memory_space<vmem_shared>>
      %dma_start3A_86 = arith.constant 0 : i32
      %dma_start3A_87 = arith.constant 0 : i32
      %dma_start3A_88 = tpu.memref_slice %arg9[%run_scoped3A_25, %dma_start3A_86, %dma_start3A_87] : memref<2x128x128xf32, #tpu.memory_space<vmem>> -> memref<1x128x128xf32, #tpu.memory_space<vmem>>
      %dma_start3A_89 = tpu.memref_squeeze %dma_start3A_88 : memref<1x128x128xf32, #tpu.memory_space<vmem>> -> memref<128x128xf32, #tpu.memory_space<vmem>>
      tpu.enqueue_dma source(%dma_start3A_89 : memref<128x128xf32, #tpu.memory_space<vmem>>) target(%dma_start3A_85 : memref<128x128xf32, #tpu.memory_space<vmem_shared>>) target_semaphore(%run_scoped3A_77 : memref<!tpu.dma_semaphore, #tpu.memory_space<semaphore_mem>>)
      %dma_wait3A = arith.constant 0 : i32
      %dma_wait3A_90 = arith.constant 0 : i32
      %dma_wait3A_91 = tpu.memref_slice %arg9[%run_scoped3A_25, %dma_wait3A, %dma_wait3A_90] : memref<2x128x128xf32, #tpu.memory_space<vmem>> -> memref<1x128x128xf32, #tpu.memory_space<vmem>>
      %dma_wait3A_92 = tpu.memref_squeeze %dma_wait3A_91 : memref<1x128x128xf32, #tpu.memory_space<vmem>> -> memref<128x128xf32, #tpu.memory_space<vmem>>
      %dma_wait3A_93 = arith.constant 0 : i32
      %dma_wait3A_94 = tpu.memref_slice %arg6[%add3A_24, %dma_wait3A_93] : memref<10240x128xf32, #tpu.memory_space<vmem_shared>> -> memref<128x128xf32, #tpu.memory_space<vmem_shared>>
      %dma_wait3A_95 = arith.constant 0 : i32
      %dma_wait3A_96 = tpu.memref_slice %arg6[%add3A_24, %dma_wait3A_95] : memref<10240x128xf32, #tpu.memory_space<vmem_shared>> -> memref<128x128xf32, #tpu.memory_space<vmem_shared>>
      %dma_wait3A_97 = arith.constant 0 : i32
      %dma_wait3A_98 = arith.constant 0 : i32
      %dma_wait3A_99 = tpu.memref_slice %arg9[%run_scoped3A_25, %dma_wait3A_97, %dma_wait3A_98] : memref<2x128x128xf32, #tpu.memory_space<vmem>> -> memref<1x128x128xf32, #tpu.memory_space<vmem>>
      %dma_wait3A_100 = tpu.memref_squeeze %dma_wait3A_99 : memref<1x128x128xf32, #tpu.memory_space<vmem>> -> memref<128x128xf32, #tpu.memory_space<vmem>>
      tpu.wait_dma2 semaphore(%run_scoped3A_77 : memref<!tpu.dma_semaphore, #tpu.memory_space<semaphore_mem>>) src(%dma_wait3A_100 : memref<128x128xf32, #tpu.memory_space<vmem>>) dst(%dma_wait3A_96 : memref<128x128xf32, #tpu.memory_space<vmem_shared>>)
      tpu.yield
    }) : () -> ()
    %barrier3A = arith.constant 0 : index
    tpu.barrier barrier_id(%barrier3A)
    %mul3A_26 = arith.constant 80 : i32
    %mul3A_27 = arith.muli %add3A, %mul3A_26 : i32
    %add3A_28 = arith.constant 0 : i32
    %add3A_29 = arith.addi %mul3A_27, %add3A_28 : i32
    %run_scoped3A_30 = arith.constant 0 : i32
    "tpu.region"() ({
      %run_scoped3A_77 = tpu.sem_alloc : memref<!tpu.dma_semaphore, #tpu.memory_space<semaphore_mem>>
      %dma_start3A_78 = arith.constant 0 : i32
      %dma_start3A_79 = tpu.memref_slice %arg3[%run_scoped3A_30, %add3A_29, %dma_start3A_78] : memref<2x2560x128xi32, #tpu.memory_space<hbm>> -> memref<1x40x128xi32, #tpu.memory_space<hbm>>
      %dma_start3A_80 = tpu.memref_squeeze %dma_start3A_79 : memref<1x40x128xi32, #tpu.memory_space<hbm>> -> memref<40x128xi32, #tpu.memory_space<hbm>>
      %dma_start3A_81 = arith.constant 0 : i32
      %dma_start3A_82 = tpu.memref_slice %arg3[%run_scoped3A_30, %add3A_29, %dma_start3A_81] : memref<2x2560x128xi32, #tpu.memory_space<hbm>> -> memref<1x40x128xi32, #tpu.memory_space<hbm>>
      %dma_start3A_83 = tpu.memref_squeeze %dma_start3A_82 : memref<1x40x128xi32, #tpu.memory_space<hbm>> -> memref<40x128xi32, #tpu.memory_space<hbm>>
      tpu.enqueue_dma source(%dma_start3A_83 : memref<40x128xi32, #tpu.memory_space<hbm>>) target(%arg7 : memref<40x128xi32, #tpu.memory_space<vmem>>) target_semaphore(%run_scoped3A_77 : memref<!tpu.dma_semaphore, #tpu.memory_space<semaphore_mem>>)
      %dma_wait3A = arith.constant 0 : i32
      %dma_wait3A_84 = tpu.memref_slice %arg3[%run_scoped3A_30, %add3A_29, %dma_wait3A] : memref<2x2560x128xi32, #tpu.memory_space<hbm>> -> memref<1x40x128xi32, #tpu.memory_space<hbm>>
      %dma_wait3A_85 = tpu.memref_squeeze %dma_wait3A_84 : memref<1x40x128xi32, #tpu.memory_space<hbm>> -> memref<40x128xi32, #tpu.memory_space<hbm>>
      %dma_wait3A_86 = arith.constant 0 : i32
      %dma_wait3A_87 = tpu.memref_slice %arg3[%run_scoped3A_30, %add3A_29, %dma_wait3A_86] : memref<2x2560x128xi32, #tpu.memory_space<hbm>> -> memref<1x40x128xi32, #tpu.memory_space<hbm>>
      %dma_wait3A_88 = tpu.memref_squeeze %dma_wait3A_87 : memref<1x40x128xi32, #tpu.memory_space<hbm>> -> memref<40x128xi32, #tpu.memory_space<hbm>>
      tpu.wait_dma2 semaphore(%run_scoped3A_77 : memref<!tpu.dma_semaphore, #tpu.memory_space<semaphore_mem>>) src(%dma_wait3A_88 : memref<40x128xi32, #tpu.memory_space<hbm>>) dst(%arg7 : memref<40x128xi32, #tpu.memory_space<vmem>>)
      tpu.yield
    }) : () -> ()
    %run_scoped3A_31 = arith.constant 1 : i32
    "tpu.region"() ({
      %run_scoped3A_77 = tpu.sem_alloc : memref<!tpu.dma_semaphore, #tpu.memory_space<semaphore_mem>>
      %dma_start3A_78 = arith.constant 0 : i32
      %dma_start3A_79 = tpu.memref_slice %arg3[%run_scoped3A_31, %add3A_29, %dma_start3A_78] : memref<2x2560x128xi32, #tpu.memory_space<hbm>> -> memref<1x40x128xi32, #tpu.memory_space<hbm>>
      %dma_start3A_80 = tpu.memref_squeeze %dma_start3A_79 : memref<1x40x128xi32, #tpu.memory_space<hbm>> -> memref<40x128xi32, #tpu.memory_space<hbm>>
      %dma_start3A_81 = arith.constant 0 : i32
      %dma_start3A_82 = tpu.memref_slice %arg3[%run_scoped3A_31, %add3A_29, %dma_start3A_81] : memref<2x2560x128xi32, #tpu.memory_space<hbm>> -> memref<1x40x128xi32, #tpu.memory_space<hbm>>
      %dma_start3A_83 = tpu.memref_squeeze %dma_start3A_82 : memref<1x40x128xi32, #tpu.memory_space<hbm>> -> memref<40x128xi32, #tpu.memory_space<hbm>>
      tpu.enqueue_dma source(%dma_start3A_83 : memref<40x128xi32, #tpu.memory_space<hbm>>) target(%arg8 : memref<40x128xi32, #tpu.memory_space<vmem>>) target_semaphore(%run_scoped3A_77 : memref<!tpu.dma_semaphore, #tpu.memory_space<semaphore_mem>>)
      %dma_wait3A = arith.constant 0 : i32
      %dma_wait3A_84 = tpu.memref_slice %arg3[%run_scoped3A_31, %add3A_29, %dma_wait3A] : memref<2x2560x128xi32, #tpu.memory_space<hbm>> -> memref<1x40x128xi32, #tpu.memory_space<hbm>>
      %dma_wait3A_85 = tpu.memref_squeeze %dma_wait3A_84 : memref<1x40x128xi32, #tpu.memory_space<hbm>> -> memref<40x128xi32, #tpu.memory_space<hbm>>
      %dma_wait3A_86 = arith.constant 0 : i32
      %dma_wait3A_87 = tpu.memref_slice %arg3[%run_scoped3A_31, %add3A_29, %dma_wait3A_86] : memref<2x2560x128xi32, #tpu.memory_space<hbm>> -> memref<1x40x128xi32, #tpu.memory_space<hbm>>
      %dma_wait3A_88 = tpu.memref_squeeze %dma_wait3A_87 : memref<1x40x128xi32, #tpu.memory_space<hbm>> -> memref<40x128xi32, #tpu.memory_space<hbm>>
      tpu.wait_dma2 semaphore(%run_scoped3A_77 : memref<!tpu.dma_semaphore, #tpu.memory_space<semaphore_mem>>) src(%dma_wait3A_88 : memref<40x128xi32, #tpu.memory_space<hbm>>) dst(%arg8 : memref<40x128xi32, #tpu.memory_space<vmem>>)
      tpu.yield
    }) : () -> ()
    %dma_start3A = arith.constant 0 : i32
    %dma_start3A_32 = arith.constant 0 : i32
    %dma_start3A_33 = arith.constant 0 : i32
    %dma_start3A_34 = arith.constant 0 : i32
    %dma_start3A_35 = tpu.memref_slice %arg9[%dma_start3A_32, %dma_start3A_33, %dma_start3A_34] : memref<2x128x128xf32, #tpu.memory_space<vmem>> -> memref<1x128x128xf32, #tpu.memory_space<vmem>>
    %dma_start3A_36 = tpu.memref_squeeze %dma_start3A_35 : memref<1x128x128xf32, #tpu.memory_space<vmem>> -> memref<128x128xf32, #tpu.memory_space<vmem>>
    %dma_start3A_37 = arith.constant 0 : i32
    %dma_start3A_38 = tpu.memref_slice %arg7[%dma_start3A, %dma_start3A_37] : memref<40x128xi32, #tpu.memory_space<vmem>> -> memref<1x128xi32, #tpu.memory_space<vmem>>
    %dma_start3A_39 = tpu.memref_squeeze %dma_start3A_38 : memref<1x128xi32, #tpu.memory_space<vmem>> -> memref<128xi32, #tpu.memory_space<vmem>>
    %dma_start3A_40 = arith.constant 0 : i32
    %dma_start3A_41 = arith.constant 0 : i32
    %dma_start3A_42 = tpu.memref_slice %arg2[%dma_start3A_40, %dma_start3A_41] : memref<10000x128xf32, #tpu.memory_space<hbm>> -> memref<10000x128xf32, #tpu.memory_space<hbm>>
    tpu.enqueue_indirect_dma source(%dma_start3A_42 : memref<10000x128xf32, #tpu.memory_space<hbm>>) target(%dma_start3A_36 : memref<128x128xf32, #tpu.memory_space<vmem>>) offsets(%dma_start3A_39 : memref<128xi32, #tpu.memory_space<vmem>>) semaphore(%arg10 : memref<!tpu.dma_semaphore, #tpu.memory_space<semaphore_mem>>)
    %scan3A = arith.constant 0 : i32
    %scan3A_43 = arith.constant 0 : i32
    %scan3A_44 = arith.constant 20 : i32
    %scan3A_45 = arith.addi %scan3A_43, %scan3A_44 : i32
    %scan3A_46 = arith.constant 1 : i32
    scf.for %scan3A_77 = %scan3A_43 to %scan3A_45 step %scan3A_46  : i32 {
      %mul3A_78 = arith.constant 2 : i32
      %mul3A_79 = arith.muli %mul3A_78, %scan3A_77 : i32
      %mul3A_80 = arith.constant 2 : i32
      %mul3A_81 = arith.muli %mul3A_80, %scan3A_77 : i32
      %add3A_82 = arith.constant 1 : i32
      %add3A_83 = arith.addi %mul3A_81, %add3A_82 : i32
      %dma_start3A_84 = arith.constant 1 : i32
      %dma_start3A_85 = arith.constant 0 : i32
      %dma_start3A_86 = arith.constant 0 : i32
      %dma_start3A_87 = tpu.memref_slice %arg9[%dma_start3A_84, %dma_start3A_85, %dma_start3A_86] : memref<2x128x128xf32, #tpu.memory_space<vmem>> -> memref<1x128x128xf32, #tpu.memory_space<vmem>>
      %dma_start3A_88 = tpu.memref_squeeze %dma_start3A_87 : memref<1x128x128xf32, #tpu.memory_space<vmem>> -> memref<128x128xf32, #tpu.memory_space<vmem>>
      %dma_start3A_89 = arith.constant 0 : i32
      %dma_start3A_90 = tpu.memref_slice %arg7[%add3A_83, %dma_start3A_89] : memref<40x128xi32, #tpu.memory_space<vmem>> -> memref<1x128xi32, #tpu.memory_space<vmem>>
      %dma_start3A_91 = tpu.memref_squeeze %dma_start3A_90 : memref<1x128xi32, #tpu.memory_space<vmem>> -> memref<128xi32, #tpu.memory_space<vmem>>
      %dma_start3A_92 = arith.constant 0 : i32
      %dma_start3A_93 = arith.constant 0 : i32
      %dma_start3A_94 = tpu.memref_slice %arg2[%dma_start3A_92, %dma_start3A_93] : memref<10000x128xf32, #tpu.memory_space<hbm>> -> memref<10000x128xf32, #tpu.memory_space<hbm>>
      tpu.enqueue_indirect_dma source(%dma_start3A_94 : memref<10000x128xf32, #tpu.memory_space<hbm>>) target(%dma_start3A_88 : memref<128x128xf32, #tpu.memory_space<vmem>>) offsets(%dma_start3A_91 : memref<128xi32, #tpu.memory_space<vmem>>) semaphore(%arg11 : memref<!tpu.dma_semaphore, #tpu.memory_space<semaphore_mem>>)
      %dma_wait3A = arith.constant 0 : i32
      %dma_wait3A_95 = arith.constant 0 : i32
      %dma_wait3A_96 = arith.constant 0 : i32
      %dma_wait3A_97 = tpu.memref_slice %arg9[%dma_wait3A, %dma_wait3A_95, %dma_wait3A_96] : memref<2x128x128xf32, #tpu.memory_space<vmem>> -> memref<1x128x128xf32, #tpu.memory_space<vmem>>
      %dma_wait3A_98 = tpu.memref_squeeze %dma_wait3A_97 : memref<1x128x128xf32, #tpu.memory_space<vmem>> -> memref<128x128xf32, #tpu.memory_space<vmem>>
      %dma_wait3A_99 = arith.constant 0 : i32
      %dma_wait3A_100 = tpu.memref_slice %arg7[%mul3A_79, %dma_wait3A_99] : memref<40x128xi32, #tpu.memory_space<vmem>> -> memref<1x128xi32, #tpu.memory_space<vmem>>
      %dma_wait3A_101 = tpu.memref_squeeze %dma_wait3A_100 : memref<1x128xi32, #tpu.memory_space<vmem>> -> memref<128xi32, #tpu.memory_space<vmem>>
      %dma_wait3A_102 = arith.constant 0 : i32
      %dma_wait3A_103 = arith.constant 0 : i32
      %dma_wait3A_104 = tpu.memref_slice %arg2[%dma_wait3A_102, %dma_wait3A_103] : memref<10000x128xf32, #tpu.memory_space<hbm>> -> memref<10000x128xf32, #tpu.memory_space<hbm>>
      tpu.wait_indirect_dma semaphore(%arg10 : memref<!tpu.dma_semaphore, #tpu.memory_space<semaphore_mem>>) src(%dma_wait3A_104 : memref<10000x128xf32, #tpu.memory_space<hbm>>) dst(%dma_wait3A_98 : memref<128x128xf32, #tpu.memory_space<vmem>>)
      %run_scoped3A_105 = arith.constant 0 : i32
      "tpu.region"() ({
        %run_scoped3A_122 = tpu.sem_alloc : memref<!tpu.dma_semaphore, #tpu.memory_space<semaphore_mem>>
        %dma_start3A_123 = arith.constant 0 : i32
        %dma_start3A_124 = arith.constant 0 : i32
        %dma_start3A_125 = tpu.memref_slice %arg9[%run_scoped3A_105, %dma_start3A_123, %dma_start3A_124] : memref<2x128x128xf32, #tpu.memory_space<vmem>> -> memref<1x128x128xf32, #tpu.memory_space<vmem>>
        %dma_start3A_126 = tpu.memref_squeeze %dma_start3A_125 : memref<1x128x128xf32, #tpu.memory_space<vmem>> -> memref<128x128xf32, #tpu.memory_space<vmem>>
        %dma_start3A_127 = arith.constant 0 : i32
        %dma_start3A_128 = tpu.memref_slice %arg8[%mul3A_79, %dma_start3A_127] : memref<40x128xi32, #tpu.memory_space<vmem>> -> memref<1x128xi32, #tpu.memory_space<vmem>>
        %dma_start3A_129 = tpu.memref_squeeze %dma_start3A_128 : memref<1x128xi32, #tpu.memory_space<vmem>> -> memref<128xi32, #tpu.memory_space<vmem>>
        %dma_start3A_130 = arith.constant 0 : i32
        %dma_start3A_131 = arith.constant 0 : i32
        %dma_start3A_132 = tpu.memref_slice %arg6[%dma_start3A_130, %dma_start3A_131] : memref<10240x128xf32, #tpu.memory_space<vmem_shared>> -> memref<10240x128xf32, #tpu.memory_space<vmem_shared>>
        tpu.enqueue_indirect_dma source(%dma_start3A_126 : memref<128x128xf32, #tpu.memory_space<vmem>>) target(%dma_start3A_132 : memref<10240x128xf32, #tpu.memory_space<vmem_shared>>) offsets(%dma_start3A_129 : memref<128xi32, #tpu.memory_space<vmem>>) semaphore(%run_scoped3A_122 : memref<!tpu.dma_semaphore, #tpu.memory_space<semaphore_mem>>) {add = true}
        %dma_wait3A_133 = arith.constant 0 : i32
        %dma_wait3A_134 = arith.constant 0 : i32
        %dma_wait3A_135 = tpu.memref_slice %arg9[%run_scoped3A_105, %dma_wait3A_133, %dma_wait3A_134] : memref<2x128x128xf32, #tpu.memory_space<vmem>> -> memref<1x128x128xf32, #tpu.memory_space<vmem>>
        %dma_wait3A_136 = tpu.memref_squeeze %dma_wait3A_135 : memref<1x128x128xf32, #tpu.memory_space<vmem>> -> memref<128x128xf32, #tpu.memory_space<vmem>>
        %dma_wait3A_137 = arith.constant 0 : i32
        %dma_wait3A_138 = tpu.memref_slice %arg8[%mul3A_79, %dma_wait3A_137] : memref<40x128xi32, #tpu.memory_space<vmem>> -> memref<1x128xi32, #tpu.memory_space<vmem>>
        %dma_wait3A_139 = tpu.memref_squeeze %dma_wait3A_138 : memref<1x128xi32, #tpu.memory_space<vmem>> -> memref<128xi32, #tpu.memory_space<vmem>>
        %dma_wait3A_140 = arith.constant 0 : i32
        %dma_wait3A_141 = arith.constant 0 : i32
        %dma_wait3A_142 = tpu.memref_slice %arg6[%dma_wait3A_140, %dma_wait3A_141] : memref<10240x128xf32, #tpu.memory_space<vmem_shared>> -> memref<10240x128xf32, #tpu.memory_space<vmem_shared>>
        tpu.wait_indirect_dma semaphore(%run_scoped3A_122 : memref<!tpu.dma_semaphore, #tpu.memory_space<semaphore_mem>>) src(%dma_wait3A_136 : memref<128x128xf32, #tpu.memory_space<vmem>>) dst(%dma_wait3A_142 : memref<10240x128xf32, #tpu.memory_space<vmem_shared>>)
        tpu.yield
      }) : () -> ()
      %add3A_106 = arith.constant 2 : i32
      %add3A_107 = arith.addi %mul3A_79, %add3A_106 : i32
      %lt3A = arith.constant 40 : i32
      %lt3A_108 = arith.cmpi slt, %add3A_107, %lt3A : i32
      %convert_element_type3A = arith.extui %lt3A_108 : i1 to i32
      %cond3A = arith.constant 0 : i32
      %cond3A_109 = arith.cmpi ne, %convert_element_type3A, %cond3A : i32
      scf.if %cond3A_109 {
        %add3A_122 = arith.constant 2 : i32
        %add3A_123 = arith.addi %mul3A_79, %add3A_122 : i32
        %dma_start3A_124 = arith.constant 0 : i32
        %dma_start3A_125 = arith.constant 0 : i32
        %dma_start3A_126 = arith.constant 0 : i32
        %dma_start3A_127 = tpu.memref_slice %arg9[%dma_start3A_124, %dma_start3A_125, %dma_start3A_126] : memref<2x128x128xf32, #tpu.memory_space<vmem>> -> memref<1x128x128xf32, #tpu.memory_space<vmem>>
        %dma_start3A_128 = tpu.memref_squeeze %dma_start3A_127 : memref<1x128x128xf32, #tpu.memory_space<vmem>> -> memref<128x128xf32, #tpu.memory_space<vmem>>
        %dma_start3A_129 = arith.constant 0 : i32
        %dma_start3A_130 = tpu.memref_slice %arg7[%add3A_123, %dma_start3A_129] : memref<40x128xi32, #tpu.memory_space<vmem>> -> memref<1x128xi32, #tpu.memory_space<vmem>>
        %dma_start3A_131 = tpu.memref_squeeze %dma_start3A_130 : memref<1x128xi32, #tpu.memory_space<vmem>> -> memref<128xi32, #tpu.memory_space<vmem>>
        %dma_start3A_132 = arith.constant 0 : i32
        %dma_start3A_133 = arith.constant 0 : i32
        %dma_start3A_134 = tpu.memref_slice %arg2[%dma_start3A_132, %dma_start3A_133] : memref<10000x128xf32, #tpu.memory_space<hbm>> -> memref<10000x128xf32, #tpu.memory_space<hbm>>
        tpu.enqueue_indirect_dma source(%dma_start3A_134 : memref<10000x128xf32, #tpu.memory_space<hbm>>) target(%dma_start3A_128 : memref<128x128xf32, #tpu.memory_space<vmem>>) offsets(%dma_start3A_131 : memref<128xi32, #tpu.memory_space<vmem>>) semaphore(%arg10 : memref<!tpu.dma_semaphore, #tpu.memory_space<semaphore_mem>>)
      } else {
      }
      %dma_wait3A_110 = arith.constant 1 : i32
      %dma_wait3A_111 = arith.constant 0 : i32
      %dma_wait3A_112 = arith.constant 0 : i32
      %dma_wait3A_113 = tpu.memref_slice %arg9[%dma_wait3A_110, %dma_wait3A_111, %dma_wait3A_112] : memref<2x128x128xf32, #tpu.memory_space<vmem>> -> memref<1x128x128xf32, #tpu.memory_space<vmem>>
      %dma_wait3A_114 = tpu.memref_squeeze %dma_wait3A_113 : memref<1x128x128xf32, #tpu.memory_space<vmem>> -> memref<128x128xf32, #tpu.memory_space<vmem>>
      %dma_wait3A_115 = arith.constant 0 : i32
      %dma_wait3A_116 = tpu.memref_slice %arg7[%add3A_83, %dma_wait3A_115] : memref<40x128xi32, #tpu.memory_space<vmem>> -> memref<1x128xi32, #tpu.memory_space<vmem>>
      %dma_wait3A_117 = tpu.memref_squeeze %dma_wait3A_116 : memref<1x128xi32, #tpu.memory_space<vmem>> -> memref<128xi32, #tpu.memory_space<vmem>>
      %dma_wait3A_118 = arith.constant 0 : i32
      %dma_wait3A_119 = arith.constant 0 : i32
      %dma_wait3A_120 = tpu.memref_slice %arg2[%dma_wait3A_118, %dma_wait3A_119] : memref<10000x128xf32, #tpu.memory_space<hbm>> -> memref<10000x128xf32, #tpu.memory_space<hbm>>
      tpu.wait_indirect_dma semaphore(%arg11 : memref<!tpu.dma_semaphore, #tpu.memory_space<semaphore_mem>>) src(%dma_wait3A_120 : memref<10000x128xf32, #tpu.memory_space<hbm>>) dst(%dma_wait3A_114 : memref<128x128xf32, #tpu.memory_space<vmem>>)
      %run_scoped3A_121 = arith.constant 1 : i32
      "tpu.region"() ({
        %run_scoped3A_122 = tpu.sem_alloc : memref<!tpu.dma_semaphore, #tpu.memory_space<semaphore_mem>>
        %dma_start3A_123 = arith.constant 0 : i32
        %dma_start3A_124 = arith.constant 0 : i32
        %dma_start3A_125 = tpu.memref_slice %arg9[%run_scoped3A_121, %dma_start3A_123, %dma_start3A_124] : memref<2x128x128xf32, #tpu.memory_space<vmem>> -> memref<1x128x128xf32, #tpu.memory_space<vmem>>
        %dma_start3A_126 = tpu.memref_squeeze %dma_start3A_125 : memref<1x128x128xf32, #tpu.memory_space<vmem>> -> memref<128x128xf32, #tpu.memory_space<vmem>>
        %dma_start3A_127 = arith.constant 0 : i32
        %dma_start3A_128 = tpu.memref_slice %arg8[%add3A_83, %dma_start3A_127] : memref<40x128xi32, #tpu.memory_space<vmem>> -> memref<1x128xi32, #tpu.memory_space<vmem>>
        %dma_start3A_129 = tpu.memref_squeeze %dma_start3A_128 : memref<1x128xi32, #tpu.memory_space<vmem>> -> memref<128xi32, #tpu.memory_space<vmem>>
        %dma_start3A_130 = arith.constant 0 : i32
        %dma_start3A_131 = arith.constant 0 : i32
        %dma_start3A_132 = tpu.memref_slice %arg6[%dma_start3A_130, %dma_start3A_131] : memref<10240x128xf32, #tpu.memory_space<vmem_shared>> -> memref<10240x128xf32, #tpu.memory_space<vmem_shared>>
        tpu.enqueue_indirect_dma source(%dma_start3A_126 : memref<128x128xf32, #tpu.memory_space<vmem>>) target(%dma_start3A_132 : memref<10240x128xf32, #tpu.memory_space<vmem_shared>>) offsets(%dma_start3A_129 : memref<128xi32, #tpu.memory_space<vmem>>) semaphore(%run_scoped3A_122 : memref<!tpu.dma_semaphore, #tpu.memory_space<semaphore_mem>>) {add = true}
        %dma_wait3A_133 = arith.constant 0 : i32
        %dma_wait3A_134 = arith.constant 0 : i32
        %dma_wait3A_135 = tpu.memref_slice %arg9[%run_scoped3A_121, %dma_wait3A_133, %dma_wait3A_134] : memref<2x128x128xf32, #tpu.memory_space<vmem>> -> memref<1x128x128xf32, #tpu.memory_space<vmem>>
        %dma_wait3A_136 = tpu.memref_squeeze %dma_wait3A_135 : memref<1x128x128xf32, #tpu.memory_space<vmem>> -> memref<128x128xf32, #tpu.memory_space<vmem>>
        %dma_wait3A_137 = arith.constant 0 : i32
        %dma_wait3A_138 = tpu.memref_slice %arg8[%add3A_83, %dma_wait3A_137] : memref<40x128xi32, #tpu.memory_space<vmem>> -> memref<1x128xi32, #tpu.memory_space<vmem>>
        %dma_wait3A_139 = tpu.memref_squeeze %dma_wait3A_138 : memref<1x128xi32, #tpu.memory_space<vmem>> -> memref<128xi32, #tpu.memory_space<vmem>>
        %dma_wait3A_140 = arith.constant 0 : i32
        %dma_wait3A_141 = arith.constant 0 : i32
        %dma_wait3A_142 = tpu.memref_slice %arg6[%dma_wait3A_140, %dma_wait3A_141] : memref<10240x128xf32, #tpu.memory_space<vmem_shared>> -> memref<10240x128xf32, #tpu.memory_space<vmem_shared>>
        tpu.wait_indirect_dma semaphore(%run_scoped3A_122 : memref<!tpu.dma_semaphore, #tpu.memory_space<semaphore_mem>>) src(%dma_wait3A_136 : memref<128x128xf32, #tpu.memory_space<vmem>>) dst(%dma_wait3A_142 : memref<10240x128xf32, #tpu.memory_space<vmem_shared>>)
        tpu.yield
      }) : () -> ()
    }
    %scan3A_47 = arith.constant 20 : i32
    %mul3A_48 = arith.constant 80 : i32
    %mul3A_49 = arith.muli %add3A, %mul3A_48 : i32
    %add3A_50 = arith.constant 40 : i32
    %add3A_51 = arith.addi %mul3A_49, %add3A_50 : i32
    %run_scoped3A_52 = arith.constant 0 : i32
    "tpu.region"() ({
      %run_scoped3A_77 = tpu.sem_alloc : memref<!tpu.dma_semaphore, #tpu.memory_space<semaphore_mem>>
      %dma_start3A_78 = arith.constant 0 : i32
      %dma_start3A_79 = tpu.memref_slice %arg3[%run_scoped3A_52, %add3A_51, %dma_start3A_78] : memref<2x2560x128xi32, #tpu.memory_space<hbm>> -> memref<1x40x128xi32, #tpu.memory_space<hbm>>
      %dma_start3A_80 = tpu.memref_squeeze %dma_start3A_79 : memref<1x40x128xi32, #tpu.memory_space<hbm>> -> memref<40x128xi32, #tpu.memory_space<hbm>>
      %dma_start3A_81 = arith.constant 0 : i32
      %dma_start3A_82 = tpu.memref_slice %arg3[%run_scoped3A_52, %add3A_51, %dma_start3A_81] : memref<2x2560x128xi32, #tpu.memory_space<hbm>> -> memref<1x40x128xi32, #tpu.memory_space<hbm>>
      %dma_start3A_83 = tpu.memref_squeeze %dma_start3A_82 : memref<1x40x128xi32, #tpu.memory_space<hbm>> -> memref<40x128xi32, #tpu.memory_space<hbm>>
      tpu.enqueue_dma source(%dma_start3A_83 : memref<40x128xi32, #tpu.memory_space<hbm>>) target(%arg7 : memref<40x128xi32, #tpu.memory_space<vmem>>) target_semaphore(%run_scoped3A_77 : memref<!tpu.dma_semaphore, #tpu.memory_space<semaphore_mem>>)
      %dma_wait3A = arith.constant 0 : i32
      %dma_wait3A_84 = tpu.memref_slice %arg3[%run_scoped3A_52, %add3A_51, %dma_wait3A] : memref<2x2560x128xi32, #tpu.memory_space<hbm>> -> memref<1x40x128xi32, #tpu.memory_space<hbm>>
      %dma_wait3A_85 = tpu.memref_squeeze %dma_wait3A_84 : memref<1x40x128xi32, #tpu.memory_space<hbm>> -> memref<40x128xi32, #tpu.memory_space<hbm>>
      %dma_wait3A_86 = arith.constant 0 : i32
      %dma_wait3A_87 = tpu.memref_slice %arg3[%run_scoped3A_52, %add3A_51, %dma_wait3A_86] : memref<2x2560x128xi32, #tpu.memory_space<hbm>> -> memref<1x40x128xi32, #tpu.memory_space<hbm>>
      %dma_wait3A_88 = tpu.memref_squeeze %dma_wait3A_87 : memref<1x40x128xi32, #tpu.memory_space<hbm>> -> memref<40x128xi32, #tpu.memory_space<hbm>>
      tpu.wait_dma2 semaphore(%run_scoped3A_77 : memref<!tpu.dma_semaphore, #tpu.memory_space<semaphore_mem>>) src(%dma_wait3A_88 : memref<40x128xi32, #tpu.memory_space<hbm>>) dst(%arg7 : memref<40x128xi32, #tpu.memory_space<vmem>>)
      tpu.yield
    }) : () -> ()
    %run_scoped3A_53 = arith.constant 1 : i32
    "tpu.region"() ({
      %run_scoped3A_77 = tpu.sem_alloc : memref<!tpu.dma_semaphore, #tpu.memory_space<semaphore_mem>>
      %dma_start3A_78 = arith.constant 0 : i32
      %dma_start3A_79 = tpu.memref_slice %arg3[%run_scoped3A_53, %add3A_51, %dma_start3A_78] : memref<2x2560x128xi32, #tpu.memory_space<hbm>> -> memref<1x40x128xi32, #tpu.memory_space<hbm>>
      %dma_start3A_80 = tpu.memref_squeeze %dma_start3A_79 : memref<1x40x128xi32, #tpu.memory_space<hbm>> -> memref<40x128xi32, #tpu.memory_space<hbm>>
      %dma_start3A_81 = arith.constant 0 : i32
      %dma_start3A_82 = tpu.memref_slice %arg3[%run_scoped3A_53, %add3A_51, %dma_start3A_81] : memref<2x2560x128xi32, #tpu.memory_space<hbm>> -> memref<1x40x128xi32, #tpu.memory_space<hbm>>
      %dma_start3A_83 = tpu.memref_squeeze %dma_start3A_82 : memref<1x40x128xi32, #tpu.memory_space<hbm>> -> memref<40x128xi32, #tpu.memory_space<hbm>>
      tpu.enqueue_dma source(%dma_start3A_83 : memref<40x128xi32, #tpu.memory_space<hbm>>) target(%arg8 : memref<40x128xi32, #tpu.memory_space<vmem>>) target_semaphore(%run_scoped3A_77 : memref<!tpu.dma_semaphore, #tpu.memory_space<semaphore_mem>>)
      %dma_wait3A = arith.constant 0 : i32
      %dma_wait3A_84 = tpu.memref_slice %arg3[%run_scoped3A_53, %add3A_51, %dma_wait3A] : memref<2x2560x128xi32, #tpu.memory_space<hbm>> -> memref<1x40x128xi32, #tpu.memory_space<hbm>>
      %dma_wait3A_85 = tpu.memref_squeeze %dma_wait3A_84 : memref<1x40x128xi32, #tpu.memory_space<hbm>> -> memref<40x128xi32, #tpu.memory_space<hbm>>
      %dma_wait3A_86 = arith.constant 0 : i32
      %dma_wait3A_87 = tpu.memref_slice %arg3[%run_scoped3A_53, %add3A_51, %dma_wait3A_86] : memref<2x2560x128xi32, #tpu.memory_space<hbm>> -> memref<1x40x128xi32, #tpu.memory_space<hbm>>
      %dma_wait3A_88 = tpu.memref_squeeze %dma_wait3A_87 : memref<1x40x128xi32, #tpu.memory_space<hbm>> -> memref<40x128xi32, #tpu.memory_space<hbm>>
      tpu.wait_dma2 semaphore(%run_scoped3A_77 : memref<!tpu.dma_semaphore, #tpu.memory_space<semaphore_mem>>) src(%dma_wait3A_88 : memref<40x128xi32, #tpu.memory_space<hbm>>) dst(%arg8 : memref<40x128xi32, #tpu.memory_space<vmem>>)
      tpu.yield
    }) : () -> ()
    %dma_start3A_54 = arith.constant 0 : i32
    %dma_start3A_55 = arith.constant 0 : i32
    %dma_start3A_56 = arith.constant 0 : i32
    %dma_start3A_57 = arith.constant 0 : i32
    %dma_start3A_58 = tpu.memref_slice %arg9[%dma_start3A_55, %dma_start3A_56, %dma_start3A_57] : memref<2x128x128xf32, #tpu.memory_space<vmem>> -> memref<1x128x128xf32, #tpu.memory_space<vmem>>
    %dma_start3A_59 = tpu.memref_squeeze %dma_start3A_58 : memref<1x128x128xf32, #tpu.memory_space<vmem>> -> memref<128x128xf32, #tpu.memory_space<vmem>>
    %dma_start3A_60 = arith.constant 0 : i32
    %dma_start3A_61 = tpu.memref_slice %arg7[%dma_start3A_54, %dma_start3A_60] : memref<40x128xi32, #tpu.memory_space<vmem>> -> memref<1x128xi32, #tpu.memory_space<vmem>>
    %dma_start3A_62 = tpu.memref_squeeze %dma_start3A_61 : memref<1x128xi32, #tpu.memory_space<vmem>> -> memref<128xi32, #tpu.memory_space<vmem>>
    %dma_start3A_63 = arith.constant 0 : i32
    %dma_start3A_64 = arith.constant 0 : i32
    %dma_start3A_65 = tpu.memref_slice %arg2[%dma_start3A_63, %dma_start3A_64] : memref<10000x128xf32, #tpu.memory_space<hbm>> -> memref<10000x128xf32, #tpu.memory_space<hbm>>
    tpu.enqueue_indirect_dma source(%dma_start3A_65 : memref<10000x128xf32, #tpu.memory_space<hbm>>) target(%dma_start3A_59 : memref<128x128xf32, #tpu.memory_space<vmem>>) offsets(%dma_start3A_62 : memref<128xi32, #tpu.memory_space<vmem>>) semaphore(%arg10 : memref<!tpu.dma_semaphore, #tpu.memory_space<semaphore_mem>>)
    %scan3A_66 = arith.constant 0 : i32
    %scan3A_67 = arith.constant 0 : i32
    %scan3A_68 = arith.constant 20 : i32
    %scan3A_69 = arith.addi %scan3A_67, %scan3A_68 : i32
    %scan3A_70 = arith.constant 1 : i32
    scf.for %scan3A_77 = %scan3A_67 to %scan3A_69 step %scan3A_70  : i32 {
      %mul3A_78 = arith.constant 2 : i32
      %mul3A_79 = arith.muli %mul3A_78, %scan3A_77 : i32
      %mul3A_80 = arith.constant 2 : i32
      %mul3A_81 = arith.muli %mul3A_80, %scan3A_77 : i32
      %add3A_82 = arith.constant 1 : i32
      %add3A_83 = arith.addi %mul3A_81, %add3A_82 : i32
      %dma_start3A_84 = arith.constant 1 : i32
      %dma_start3A_85 = arith.constant 0 : i32
      %dma_start3A_86 = arith.constant 0 : i32
      %dma_start3A_87 = tpu.memref_slice %arg9[%dma_start3A_84, %dma_start3A_85, %dma_start3A_86] : memref<2x128x128xf32, #tpu.memory_space<vmem>> -> memref<1x128x128xf32, #tpu.memory_space<vmem>>
      %dma_start3A_88 = tpu.memref_squeeze %dma_start3A_87 : memref<1x128x128xf32, #tpu.memory_space<vmem>> -> memref<128x128xf32, #tpu.memory_space<vmem>>
      %dma_start3A_89 = arith.constant 0 : i32
      %dma_start3A_90 = tpu.memref_slice %arg7[%add3A_83, %dma_start3A_89] : memref<40x128xi32, #tpu.memory_space<vmem>> -> memref<1x128xi32, #tpu.memory_space<vmem>>
      %dma_start3A_91 = tpu.memref_squeeze %dma_start3A_90 : memref<1x128xi32, #tpu.memory_space<vmem>> -> memref<128xi32, #tpu.memory_space<vmem>>
      %dma_start3A_92 = arith.constant 0 : i32
      %dma_start3A_93 = arith.constant 0 : i32
      %dma_start3A_94 = tpu.memref_slice %arg2[%dma_start3A_92, %dma_start3A_93] : memref<10000x128xf32, #tpu.memory_space<hbm>> -> memref<10000x128xf32, #tpu.memory_space<hbm>>
      tpu.enqueue_indirect_dma source(%dma_start3A_94 : memref<10000x128xf32, #tpu.memory_space<hbm>>) target(%dma_start3A_88 : memref<128x128xf32, #tpu.memory_space<vmem>>) offsets(%dma_start3A_91 : memref<128xi32, #tpu.memory_space<vmem>>) semaphore(%arg11 : memref<!tpu.dma_semaphore, #tpu.memory_space<semaphore_mem>>)
      %dma_wait3A = arith.constant 0 : i32
      %dma_wait3A_95 = arith.constant 0 : i32
      %dma_wait3A_96 = arith.constant 0 : i32
      %dma_wait3A_97 = tpu.memref_slice %arg9[%dma_wait3A, %dma_wait3A_95, %dma_wait3A_96] : memref<2x128x128xf32, #tpu.memory_space<vmem>> -> memref<1x128x128xf32, #tpu.memory_space<vmem>>
      %dma_wait3A_98 = tpu.memref_squeeze %dma_wait3A_97 : memref<1x128x128xf32, #tpu.memory_space<vmem>> -> memref<128x128xf32, #tpu.memory_space<vmem>>
      %dma_wait3A_99 = arith.constant 0 : i32
      %dma_wait3A_100 = tpu.memref_slice %arg7[%mul3A_79, %dma_wait3A_99] : memref<40x128xi32, #tpu.memory_space<vmem>> -> memref<1x128xi32, #tpu.memory_space<vmem>>
      %dma_wait3A_101 = tpu.memref_squeeze %dma_wait3A_100 : memref<1x128xi32, #tpu.memory_space<vmem>> -> memref<128xi32, #tpu.memory_space<vmem>>
      %dma_wait3A_102 = arith.constant 0 : i32
      %dma_wait3A_103 = arith.constant 0 : i32
      %dma_wait3A_104 = tpu.memref_slice %arg2[%dma_wait3A_102, %dma_wait3A_103] : memref<10000x128xf32, #tpu.memory_space<hbm>> -> memref<10000x128xf32, #tpu.memory_space<hbm>>
      tpu.wait_indirect_dma semaphore(%arg10 : memref<!tpu.dma_semaphore, #tpu.memory_space<semaphore_mem>>) src(%dma_wait3A_104 : memref<10000x128xf32, #tpu.memory_space<hbm>>) dst(%dma_wait3A_98 : memref<128x128xf32, #tpu.memory_space<vmem>>)
      %run_scoped3A_105 = arith.constant 0 : i32
      "tpu.region"() ({
        %run_scoped3A_122 = tpu.sem_alloc : memref<!tpu.dma_semaphore, #tpu.memory_space<semaphore_mem>>
        %dma_start3A_123 = arith.constant 0 : i32
        %dma_start3A_124 = arith.constant 0 : i32
        %dma_start3A_125 = tpu.memref_slice %arg9[%run_scoped3A_105, %dma_start3A_123, %dma_start3A_124] : memref<2x128x128xf32, #tpu.memory_space<vmem>> -> memref<1x128x128xf32, #tpu.memory_space<vmem>>
        %dma_start3A_126 = tpu.memref_squeeze %dma_start3A_125 : memref<1x128x128xf32, #tpu.memory_space<vmem>> -> memref<128x128xf32, #tpu.memory_space<vmem>>
        %dma_start3A_127 = arith.constant 0 : i32
        %dma_start3A_128 = tpu.memref_slice %arg8[%mul3A_79, %dma_start3A_127] : memref<40x128xi32, #tpu.memory_space<vmem>> -> memref<1x128xi32, #tpu.memory_space<vmem>>
        %dma_start3A_129 = tpu.memref_squeeze %dma_start3A_128 : memref<1x128xi32, #tpu.memory_space<vmem>> -> memref<128xi32, #tpu.memory_space<vmem>>
        %dma_start3A_130 = arith.constant 0 : i32
        %dma_start3A_131 = arith.constant 0 : i32
        %dma_start3A_132 = tpu.memref_slice %arg6[%dma_start3A_130, %dma_start3A_131] : memref<10240x128xf32, #tpu.memory_space<vmem_shared>> -> memref<10240x128xf32, #tpu.memory_space<vmem_shared>>
        tpu.enqueue_indirect_dma source(%dma_start3A_126 : memref<128x128xf32, #tpu.memory_space<vmem>>) target(%dma_start3A_132 : memref<10240x128xf32, #tpu.memory_space<vmem_shared>>) offsets(%dma_start3A_129 : memref<128xi32, #tpu.memory_space<vmem>>) semaphore(%run_scoped3A_122 : memref<!tpu.dma_semaphore, #tpu.memory_space<semaphore_mem>>) {add = true}
        %dma_wait3A_133 = arith.constant 0 : i32
        %dma_wait3A_134 = arith.constant 0 : i32
        %dma_wait3A_135 = tpu.memref_slice %arg9[%run_scoped3A_105, %dma_wait3A_133, %dma_wait3A_134] : memref<2x128x128xf32, #tpu.memory_space<vmem>> -> memref<1x128x128xf32, #tpu.memory_space<vmem>>
        %dma_wait3A_136 = tpu.memref_squeeze %dma_wait3A_135 : memref<1x128x128xf32, #tpu.memory_space<vmem>> -> memref<128x128xf32, #tpu.memory_space<vmem>>
        %dma_wait3A_137 = arith.constant 0 : i32
        %dma_wait3A_138 = tpu.memref_slice %arg8[%mul3A_79, %dma_wait3A_137] : memref<40x128xi32, #tpu.memory_space<vmem>> -> memref<1x128xi32, #tpu.memory_space<vmem>>
        %dma_wait3A_139 = tpu.memref_squeeze %dma_wait3A_138 : memref<1x128xi32, #tpu.memory_space<vmem>> -> memref<128xi32, #tpu.memory_space<vmem>>
        %dma_wait3A_140 = arith.constant 0 : i32
        %dma_wait3A_141 = arith.constant 0 : i32
        %dma_wait3A_142 = tpu.memref_slice %arg6[%dma_wait3A_140, %dma_wait3A_141] : memref<10240x128xf32, #tpu.memory_space<vmem_shared>> -> memref<10240x128xf32, #tpu.memory_space<vmem_shared>>
        tpu.wait_indirect_dma semaphore(%run_scoped3A_122 : memref<!tpu.dma_semaphore, #tpu.memory_space<semaphore_mem>>) src(%dma_wait3A_136 : memref<128x128xf32, #tpu.memory_space<vmem>>) dst(%dma_wait3A_142 : memref<10240x128xf32, #tpu.memory_space<vmem_shared>>)
        tpu.yield
      }) : () -> ()
      %add3A_106 = arith.constant 2 : i32
      %add3A_107 = arith.addi %mul3A_79, %add3A_106 : i32
      %lt3A = arith.constant 40 : i32
      %lt3A_108 = arith.cmpi slt, %add3A_107, %lt3A : i32
      %convert_element_type3A = arith.extui %lt3A_108 : i1 to i32
      %cond3A = arith.constant 0 : i32
      %cond3A_109 = arith.cmpi ne, %convert_element_type3A, %cond3A : i32
      scf.if %cond3A_109 {
        %add3A_122 = arith.constant 2 : i32
        %add3A_123 = arith.addi %mul3A_79, %add3A_122 : i32
        %dma_start3A_124 = arith.constant 0 : i32
        %dma_start3A_125 = arith.constant 0 : i32
        %dma_start3A_126 = arith.constant 0 : i32
        %dma_start3A_127 = tpu.memref_slice %arg9[%dma_start3A_124, %dma_start3A_125, %dma_start3A_126] : memref<2x128x128xf32, #tpu.memory_space<vmem>> -> memref<1x128x128xf32, #tpu.memory_space<vmem>>
        %dma_start3A_128 = tpu.memref_squeeze %dma_start3A_127 : memref<1x128x128xf32, #tpu.memory_space<vmem>> -> memref<128x128xf32, #tpu.memory_space<vmem>>
        %dma_start3A_129 = arith.constant 0 : i32
        %dma_start3A_130 = tpu.memref_slice %arg7[%add3A_123, %dma_start3A_129] : memref<40x128xi32, #tpu.memory_space<vmem>> -> memref<1x128xi32, #tpu.memory_space<vmem>>
        %dma_start3A_131 = tpu.memref_squeeze %dma_start3A_130 : memref<1x128xi32, #tpu.memory_space<vmem>> -> memref<128xi32, #tpu.memory_space<vmem>>
        %dma_start3A_132 = arith.constant 0 : i32
        %dma_start3A_133 = arith.constant 0 : i32
        %dma_start3A_134 = tpu.memref_slice %arg2[%dma_start3A_132, %dma_start3A_133] : memref<10000x128xf32, #tpu.memory_space<hbm>> -> memref<10000x128xf32, #tpu.memory_space<hbm>>
        tpu.enqueue_indirect_dma source(%dma_start3A_134 : memref<10000x128xf32, #tpu.memory_space<hbm>>) target(%dma_start3A_128 : memref<128x128xf32, #tpu.memory_space<vmem>>) offsets(%dma_start3A_131 : memref<128xi32, #tpu.memory_space<vmem>>) semaphore(%arg10 : memref<!tpu.dma_semaphore, #tpu.memory_space<semaphore_mem>>)
      } else {
      }
      %dma_wait3A_110 = arith.constant 1 : i32
      %dma_wait3A_111 = arith.constant 0 : i32
      %dma_wait3A_112 = arith.constant 0 : i32
      %dma_wait3A_113 = tpu.memref_slice %arg9[%dma_wait3A_110, %dma_wait3A_111, %dma_wait3A_112] : memref<2x128x128xf32, #tpu.memory_space<vmem>> -> memref<1x128x128xf32, #tpu.memory_space<vmem>>
      %dma_wait3A_114 = tpu.memref_squeeze %dma_wait3A_113 : memref<1x128x128xf32, #tpu.memory_space<vmem>> -> memref<128x128xf32, #tpu.memory_space<vmem>>
      %dma_wait3A_115 = arith.constant 0 : i32
      %dma_wait3A_116 = tpu.memref_slice %arg7[%add3A_83, %dma_wait3A_115] : memref<40x128xi32, #tpu.memory_space<vmem>> -> memref<1x128xi32, #tpu.memory_space<vmem>>
      %dma_wait3A_117 = tpu.memref_squeeze %dma_wait3A_116 : memref<1x128xi32, #tpu.memory_space<vmem>> -> memref<128xi32, #tpu.memory_space<vmem>>
      %dma_wait3A_118 = arith.constant 0 : i32
      %dma_wait3A_119 = arith.constant 0 : i32
      %dma_wait3A_120 = tpu.memref_slice %arg2[%dma_wait3A_118, %dma_wait3A_119] : memref<10000x128xf32, #tpu.memory_space<hbm>> -> memref<10000x128xf32, #tpu.memory_space<hbm>>
      tpu.wait_indirect_dma semaphore(%arg11 : memref<!tpu.dma_semaphore, #tpu.memory_space<semaphore_mem>>) src(%dma_wait3A_120 : memref<10000x128xf32, #tpu.memory_space<hbm>>) dst(%dma_wait3A_114 : memref<128x128xf32, #tpu.memory_space<vmem>>)
      %run_scoped3A_121 = arith.constant 1 : i32
      "tpu.region"() ({
        %run_scoped3A_122 = tpu.sem_alloc : memref<!tpu.dma_semaphore, #tpu.memory_space<semaphore_mem>>
        %dma_start3A_123 = arith.constant 0 : i32
        %dma_start3A_124 = arith.constant 0 : i32
        %dma_start3A_125 = tpu.memref_slice %arg9[%run_scoped3A_121, %dma_start3A_123, %dma_start3A_124] : memref<2x128x128xf32, #tpu.memory_space<vmem>> -> memref<1x128x128xf32, #tpu.memory_space<vmem>>
        %dma_start3A_126 = tpu.memref_squeeze %dma_start3A_125 : memref<1x128x128xf32, #tpu.memory_space<vmem>> -> memref<128x128xf32, #tpu.memory_space<vmem>>
        %dma_start3A_127 = arith.constant 0 : i32
        %dma_start3A_128 = tpu.memref_slice %arg8[%add3A_83, %dma_start3A_127] : memref<40x128xi32, #tpu.memory_space<vmem>> -> memref<1x128xi32, #tpu.memory_space<vmem>>
        %dma_start3A_129 = tpu.memref_squeeze %dma_start3A_128 : memref<1x128xi32, #tpu.memory_space<vmem>> -> memref<128xi32, #tpu.memory_space<vmem>>
        %dma_start3A_130 = arith.constant 0 : i32
        %dma_start3A_131 = arith.constant 0 : i32
        %dma_start3A_132 = tpu.memref_slice %arg6[%dma_start3A_130, %dma_start3A_131] : memref<10240x128xf32, #tpu.memory_space<vmem_shared>> -> memref<10240x128xf32, #tpu.memory_space<vmem_shared>>
        tpu.enqueue_indirect_dma source(%dma_start3A_126 : memref<128x128xf32, #tpu.memory_space<vmem>>) target(%dma_start3A_132 : memref<10240x128xf32, #tpu.memory_space<vmem_shared>>) offsets(%dma_start3A_129 : memref<128xi32, #tpu.memory_space<vmem>>) semaphore(%run_scoped3A_122 : memref<!tpu.dma_semaphore, #tpu.memory_space<semaphore_mem>>) {add = true}
        %dma_wait3A_133 = arith.constant 0 : i32
        %dma_wait3A_134 = arith.constant 0 : i32
        %dma_wait3A_135 = tpu.memref_slice %arg9[%run_scoped3A_121, %dma_wait3A_133, %dma_wait3A_134] : memref<2x128x128xf32, #tpu.memory_space<vmem>> -> memref<1x128x128xf32, #tpu.memory_space<vmem>>
        %dma_wait3A_136 = tpu.memref_squeeze %dma_wait3A_135 : memref<1x128x128xf32, #tpu.memory_space<vmem>> -> memref<128x128xf32, #tpu.memory_space<vmem>>
        %dma_wait3A_137 = arith.constant 0 : i32
        %dma_wait3A_138 = tpu.memref_slice %arg8[%add3A_83, %dma_wait3A_137] : memref<40x128xi32, #tpu.memory_space<vmem>> -> memref<1x128xi32, #tpu.memory_space<vmem>>
        %dma_wait3A_139 = tpu.memref_squeeze %dma_wait3A_138 : memref<1x128xi32, #tpu.memory_space<vmem>> -> memref<128xi32, #tpu.memory_space<vmem>>
        %dma_wait3A_140 = arith.constant 0 : i32
        %dma_wait3A_141 = arith.constant 0 : i32
        %dma_wait3A_142 = tpu.memref_slice %arg6[%dma_wait3A_140, %dma_wait3A_141] : memref<10240x128xf32, #tpu.memory_space<vmem_shared>> -> memref<10240x128xf32, #tpu.memory_space<vmem_shared>>
        tpu.wait_indirect_dma semaphore(%run_scoped3A_122 : memref<!tpu.dma_semaphore, #tpu.memory_space<semaphore_mem>>) src(%dma_wait3A_136 : memref<128x128xf32, #tpu.memory_space<vmem>>) dst(%dma_wait3A_142 : memref<10240x128xf32, #tpu.memory_space<vmem_shared>>)
        tpu.yield
      }) : () -> ()
    }
    %scan3A_71 = arith.constant 20 : i32
    %barrier3A_72 = arith.constant 0 : index
    tpu.barrier barrier_id(%barrier3A_72)
    %mul3A_73 = arith.constant 640 : i32
    %mul3A_74 = arith.muli %arg1, %mul3A_73 : i32
    %mul3A_75 = arith.constant 640 : i32
    %mul3A_76 = arith.muli %arg1, %mul3A_75 : i32
    "tpu.region"() ({
      %run_scoped3A_77 = tpu.sem_alloc : memref<!tpu.dma_semaphore, #tpu.memory_space<semaphore_mem>>
      %dma_start3A_78 = arith.constant 0 : i32
      %dma_start3A_79 = tpu.memref_slice %arg5[%arg0, %mul3A_76, %dma_start3A_78] : memref<2x10240x128xf32, #tpu.memory_space<hbm>> -> memref<1x640x128xf32, #tpu.memory_space<hbm>>
      %dma_start3A_80 = tpu.memref_squeeze %dma_start3A_79 : memref<1x640x128xf32, #tpu.memory_space<hbm>> -> memref<640x128xf32, #tpu.memory_space<hbm>>
      %dma_start3A_81 = arith.constant 0 : i32
      %dma_start3A_82 = tpu.memref_slice %arg6[%mul3A_74, %dma_start3A_81] : memref<10240x128xf32, #tpu.memory_space<vmem_shared>> -> memref<640x128xf32, #tpu.memory_space<vmem_shared>>
      tpu.enqueue_dma source(%dma_start3A_82 : memref<640x128xf32, #tpu.memory_space<vmem_shared>>) target(%dma_start3A_80 : memref<640x128xf32, #tpu.memory_space<hbm>>) target_semaphore(%run_scoped3A_77 : memref<!tpu.dma_semaphore, #tpu.memory_space<semaphore_mem>>)
      %dma_wait3A = arith.constant 0 : i32
      %dma_wait3A_83 = tpu.memref_slice %arg5[%arg0, %mul3A_76, %dma_wait3A] : memref<2x10240x128xf32, #tpu.memory_space<hbm>> -> memref<1x640x128xf32, #tpu.memory_space<hbm>>
      %dma_wait3A_84 = tpu.memref_squeeze %dma_wait3A_83 : memref<1x640x128xf32, #tpu.memory_space<hbm>> -> memref<640x128xf32, #tpu.memory_space<hbm>>
      %dma_wait3A_85 = arith.constant 0 : i32
      %dma_wait3A_86 = tpu.memref_slice %arg6[%mul3A_74, %dma_wait3A_85] : memref<10240x128xf32, #tpu.memory_space<vmem_shared>> -> memref<640x128xf32, #tpu.memory_space<vmem_shared>>
      tpu.wait_dma2 semaphore(%run_scoped3A_77 : memref<!tpu.dma_semaphore, #tpu.memory_space<semaphore_mem>>) src(%dma_wait3A_86 : memref<640x128xf32, #tpu.memory_space<vmem_shared>>) dst(%dma_wait3A_84 : memref<640x128xf32, #tpu.memory_space<hbm>>)
      tpu.yield
    }) : () -> ()
    return
  }
}

#map = affine_map<(d0, d1) -> (0, 0)>
#map1 = affine_map<(d0, d1) -> (0, 0, 0)>
module attributes {stable_mosaic.version = 14 : i64} {
  func.func @_agg_body(%arg0: i32, %arg1: i32, %arg2: memref<10000x128xf32, #tpu.memory_space<hbm>>, %arg3: memref<2x2560x128xi32, #tpu.memory_space<hbm>>, %arg4: memref<128x128xf32, #tpu.memory_space<hbm>>, %arg5: memref<2x10240x128xf32, #tpu.memory_space<hbm>>, %arg6: memref<10240x128xf32, #tpu.memory_space<vmem_shared>>, %arg7: memref<40x128xi32, #tpu.memory_space<vmem>>, %arg8: memref<40x128xi32, #tpu.memory_space<vmem>>, %arg9: memref<2x128x128xf32, #tpu.memory_space<vmem>>, %arg10: memref<!tpu.dma_semaphore, #tpu.memory_space<semaphore_mem>>, %arg11: memref<!tpu.dma_semaphore, #tpu.memory_space<semaphore_mem>>) attributes {dimension_semantics = [#tpu.dimension_semantics<core_parallel>, #tpu.dimension_semantics<subcore_parallel>], iteration_bounds = array<i64: 2, 16>, scalar_prefetch = 0 : i64, scratch_operands = 6 : i64, tpu.core_type = #tpu.core_type<sc_vector_subcore>, window_params = [{transform_indices = #map}, {transform_indices = #map1}, {transform_indices = #map}, {transform_indices = #map1}]} {
    %mul3A = arith.constant 2 : i32
    %mul3A_0 = arith.muli %arg1, %mul3A : i32
    %add3A = arith.addi %mul3A_0, %arg0 : i32
    %run_scoped3A = arith.constant 0 : i32
    "tpu.region"() ({
      %run_scoped3A_77 = tpu.sem_alloc : memref<!tpu.dma_semaphore, #tpu.memory_space<semaphore_mem>>
      %dma_start3A_78 = arith.constant 0 : i32
      %dma_start3A_79 = arith.constant 0 : i32
      %dma_start3A_80 = tpu.memref_slice %arg9[%run_scoped3A, %dma_start3A_78, %dma_start3A_79] : memref<2x128x128xf32, #tpu.memory_space<vmem>> -> memref<1x128x128xf32, #tpu.memory_space<vmem>>
      %dma_start3A_81 = tpu.memref_squeeze %dma_start3A_80 : memref<1x128x128xf32, #tpu.memory_space<vmem>> -> memref<128x128xf32, #tpu.memory_space<vmem>>
      %dma_start3A_82 = arith.constant 0 : i32
      %dma_start3A_83 = arith.constant 0 : i32
      %dma_start3A_84 = tpu.memref_slice %arg9[%run_scoped3A, %dma_start3A_82, %dma_start3A_83] : memref<2x128x128xf32, #tpu.memory_space<vmem>> -> memref<1x128x128xf32, #tpu.memory_space<vmem>>
      %dma_start3A_85 = tpu.memref_squeeze %dma_start3A_84 : memref<1x128x128xf32, #tpu.memory_space<vmem>> -> memref<128x128xf32, #tpu.memory_space<vmem>>
      tpu.enqueue_dma source(%arg4 : memref<128x128xf32, #tpu.memory_space<hbm>>) target(%dma_start3A_85 : memref<128x128xf32, #tpu.memory_space<vmem>>) target_semaphore(%run_scoped3A_77 : memref<!tpu.dma_semaphore, #tpu.memory_space<semaphore_mem>>)
      %dma_wait3A = arith.constant 0 : i32
      %dma_wait3A_86 = arith.constant 0 : i32
      %dma_wait3A_87 = tpu.memref_slice %arg9[%run_scoped3A, %dma_wait3A, %dma_wait3A_86] : memref<2x128x128xf32, #tpu.memory_space<vmem>> -> memref<1x128x128xf32, #tpu.memory_space<vmem>>
      %dma_wait3A_88 = tpu.memref_squeeze %dma_wait3A_87 : memref<1x128x128xf32, #tpu.memory_space<vmem>> -> memref<128x128xf32, #tpu.memory_space<vmem>>
      %dma_wait3A_89 = arith.constant 0 : i32
      %dma_wait3A_90 = arith.constant 0 : i32
      %dma_wait3A_91 = tpu.memref_slice %arg9[%run_scoped3A, %dma_wait3A_89, %dma_wait3A_90] : memref<2x128x128xf32, #tpu.memory_space<vmem>> -> memref<1x128x128xf32, #tpu.memory_space<vmem>>
      %dma_wait3A_92 = tpu.memref_squeeze %dma_wait3A_91 : memref<1x128x128xf32, #tpu.memory_space<vmem>> -> memref<128x128xf32, #tpu.memory_space<vmem>>
      tpu.wait_dma2 semaphore(%run_scoped3A_77 : memref<!tpu.dma_semaphore, #tpu.memory_space<semaphore_mem>>) src(%arg4 : memref<128x128xf32, #tpu.memory_space<hbm>>) dst(%dma_wait3A_92 : memref<128x128xf32, #tpu.memory_space<vmem>>)
      tpu.yield
    }) : () -> ()
    %mul3A_1 = arith.constant 640 : i32
    %mul3A_2 = arith.muli %arg1, %mul3A_1 : i32
    %add3A_3 = arith.constant 0 : i32
    %add3A_4 = arith.addi %mul3A_2, %add3A_3 : i32
    %run_scoped3A_5 = arith.constant 0 : i32
    "tpu.region"() ({
      %run_scoped3A_77 = tpu.sem_alloc : memref<!tpu.dma_semaphore, #tpu.memory_space<semaphore_mem>>
      %dma_start3A_78 = arith.constant 0 : i32
      %dma_start3A_79 = arith.constant 0 : i32
      %dma_start3A_80 = tpu.memref_slice %arg9[%run_scoped3A_5, %dma_start3A_78, %dma_start3A_79] : memref<2x128x128xf32, #tpu.memory_space<vmem>> -> memref<1x128x128xf32, #tpu.memory_space<vmem>>
      %dma_start3A_81 = tpu.memref_squeeze %dma_start3A_80 : memref<1x128x128xf32, #tpu.memory_space<vmem>> -> memref<128x128xf32, #tpu.memory_space<vmem>>
      %dma_start3A_82 = arith.constant 0 : i32
      %dma_start3A_83 = tpu.memref_slice %arg6[%add3A_4, %dma_start3A_82] : memref<10240x128xf32, #tpu.memory_space<vmem_shared>> -> memref<128x128xf32, #tpu.memory_space<vmem_shared>>
      %dma_start3A_84 = arith.constant 0 : i32
      %dma_start3A_85 = tpu.memref_slice %arg6[%add3A_4, %dma_start3A_84] : memref<10240x128xf32, #tpu.memory_space<vmem_shared>> -> memref<128x128xf32, #tpu.memory_space<vmem_shared>>
      %dma_start3A_86 = arith.constant 0 : i32
      %dma_start3A_87 = arith.constant 0 : i32
      %dma_start3A_88 = tpu.memref_slice %arg9[%run_scoped3A_5, %dma_start3A_86, %dma_start3A_87] : memref<2x128x128xf32, #tpu.memory_space<vmem>> -> memref<1x128x128xf32, #tpu.memory_space<vmem>>
      %dma_start3A_89 = tpu.memref_squeeze %dma_start3A_88 : memref<1x128x128xf32, #tpu.memory_space<vmem>> -> memref<128x128xf32, #tpu.memory_space<vmem>>
      tpu.enqueue_dma source(%dma_start3A_89 : memref<128x128xf32, #tpu.memory_space<vmem>>) target(%dma_start3A_85 : memref<128x128xf32, #tpu.memory_space<vmem_shared>>) target_semaphore(%run_scoped3A_77 : memref<!tpu.dma_semaphore, #tpu.memory_space<semaphore_mem>>)
      %dma_wait3A = arith.constant 0 : i32
      %dma_wait3A_90 = arith.constant 0 : i32
      %dma_wait3A_91 = tpu.memref_slice %arg9[%run_scoped3A_5, %dma_wait3A, %dma_wait3A_90] : memref<2x128x128xf32, #tpu.memory_space<vmem>> -> memref<1x128x128xf32, #tpu.memory_space<vmem>>
      %dma_wait3A_92 = tpu.memref_squeeze %dma_wait3A_91 : memref<1x128x128xf32, #tpu.memory_space<vmem>> -> memref<128x128xf32, #tpu.memory_space<vmem>>
      %dma_wait3A_93 = arith.constant 0 : i32
      %dma_wait3A_94 = tpu.memref_slice %arg6[%add3A_4, %dma_wait3A_93] : memref<10240x128xf32, #tpu.memory_space<vmem_shared>> -> memref<128x128xf32, #tpu.memory_space<vmem_shared>>
      %dma_wait3A_95 = arith.constant 0 : i32
      %dma_wait3A_96 = tpu.memref_slice %arg6[%add3A_4, %dma_wait3A_95] : memref<10240x128xf32, #tpu.memory_space<vmem_shared>> -> memref<128x128xf32, #tpu.memory_space<vmem_shared>>
      %dma_wait3A_97 = arith.constant 0 : i32
      %dma_wait3A_98 = arith.constant 0 : i32
      %dma_wait3A_99 = tpu.memref_slice %arg9[%run_scoped3A_5, %dma_wait3A_97, %dma_wait3A_98] : memref<2x128x128xf32, #tpu.memory_space<vmem>> -> memref<1x128x128xf32, #tpu.memory_space<vmem>>
      %dma_wait3A_100 = tpu.memref_squeeze %dma_wait3A_99 : memref<1x128x128xf32, #tpu.memory_space<vmem>> -> memref<128x128xf32, #tpu.memory_space<vmem>>
      tpu.wait_dma2 semaphore(%run_scoped3A_77 : memref<!tpu.dma_semaphore, #tpu.memory_space<semaphore_mem>>) src(%dma_wait3A_100 : memref<128x128xf32, #tpu.memory_space<vmem>>) dst(%dma_wait3A_96 : memref<128x128xf32, #tpu.memory_space<vmem_shared>>)
      tpu.yield
    }) : () -> ()
    %mul3A_6 = arith.constant 640 : i32
    %mul3A_7 = arith.muli %arg1, %mul3A_6 : i32
    %add3A_8 = arith.constant 128 : i32
    %add3A_9 = arith.addi %mul3A_7, %add3A_8 : i32
    %run_scoped3A_10 = arith.constant 0 : i32
    "tpu.region"() ({
      %run_scoped3A_77 = tpu.sem_alloc : memref<!tpu.dma_semaphore, #tpu.memory_space<semaphore_mem>>
      %dma_start3A_78 = arith.constant 0 : i32
      %dma_start3A_79 = arith.constant 0 : i32
      %dma_start3A_80 = tpu.memref_slice %arg9[%run_scoped3A_10, %dma_start3A_78, %dma_start3A_79] : memref<2x128x128xf32, #tpu.memory_space<vmem>> -> memref<1x128x128xf32, #tpu.memory_space<vmem>>
      %dma_start3A_81 = tpu.memref_squeeze %dma_start3A_80 : memref<1x128x128xf32, #tpu.memory_space<vmem>> -> memref<128x128xf32, #tpu.memory_space<vmem>>
      %dma_start3A_82 = arith.constant 0 : i32
      %dma_start3A_83 = tpu.memref_slice %arg6[%add3A_9, %dma_start3A_82] : memref<10240x128xf32, #tpu.memory_space<vmem_shared>> -> memref<128x128xf32, #tpu.memory_space<vmem_shared>>
      %dma_start3A_84 = arith.constant 0 : i32
      %dma_start3A_85 = tpu.memref_slice %arg6[%add3A_9, %dma_start3A_84] : memref<10240x128xf32, #tpu.memory_space<vmem_shared>> -> memref<128x128xf32, #tpu.memory_space<vmem_shared>>
      %dma_start3A_86 = arith.constant 0 : i32
      %dma_start3A_87 = arith.constant 0 : i32
      %dma_start3A_88 = tpu.memref_slice %arg9[%run_scoped3A_10, %dma_start3A_86, %dma_start3A_87] : memref<2x128x128xf32, #tpu.memory_space<vmem>> -> memref<1x128x128xf32, #tpu.memory_space<vmem>>
      %dma_start3A_89 = tpu.memref_squeeze %dma_start3A_88 : memref<1x128x128xf32, #tpu.memory_space<vmem>> -> memref<128x128xf32, #tpu.memory_space<vmem>>
      tpu.enqueue_dma source(%dma_start3A_89 : memref<128x128xf32, #tpu.memory_space<vmem>>) target(%dma_start3A_85 : memref<128x128xf32, #tpu.memory_space<vmem_shared>>) target_semaphore(%run_scoped3A_77 : memref<!tpu.dma_semaphore, #tpu.memory_space<semaphore_mem>>)
      %dma_wait3A = arith.constant 0 : i32
      %dma_wait3A_90 = arith.constant 0 : i32
      %dma_wait3A_91 = tpu.memref_slice %arg9[%run_scoped3A_10, %dma_wait3A, %dma_wait3A_90] : memref<2x128x128xf32, #tpu.memory_space<vmem>> -> memref<1x128x128xf32, #tpu.memory_space<vmem>>
      %dma_wait3A_92 = tpu.memref_squeeze %dma_wait3A_91 : memref<1x128x128xf32, #tpu.memory_space<vmem>> -> memref<128x128xf32, #tpu.memory_space<vmem>>
      %dma_wait3A_93 = arith.constant 0 : i32
      %dma_wait3A_94 = tpu.memref_slice %arg6[%add3A_9, %dma_wait3A_93] : memref<10240x128xf32, #tpu.memory_space<vmem_shared>> -> memref<128x128xf32, #tpu.memory_space<vmem_shared>>
      %dma_wait3A_95 = arith.constant 0 : i32
      %dma_wait3A_96 = tpu.memref_slice %arg6[%add3A_9, %dma_wait3A_95] : memref<10240x128xf32, #tpu.memory_space<vmem_shared>> -> memref<128x128xf32, #tpu.memory_space<vmem_shared>>
      %dma_wait3A_97 = arith.constant 0 : i32
      %dma_wait3A_98 = arith.constant 0 : i32
      %dma_wait3A_99 = tpu.memref_slice %arg9[%run_scoped3A_10, %dma_wait3A_97, %dma_wait3A_98] : memref<2x128x128xf32, #tpu.memory_space<vmem>> -> memref<1x128x128xf32, #tpu.memory_space<vmem>>
      %dma_wait3A_100 = tpu.memref_squeeze %dma_wait3A_99 : memref<1x128x128xf32, #tpu.memory_space<vmem>> -> memref<128x128xf32, #tpu.memory_space<vmem>>
      tpu.wait_dma2 semaphore(%run_scoped3A_77 : memref<!tpu.dma_semaphore, #tpu.memory_space<semaphore_mem>>) src(%dma_wait3A_100 : memref<128x128xf32, #tpu.memory_space<vmem>>) dst(%dma_wait3A_96 : memref<128x128xf32, #tpu.memory_space<vmem_shared>>)
      tpu.yield
    }) : () -> ()
    %mul3A_11 = arith.constant 640 : i32
    %mul3A_12 = arith.muli %arg1, %mul3A_11 : i32
    %add3A_13 = arith.constant 256 : i32
    %add3A_14 = arith.addi %mul3A_12, %add3A_13 : i32
    %run_scoped3A_15 = arith.constant 0 : i32
    "tpu.region"() ({
      %run_scoped3A_77 = tpu.sem_alloc : memref<!tpu.dma_semaphore, #tpu.memory_space<semaphore_mem>>
      %dma_start3A_78 = arith.constant 0 : i32
      %dma_start3A_79 = arith.constant 0 : i32
      %dma_start3A_80 = tpu.memref_slice %arg9[%run_scoped3A_15, %dma_start3A_78, %dma_start3A_79] : memref<2x128x128xf32, #tpu.memory_space<vmem>> -> memref<1x128x128xf32, #tpu.memory_space<vmem>>
      %dma_start3A_81 = tpu.memref_squeeze %dma_start3A_80 : memref<1x128x128xf32, #tpu.memory_space<vmem>> -> memref<128x128xf32, #tpu.memory_space<vmem>>
      %dma_start3A_82 = arith.constant 0 : i32
      %dma_start3A_83 = tpu.memref_slice %arg6[%add3A_14, %dma_start3A_82] : memref<10240x128xf32, #tpu.memory_space<vmem_shared>> -> memref<128x128xf32, #tpu.memory_space<vmem_shared>>
      %dma_start3A_84 = arith.constant 0 : i32
      %dma_start3A_85 = tpu.memref_slice %arg6[%add3A_14, %dma_start3A_84] : memref<10240x128xf32, #tpu.memory_space<vmem_shared>> -> memref<128x128xf32, #tpu.memory_space<vmem_shared>>
      %dma_start3A_86 = arith.constant 0 : i32
      %dma_start3A_87 = arith.constant 0 : i32
      %dma_start3A_88 = tpu.memref_slice %arg9[%run_scoped3A_15, %dma_start3A_86, %dma_start3A_87] : memref<2x128x128xf32, #tpu.memory_space<vmem>> -> memref<1x128x128xf32, #tpu.memory_space<vmem>>
      %dma_start3A_89 = tpu.memref_squeeze %dma_start3A_88 : memref<1x128x128xf32, #tpu.memory_space<vmem>> -> memref<128x128xf32, #tpu.memory_space<vmem>>
      tpu.enqueue_dma source(%dma_start3A_89 : memref<128x128xf32, #tpu.memory_space<vmem>>) target(%dma_start3A_85 : memref<128x128xf32, #tpu.memory_space<vmem_shared>>) target_semaphore(%run_scoped3A_77 : memref<!tpu.dma_semaphore, #tpu.memory_space<semaphore_mem>>)
      %dma_wait3A = arith.constant 0 : i32
      %dma_wait3A_90 = arith.constant 0 : i32
      %dma_wait3A_91 = tpu.memref_slice %arg9[%run_scoped3A_15, %dma_wait3A, %dma_wait3A_90] : memref<2x128x128xf32, #tpu.memory_space<vmem>> -> memref<1x128x128xf32, #tpu.memory_space<vmem>>
      %dma_wait3A_92 = tpu.memref_squeeze %dma_wait3A_91 : memref<1x128x128xf32, #tpu.memory_space<vmem>> -> memref<128x128xf32, #tpu.memory_space<vmem>>
      %dma_wait3A_93 = arith.constant 0 : i32
      %dma_wait3A_94 = tpu.memref_slice %arg6[%add3A_14, %dma_wait3A_93] : memref<10240x128xf32, #tpu.memory_space<vmem_shared>> -> memref<128x128xf32, #tpu.memory_space<vmem_shared>>
      %dma_wait3A_95 = arith.constant 0 : i32
      %dma_wait3A_96 = tpu.memref_slice %arg6[%add3A_14, %dma_wait3A_95] : memref<10240x128xf32, #tpu.memory_space<vmem_shared>> -> memref<128x128xf32, #tpu.memory_space<vmem_shared>>
      %dma_wait3A_97 = arith.constant 0 : i32
      %dma_wait3A_98 = arith.constant 0 : i32
      %dma_wait3A_99 = tpu.memref_slice %arg9[%run_scoped3A_15, %dma_wait3A_97, %dma_wait3A_98] : memref<2x128x128xf32, #tpu.memory_space<vmem>> -> memref<1x128x128xf32, #tpu.memory_space<vmem>>
      %dma_wait3A_100 = tpu.memref_squeeze %dma_wait3A_99 : memref<1x128x128xf32, #tpu.memory_space<vmem>> -> memref<128x128xf32, #tpu.memory_space<vmem>>
      tpu.wait_dma2 semaphore(%run_scoped3A_77 : memref<!tpu.dma_semaphore, #tpu.memory_space<semaphore_mem>>) src(%dma_wait3A_100 : memref<128x128xf32, #tpu.memory_space<vmem>>) dst(%dma_wait3A_96 : memref<128x128xf32, #tpu.memory_space<vmem_shared>>)
      tpu.yield
    }) : () -> ()
    %mul3A_16 = arith.constant 640 : i32
    %mul3A_17 = arith.muli %arg1, %mul3A_16 : i32
    %add3A_18 = arith.constant 384 : i32
    %add3A_19 = arith.addi %mul3A_17, %add3A_18 : i32
    %run_scoped3A_20 = arith.constant 0 : i32
    "tpu.region"() ({
      %run_scoped3A_77 = tpu.sem_alloc : memref<!tpu.dma_semaphore, #tpu.memory_space<semaphore_mem>>
      %dma_start3A_78 = arith.constant 0 : i32
      %dma_start3A_79 = arith.constant 0 : i32
      %dma_start3A_80 = tpu.memref_slice %arg9[%run_scoped3A_20, %dma_start3A_78, %dma_start3A_79] : memref<2x128x128xf32, #tpu.memory_space<vmem>> -> memref<1x128x128xf32, #tpu.memory_space<vmem>>
      %dma_start3A_81 = tpu.memref_squeeze %dma_start3A_80 : memref<1x128x128xf32, #tpu.memory_space<vmem>> -> memref<128x128xf32, #tpu.memory_space<vmem>>
      %dma_start3A_82 = arith.constant 0 : i32
      %dma_start3A_83 = tpu.memref_slice %arg6[%add3A_19, %dma_start3A_82] : memref<10240x128xf32, #tpu.memory_space<vmem_shared>> -> memref<128x128xf32, #tpu.memory_space<vmem_shared>>
      %dma_start3A_84 = arith.constant 0 : i32
      %dma_start3A_85 = tpu.memref_slice %arg6[%add3A_19, %dma_start3A_84] : memref<10240x128xf32, #tpu.memory_space<vmem_shared>> -> memref<128x128xf32, #tpu.memory_space<vmem_shared>>
      %dma_start3A_86 = arith.constant 0 : i32
      %dma_start3A_87 = arith.constant 0 : i32
      %dma_start3A_88 = tpu.memref_slice %arg9[%run_scoped3A_20, %dma_start3A_86, %dma_start3A_87] : memref<2x128x128xf32, #tpu.memory_space<vmem>> -> memref<1x128x128xf32, #tpu.memory_space<vmem>>
      %dma_start3A_89 = tpu.memref_squeeze %dma_start3A_88 : memref<1x128x128xf32, #tpu.memory_space<vmem>> -> memref<128x128xf32, #tpu.memory_space<vmem>>
      tpu.enqueue_dma source(%dma_start3A_89 : memref<128x128xf32, #tpu.memory_space<vmem>>) target(%dma_start3A_85 : memref<128x128xf32, #tpu.memory_space<vmem_shared>>) target_semaphore(%run_scoped3A_77 : memref<!tpu.dma_semaphore, #tpu.memory_space<semaphore_mem>>)
      %dma_wait3A = arith.constant 0 : i32
      %dma_wait3A_90 = arith.constant 0 : i32
      %dma_wait3A_91 = tpu.memref_slice %arg9[%run_scoped3A_20, %dma_wait3A, %dma_wait3A_90] : memref<2x128x128xf32, #tpu.memory_space<vmem>> -> memref<1x128x128xf32, #tpu.memory_space<vmem>>
      %dma_wait3A_92 = tpu.memref_squeeze %dma_wait3A_91 : memref<1x128x128xf32, #tpu.memory_space<vmem>> -> memref<128x128xf32, #tpu.memory_space<vmem>>
      %dma_wait3A_93 = arith.constant 0 : i32
      %dma_wait3A_94 = tpu.memref_slice %arg6[%add3A_19, %dma_wait3A_93] : memref<10240x128xf32, #tpu.memory_space<vmem_shared>> -> memref<128x128xf32, #tpu.memory_space<vmem_shared>>
      %dma_wait3A_95 = arith.constant 0 : i32
      %dma_wait3A_96 = tpu.memref_slice %arg6[%add3A_19, %dma_wait3A_95] : memref<10240x128xf32, #tpu.memory_space<vmem_shared>> -> memref<128x128xf32, #tpu.memory_space<vmem_shared>>
      %dma_wait3A_97 = arith.constant 0 : i32
      %dma_wait3A_98 = arith.constant 0 : i32
      %dma_wait3A_99 = tpu.memref_slice %arg9[%run_scoped3A_20, %dma_wait3A_97, %dma_wait3A_98] : memref<2x128x128xf32, #tpu.memory_space<vmem>> -> memref<1x128x128xf32, #tpu.memory_space<vmem>>
      %dma_wait3A_100 = tpu.memref_squeeze %dma_wait3A_99 : memref<1x128x128xf32, #tpu.memory_space<vmem>> -> memref<128x128xf32, #tpu.memory_space<vmem>>
      tpu.wait_dma2 semaphore(%run_scoped3A_77 : memref<!tpu.dma_semaphore, #tpu.memory_space<semaphore_mem>>) src(%dma_wait3A_100 : memref<128x128xf32, #tpu.memory_space<vmem>>) dst(%dma_wait3A_96 : memref<128x128xf32, #tpu.memory_space<vmem_shared>>)
      tpu.yield
    }) : () -> ()
    %mul3A_21 = arith.constant 640 : i32
    %mul3A_22 = arith.muli %arg1, %mul3A_21 : i32
    %add3A_23 = arith.constant 512 : i32
    %add3A_24 = arith.addi %mul3A_22, %add3A_23 : i32
    %run_scoped3A_25 = arith.constant 0 : i32
    "tpu.region"() ({
      %run_scoped3A_77 = tpu.sem_alloc : memref<!tpu.dma_semaphore, #tpu.memory_space<semaphore_mem>>
      %dma_start3A_78 = arith.constant 0 : i32
      %dma_start3A_79 = arith.constant 0 : i32
      %dma_start3A_80 = tpu.memref_slice %arg9[%run_scoped3A_25, %dma_start3A_78, %dma_start3A_79] : memref<2x128x128xf32, #tpu.memory_space<vmem>> -> memref<1x128x128xf32, #tpu.memory_space<vmem>>
      %dma_start3A_81 = tpu.memref_squeeze %dma_start3A_80 : memref<1x128x128xf32, #tpu.memory_space<vmem>> -> memref<128x128xf32, #tpu.memory_space<vmem>>
      %dma_start3A_82 = arith.constant 0 : i32
      %dma_start3A_83 = tpu.memref_slice %arg6[%add3A_24, %dma_start3A_82] : memref<10240x128xf32, #tpu.memory_space<vmem_shared>> -> memref<128x128xf32, #tpu.memory_space<vmem_shared>>
      %dma_start3A_84 = arith.constant 0 : i32
      %dma_start3A_85 = tpu.memref_slice %arg6[%add3A_24, %dma_start3A_84] : memref<10240x128xf32, #tpu.memory_space<vmem_shared>> -> memref<128x128xf32, #tpu.memory_space<vmem_shared>>
      %dma_start3A_86 = arith.constant 0 : i32
      %dma_start3A_87 = arith.constant 0 : i32
      %dma_start3A_88 = tpu.memref_slice %arg9[%run_scoped3A_25, %dma_start3A_86, %dma_start3A_87] : memref<2x128x128xf32, #tpu.memory_space<vmem>> -> memref<1x128x128xf32, #tpu.memory_space<vmem>>
      %dma_start3A_89 = tpu.memref_squeeze %dma_start3A_88 : memref<1x128x128xf32, #tpu.memory_space<vmem>> -> memref<128x128xf32, #tpu.memory_space<vmem>>
      tpu.enqueue_dma source(%dma_start3A_89 : memref<128x128xf32, #tpu.memory_space<vmem>>) target(%dma_start3A_85 : memref<128x128xf32, #tpu.memory_space<vmem_shared>>) target_semaphore(%run_scoped3A_77 : memref<!tpu.dma_semaphore, #tpu.memory_space<semaphore_mem>>)
      %dma_wait3A = arith.constant 0 : i32
      %dma_wait3A_90 = arith.constant 0 : i32
      %dma_wait3A_91 = tpu.memref_slice %arg9[%run_scoped3A_25, %dma_wait3A, %dma_wait3A_90] : memref<2x128x128xf32, #tpu.memory_space<vmem>> -> memref<1x128x128xf32, #tpu.memory_space<vmem>>
      %dma_wait3A_92 = tpu.memref_squeeze %dma_wait3A_91 : memref<1x128x128xf32, #tpu.memory_space<vmem>> -> memref<128x128xf32, #tpu.memory_space<vmem>>
      %dma_wait3A_93 = arith.constant 0 : i32
      %dma_wait3A_94 = tpu.memref_slice %arg6[%add3A_24, %dma_wait3A_93] : memref<10240x128xf32, #tpu.memory_space<vmem_shared>> -> memref<128x128xf32, #tpu.memory_space<vmem_shared>>
      %dma_wait3A_95 = arith.constant 0 : i32
      %dma_wait3A_96 = tpu.memref_slice %arg6[%add3A_24, %dma_wait3A_95] : memref<10240x128xf32, #tpu.memory_space<vmem_shared>> -> memref<128x128xf32, #tpu.memory_space<vmem_shared>>
      %dma_wait3A_97 = arith.constant 0 : i32
      %dma_wait3A_98 = arith.constant 0 : i32
      %dma_wait3A_99 = tpu.memref_slice %arg9[%run_scoped3A_25, %dma_wait3A_97, %dma_wait3A_98] : memref<2x128x128xf32, #tpu.memory_space<vmem>> -> memref<1x128x128xf32, #tpu.memory_space<vmem>>
      %dma_wait3A_100 = tpu.memref_squeeze %dma_wait3A_99 : memref<1x128x128xf32, #tpu.memory_space<vmem>> -> memref<128x128xf32, #tpu.memory_space<vmem>>
      tpu.wait_dma2 semaphore(%run_scoped3A_77 : memref<!tpu.dma_semaphore, #tpu.memory_space<semaphore_mem>>) src(%dma_wait3A_100 : memref<128x128xf32, #tpu.memory_space<vmem>>) dst(%dma_wait3A_96 : memref<128x128xf32, #tpu.memory_space<vmem_shared>>)
      tpu.yield
    }) : () -> ()
    %barrier3A = arith.constant 0 : index
    tpu.barrier barrier_id(%barrier3A)
    %mul3A_26 = arith.constant 80 : i32
    %mul3A_27 = arith.muli %add3A, %mul3A_26 : i32
    %add3A_28 = arith.constant 0 : i32
    %add3A_29 = arith.addi %mul3A_27, %add3A_28 : i32
    %run_scoped3A_30 = arith.constant 0 : i32
    "tpu.region"() ({
      %run_scoped3A_77 = tpu.sem_alloc : memref<!tpu.dma_semaphore, #tpu.memory_space<semaphore_mem>>
      %dma_start3A_78 = arith.constant 0 : i32
      %dma_start3A_79 = tpu.memref_slice %arg3[%run_scoped3A_30, %add3A_29, %dma_start3A_78] : memref<2x2560x128xi32, #tpu.memory_space<hbm>> -> memref<1x40x128xi32, #tpu.memory_space<hbm>>
      %dma_start3A_80 = tpu.memref_squeeze %dma_start3A_79 : memref<1x40x128xi32, #tpu.memory_space<hbm>> -> memref<40x128xi32, #tpu.memory_space<hbm>>
      %dma_start3A_81 = arith.constant 0 : i32
      %dma_start3A_82 = tpu.memref_slice %arg3[%run_scoped3A_30, %add3A_29, %dma_start3A_81] : memref<2x2560x128xi32, #tpu.memory_space<hbm>> -> memref<1x40x128xi32, #tpu.memory_space<hbm>>
      %dma_start3A_83 = tpu.memref_squeeze %dma_start3A_82 : memref<1x40x128xi32, #tpu.memory_space<hbm>> -> memref<40x128xi32, #tpu.memory_space<hbm>>
      tpu.enqueue_dma source(%dma_start3A_83 : memref<40x128xi32, #tpu.memory_space<hbm>>) target(%arg7 : memref<40x128xi32, #tpu.memory_space<vmem>>) target_semaphore(%run_scoped3A_77 : memref<!tpu.dma_semaphore, #tpu.memory_space<semaphore_mem>>)
      %dma_wait3A = arith.constant 0 : i32
      %dma_wait3A_84 = tpu.memref_slice %arg3[%run_scoped3A_30, %add3A_29, %dma_wait3A] : memref<2x2560x128xi32, #tpu.memory_space<hbm>> -> memref<1x40x128xi32, #tpu.memory_space<hbm>>
      %dma_wait3A_85 = tpu.memref_squeeze %dma_wait3A_84 : memref<1x40x128xi32, #tpu.memory_space<hbm>> -> memref<40x128xi32, #tpu.memory_space<hbm>>
      %dma_wait3A_86 = arith.constant 0 : i32
      %dma_wait3A_87 = tpu.memref_slice %arg3[%run_scoped3A_30, %add3A_29, %dma_wait3A_86] : memref<2x2560x128xi32, #tpu.memory_space<hbm>> -> memref<1x40x128xi32, #tpu.memory_space<hbm>>
      %dma_wait3A_88 = tpu.memref_squeeze %dma_wait3A_87 : memref<1x40x128xi32, #tpu.memory_space<hbm>> -> memref<40x128xi32, #tpu.memory_space<hbm>>
      tpu.wait_dma2 semaphore(%run_scoped3A_77 : memref<!tpu.dma_semaphore, #tpu.memory_space<semaphore_mem>>) src(%dma_wait3A_88 : memref<40x128xi32, #tpu.memory_space<hbm>>) dst(%arg7 : memref<40x128xi32, #tpu.memory_space<vmem>>)
      tpu.yield
    }) : () -> ()
    %run_scoped3A_31 = arith.constant 1 : i32
    "tpu.region"() ({
      %run_scoped3A_77 = tpu.sem_alloc : memref<!tpu.dma_semaphore, #tpu.memory_space<semaphore_mem>>
      %dma_start3A_78 = arith.constant 0 : i32
      %dma_start3A_79 = tpu.memref_slice %arg3[%run_scoped3A_31, %add3A_29, %dma_start3A_78] : memref<2x2560x128xi32, #tpu.memory_space<hbm>> -> memref<1x40x128xi32, #tpu.memory_space<hbm>>
      %dma_start3A_80 = tpu.memref_squeeze %dma_start3A_79 : memref<1x40x128xi32, #tpu.memory_space<hbm>> -> memref<40x128xi32, #tpu.memory_space<hbm>>
      %dma_start3A_81 = arith.constant 0 : i32
      %dma_start3A_82 = tpu.memref_slice %arg3[%run_scoped3A_31, %add3A_29, %dma_start3A_81] : memref<2x2560x128xi32, #tpu.memory_space<hbm>> -> memref<1x40x128xi32, #tpu.memory_space<hbm>>
      %dma_start3A_83 = tpu.memref_squeeze %dma_start3A_82 : memref<1x40x128xi32, #tpu.memory_space<hbm>> -> memref<40x128xi32, #tpu.memory_space<hbm>>
      tpu.enqueue_dma source(%dma_start3A_83 : memref<40x128xi32, #tpu.memory_space<hbm>>) target(%arg8 : memref<40x128xi32, #tpu.memory_space<vmem>>) target_semaphore(%run_scoped3A_77 : memref<!tpu.dma_semaphore, #tpu.memory_space<semaphore_mem>>)
      %dma_wait3A = arith.constant 0 : i32
      %dma_wait3A_84 = tpu.memref_slice %arg3[%run_scoped3A_31, %add3A_29, %dma_wait3A] : memref<2x2560x128xi32, #tpu.memory_space<hbm>> -> memref<1x40x128xi32, #tpu.memory_space<hbm>>
      %dma_wait3A_85 = tpu.memref_squeeze %dma_wait3A_84 : memref<1x40x128xi32, #tpu.memory_space<hbm>> -> memref<40x128xi32, #tpu.memory_space<hbm>>
      %dma_wait3A_86 = arith.constant 0 : i32
      %dma_wait3A_87 = tpu.memref_slice %arg3[%run_scoped3A_31, %add3A_29, %dma_wait3A_86] : memref<2x2560x128xi32, #tpu.memory_space<hbm>> -> memref<1x40x128xi32, #tpu.memory_space<hbm>>
      %dma_wait3A_88 = tpu.memref_squeeze %dma_wait3A_87 : memref<1x40x128xi32, #tpu.memory_space<hbm>> -> memref<40x128xi32, #tpu.memory_space<hbm>>
      tpu.wait_dma2 semaphore(%run_scoped3A_77 : memref<!tpu.dma_semaphore, #tpu.memory_space<semaphore_mem>>) src(%dma_wait3A_88 : memref<40x128xi32, #tpu.memory_space<hbm>>) dst(%arg8 : memref<40x128xi32, #tpu.memory_space<vmem>>)
      tpu.yield
    }) : () -> ()
    %dma_start3A = arith.constant 0 : i32
    %dma_start3A_32 = arith.constant 0 : i32
    %dma_start3A_33 = arith.constant 0 : i32
    %dma_start3A_34 = arith.constant 0 : i32
    %dma_start3A_35 = tpu.memref_slice %arg9[%dma_start3A_32, %dma_start3A_33, %dma_start3A_34] : memref<2x128x128xf32, #tpu.memory_space<vmem>> -> memref<1x128x128xf32, #tpu.memory_space<vmem>>
    %dma_start3A_36 = tpu.memref_squeeze %dma_start3A_35 : memref<1x128x128xf32, #tpu.memory_space<vmem>> -> memref<128x128xf32, #tpu.memory_space<vmem>>
    %dma_start3A_37 = arith.constant 0 : i32
    %dma_start3A_38 = tpu.memref_slice %arg7[%dma_start3A, %dma_start3A_37] : memref<40x128xi32, #tpu.memory_space<vmem>> -> memref<1x128xi32, #tpu.memory_space<vmem>>
    %dma_start3A_39 = tpu.memref_squeeze %dma_start3A_38 : memref<1x128xi32, #tpu.memory_space<vmem>> -> memref<128xi32, #tpu.memory_space<vmem>>
    %dma_start3A_40 = arith.constant 0 : i32
    %dma_start3A_41 = arith.constant 0 : i32
    %dma_start3A_42 = tpu.memref_slice %arg2[%dma_start3A_40, %dma_start3A_41] : memref<10000x128xf32, #tpu.memory_space<hbm>> -> memref<10000x128xf32, #tpu.memory_space<hbm>>
    tpu.enqueue_indirect_dma source(%dma_start3A_42 : memref<10000x128xf32, #tpu.memory_space<hbm>>) target(%dma_start3A_36 : memref<128x128xf32, #tpu.memory_space<vmem>>) offsets(%dma_start3A_39 : memref<128xi32, #tpu.memory_space<vmem>>) semaphore(%arg10 : memref<!tpu.dma_semaphore, #tpu.memory_space<semaphore_mem>>)
    %scan3A = arith.constant 0 : i32
    %scan3A_43 = arith.constant 0 : i32
    %scan3A_44 = arith.constant 20 : i32
    %scan3A_45 = arith.addi %scan3A_43, %scan3A_44 : i32
    %scan3A_46 = arith.constant 1 : i32
    scf.for %scan3A_77 = %scan3A_43 to %scan3A_45 step %scan3A_46  : i32 {
      %mul3A_78 = arith.constant 2 : i32
      %mul3A_79 = arith.muli %mul3A_78, %scan3A_77 : i32
      %mul3A_80 = arith.constant 2 : i32
      %mul3A_81 = arith.muli %mul3A_80, %scan3A_77 : i32
      %add3A_82 = arith.constant 1 : i32
      %add3A_83 = arith.addi %mul3A_81, %add3A_82 : i32
      %dma_start3A_84 = arith.constant 1 : i32
      %dma_start3A_85 = arith.constant 0 : i32
      %dma_start3A_86 = arith.constant 0 : i32
      %dma_start3A_87 = tpu.memref_slice %arg9[%dma_start3A_84, %dma_start3A_85, %dma_start3A_86] : memref<2x128x128xf32, #tpu.memory_space<vmem>> -> memref<1x128x128xf32, #tpu.memory_space<vmem>>
      %dma_start3A_88 = tpu.memref_squeeze %dma_start3A_87 : memref<1x128x128xf32, #tpu.memory_space<vmem>> -> memref<128x128xf32, #tpu.memory_space<vmem>>
      %dma_start3A_89 = arith.constant 0 : i32
      %dma_start3A_90 = tpu.memref_slice %arg7[%add3A_83, %dma_start3A_89] : memref<40x128xi32, #tpu.memory_space<vmem>> -> memref<1x128xi32, #tpu.memory_space<vmem>>
      %dma_start3A_91 = tpu.memref_squeeze %dma_start3A_90 : memref<1x128xi32, #tpu.memory_space<vmem>> -> memref<128xi32, #tpu.memory_space<vmem>>
      %dma_start3A_92 = arith.constant 0 : i32
      %dma_start3A_93 = arith.constant 0 : i32
      %dma_start3A_94 = tpu.memref_slice %arg2[%dma_start3A_92, %dma_start3A_93] : memref<10000x128xf32, #tpu.memory_space<hbm>> -> memref<10000x128xf32, #tpu.memory_space<hbm>>
      tpu.enqueue_indirect_dma source(%dma_start3A_94 : memref<10000x128xf32, #tpu.memory_space<hbm>>) target(%dma_start3A_88 : memref<128x128xf32, #tpu.memory_space<vmem>>) offsets(%dma_start3A_91 : memref<128xi32, #tpu.memory_space<vmem>>) semaphore(%arg11 : memref<!tpu.dma_semaphore, #tpu.memory_space<semaphore_mem>>)
      %dma_wait3A = arith.constant 0 : i32
      %dma_wait3A_95 = arith.constant 0 : i32
      %dma_wait3A_96 = arith.constant 0 : i32
      %dma_wait3A_97 = tpu.memref_slice %arg9[%dma_wait3A, %dma_wait3A_95, %dma_wait3A_96] : memref<2x128x128xf32, #tpu.memory_space<vmem>> -> memref<1x128x128xf32, #tpu.memory_space<vmem>>
      %dma_wait3A_98 = tpu.memref_squeeze %dma_wait3A_97 : memref<1x128x128xf32, #tpu.memory_space<vmem>> -> memref<128x128xf32, #tpu.memory_space<vmem>>
      %dma_wait3A_99 = arith.constant 0 : i32
      %dma_wait3A_100 = tpu.memref_slice %arg7[%mul3A_79, %dma_wait3A_99] : memref<40x128xi32, #tpu.memory_space<vmem>> -> memref<1x128xi32, #tpu.memory_space<vmem>>
      %dma_wait3A_101 = tpu.memref_squeeze %dma_wait3A_100 : memref<1x128xi32, #tpu.memory_space<vmem>> -> memref<128xi32, #tpu.memory_space<vmem>>
      %dma_wait3A_102 = arith.constant 0 : i32
      %dma_wait3A_103 = arith.constant 0 : i32
      %dma_wait3A_104 = tpu.memref_slice %arg2[%dma_wait3A_102, %dma_wait3A_103] : memref<10000x128xf32, #tpu.memory_space<hbm>> -> memref<10000x128xf32, #tpu.memory_space<hbm>>
      tpu.wait_indirect_dma semaphore(%arg10 : memref<!tpu.dma_semaphore, #tpu.memory_space<semaphore_mem>>) src(%dma_wait3A_104 : memref<10000x128xf32, #tpu.memory_space<hbm>>) dst(%dma_wait3A_98 : memref<128x128xf32, #tpu.memory_space<vmem>>)
      %run_scoped3A_105 = arith.constant 0 : i32
      "tpu.region"() ({
        %run_scoped3A_122 = tpu.sem_alloc : memref<!tpu.dma_semaphore, #tpu.memory_space<semaphore_mem>>
        %dma_start3A_123 = arith.constant 0 : i32
        %dma_start3A_124 = arith.constant 0 : i32
        %dma_start3A_125 = tpu.memref_slice %arg9[%run_scoped3A_105, %dma_start3A_123, %dma_start3A_124] : memref<2x128x128xf32, #tpu.memory_space<vmem>> -> memref<1x128x128xf32, #tpu.memory_space<vmem>>
        %dma_start3A_126 = tpu.memref_squeeze %dma_start3A_125 : memref<1x128x128xf32, #tpu.memory_space<vmem>> -> memref<128x128xf32, #tpu.memory_space<vmem>>
        %dma_start3A_127 = arith.constant 0 : i32
        %dma_start3A_128 = tpu.memref_slice %arg8[%mul3A_79, %dma_start3A_127] : memref<40x128xi32, #tpu.memory_space<vmem>> -> memref<1x128xi32, #tpu.memory_space<vmem>>
        %dma_start3A_129 = tpu.memref_squeeze %dma_start3A_128 : memref<1x128xi32, #tpu.memory_space<vmem>> -> memref<128xi32, #tpu.memory_space<vmem>>
        %dma_start3A_130 = arith.constant 0 : i32
        %dma_start3A_131 = arith.constant 0 : i32
        %dma_start3A_132 = tpu.memref_slice %arg6[%dma_start3A_130, %dma_start3A_131] : memref<10240x128xf32, #tpu.memory_space<vmem_shared>> -> memref<10240x128xf32, #tpu.memory_space<vmem_shared>>
        tpu.enqueue_indirect_dma source(%dma_start3A_126 : memref<128x128xf32, #tpu.memory_space<vmem>>) target(%dma_start3A_132 : memref<10240x128xf32, #tpu.memory_space<vmem_shared>>) offsets(%dma_start3A_129 : memref<128xi32, #tpu.memory_space<vmem>>) semaphore(%run_scoped3A_122 : memref<!tpu.dma_semaphore, #tpu.memory_space<semaphore_mem>>) {add = true}
        %dma_wait3A_133 = arith.constant 0 : i32
        %dma_wait3A_134 = arith.constant 0 : i32
        %dma_wait3A_135 = tpu.memref_slice %arg9[%run_scoped3A_105, %dma_wait3A_133, %dma_wait3A_134] : memref<2x128x128xf32, #tpu.memory_space<vmem>> -> memref<1x128x128xf32, #tpu.memory_space<vmem>>
        %dma_wait3A_136 = tpu.memref_squeeze %dma_wait3A_135 : memref<1x128x128xf32, #tpu.memory_space<vmem>> -> memref<128x128xf32, #tpu.memory_space<vmem>>
        %dma_wait3A_137 = arith.constant 0 : i32
        %dma_wait3A_138 = tpu.memref_slice %arg8[%mul3A_79, %dma_wait3A_137] : memref<40x128xi32, #tpu.memory_space<vmem>> -> memref<1x128xi32, #tpu.memory_space<vmem>>
        %dma_wait3A_139 = tpu.memref_squeeze %dma_wait3A_138 : memref<1x128xi32, #tpu.memory_space<vmem>> -> memref<128xi32, #tpu.memory_space<vmem>>
        %dma_wait3A_140 = arith.constant 0 : i32
        %dma_wait3A_141 = arith.constant 0 : i32
        %dma_wait3A_142 = tpu.memref_slice %arg6[%dma_wait3A_140, %dma_wait3A_141] : memref<10240x128xf32, #tpu.memory_space<vmem_shared>> -> memref<10240x128xf32, #tpu.memory_space<vmem_shared>>
        tpu.wait_indirect_dma semaphore(%run_scoped3A_122 : memref<!tpu.dma_semaphore, #tpu.memory_space<semaphore_mem>>) src(%dma_wait3A_136 : memref<128x128xf32, #tpu.memory_space<vmem>>) dst(%dma_wait3A_142 : memref<10240x128xf32, #tpu.memory_space<vmem_shared>>)
        tpu.yield
      }) : () -> ()
      %add3A_106 = arith.constant 2 : i32
      %add3A_107 = arith.addi %mul3A_79, %add3A_106 : i32
      %lt3A = arith.constant 40 : i32
      %lt3A_108 = arith.cmpi slt, %add3A_107, %lt3A : i32
      %convert_element_type3A = arith.extui %lt3A_108 : i1 to i32
      %cond3A = arith.constant 0 : i32
      %cond3A_109 = arith.cmpi ne, %convert_element_type3A, %cond3A : i32
      scf.if %cond3A_109 {
        %add3A_122 = arith.constant 2 : i32
        %add3A_123 = arith.addi %mul3A_79, %add3A_122 : i32
        %dma_start3A_124 = arith.constant 0 : i32
        %dma_start3A_125 = arith.constant 0 : i32
        %dma_start3A_126 = arith.constant 0 : i32
        %dma_start3A_127 = tpu.memref_slice %arg9[%dma_start3A_124, %dma_start3A_125, %dma_start3A_126] : memref<2x128x128xf32, #tpu.memory_space<vmem>> -> memref<1x128x128xf32, #tpu.memory_space<vmem>>
        %dma_start3A_128 = tpu.memref_squeeze %dma_start3A_127 : memref<1x128x128xf32, #tpu.memory_space<vmem>> -> memref<128x128xf32, #tpu.memory_space<vmem>>
        %dma_start3A_129 = arith.constant 0 : i32
        %dma_start3A_130 = tpu.memref_slice %arg7[%add3A_123, %dma_start3A_129] : memref<40x128xi32, #tpu.memory_space<vmem>> -> memref<1x128xi32, #tpu.memory_space<vmem>>
        %dma_start3A_131 = tpu.memref_squeeze %dma_start3A_130 : memref<1x128xi32, #tpu.memory_space<vmem>> -> memref<128xi32, #tpu.memory_space<vmem>>
        %dma_start3A_132 = arith.constant 0 : i32
        %dma_start3A_133 = arith.constant 0 : i32
        %dma_start3A_134 = tpu.memref_slice %arg2[%dma_start3A_132, %dma_start3A_133] : memref<10000x128xf32, #tpu.memory_space<hbm>> -> memref<10000x128xf32, #tpu.memory_space<hbm>>
        tpu.enqueue_indirect_dma source(%dma_start3A_134 : memref<10000x128xf32, #tpu.memory_space<hbm>>) target(%dma_start3A_128 : memref<128x128xf32, #tpu.memory_space<vmem>>) offsets(%dma_start3A_131 : memref<128xi32, #tpu.memory_space<vmem>>) semaphore(%arg10 : memref<!tpu.dma_semaphore, #tpu.memory_space<semaphore_mem>>)
      } else {
      }
      %dma_wait3A_110 = arith.constant 1 : i32
      %dma_wait3A_111 = arith.constant 0 : i32
      %dma_wait3A_112 = arith.constant 0 : i32
      %dma_wait3A_113 = tpu.memref_slice %arg9[%dma_wait3A_110, %dma_wait3A_111, %dma_wait3A_112] : memref<2x128x128xf32, #tpu.memory_space<vmem>> -> memref<1x128x128xf32, #tpu.memory_space<vmem>>
      %dma_wait3A_114 = tpu.memref_squeeze %dma_wait3A_113 : memref<1x128x128xf32, #tpu.memory_space<vmem>> -> memref<128x128xf32, #tpu.memory_space<vmem>>
      %dma_wait3A_115 = arith.constant 0 : i32
      %dma_wait3A_116 = tpu.memref_slice %arg7[%add3A_83, %dma_wait3A_115] : memref<40x128xi32, #tpu.memory_space<vmem>> -> memref<1x128xi32, #tpu.memory_space<vmem>>
      %dma_wait3A_117 = tpu.memref_squeeze %dma_wait3A_116 : memref<1x128xi32, #tpu.memory_space<vmem>> -> memref<128xi32, #tpu.memory_space<vmem>>
      %dma_wait3A_118 = arith.constant 0 : i32
      %dma_wait3A_119 = arith.constant 0 : i32
      %dma_wait3A_120 = tpu.memref_slice %arg2[%dma_wait3A_118, %dma_wait3A_119] : memref<10000x128xf32, #tpu.memory_space<hbm>> -> memref<10000x128xf32, #tpu.memory_space<hbm>>
      tpu.wait_indirect_dma semaphore(%arg11 : memref<!tpu.dma_semaphore, #tpu.memory_space<semaphore_mem>>) src(%dma_wait3A_120 : memref<10000x128xf32, #tpu.memory_space<hbm>>) dst(%dma_wait3A_114 : memref<128x128xf32, #tpu.memory_space<vmem>>)
      %run_scoped3A_121 = arith.constant 1 : i32
      "tpu.region"() ({
        %run_scoped3A_122 = tpu.sem_alloc : memref<!tpu.dma_semaphore, #tpu.memory_space<semaphore_mem>>
        %dma_start3A_123 = arith.constant 0 : i32
        %dma_start3A_124 = arith.constant 0 : i32
        %dma_start3A_125 = tpu.memref_slice %arg9[%run_scoped3A_121, %dma_start3A_123, %dma_start3A_124] : memref<2x128x128xf32, #tpu.memory_space<vmem>> -> memref<1x128x128xf32, #tpu.memory_space<vmem>>
        %dma_start3A_126 = tpu.memref_squeeze %dma_start3A_125 : memref<1x128x128xf32, #tpu.memory_space<vmem>> -> memref<128x128xf32, #tpu.memory_space<vmem>>
        %dma_start3A_127 = arith.constant 0 : i32
        %dma_start3A_128 = tpu.memref_slice %arg8[%add3A_83, %dma_start3A_127] : memref<40x128xi32, #tpu.memory_space<vmem>> -> memref<1x128xi32, #tpu.memory_space<vmem>>
        %dma_start3A_129 = tpu.memref_squeeze %dma_start3A_128 : memref<1x128xi32, #tpu.memory_space<vmem>> -> memref<128xi32, #tpu.memory_space<vmem>>
        %dma_start3A_130 = arith.constant 0 : i32
        %dma_start3A_131 = arith.constant 0 : i32
        %dma_start3A_132 = tpu.memref_slice %arg6[%dma_start3A_130, %dma_start3A_131] : memref<10240x128xf32, #tpu.memory_space<vmem_shared>> -> memref<10240x128xf32, #tpu.memory_space<vmem_shared>>
        tpu.enqueue_indirect_dma source(%dma_start3A_126 : memref<128x128xf32, #tpu.memory_space<vmem>>) target(%dma_start3A_132 : memref<10240x128xf32, #tpu.memory_space<vmem_shared>>) offsets(%dma_start3A_129 : memref<128xi32, #tpu.memory_space<vmem>>) semaphore(%run_scoped3A_122 : memref<!tpu.dma_semaphore, #tpu.memory_space<semaphore_mem>>) {add = true}
        %dma_wait3A_133 = arith.constant 0 : i32
        %dma_wait3A_134 = arith.constant 0 : i32
        %dma_wait3A_135 = tpu.memref_slice %arg9[%run_scoped3A_121, %dma_wait3A_133, %dma_wait3A_134] : memref<2x128x128xf32, #tpu.memory_space<vmem>> -> memref<1x128x128xf32, #tpu.memory_space<vmem>>
        %dma_wait3A_136 = tpu.memref_squeeze %dma_wait3A_135 : memref<1x128x128xf32, #tpu.memory_space<vmem>> -> memref<128x128xf32, #tpu.memory_space<vmem>>
        %dma_wait3A_137 = arith.constant 0 : i32
        %dma_wait3A_138 = tpu.memref_slice %arg8[%add3A_83, %dma_wait3A_137] : memref<40x128xi32, #tpu.memory_space<vmem>> -> memref<1x128xi32, #tpu.memory_space<vmem>>
        %dma_wait3A_139 = tpu.memref_squeeze %dma_wait3A_138 : memref<1x128xi32, #tpu.memory_space<vmem>> -> memref<128xi32, #tpu.memory_space<vmem>>
        %dma_wait3A_140 = arith.constant 0 : i32
        %dma_wait3A_141 = arith.constant 0 : i32
        %dma_wait3A_142 = tpu.memref_slice %arg6[%dma_wait3A_140, %dma_wait3A_141] : memref<10240x128xf32, #tpu.memory_space<vmem_shared>> -> memref<10240x128xf32, #tpu.memory_space<vmem_shared>>
        tpu.wait_indirect_dma semaphore(%run_scoped3A_122 : memref<!tpu.dma_semaphore, #tpu.memory_space<semaphore_mem>>) src(%dma_wait3A_136 : memref<128x128xf32, #tpu.memory_space<vmem>>) dst(%dma_wait3A_142 : memref<10240x128xf32, #tpu.memory_space<vmem_shared>>)
        tpu.yield
      }) : () -> ()
    }
    %scan3A_47 = arith.constant 20 : i32
    %mul3A_48 = arith.constant 80 : i32
    %mul3A_49 = arith.muli %add3A, %mul3A_48 : i32
    %add3A_50 = arith.constant 40 : i32
    %add3A_51 = arith.addi %mul3A_49, %add3A_50 : i32
    %run_scoped3A_52 = arith.constant 0 : i32
    "tpu.region"() ({
      %run_scoped3A_77 = tpu.sem_alloc : memref<!tpu.dma_semaphore, #tpu.memory_space<semaphore_mem>>
      %dma_start3A_78 = arith.constant 0 : i32
      %dma_start3A_79 = tpu.memref_slice %arg3[%run_scoped3A_52, %add3A_51, %dma_start3A_78] : memref<2x2560x128xi32, #tpu.memory_space<hbm>> -> memref<1x40x128xi32, #tpu.memory_space<hbm>>
      %dma_start3A_80 = tpu.memref_squeeze %dma_start3A_79 : memref<1x40x128xi32, #tpu.memory_space<hbm>> -> memref<40x128xi32, #tpu.memory_space<hbm>>
      %dma_start3A_81 = arith.constant 0 : i32
      %dma_start3A_82 = tpu.memref_slice %arg3[%run_scoped3A_52, %add3A_51, %dma_start3A_81] : memref<2x2560x128xi32, #tpu.memory_space<hbm>> -> memref<1x40x128xi32, #tpu.memory_space<hbm>>
      %dma_start3A_83 = tpu.memref_squeeze %dma_start3A_82 : memref<1x40x128xi32, #tpu.memory_space<hbm>> -> memref<40x128xi32, #tpu.memory_space<hbm>>
      tpu.enqueue_dma source(%dma_start3A_83 : memref<40x128xi32, #tpu.memory_space<hbm>>) target(%arg7 : memref<40x128xi32, #tpu.memory_space<vmem>>) target_semaphore(%run_scoped3A_77 : memref<!tpu.dma_semaphore, #tpu.memory_space<semaphore_mem>>)
      %dma_wait3A = arith.constant 0 : i32
      %dma_wait3A_84 = tpu.memref_slice %arg3[%run_scoped3A_52, %add3A_51, %dma_wait3A] : memref<2x2560x128xi32, #tpu.memory_space<hbm>> -> memref<1x40x128xi32, #tpu.memory_space<hbm>>
      %dma_wait3A_85 = tpu.memref_squeeze %dma_wait3A_84 : memref<1x40x128xi32, #tpu.memory_space<hbm>> -> memref<40x128xi32, #tpu.memory_space<hbm>>
      %dma_wait3A_86 = arith.constant 0 : i32
      %dma_wait3A_87 = tpu.memref_slice %arg3[%run_scoped3A_52, %add3A_51, %dma_wait3A_86] : memref<2x2560x128xi32, #tpu.memory_space<hbm>> -> memref<1x40x128xi32, #tpu.memory_space<hbm>>
      %dma_wait3A_88 = tpu.memref_squeeze %dma_wait3A_87 : memref<1x40x128xi32, #tpu.memory_space<hbm>> -> memref<40x128xi32, #tpu.memory_space<hbm>>
      tpu.wait_dma2 semaphore(%run_scoped3A_77 : memref<!tpu.dma_semaphore, #tpu.memory_space<semaphore_mem>>) src(%dma_wait3A_88 : memref<40x128xi32, #tpu.memory_space<hbm>>) dst(%arg7 : memref<40x128xi32, #tpu.memory_space<vmem>>)
      tpu.yield
    }) : () -> ()
    %run_scoped3A_53 = arith.constant 1 : i32
    "tpu.region"() ({
      %run_scoped3A_77 = tpu.sem_alloc : memref<!tpu.dma_semaphore, #tpu.memory_space<semaphore_mem>>
      %dma_start3A_78 = arith.constant 0 : i32
      %dma_start3A_79 = tpu.memref_slice %arg3[%run_scoped3A_53, %add3A_51, %dma_start3A_78] : memref<2x2560x128xi32, #tpu.memory_space<hbm>> -> memref<1x40x128xi32, #tpu.memory_space<hbm>>
      %dma_start3A_80 = tpu.memref_squeeze %dma_start3A_79 : memref<1x40x128xi32, #tpu.memory_space<hbm>> -> memref<40x128xi32, #tpu.memory_space<hbm>>
      %dma_start3A_81 = arith.constant 0 : i32
      %dma_start3A_82 = tpu.memref_slice %arg3[%run_scoped3A_53, %add3A_51, %dma_start3A_81] : memref<2x2560x128xi32, #tpu.memory_space<hbm>> -> memref<1x40x128xi32, #tpu.memory_space<hbm>>
      %dma_start3A_83 = tpu.memref_squeeze %dma_start3A_82 : memref<1x40x128xi32, #tpu.memory_space<hbm>> -> memref<40x128xi32, #tpu.memory_space<hbm>>
      tpu.enqueue_dma source(%dma_start3A_83 : memref<40x128xi32, #tpu.memory_space<hbm>>) target(%arg8 : memref<40x128xi32, #tpu.memory_space<vmem>>) target_semaphore(%run_scoped3A_77 : memref<!tpu.dma_semaphore, #tpu.memory_space<semaphore_mem>>)
      %dma_wait3A = arith.constant 0 : i32
      %dma_wait3A_84 = tpu.memref_slice %arg3[%run_scoped3A_53, %add3A_51, %dma_wait3A] : memref<2x2560x128xi32, #tpu.memory_space<hbm>> -> memref<1x40x128xi32, #tpu.memory_space<hbm>>
      %dma_wait3A_85 = tpu.memref_squeeze %dma_wait3A_84 : memref<1x40x128xi32, #tpu.memory_space<hbm>> -> memref<40x128xi32, #tpu.memory_space<hbm>>
      %dma_wait3A_86 = arith.constant 0 : i32
      %dma_wait3A_87 = tpu.memref_slice %arg3[%run_scoped3A_53, %add3A_51, %dma_wait3A_86] : memref<2x2560x128xi32, #tpu.memory_space<hbm>> -> memref<1x40x128xi32, #tpu.memory_space<hbm>>
      %dma_wait3A_88 = tpu.memref_squeeze %dma_wait3A_87 : memref<1x40x128xi32, #tpu.memory_space<hbm>> -> memref<40x128xi32, #tpu.memory_space<hbm>>
      tpu.wait_dma2 semaphore(%run_scoped3A_77 : memref<!tpu.dma_semaphore, #tpu.memory_space<semaphore_mem>>) src(%dma_wait3A_88 : memref<40x128xi32, #tpu.memory_space<hbm>>) dst(%arg8 : memref<40x128xi32, #tpu.memory_space<vmem>>)
      tpu.yield
    }) : () -> ()
    %dma_start3A_54 = arith.constant 0 : i32
    %dma_start3A_55 = arith.constant 0 : i32
    %dma_start3A_56 = arith.constant 0 : i32
    %dma_start3A_57 = arith.constant 0 : i32
    %dma_start3A_58 = tpu.memref_slice %arg9[%dma_start3A_55, %dma_start3A_56, %dma_start3A_57] : memref<2x128x128xf32, #tpu.memory_space<vmem>> -> memref<1x128x128xf32, #tpu.memory_space<vmem>>
    %dma_start3A_59 = tpu.memref_squeeze %dma_start3A_58 : memref<1x128x128xf32, #tpu.memory_space<vmem>> -> memref<128x128xf32, #tpu.memory_space<vmem>>
    %dma_start3A_60 = arith.constant 0 : i32
    %dma_start3A_61 = tpu.memref_slice %arg7[%dma_start3A_54, %dma_start3A_60] : memref<40x128xi32, #tpu.memory_space<vmem>> -> memref<1x128xi32, #tpu.memory_space<vmem>>
    %dma_start3A_62 = tpu.memref_squeeze %dma_start3A_61 : memref<1x128xi32, #tpu.memory_space<vmem>> -> memref<128xi32, #tpu.memory_space<vmem>>
    %dma_start3A_63 = arith.constant 0 : i32
    %dma_start3A_64 = arith.constant 0 : i32
    %dma_start3A_65 = tpu.memref_slice %arg2[%dma_start3A_63, %dma_start3A_64] : memref<10000x128xf32, #tpu.memory_space<hbm>> -> memref<10000x128xf32, #tpu.memory_space<hbm>>
    tpu.enqueue_indirect_dma source(%dma_start3A_65 : memref<10000x128xf32, #tpu.memory_space<hbm>>) target(%dma_start3A_59 : memref<128x128xf32, #tpu.memory_space<vmem>>) offsets(%dma_start3A_62 : memref<128xi32, #tpu.memory_space<vmem>>) semaphore(%arg10 : memref<!tpu.dma_semaphore, #tpu.memory_space<semaphore_mem>>)
    %scan3A_66 = arith.constant 0 : i32
    %scan3A_67 = arith.constant 0 : i32
    %scan3A_68 = arith.constant 20 : i32
    %scan3A_69 = arith.addi %scan3A_67, %scan3A_68 : i32
    %scan3A_70 = arith.constant 1 : i32
    scf.for %scan3A_77 = %scan3A_67 to %scan3A_69 step %scan3A_70  : i32 {
      %mul3A_78 = arith.constant 2 : i32
      %mul3A_79 = arith.muli %mul3A_78, %scan3A_77 : i32
      %mul3A_80 = arith.constant 2 : i32
      %mul3A_81 = arith.muli %mul3A_80, %scan3A_77 : i32
      %add3A_82 = arith.constant 1 : i32
      %add3A_83 = arith.addi %mul3A_81, %add3A_82 : i32
      %dma_start3A_84 = arith.constant 1 : i32
      %dma_start3A_85 = arith.constant 0 : i32
      %dma_start3A_86 = arith.constant 0 : i32
      %dma_start3A_87 = tpu.memref_slice %arg9[%dma_start3A_84, %dma_start3A_85, %dma_start3A_86] : memref<2x128x128xf32, #tpu.memory_space<vmem>> -> memref<1x128x128xf32, #tpu.memory_space<vmem>>
      %dma_start3A_88 = tpu.memref_squeeze %dma_start3A_87 : memref<1x128x128xf32, #tpu.memory_space<vmem>> -> memref<128x128xf32, #tpu.memory_space<vmem>>
      %dma_start3A_89 = arith.constant 0 : i32
      %dma_start3A_90 = tpu.memref_slice %arg7[%add3A_83, %dma_start3A_89] : memref<40x128xi32, #tpu.memory_space<vmem>> -> memref<1x128xi32, #tpu.memory_space<vmem>>
      %dma_start3A_91 = tpu.memref_squeeze %dma_start3A_90 : memref<1x128xi32, #tpu.memory_space<vmem>> -> memref<128xi32, #tpu.memory_space<vmem>>
      %dma_start3A_92 = arith.constant 0 : i32
      %dma_start3A_93 = arith.constant 0 : i32
      %dma_start3A_94 = tpu.memref_slice %arg2[%dma_start3A_92, %dma_start3A_93] : memref<10000x128xf32, #tpu.memory_space<hbm>> -> memref<10000x128xf32, #tpu.memory_space<hbm>>
      tpu.enqueue_indirect_dma source(%dma_start3A_94 : memref<10000x128xf32, #tpu.memory_space<hbm>>) target(%dma_start3A_88 : memref<128x128xf32, #tpu.memory_space<vmem>>) offsets(%dma_start3A_91 : memref<128xi32, #tpu.memory_space<vmem>>) semaphore(%arg11 : memref<!tpu.dma_semaphore, #tpu.memory_space<semaphore_mem>>)
      %dma_wait3A = arith.constant 0 : i32
      %dma_wait3A_95 = arith.constant 0 : i32
      %dma_wait3A_96 = arith.constant 0 : i32
      %dma_wait3A_97 = tpu.memref_slice %arg9[%dma_wait3A, %dma_wait3A_95, %dma_wait3A_96] : memref<2x128x128xf32, #tpu.memory_space<vmem>> -> memref<1x128x128xf32, #tpu.memory_space<vmem>>
      %dma_wait3A_98 = tpu.memref_squeeze %dma_wait3A_97 : memref<1x128x128xf32, #tpu.memory_space<vmem>> -> memref<128x128xf32, #tpu.memory_space<vmem>>
      %dma_wait3A_99 = arith.constant 0 : i32
      %dma_wait3A_100 = tpu.memref_slice %arg7[%mul3A_79, %dma_wait3A_99] : memref<40x128xi32, #tpu.memory_space<vmem>> -> memref<1x128xi32, #tpu.memory_space<vmem>>
      %dma_wait3A_101 = tpu.memref_squeeze %dma_wait3A_100 : memref<1x128xi32, #tpu.memory_space<vmem>> -> memref<128xi32, #tpu.memory_space<vmem>>
      %dma_wait3A_102 = arith.constant 0 : i32
      %dma_wait3A_103 = arith.constant 0 : i32
      %dma_wait3A_104 = tpu.memref_slice %arg2[%dma_wait3A_102, %dma_wait3A_103] : memref<10000x128xf32, #tpu.memory_space<hbm>> -> memref<10000x128xf32, #tpu.memory_space<hbm>>
      tpu.wait_indirect_dma semaphore(%arg10 : memref<!tpu.dma_semaphore, #tpu.memory_space<semaphore_mem>>) src(%dma_wait3A_104 : memref<10000x128xf32, #tpu.memory_space<hbm>>) dst(%dma_wait3A_98 : memref<128x128xf32, #tpu.memory_space<vmem>>)
      %run_scoped3A_105 = arith.constant 0 : i32
      "tpu.region"() ({
        %run_scoped3A_122 = tpu.sem_alloc : memref<!tpu.dma_semaphore, #tpu.memory_space<semaphore_mem>>
        %dma_start3A_123 = arith.constant 0 : i32
        %dma_start3A_124 = arith.constant 0 : i32
        %dma_start3A_125 = tpu.memref_slice %arg9[%run_scoped3A_105, %dma_start3A_123, %dma_start3A_124] : memref<2x128x128xf32, #tpu.memory_space<vmem>> -> memref<1x128x128xf32, #tpu.memory_space<vmem>>
        %dma_start3A_126 = tpu.memref_squeeze %dma_start3A_125 : memref<1x128x128xf32, #tpu.memory_space<vmem>> -> memref<128x128xf32, #tpu.memory_space<vmem>>
        %dma_start3A_127 = arith.constant 0 : i32
        %dma_start3A_128 = tpu.memref_slice %arg8[%mul3A_79, %dma_start3A_127] : memref<40x128xi32, #tpu.memory_space<vmem>> -> memref<1x128xi32, #tpu.memory_space<vmem>>
        %dma_start3A_129 = tpu.memref_squeeze %dma_start3A_128 : memref<1x128xi32, #tpu.memory_space<vmem>> -> memref<128xi32, #tpu.memory_space<vmem>>
        %dma_start3A_130 = arith.constant 0 : i32
        %dma_start3A_131 = arith.constant 0 : i32
        %dma_start3A_132 = tpu.memref_slice %arg6[%dma_start3A_130, %dma_start3A_131] : memref<10240x128xf32, #tpu.memory_space<vmem_shared>> -> memref<10240x128xf32, #tpu.memory_space<vmem_shared>>
        tpu.enqueue_indirect_dma source(%dma_start3A_126 : memref<128x128xf32, #tpu.memory_space<vmem>>) target(%dma_start3A_132 : memref<10240x128xf32, #tpu.memory_space<vmem_shared>>) offsets(%dma_start3A_129 : memref<128xi32, #tpu.memory_space<vmem>>) semaphore(%run_scoped3A_122 : memref<!tpu.dma_semaphore, #tpu.memory_space<semaphore_mem>>) {add = true}
        %dma_wait3A_133 = arith.constant 0 : i32
        %dma_wait3A_134 = arith.constant 0 : i32
        %dma_wait3A_135 = tpu.memref_slice %arg9[%run_scoped3A_105, %dma_wait3A_133, %dma_wait3A_134] : memref<2x128x128xf32, #tpu.memory_space<vmem>> -> memref<1x128x128xf32, #tpu.memory_space<vmem>>
        %dma_wait3A_136 = tpu.memref_squeeze %dma_wait3A_135 : memref<1x128x128xf32, #tpu.memory_space<vmem>> -> memref<128x128xf32, #tpu.memory_space<vmem>>
        %dma_wait3A_137 = arith.constant 0 : i32
        %dma_wait3A_138 = tpu.memref_slice %arg8[%mul3A_79, %dma_wait3A_137] : memref<40x128xi32, #tpu.memory_space<vmem>> -> memref<1x128xi32, #tpu.memory_space<vmem>>
        %dma_wait3A_139 = tpu.memref_squeeze %dma_wait3A_138 : memref<1x128xi32, #tpu.memory_space<vmem>> -> memref<128xi32, #tpu.memory_space<vmem>>
        %dma_wait3A_140 = arith.constant 0 : i32
        %dma_wait3A_141 = arith.constant 0 : i32
        %dma_wait3A_142 = tpu.memref_slice %arg6[%dma_wait3A_140, %dma_wait3A_141] : memref<10240x128xf32, #tpu.memory_space<vmem_shared>> -> memref<10240x128xf32, #tpu.memory_space<vmem_shared>>
        tpu.wait_indirect_dma semaphore(%run_scoped3A_122 : memref<!tpu.dma_semaphore, #tpu.memory_space<semaphore_mem>>) src(%dma_wait3A_136 : memref<128x128xf32, #tpu.memory_space<vmem>>) dst(%dma_wait3A_142 : memref<10240x128xf32, #tpu.memory_space<vmem_shared>>)
        tpu.yield
      }) : () -> ()
      %add3A_106 = arith.constant 2 : i32
      %add3A_107 = arith.addi %mul3A_79, %add3A_106 : i32
      %lt3A = arith.constant 40 : i32
      %lt3A_108 = arith.cmpi slt, %add3A_107, %lt3A : i32
      %convert_element_type3A = arith.extui %lt3A_108 : i1 to i32
      %cond3A = arith.constant 0 : i32
      %cond3A_109 = arith.cmpi ne, %convert_element_type3A, %cond3A : i32
      scf.if %cond3A_109 {
        %add3A_122 = arith.constant 2 : i32
        %add3A_123 = arith.addi %mul3A_79, %add3A_122 : i32
        %dma_start3A_124 = arith.constant 0 : i32
        %dma_start3A_125 = arith.constant 0 : i32
        %dma_start3A_126 = arith.constant 0 : i32
        %dma_start3A_127 = tpu.memref_slice %arg9[%dma_start3A_124, %dma_start3A_125, %dma_start3A_126] : memref<2x128x128xf32, #tpu.memory_space<vmem>> -> memref<1x128x128xf32, #tpu.memory_space<vmem>>
        %dma_start3A_128 = tpu.memref_squeeze %dma_start3A_127 : memref<1x128x128xf32, #tpu.memory_space<vmem>> -> memref<128x128xf32, #tpu.memory_space<vmem>>
        %dma_start3A_129 = arith.constant 0 : i32
        %dma_start3A_130 = tpu.memref_slice %arg7[%add3A_123, %dma_start3A_129] : memref<40x128xi32, #tpu.memory_space<vmem>> -> memref<1x128xi32, #tpu.memory_space<vmem>>
        %dma_start3A_131 = tpu.memref_squeeze %dma_start3A_130 : memref<1x128xi32, #tpu.memory_space<vmem>> -> memref<128xi32, #tpu.memory_space<vmem>>
        %dma_start3A_132 = arith.constant 0 : i32
        %dma_start3A_133 = arith.constant 0 : i32
        %dma_start3A_134 = tpu.memref_slice %arg2[%dma_start3A_132, %dma_start3A_133] : memref<10000x128xf32, #tpu.memory_space<hbm>> -> memref<10000x128xf32, #tpu.memory_space<hbm>>
        tpu.enqueue_indirect_dma source(%dma_start3A_134 : memref<10000x128xf32, #tpu.memory_space<hbm>>) target(%dma_start3A_128 : memref<128x128xf32, #tpu.memory_space<vmem>>) offsets(%dma_start3A_131 : memref<128xi32, #tpu.memory_space<vmem>>) semaphore(%arg10 : memref<!tpu.dma_semaphore, #tpu.memory_space<semaphore_mem>>)
      } else {
      }
      %dma_wait3A_110 = arith.constant 1 : i32
      %dma_wait3A_111 = arith.constant 0 : i32
      %dma_wait3A_112 = arith.constant 0 : i32
      %dma_wait3A_113 = tpu.memref_slice %arg9[%dma_wait3A_110, %dma_wait3A_111, %dma_wait3A_112] : memref<2x128x128xf32, #tpu.memory_space<vmem>> -> memref<1x128x128xf32, #tpu.memory_space<vmem>>
      %dma_wait3A_114 = tpu.memref_squeeze %dma_wait3A_113 : memref<1x128x128xf32, #tpu.memory_space<vmem>> -> memref<128x128xf32, #tpu.memory_space<vmem>>
      %dma_wait3A_115 = arith.constant 0 : i32
      %dma_wait3A_116 = tpu.memref_slice %arg7[%add3A_83, %dma_wait3A_115] : memref<40x128xi32, #tpu.memory_space<vmem>> -> memref<1x128xi32, #tpu.memory_space<vmem>>
      %dma_wait3A_117 = tpu.memref_squeeze %dma_wait3A_116 : memref<1x128xi32, #tpu.memory_space<vmem>> -> memref<128xi32, #tpu.memory_space<vmem>>
      %dma_wait3A_118 = arith.constant 0 : i32
      %dma_wait3A_119 = arith.constant 0 : i32
      %dma_wait3A_120 = tpu.memref_slice %arg2[%dma_wait3A_118, %dma_wait3A_119] : memref<10000x128xf32, #tpu.memory_space<hbm>> -> memref<10000x128xf32, #tpu.memory_space<hbm>>
      tpu.wait_indirect_dma semaphore(%arg11 : memref<!tpu.dma_semaphore, #tpu.memory_space<semaphore_mem>>) src(%dma_wait3A_120 : memref<10000x128xf32, #tpu.memory_space<hbm>>) dst(%dma_wait3A_114 : memref<128x128xf32, #tpu.memory_space<vmem>>)
      %run_scoped3A_121 = arith.constant 1 : i32
      "tpu.region"() ({
        %run_scoped3A_122 = tpu.sem_alloc : memref<!tpu.dma_semaphore, #tpu.memory_space<semaphore_mem>>
        %dma_start3A_123 = arith.constant 0 : i32
        %dma_start3A_124 = arith.constant 0 : i32
        %dma_start3A_125 = tpu.memref_slice %arg9[%run_scoped3A_121, %dma_start3A_123, %dma_start3A_124] : memref<2x128x128xf32, #tpu.memory_space<vmem>> -> memref<1x128x128xf32, #tpu.memory_space<vmem>>
        %dma_start3A_126 = tpu.memref_squeeze %dma_start3A_125 : memref<1x128x128xf32, #tpu.memory_space<vmem>> -> memref<128x128xf32, #tpu.memory_space<vmem>>
        %dma_start3A_127 = arith.constant 0 : i32
        %dma_start3A_128 = tpu.memref_slice %arg8[%add3A_83, %dma_start3A_127] : memref<40x128xi32, #tpu.memory_space<vmem>> -> memref<1x128xi32, #tpu.memory_space<vmem>>
        %dma_start3A_129 = tpu.memref_squeeze %dma_start3A_128 : memref<1x128xi32, #tpu.memory_space<vmem>> -> memref<128xi32, #tpu.memory_space<vmem>>
        %dma_start3A_130 = arith.constant 0 : i32
        %dma_start3A_131 = arith.constant 0 : i32
        %dma_start3A_132 = tpu.memref_slice %arg6[%dma_start3A_130, %dma_start3A_131] : memref<10240x128xf32, #tpu.memory_space<vmem_shared>> -> memref<10240x128xf32, #tpu.memory_space<vmem_shared>>
        tpu.enqueue_indirect_dma source(%dma_start3A_126 : memref<128x128xf32, #tpu.memory_space<vmem>>) target(%dma_start3A_132 : memref<10240x128xf32, #tpu.memory_space<vmem_shared>>) offsets(%dma_start3A_129 : memref<128xi32, #tpu.memory_space<vmem>>) semaphore(%run_scoped3A_122 : memref<!tpu.dma_semaphore, #tpu.memory_space<semaphore_mem>>) {add = true}
        %dma_wait3A_133 = arith.constant 0 : i32
        %dma_wait3A_134 = arith.constant 0 : i32
        %dma_wait3A_135 = tpu.memref_slice %arg9[%run_scoped3A_121, %dma_wait3A_133, %dma_wait3A_134] : memref<2x128x128xf32, #tpu.memory_space<vmem>> -> memref<1x128x128xf32, #tpu.memory_space<vmem>>
        %dma_wait3A_136 = tpu.memref_squeeze %dma_wait3A_135 : memref<1x128x128xf32, #tpu.memory_space<vmem>> -> memref<128x128xf32, #tpu.memory_space<vmem>>
        %dma_wait3A_137 = arith.constant 0 : i32
        %dma_wait3A_138 = tpu.memref_slice %arg8[%add3A_83, %dma_wait3A_137] : memref<40x128xi32, #tpu.memory_space<vmem>> -> memref<1x128xi32, #tpu.memory_space<vmem>>
        %dma_wait3A_139 = tpu.memref_squeeze %dma_wait3A_138 : memref<1x128xi32, #tpu.memory_space<vmem>> -> memref<128xi32, #tpu.memory_space<vmem>>
        %dma_wait3A_140 = arith.constant 0 : i32
        %dma_wait3A_141 = arith.constant 0 : i32
        %dma_wait3A_142 = tpu.memref_slice %arg6[%dma_wait3A_140, %dma_wait3A_141] : memref<10240x128xf32, #tpu.memory_space<vmem_shared>> -> memref<10240x128xf32, #tpu.memory_space<vmem_shared>>
        tpu.wait_indirect_dma semaphore(%run_scoped3A_122 : memref<!tpu.dma_semaphore, #tpu.memory_space<semaphore_mem>>) src(%dma_wait3A_136 : memref<128x128xf32, #tpu.memory_space<vmem>>) dst(%dma_wait3A_142 : memref<10240x128xf32, #tpu.memory_space<vmem_shared>>)
        tpu.yield
      }) : () -> ()
    }
    %scan3A_71 = arith.constant 20 : i32
    %barrier3A_72 = arith.constant 0 : index
    tpu.barrier barrier_id(%barrier3A_72)
    %mul3A_73 = arith.constant 640 : i32
    %mul3A_74 = arith.muli %arg1, %mul3A_73 : i32
    %mul3A_75 = arith.constant 640 : i32
    %mul3A_76 = arith.muli %arg1, %mul3A_75 : i32
    "tpu.region"() ({
      %run_scoped3A_77 = tpu.sem_alloc : memref<!tpu.dma_semaphore, #tpu.memory_space<semaphore_mem>>
      %dma_start3A_78 = arith.constant 0 : i32
      %dma_start3A_79 = tpu.memref_slice %arg5[%arg0, %mul3A_76, %dma_start3A_78] : memref<2x10240x128xf32, #tpu.memory_space<hbm>> -> memref<1x640x128xf32, #tpu.memory_space<hbm>>
      %dma_start3A_80 = tpu.memref_squeeze %dma_start3A_79 : memref<1x640x128xf32, #tpu.memory_space<hbm>> -> memref<640x128xf32, #tpu.memory_space<hbm>>
      %dma_start3A_81 = arith.constant 0 : i32
      %dma_start3A_82 = tpu.memref_slice %arg6[%mul3A_74, %dma_start3A_81] : memref<10240x128xf32, #tpu.memory_space<vmem_shared>> -> memref<640x128xf32, #tpu.memory_space<vmem_shared>>
      tpu.enqueue_dma source(%dma_start3A_82 : memref<640x128xf32, #tpu.memory_space<vmem_shared>>) target(%dma_start3A_80 : memref<640x128xf32, #tpu.memory_space<hbm>>) target_semaphore(%run_scoped3A_77 : memref<!tpu.dma_semaphore, #tpu.memory_space<semaphore_mem>>)
      %dma_wait3A = arith.constant 0 : i32
      %dma_wait3A_83 = tpu.memref_slice %arg5[%arg0, %mul3A_76, %dma_wait3A] : memref<2x10240x128xf32, #tpu.memory_space<hbm>> -> memref<1x640x128xf32, #tpu.memory_space<hbm>>
      %dma_wait3A_84 = tpu.memref_squeeze %dma_wait3A_83 : memref<1x640x128xf32, #tpu.memory_space<hbm>> -> memref<640x128xf32, #tpu.memory_space<hbm>>
      %dma_wait3A_85 = arith.constant 0 : i32
      %dma_wait3A_86 = tpu.memref_slice %arg6[%mul3A_74, %dma_wait3A_85] : memref<10240x128xf32, #tpu.memory_space<vmem_shared>> -> memref<640x128xf32, #tpu.memory_space<vmem_shared>>
      tpu.wait_dma2 semaphore(%run_scoped3A_77 : memref<!tpu.dma_semaphore, #tpu.memory_space<semaphore_mem>>) src(%dma_wait3A_86 : memref<640x128xf32, #tpu.memory_space<vmem_shared>>) dst(%dma_wait3A_84 : memref<640x128xf32, #tpu.memory_space<hbm>>)
      tpu.yield
    }) : () -> ()
    return
  }
}

module attributes {stable_mosaic.version = 14 : i64} {
  func.func @_mm_body(%arg0: i32, %arg1: memref<1000x128xf32, #tpu.memory_space<vmem>>, %arg2: memref<128x128xf32, #tpu.memory_space<vmem>>, %arg3: memref<1000x128xf32, #tpu.memory_space<vmem>>) attributes {dimension_semantics = [#tpu.dimension_semantics<arbitrary>], iteration_bounds = array<i64: 10>, scalar_prefetch = 0 : i64, scratch_operands = 0 : i64, tpu.core_type = #tpu.core_type<tc>, window_params = [{transform_indices = @transform_0, window_bounds = array<i64: 1000, 128>}, {pipeline_mode = #tpu.pipeline_mode<synchronous>, transform_indices = @transform_1, window_bounds = array<i64: 128, 128>}, {transform_indices = @transform_2, window_bounds = array<i64: 1000, 128>}]} {
    %get3A = arith.constant 0 : index
    %get3A_0 = arith.constant 0 : index
    %get3A_1 = vector.load %arg1[%get3A, %get3A_0] : memref<1000x128xf32, #tpu.memory_space<vmem>>, vector<1000x128xf32>
    %get3A_2 = arith.constant 0 : index
    %get3A_3 = arith.constant 0 : index
    %get3A_4 = vector.load %arg2[%get3A_2, %get3A_3] : memref<128x128xf32, #tpu.memory_space<vmem>>, vector<128x128xf32>
    %dot_general3A = arith.constant dense<0.000000e+00> : vector<1000x128xf32>
    %dot_general3A_5 = tpu.matmul %get3A_1, %get3A_4, %dot_general3A {dimension_numbers = #tpu.dot_dimension_numbers<[1], [0], [0], [1], [0, 0, 1, 1], [], []>, transpose_lhs_hint = false} : vector<1000x128xf32>, vector<128x128xf32>, vector<1000x128xf32> -> vector<1000x128xf32>
    %swap3A = arith.constant 0 : index
    %swap3A_6 = arith.constant 0 : index
    %swap3A_7 = vector.load %arg3[%swap3A, %swap3A_6] : memref<1000x128xf32, #tpu.memory_space<vmem>>, vector<1000x128xf32>
    tpu.vector_store %arg3[%swap3A, %swap3A_6], %dot_general3A_5 {strides = array<i32>} : memref<1000x128xf32, #tpu.memory_space<vmem>>, vector<1000x128xf32>,
    return
  }
  func.func @transform_0(%arg0: i32) -> (i32, i32) {
    %c0_i32 = arith.constant 0 : i32
    %c0_i32_0 = arith.constant 0 : i32
    return %arg0, %c0_i32 : i32, i32
  }
  func.func @transform_1(%arg0: i32) -> (i32, i32) {
    %c0_i32 = arith.constant 0 : i32
    %c0_i32_0 = arith.constant 0 : i32
    %c0_i32_1 = arith.constant 0 : i32
    return %c0_i32, %c0_i32_0 : i32, i32
  }
  func.func @transform_2(%arg0: i32) -> (i32, i32) {
    %c0_i32 = arith.constant 0 : i32
    %c0_i32_0 = arith.constant 0 : i32
    return %arg0, %c0_i32 : i32, i32
  }
}

module attributes {stable_mosaic.version = 14 : i64} {
  func.func @_pre_body(%arg0: i32, %arg1: memref<1000x128xf32, #tpu.memory_space<vmem>>, %arg2: memref<2x1000x128xf32, #tpu.memory_space<vmem>>, %arg3: memref<1000x128xf32, #tpu.memory_space<vmem>>, %arg4: memref<1000x8xf32, #tpu.memory_space<vmem>>) attributes {dimension_semantics = [#tpu.dimension_semantics<arbitrary>], iteration_bounds = array<i64: 10>, scalar_prefetch = 0 : i64, scratch_operands = 0 : i64, tpu.core_type = #tpu.core_type<tc>, window_params = [{transform_indices = @transform_0, window_bounds = array<i64: 1000, 128>}, {transform_indices = @transform_1, window_bounds = array<i64: 2, 1000, 128>}, {transform_indices = @transform_2, window_bounds = array<i64: 1000, 128>}, {transform_indices = @transform_3, window_bounds = array<i64: 1000, 8>}]} {
    %get3A = arith.constant 0 : index
    %get3A_0 = arith.constant 0 : index
    %get3A_1 = arith.constant 0 : index
    %get3A_2 = vector.load %arg2[%get3A, %get3A_0, %get3A_1] : memref<2x1000x128xf32, #tpu.memory_space<vmem>>, vector<1x1000x1xf32>
    %get3A_3 = vector.shape_cast %get3A_2 : vector<1x1000x1xf32> to vector<1000x1xf32>
    %get3A_4 = arith.constant 1 : index
    %get3A_5 = arith.constant 0 : index
    %get3A_6 = arith.constant 0 : index
    %get3A_7 = vector.load %arg2[%get3A_4, %get3A_5, %get3A_6] : memref<2x1000x128xf32, #tpu.memory_space<vmem>>, vector<1x1000x1xf32>
    %get3A_8 = vector.shape_cast %get3A_7 : vector<1x1000x1xf32> to vector<1000x1xf32>
    %add3A = arith.addf %get3A_3, %get3A_8 : vector<1000x1xf32>
    %add3A_9 = arith.constant 1.000000e+00 : f32
    %add3A_10 = vector.broadcast %add3A_9 : f32 to vector<1000x1xf32>
    %add3A_11 = arith.addf %add3A, %add3A_10 : vector<1000x1xf32>
    %rsqrt3A = math.rsqrt %add3A_11 : vector<1000x1xf32>
    %get3A_12 = arith.constant 0 : index
    %get3A_13 = arith.constant 0 : index
    %get3A_14 = vector.load %arg1[%get3A_12, %get3A_13] : memref<1000x128xf32, #tpu.memory_space<vmem>>, vector<1000x128xf32>
    %mul3A = vector.broadcast %rsqrt3A : vector<1000x1xf32> to vector<1000x128xf32>
    %mul3A_15 = arith.mulf %get3A_14, %mul3A : vector<1000x128xf32>
    %swap3A = arith.constant 0 : index
    %swap3A_16 = arith.constant 0 : index
    %swap3A_17 = vector.load %arg3[%swap3A, %swap3A_16] : memref<1000x128xf32, #tpu.memory_space<vmem>>, vector<1000x128xf32>
    tpu.vector_store %arg3[%swap3A, %swap3A_16], %mul3A_15 {strides = array<i32>} : memref<1000x128xf32, #tpu.memory_space<vmem>>, vector<1000x128xf32>,
    %broadcast_in_dim3A = vector.shape_cast %rsqrt3A : vector<1000x1xf32> to vector<1000x1xf32>
    %broadcast_in_dim3A_18 = vector.broadcast %broadcast_in_dim3A : vector<1000x1xf32> to vector<1000x8xf32>
    %swap3A_19 = arith.constant 0 : index
    %swap3A_20 = arith.constant 0 : index
    %swap3A_21 = vector.load %arg4[%swap3A_19, %swap3A_20] : memref<1000x8xf32, #tpu.memory_space<vmem>>, vector<1000x8xf32>
    tpu.vector_store %arg4[%swap3A_19, %swap3A_20], %broadcast_in_dim3A_18 {strides = array<i32>} : memref<1000x8xf32, #tpu.memory_space<vmem>>, vector<1000x8xf32>,
    return
  }
  func.func @transform_0(%arg0: i32) -> (i32, i32) {
    %c0_i32 = arith.constant 0 : i32
    %c0_i32_0 = arith.constant 0 : i32
    return %arg0, %c0_i32 : i32, i32
  }
  func.func @transform_1(%arg0: i32) -> (i32, i32, i32) {
    %c0_i32 = arith.constant 0 : i32
    %c0_i32_0 = arith.constant 0 : i32
    %c0_i32_1 = arith.constant 0 : i32
    return %c0_i32, %arg0, %c0_i32_0 : i32, i32, i32
  }
  func.func @transform_2(%arg0: i32) -> (i32, i32) {
    %c0_i32 = arith.constant 0 : i32
    %c0_i32_0 = arith.constant 0 : i32
    return %arg0, %c0_i32 : i32, i32
  }
  func.func @transform_3(%arg0: i32) -> (i32, i32) {
    %c0_i32 = arith.constant 0 : i32
    %c0_i32_0 = arith.constant 0 : i32
    return %arg0, %c0_i32 : i32, i32
  }
}

module attributes {stable_mosaic.version = 14 : i64} {
  func.func @_mid_body(%arg0: i32, %arg1: memref<2x1000x128xf32, #tpu.memory_space<vmem>>, %arg2: memref<1000x128xf32, #tpu.memory_space<vmem>>, %arg3: memref<1000x8xf32, #tpu.memory_space<vmem>>, %arg4: memref<1x128xf32, #tpu.memory_space<vmem>>, %arg5: memref<1x128xf32, #tpu.memory_space<vmem>>, %arg6: memref<1x128xf32, #tpu.memory_space<vmem>>, %arg7: memref<128x128xf32, #tpu.memory_space<vmem>>, %arg8: memref<1000x128xf32, #tpu.memory_space<vmem>>, %arg9: memref<1000x128xf32, #tpu.memory_space<vmem>>) attributes {dimension_semantics = [#tpu.dimension_semantics<arbitrary>], iteration_bounds = array<i64: 10>, scalar_prefetch = 0 : i64, scratch_operands = 0 : i64, tpu.core_type = #tpu.core_type<tc>, window_params = [{transform_indices = @transform_0, window_bounds = array<i64: 2, 1000, 128>}, {transform_indices = @transform_1, window_bounds = array<i64: 1000, 128>}, {transform_indices = @transform_2, window_bounds = array<i64: 1000, 8>}, {pipeline_mode = #tpu.pipeline_mode<synchronous>, transform_indices = @transform_3, window_bounds = array<i64: 1, 128>}, {pipeline_mode = #tpu.pipeline_mode<synchronous>, transform_indices = @transform_4, window_bounds = array<i64: 1, 128>}, {pipeline_mode = #tpu.pipeline_mode<synchronous>, transform_indices = @transform_5, window_bounds = array<i64: 1, 128>}, {pipeline_mode = #tpu.pipeline_mode<synchronous>, transform_indices = @transform_6, window_bounds = array<i64: 128, 128>}, {transform_indices = @transform_7, window_bounds = array<i64: 1000, 128>}, {transform_indices = @transform_8, window_bounds = array<i64: 1000, 128>}]} {
    %get3A = arith.constant 0 : index
    %get3A_0 = arith.constant 0 : index
    %get3A_1 = vector.load %arg3[%get3A, %get3A_0] : memref<1000x8xf32, #tpu.memory_space<vmem>>, vector<1000x1xf32>
    %get3A_2 = arith.constant 0 : index
    %get3A_3 = arith.constant 0 : index
    %get3A_4 = arith.constant 0 : index
    %get3A_5 = vector.load %arg1[%get3A_2, %get3A_3, %get3A_4] : memref<2x1000x128xf32, #tpu.memory_space<vmem>>, vector<1x1000x128xf32>
    %get3A_6 = vector.shape_cast %get3A_5 : vector<1x1000x128xf32> to vector<1000x128xf32>
    %get3A_7 = arith.constant 1 : index
    %get3A_8 = arith.constant 0 : index
    %get3A_9 = arith.constant 0 : index
    %get3A_10 = vector.load %arg1[%get3A_7, %get3A_8, %get3A_9] : memref<2x1000x128xf32, #tpu.memory_space<vmem>>, vector<1x1000x128xf32>
    %get3A_11 = vector.shape_cast %get3A_10 : vector<1x1000x128xf32> to vector<1000x128xf32>
    %add3A = arith.addf %get3A_6, %get3A_11 : vector<1000x128xf32>
    %mul3A = vector.broadcast %get3A_1 : vector<1000x1xf32> to vector<1000x128xf32>
    %mul3A_12 = arith.mulf %mul3A, %add3A : vector<1000x128xf32>
    %mul3A_13 = arith.mulf %get3A_1, %get3A_1 : vector<1000x1xf32>
    %get3A_14 = arith.constant 0 : index
    %get3A_15 = arith.constant 0 : index
    %get3A_16 = vector.load %arg2[%get3A_14, %get3A_15] : memref<1000x128xf32, #tpu.memory_space<vmem>>, vector<1000x128xf32>
    %mul3A_17 = vector.broadcast %mul3A_13 : vector<1000x1xf32> to vector<1000x128xf32>
    %mul3A_18 = arith.mulf %mul3A_17, %get3A_16 : vector<1000x128xf32>
    %add3A_19 = arith.addf %mul3A_12, %mul3A_18 : vector<1000x128xf32>
    %get3A_20 = arith.constant 0 : index
    %get3A_21 = arith.constant 0 : index
    %get3A_22 = vector.load %arg4[%get3A_20, %get3A_21] : memref<1x128xf32, #tpu.memory_space<vmem>>, vector<1x128xf32>
    %add3A_23 = vector.broadcast %get3A_22 : vector<1x128xf32> to vector<1000x128xf32>
    %add3A_24 = arith.addf %add3A_19, %add3A_23 : vector<1000x128xf32>
    %reduce_sum3A = arith.constant dense<0.000000e+00> : vector<1000xf32>
    %reduce_sum3A_25 = vector.multi_reduction <add>, %add3A_24, %reduce_sum3A [1] : vector<1000x128xf32> to vector<1000xf32>
    %broadcast_in_dim3A = vector.shape_cast %reduce_sum3A_25 : vector<1000xf32> to vector<1000x1xf32>
    %div3A = arith.constant 1.280000e+02 : f32
    %div3A_26 = vector.broadcast %div3A : f32 to vector<1000x1xf32>
    %div3A_27 = arith.divf %broadcast_in_dim3A, %div3A_26 : vector<1000x1xf32>
    %sub3A = vector.broadcast %div3A_27 : vector<1000x1xf32> to vector<1000x128xf32>
    %sub3A_28 = arith.subf %add3A_24, %sub3A : vector<1000x128xf32>
    %mul3A_29 = arith.mulf %sub3A_28, %sub3A_28 : vector<1000x128xf32>
    %reduce_sum3A_30 = arith.constant dense<0.000000e+00> : vector<1000xf32>
    %reduce_sum3A_31 = vector.multi_reduction <add>, %mul3A_29, %reduce_sum3A_30 [1] : vector<1000x128xf32> to vector<1000xf32>
    %broadcast_in_dim3A_32 = vector.shape_cast %reduce_sum3A_31 : vector<1000xf32> to vector<1000x1xf32>
    %div3A_33 = arith.constant 1.280000e+02 : f32
    %div3A_34 = vector.broadcast %div3A_33 : f32 to vector<1000x1xf32>
    %div3A_35 = arith.divf %broadcast_in_dim3A_32, %div3A_34 : vector<1000x1xf32>
    %add3A_36 = arith.constant 9.99999974E-6 : f32
    %add3A_37 = vector.broadcast %add3A_36 : f32 to vector<1000x1xf32>
    %add3A_38 = arith.addf %div3A_35, %add3A_37 : vector<1000x1xf32>
    %rsqrt3A = math.rsqrt %add3A_38 : vector<1000x1xf32>
    %mul3A_39 = vector.broadcast %rsqrt3A : vector<1000x1xf32> to vector<1000x128xf32>
    %mul3A_40 = arith.mulf %sub3A_28, %mul3A_39 : vector<1000x128xf32>
    %get3A_41 = arith.constant 0 : index
    %get3A_42 = arith.constant 0 : index
    %get3A_43 = vector.load %arg5[%get3A_41, %get3A_42] : memref<1x128xf32, #tpu.memory_space<vmem>>, vector<1x128xf32>
    %mul3A_44 = vector.broadcast %get3A_43 : vector<1x128xf32> to vector<1000x128xf32>
    %mul3A_45 = arith.mulf %mul3A_40, %mul3A_44 : vector<1000x128xf32>
    %get3A_46 = arith.constant 0 : index
    %get3A_47 = arith.constant 0 : index
    %get3A_48 = vector.load %arg6[%get3A_46, %get3A_47] : memref<1x128xf32, #tpu.memory_space<vmem>>, vector<1x128xf32>
    %add3A_49 = vector.broadcast %get3A_48 : vector<1x128xf32> to vector<1000x128xf32>
    %add3A_50 = arith.addf %mul3A_45, %add3A_49 : vector<1000x128xf32>
    %max3A = arith.constant 0.000000e+00 : f32
    %max3A_51 = vector.broadcast %max3A : f32 to vector<1000x128xf32>
    %max3A_52 = arith.maximumf %add3A_50, %max3A_51 : vector<1000x128xf32>
    %get3A_53 = arith.constant 0 : index
    %get3A_54 = arith.constant 0 : index
    %get3A_55 = vector.load %arg7[%get3A_53, %get3A_54] : memref<128x128xf32, #tpu.memory_space<vmem>>, vector<128x128xf32>
    %dot_general3A = arith.constant dense<0.000000e+00> : vector<1000x128xf32>
    %dot_general3A_56 = tpu.matmul %max3A_52, %get3A_55, %dot_general3A {dimension_numbers = #tpu.dot_dimension_numbers<[1], [0], [0], [1], [0, 0, 1, 1], [], []>, transpose_lhs_hint = false} : vector<1000x128xf32>, vector<128x128xf32>, vector<1000x128xf32> -> vector<1000x128xf32>
    %swap3A = arith.constant 0 : index
    %swap3A_57 = arith.constant 0 : index
    %swap3A_58 = vector.load %arg8[%swap3A, %swap3A_57] : memref<1000x128xf32, #tpu.memory_space<vmem>>, vector<1000x128xf32>
    tpu.vector_store %arg8[%swap3A, %swap3A_57], %dot_general3A_56 {strides = array<i32>} : memref<1000x128xf32, #tpu.memory_space<vmem>>, vector<1000x128xf32>,
    %mul3A_59 = vector.broadcast %get3A_1 : vector<1000x1xf32> to vector<1000x128xf32>
    %mul3A_60 = arith.mulf %dot_general3A_56, %mul3A_59 : vector<1000x128xf32>
    %swap3A_61 = arith.constant 0 : index
    %swap3A_62 = arith.constant 0 : index
    %swap3A_63 = vector.load %arg9[%swap3A_61, %swap3A_62] : memref<1000x128xf32, #tpu.memory_space<vmem>>, vector<1000x128xf32>
    tpu.vector_store %arg9[%swap3A_61, %swap3A_62], %mul3A_60 {strides = array<i32>} : memref<1000x128xf32, #tpu.memory_space<vmem>>, vector<1000x128xf32>,
    return
  }
  func.func @transform_0(%arg0: i32) -> (i32, i32, i32) {
    %c0_i32 = arith.constant 0 : i32
    %c0_i32_0 = arith.constant 0 : i32
    %c0_i32_1 = arith.constant 0 : i32
    return %c0_i32, %arg0, %c0_i32_0 : i32, i32, i32
  }
  func.func @transform_1(%arg0: i32) -> (i32, i32) {
    %c0_i32 = arith.constant 0 : i32
    %c0_i32_0 = arith.constant 0 : i32
    return %arg0, %c0_i32 : i32, i32
  }
  func.func @transform_2(%arg0: i32) -> (i32, i32) {
    %c0_i32 = arith.constant 0 : i32
    %c0_i32_0 = arith.constant 0 : i32
    return %arg0, %c0_i32 : i32, i32
  }
  func.func @transform_3(%arg0: i32) -> (i32, i32) {
    %c0_i32 = arith.constant 0 : i32
    %c0_i32_0 = arith.constant 0 : i32
    %c0_i32_1 = arith.constant 0 : i32
    return %c0_i32, %c0_i32_0 : i32, i32
  }
  func.func @transform_4(%arg0: i32) -> (i32, i32) {
    %c0_i32 = arith.constant 0 : i32
    %c0_i32_0 = arith.constant 0 : i32
    %c0_i32_1 = arith.constant 0 : i32
    return %c0_i32, %c0_i32_0 : i32, i32
  }
  func.func @transform_5(%arg0: i32) -> (i32, i32) {
    %c0_i32 = arith.constant 0 : i32
    %c0_i32_0 = arith.constant 0 : i32
    %c0_i32_1 = arith.constant 0 : i32
    return %c0_i32, %c0_i32_0 : i32, i32
  }
  func.func @transform_6(%arg0: i32) -> (i32, i32) {
    %c0_i32 = arith.constant 0 : i32
    %c0_i32_0 = arith.constant 0 : i32
    %c0_i32_1 = arith.constant 0 : i32
    return %c0_i32, %c0_i32_0 : i32, i32
  }
  func.func @transform_7(%arg0: i32) -> (i32, i32) {
    %c0_i32 = arith.constant 0 : i32
    %c0_i32_0 = arith.constant 0 : i32
    return %arg0, %c0_i32 : i32, i32
  }
  func.func @transform_8(%arg0: i32) -> (i32, i32) {
    %c0_i32 = arith.constant 0 : i32
    %c0_i32_0 = arith.constant 0 : i32
    return %arg0, %c0_i32 : i32, i32
  }
}

module attributes {stable_mosaic.version = 14 : i64} {
  func.func @_fin_body(%arg0: i32, %arg1: memref<2x1000x128xf32, #tpu.memory_space<vmem>>, %arg2: memref<1000x128xf32, #tpu.memory_space<vmem>>, %arg3: memref<1000x8xf32, #tpu.memory_space<vmem>>, %arg4: memref<1x128xf32, #tpu.memory_space<vmem>>, %arg5: memref<1x128xf32, #tpu.memory_space<vmem>>, %arg6: memref<1x128xf32, #tpu.memory_space<vmem>>, %arg7: memref<1x1x1000xi32, #tpu.memory_space<vmem>>, %arg8: memref<256x128xf32, #tpu.memory_space<vmem>>, %arg9: memref<1x128xf32, #tpu.memory_space<vmem>>, %arg10: memref<128x256xf32, #tpu.memory_space<vmem>>, %arg11: memref<1x256xf32, #tpu.memory_space<vmem>>, %arg12: memref<256x128xf32, #tpu.memory_space<vmem>>, %arg13: memref<1x128xf32, #tpu.memory_space<vmem>>, %arg14: memref<128x128xf32, #tpu.memory_space<vmem>>, %arg15: memref<1x128xf32, #tpu.memory_space<vmem>>, %arg16: memref<16x256xf32, #tpu.memory_space<vmem>>, %arg17: memref<16x128xf32, #tpu.memory_space<vmem>>, %arg18: memref<16x128xf32, #tpu.memory_space<vmem>>, %arg19: memref<16x128xf32, #tpu.memory_space<vmem>>, %arg20: memref<16x128xf32, #tpu.memory_space<vmem>>) attributes {dimension_semantics = [#tpu.dimension_semantics<arbitrary>], iteration_bounds = array<i64: 10>, scalar_prefetch = 0 : i64, scratch_operands = 3 : i64, tpu.core_type = #tpu.core_type<tc>, window_params = [{transform_indices = @transform_0, window_bounds = array<i64: 2, 1000, 128>}, {transform_indices = @transform_1, window_bounds = array<i64: 1000, 128>}, {transform_indices = @transform_2, window_bounds = array<i64: 1000, 8>}, {pipeline_mode = #tpu.pipeline_mode<synchronous>, transform_indices = @transform_3, window_bounds = array<i64: 1, 128>}, {pipeline_mode = #tpu.pipeline_mode<synchronous>, transform_indices = @transform_4, window_bounds = array<i64: 1, 128>}, {pipeline_mode = #tpu.pipeline_mode<synchronous>, transform_indices = @transform_5, window_bounds = array<i64: 1, 128>}, {transform_indices = @transform_6, window_bounds = array<i64: 1, 1, 1000>}, {pipeline_mode = #tpu.pipeline_mode<synchronous>, transform_indices = @transform_7, window_bounds = array<i64: 256, 128>}, {pipeline_mode = #tpu.pipeline_mode<synchronous>, transform_indices = @transform_8, window_bounds = array<i64: 1, 128>}, {pipeline_mode = #tpu.pipeline_mode<synchronous>, transform_indices = @transform_9, window_bounds = array<i64: 128, 256>}, {pipeline_mode = #tpu.pipeline_mode<synchronous>, transform_indices = @transform_10, window_bounds = array<i64: 1, 256>}, {pipeline_mode = #tpu.pipeline_mode<synchronous>, transform_indices = @transform_11, window_bounds = array<i64: 256, 128>}, {pipeline_mode = #tpu.pipeline_mode<synchronous>, transform_indices = @transform_12, window_bounds = array<i64: 1, 128>}, {pipeline_mode = #tpu.pipeline_mode<synchronous>, transform_indices = @transform_13, window_bounds = array<i64: 128, 128>}, {pipeline_mode = #tpu.pipeline_mode<synchronous>, transform_indices = @transform_14, window_bounds = array<i64: 1, 128>}, {pipeline_mode = #tpu.pipeline_mode<synchronous>, transform_indices = @transform_15, window_bounds = array<i64: 16, 256>}, {pipeline_mode = #tpu.pipeline_mode<synchronous>, transform_indices = @transform_16, window_bounds = array<i64: 16, 128>}]} {
    %get3A = arith.constant 0 : index
    %get3A_0 = arith.constant 0 : index
    %get3A_1 = vector.load %arg3[%get3A, %get3A_0] : memref<1000x8xf32, #tpu.memory_space<vmem>>, vector<1000x1xf32>
    %get3A_2 = arith.constant 0 : index
    %get3A_3 = arith.constant 0 : index
    %get3A_4 = arith.constant 0 : index
    %get3A_5 = vector.load %arg1[%get3A_2, %get3A_3, %get3A_4] : memref<2x1000x128xf32, #tpu.memory_space<vmem>>, vector<1x1000x128xf32>
    %get3A_6 = vector.shape_cast %get3A_5 : vector<1x1000x128xf32> to vector<1000x128xf32>
    %get3A_7 = arith.constant 1 : index
    %get3A_8 = arith.constant 0 : index
    %get3A_9 = arith.constant 0 : index
    %get3A_10 = vector.load %arg1[%get3A_7, %get3A_8, %get3A_9] : memref<2x1000x128xf32, #tpu.memory_space<vmem>>, vector<1x1000x128xf32>
    %get3A_11 = vector.shape_cast %get3A_10 : vector<1x1000x128xf32> to vector<1000x128xf32>
    %add3A = arith.addf %get3A_6, %get3A_11 : vector<1000x128xf32>
    %mul3A = vector.broadcast %get3A_1 : vector<1000x1xf32> to vector<1000x128xf32>
    %mul3A_12 = arith.mulf %mul3A, %add3A : vector<1000x128xf32>
    %mul3A_13 = arith.mulf %get3A_1, %get3A_1 : vector<1000x1xf32>
    %get3A_14 = arith.constant 0 : index
    %get3A_15 = arith.constant 0 : index
    %get3A_16 = vector.load %arg2[%get3A_14, %get3A_15] : memref<1000x128xf32, #tpu.memory_space<vmem>>, vector<1000x128xf32>
    %mul3A_17 = vector.broadcast %mul3A_13 : vector<1000x1xf32> to vector<1000x128xf32>
    %mul3A_18 = arith.mulf %mul3A_17, %get3A_16 : vector<1000x128xf32>
    %add3A_19 = arith.addf %mul3A_12, %mul3A_18 : vector<1000x128xf32>
    %get3A_20 = arith.constant 0 : index
    %get3A_21 = arith.constant 0 : index
    %get3A_22 = vector.load %arg4[%get3A_20, %get3A_21] : memref<1x128xf32, #tpu.memory_space<vmem>>, vector<1x128xf32>
    %add3A_23 = vector.broadcast %get3A_22 : vector<1x128xf32> to vector<1000x128xf32>
    %add3A_24 = arith.addf %add3A_19, %add3A_23 : vector<1000x128xf32>
    %reduce_sum3A = arith.constant dense<0.000000e+00> : vector<1000xf32>
    %reduce_sum3A_25 = vector.multi_reduction <add>, %add3A_24, %reduce_sum3A [1] : vector<1000x128xf32> to vector<1000xf32>
    %broadcast_in_dim3A = vector.shape_cast %reduce_sum3A_25 : vector<1000xf32> to vector<1000x1xf32>
    %div3A = arith.constant 1.280000e+02 : f32
    %div3A_26 = vector.broadcast %div3A : f32 to vector<1000x1xf32>
    %div3A_27 = arith.divf %broadcast_in_dim3A, %div3A_26 : vector<1000x1xf32>
    %sub3A = vector.broadcast %div3A_27 : vector<1000x1xf32> to vector<1000x128xf32>
    %sub3A_28 = arith.subf %add3A_24, %sub3A : vector<1000x128xf32>
    %mul3A_29 = arith.mulf %sub3A_28, %sub3A_28 : vector<1000x128xf32>
    %reduce_sum3A_30 = arith.constant dense<0.000000e+00> : vector<1000xf32>
    %reduce_sum3A_31 = vector.multi_reduction <add>, %mul3A_29, %reduce_sum3A_30 [1] : vector<1000x128xf32> to vector<1000xf32>
    %broadcast_in_dim3A_32 = vector.shape_cast %reduce_sum3A_31 : vector<1000xf32> to vector<1000x1xf32>
    %div3A_33 = arith.constant 1.280000e+02 : f32
    %div3A_34 = vector.broadcast %div3A_33 : f32 to vector<1000x1xf32>
    %div3A_35 = arith.divf %broadcast_in_dim3A_32, %div3A_34 : vector<1000x1xf32>
    %add3A_36 = arith.constant 9.99999974E-6 : f32
    %add3A_37 = vector.broadcast %add3A_36 : f32 to vector<1000x1xf32>
    %add3A_38 = arith.addf %div3A_35, %add3A_37 : vector<1000x1xf32>
    %rsqrt3A = math.rsqrt %add3A_38 : vector<1000x1xf32>
    %mul3A_39 = vector.broadcast %rsqrt3A : vector<1000x1xf32> to vector<1000x128xf32>
    %mul3A_40 = arith.mulf %sub3A_28, %mul3A_39 : vector<1000x128xf32>
    %get3A_41 = arith.constant 0 : index
    %get3A_42 = arith.constant 0 : index
    %get3A_43 = vector.load %arg5[%get3A_41, %get3A_42] : memref<1x128xf32, #tpu.memory_space<vmem>>, vector<1x128xf32>
    %mul3A_44 = vector.broadcast %get3A_43 : vector<1x128xf32> to vector<1000x128xf32>
    %mul3A_45 = arith.mulf %mul3A_40, %mul3A_44 : vector<1000x128xf32>
    %get3A_46 = arith.constant 0 : index
    %get3A_47 = arith.constant 0 : index
    %get3A_48 = vector.load %arg6[%get3A_46, %get3A_47] : memref<1x128xf32, #tpu.memory_space<vmem>>, vector<1x128xf32>
    %add3A_49 = vector.broadcast %get3A_48 : vector<1x128xf32> to vector<1000x128xf32>
    %add3A_50 = arith.addf %mul3A_45, %add3A_49 : vector<1000x128xf32>
    %max3A = arith.constant 0.000000e+00 : f32
    %max3A_51 = vector.broadcast %max3A : f32 to vector<1000x128xf32>
    %max3A_52 = arith.maximumf %add3A_50, %max3A_51 : vector<1000x128xf32>
    %eq3A = arith.constant 0 : i32
    %eq3A_53 = arith.cmpi eq, %arg0, %eq3A : i32
    %convert_element_type3A = arith.extui %eq3A_53 : i1 to i32
    %cond3A = arith.constant 0 : i32
    %cond3A_54 = arith.cmpi ne, %convert_element_type3A, %cond3A : i32
    scf.if %cond3A_54 {
      %broadcast_in_dim3A_189 = arith.constant 0.000000e+00 : f32
      %broadcast_in_dim3A_190 = vector.broadcast %broadcast_in_dim3A_189 : f32 to vector<16x128xf32>
      %swap3A_191 = arith.constant 0 : index
      %swap3A_192 = arith.constant 0 : index
      %swap3A_193 = vector.load %arg18[%swap3A_191, %swap3A_192] : memref<16x128xf32, #tpu.memory_space<vmem>>, vector<16x128xf32>
      tpu.vector_store %arg18[%swap3A_191, %swap3A_192], %broadcast_in_dim3A_190 {strides = array<i32>} : memref<16x128xf32, #tpu.memory_space<vmem>>, vector<16x128xf32>,
      %broadcast_in_dim3A_194 = arith.constant -1.000000e+30 : f32
      %broadcast_in_dim3A_195 = vector.broadcast %broadcast_in_dim3A_194 : f32 to vector<16x128xf32>
      %swap3A_196 = arith.constant 0 : index
      %swap3A_197 = arith.constant 0 : index
      %swap3A_198 = vector.load %arg19[%swap3A_196, %swap3A_197] : memref<16x128xf32, #tpu.memory_space<vmem>>, vector<16x128xf32>
      tpu.vector_store %arg19[%swap3A_196, %swap3A_197], %broadcast_in_dim3A_195 {strides = array<i32>} : memref<16x128xf32, #tpu.memory_space<vmem>>, vector<16x128xf32>,
      %broadcast_in_dim3A_199 = arith.constant 0.000000e+00 : f32
      %broadcast_in_dim3A_200 = vector.broadcast %broadcast_in_dim3A_199 : f32 to vector<16x128xf32>
      %swap3A_201 = arith.constant 0 : index
      %swap3A_202 = arith.constant 0 : index
      %swap3A_203 = vector.load %arg20[%swap3A_201, %swap3A_202] : memref<16x128xf32, #tpu.memory_space<vmem>>, vector<16x128xf32>
      tpu.vector_store %arg20[%swap3A_201, %swap3A_202], %broadcast_in_dim3A_200 {strides = array<i32>} : memref<16x128xf32, #tpu.memory_space<vmem>>, vector<16x128xf32>,
    } else {
    }
    %get3A_55 = arith.constant 0 : index
    %get3A_56 = arith.constant 0 : index
    %get3A_57 = arith.constant 0 : index
    %get3A_58 = vector.load %arg7[%get3A_55, %get3A_56, %get3A_57] : memref<1x1x1000xi32, #tpu.memory_space<vmem>>, vector<1x1x1000xi32>
    %get3A_59 = vector.shape_cast %get3A_58 : vector<1x1x1000xi32> to vector<1000xi32>
    %broadcast_in_dim3A_60 = vector.shape_cast %get3A_59 : vector<1000xi32> to vector<1000x1xi32>
    %iota3A = tpu.iota {dimensions = array<i32: 1>} : vector<1000x16xi32>
    %eq3A_61 = vector.broadcast %broadcast_in_dim3A_60 : vector<1000x1xi32> to vector<1000x16xi32>
    %eq3A_62 = arith.cmpi eq, %eq3A_61, %iota3A : vector<1000x16xi32>
    %convert_element_type3A_63 = arith.extui %eq3A_62 : vector<1000x16xi1> to vector<1000x16xi32>
    %convert_element_type3A_64 = arith.sitofp %convert_element_type3A_63 : vector<1000x16xi32> to vector<1000x16xf32>
    %get3A_65 = arith.constant 0 : index
    %get3A_66 = arith.constant 0 : index
    %get3A_67 = vector.load %arg18[%get3A_65, %get3A_66] : memref<16x128xf32, #tpu.memory_space<vmem>>, vector<16x128xf32>
    %dot_general3A = arith.constant dense<0.000000e+00> : vector<16x128xf32>
    %dot_general3A_68 = tpu.matmul %convert_element_type3A_64, %max3A_52, %dot_general3A {dimension_numbers = #tpu.dot_dimension_numbers<[0], [0], [1], [1], [0, 1, 1, 1], [], []>, transpose_lhs_hint = false} : vector<1000x16xf32>, vector<1000x128xf32>, vector<16x128xf32> -> vector<16x128xf32>
    %add3A_69 = arith.addf %get3A_67, %dot_general3A_68 : vector<16x128xf32>
    %swap3A = arith.constant 0 : index
    %swap3A_70 = arith.constant 0 : index
    %swap3A_71 = vector.load %arg18[%swap3A, %swap3A_70] : memref<16x128xf32, #tpu.memory_space<vmem>>, vector<16x128xf32>
    tpu.vector_store %arg18[%swap3A, %swap3A_70], %add3A_69 {strides = array<i32>} : memref<16x128xf32, #tpu.memory_space<vmem>>, vector<16x128xf32>,
    %get3A_72 = arith.constant 0 : index
    %get3A_73 = arith.constant 0 : index
    %get3A_74 = vector.load %arg20[%get3A_72, %get3A_73] : memref<16x128xf32, #tpu.memory_space<vmem>>, vector<16x128xf32>
    %broadcast_in_dim3A_75 = arith.constant 1.000000e+00 : f32
    %broadcast_in_dim3A_76 = vector.broadcast %broadcast_in_dim3A_75 : f32 to vector<1000x128xf32>
    %dot_general3A_77 = arith.constant dense<0.000000e+00> : vector<16x128xf32>
    %dot_general3A_78 = tpu.matmul %convert_element_type3A_64, %broadcast_in_dim3A_76, %dot_general3A_77 {dimension_numbers = #tpu.dot_dimension_numbers<[0], [0], [1], [1], [0, 1, 1, 1], [], []>, transpose_lhs_hint = false} : vector<1000x16xf32>, vector<1000x128xf32>, vector<16x128xf32> -> vector<16x128xf32>
    %add3A_79 = arith.addf %get3A_74, %dot_general3A_78 : vector<16x128xf32>
    %swap3A_80 = arith.constant 0 : index
    %swap3A_81 = arith.constant 0 : index
    %swap3A_82 = vector.load %arg20[%swap3A_80, %swap3A_81] : memref<16x128xf32, #tpu.memory_space<vmem>>, vector<16x128xf32>
    tpu.vector_store %arg20[%swap3A_80, %swap3A_81], %add3A_79 {strides = array<i32>} : memref<16x128xf32, #tpu.memory_space<vmem>>, vector<16x128xf32>,
    %slice3A = vector.extract_strided_slice %convert_element_type3A_64 {offsets = [0, 0], sizes = [1000, 1], strides = [1, 1]} : vector<1000x16xf32> to vector<1000x1xf32>
    %mul3A_83 = vector.broadcast %slice3A : vector<1000x1xf32> to vector<1000x128xf32>
    %mul3A_84 = arith.mulf %max3A_52, %mul3A_83 : vector<1000x128xf32>
    %reduce_max3A = arith.constant dense<0xFF800000> : vector<128xf32>
    %reduce_max3A_85 = vector.multi_reduction <maximumf>, %mul3A_84, %reduce_max3A [0] : vector<1000x128xf32> to vector<128xf32>
    %broadcast_in_dim3A_86 = vector.shape_cast %reduce_max3A_85 : vector<128xf32> to vector<1x128xf32>
    %slice3A_87 = vector.extract_strided_slice %convert_element_type3A_64 {offsets = [0, 1], sizes = [1000, 1], strides = [1, 1]} : vector<1000x16xf32> to vector<1000x1xf32>
    %mul3A_88 = vector.broadcast %slice3A_87 : vector<1000x1xf32> to vector<1000x128xf32>
    %mul3A_89 = arith.mulf %max3A_52, %mul3A_88 : vector<1000x128xf32>
    %reduce_max3A_90 = arith.constant dense<0xFF800000> : vector<128xf32>
    %reduce_max3A_91 = vector.multi_reduction <maximumf>, %mul3A_89, %reduce_max3A_90 [0] : vector<1000x128xf32> to vector<128xf32>
    %broadcast_in_dim3A_92 = vector.shape_cast %reduce_max3A_91 : vector<128xf32> to vector<1x128xf32>
    %slice3A_93 = vector.extract_strided_slice %convert_element_type3A_64 {offsets = [0, 2], sizes = [1000, 1], strides = [1, 1]} : vector<1000x16xf32> to vector<1000x1xf32>
    %mul3A_94 = vector.broadcast %slice3A_93 : vector<1000x1xf32> to vector<1000x128xf32>
    %mul3A_95 = arith.mulf %max3A_52, %mul3A_94 : vector<1000x128xf32>
    %reduce_max3A_96 = arith.constant dense<0xFF800000> : vector<128xf32>
    %reduce_max3A_97 = vector.multi_reduction <maximumf>, %mul3A_95, %reduce_max3A_96 [0] : vector<1000x128xf32> to vector<128xf32>
    %broadcast_in_dim3A_98 = vector.shape_cast %reduce_max3A_97 : vector<128xf32> to vector<1x128xf32>
    %slice3A_99 = vector.extract_strided_slice %convert_element_type3A_64 {offsets = [0, 3], sizes = [1000, 1], strides = [1, 1]} : vector<1000x16xf32> to vector<1000x1xf32>
    %mul3A_100 = vector.broadcast %slice3A_99 : vector<1000x1xf32> to vector<1000x128xf32>
    %mul3A_101 = arith.mulf %max3A_52, %mul3A_100 : vector<1000x128xf32>
    %reduce_max3A_102 = arith.constant dense<0xFF800000> : vector<128xf32>
    %reduce_max3A_103 = vector.multi_reduction <maximumf>, %mul3A_101, %reduce_max3A_102 [0] : vector<1000x128xf32> to vector<128xf32>
    %broadcast_in_dim3A_104 = vector.shape_cast %reduce_max3A_103 : vector<128xf32> to vector<1x128xf32>
    %slice3A_105 = vector.extract_strided_slice %convert_element_type3A_64 {offsets = [0, 4], sizes = [1000, 1], strides = [1, 1]} : vector<1000x16xf32> to vector<1000x1xf32>
    %mul3A_106 = vector.broadcast %slice3A_105 : vector<1000x1xf32> to vector<1000x128xf32>
    %mul3A_107 = arith.mulf %max3A_52, %mul3A_106 : vector<1000x128xf32>
    %reduce_max3A_108 = arith.constant dense<0xFF800000> : vector<128xf32>
    %reduce_max3A_109 = vector.multi_reduction <maximumf>, %mul3A_107, %reduce_max3A_108 [0] : vector<1000x128xf32> to vector<128xf32>
    %broadcast_in_dim3A_110 = vector.shape_cast %reduce_max3A_109 : vector<128xf32> to vector<1x128xf32>
    %slice3A_111 = vector.extract_strided_slice %convert_element_type3A_64 {offsets = [0, 5], sizes = [1000, 1], strides = [1, 1]} : vector<1000x16xf32> to vector<1000x1xf32>
    %mul3A_112 = vector.broadcast %slice3A_111 : vector<1000x1xf32> to vector<1000x128xf32>
    %mul3A_113 = arith.mulf %max3A_52, %mul3A_112 : vector<1000x128xf32>
    %reduce_max3A_114 = arith.constant dense<0xFF800000> : vector<128xf32>
    %reduce_max3A_115 = vector.multi_reduction <maximumf>, %mul3A_113, %reduce_max3A_114 [0] : vector<1000x128xf32> to vector<128xf32>
    %broadcast_in_dim3A_116 = vector.shape_cast %reduce_max3A_115 : vector<128xf32> to vector<1x128xf32>
    %slice3A_117 = vector.extract_strided_slice %convert_element_type3A_64 {offsets = [0, 6], sizes = [1000, 1], strides = [1, 1]} : vector<1000x16xf32> to vector<1000x1xf32>
    %mul3A_118 = vector.broadcast %slice3A_117 : vector<1000x1xf32> to vector<1000x128xf32>
    %mul3A_119 = arith.mulf %max3A_52, %mul3A_118 : vector<1000x128xf32>
    %reduce_max3A_120 = arith.constant dense<0xFF800000> : vector<128xf32>
    %reduce_max3A_121 = vector.multi_reduction <maximumf>, %mul3A_119, %reduce_max3A_120 [0] : vector<1000x128xf32> to vector<128xf32>
    %broadcast_in_dim3A_122 = vector.shape_cast %reduce_max3A_121 : vector<128xf32> to vector<1x128xf32>
    %slice3A_123 = vector.extract_strided_slice %convert_element_type3A_64 {offsets = [0, 7], sizes = [1000, 1], strides = [1, 1]} : vector<1000x16xf32> to vector<1000x1xf32>
    %mul3A_124 = vector.broadcast %slice3A_123 : vector<1000x1xf32> to vector<1000x128xf32>
    %mul3A_125 = arith.mulf %max3A_52, %mul3A_124 : vector<1000x128xf32>
    %reduce_max3A_126 = arith.constant dense<0xFF800000> : vector<128xf32>
    %reduce_max3A_127 = vector.multi_reduction <maximumf>, %mul3A_125, %reduce_max3A_126 [0] : vector<1000x128xf32> to vector<128xf32>
    %broadcast_in_dim3A_128 = vector.shape_cast %reduce_max3A_127 : vector<128xf32> to vector<1x128xf32>
    %slice3A_129 = vector.extract_strided_slice %convert_element_type3A_64 {offsets = [0, 8], sizes = [1000, 1], strides = [1, 1]} : vector<1000x16xf32> to vector<1000x1xf32>
    %mul3A_130 = vector.broadcast %slice3A_129 : vector<1000x1xf32> to vector<1000x128xf32>
    %mul3A_131 = arith.mulf %max3A_52, %mul3A_130 : vector<1000x128xf32>
    %reduce_max3A_132 = arith.constant dense<0xFF800000> : vector<128xf32>
    %reduce_max3A_133 = vector.multi_reduction <maximumf>, %mul3A_131, %reduce_max3A_132 [0] : vector<1000x128xf32> to vector<128xf32>
    %broadcast_in_dim3A_134 = vector.shape_cast %reduce_max3A_133 : vector<128xf32> to vector<1x128xf32>
    %slice3A_135 = vector.extract_strided_slice %convert_element_type3A_64 {offsets = [0, 9], sizes = [1000, 1], strides = [1, 1]} : vector<1000x16xf32> to vector<1000x1xf32>
    %mul3A_136 = vector.broadcast %slice3A_135 : vector<1000x1xf32> to vector<1000x128xf32>
    %mul3A_137 = arith.mulf %max3A_52, %mul3A_136 : vector<1000x128xf32>
    %reduce_max3A_138 = arith.constant dense<0xFF800000> : vector<128xf32>
    %reduce_max3A_139 = vector.multi_reduction <maximumf>, %mul3A_137, %reduce_max3A_138 [0] : vector<1000x128xf32> to vector<128xf32>
    %broadcast_in_dim3A_140 = vector.shape_cast %reduce_max3A_139 : vector<128xf32> to vector<1x128xf32>
    %slice3A_141 = vector.extract_strided_slice %convert_element_type3A_64 {offsets = [0, 10], sizes = [1000, 1], strides = [1, 1]} : vector<1000x16xf32> to vector<1000x1xf32>
    %mul3A_142 = vector.broadcast %slice3A_141 : vector<1000x1xf32> to vector<1000x128xf32>
    %mul3A_143 = arith.mulf %max3A_52, %mul3A_142 : vector<1000x128xf32>
    %reduce_max3A_144 = arith.constant dense<0xFF800000> : vector<128xf32>
    %reduce_max3A_145 = vector.multi_reduction <maximumf>, %mul3A_143, %reduce_max3A_144 [0] : vector<1000x128xf32> to vector<128xf32>
    %broadcast_in_dim3A_146 = vector.shape_cast %reduce_max3A_145 : vector<128xf32> to vector<1x128xf32>
    %slice3A_147 = vector.extract_strided_slice %convert_element_type3A_64 {offsets = [0, 11], sizes = [1000, 1], strides = [1, 1]} : vector<1000x16xf32> to vector<1000x1xf32>
    %mul3A_148 = vector.broadcast %slice3A_147 : vector<1000x1xf32> to vector<1000x128xf32>
    %mul3A_149 = arith.mulf %max3A_52, %mul3A_148 : vector<1000x128xf32>
    %reduce_max3A_150 = arith.constant dense<0xFF800000> : vector<128xf32>
    %reduce_max3A_151 = vector.multi_reduction <maximumf>, %mul3A_149, %reduce_max3A_150 [0] : vector<1000x128xf32> to vector<128xf32>
    %broadcast_in_dim3A_152 = vector.shape_cast %reduce_max3A_151 : vector<128xf32> to vector<1x128xf32>
    %slice3A_153 = vector.extract_strided_slice %convert_element_type3A_64 {offsets = [0, 12], sizes = [1000, 1], strides = [1, 1]} : vector<1000x16xf32> to vector<1000x1xf32>
    %mul3A_154 = vector.broadcast %slice3A_153 : vector<1000x1xf32> to vector<1000x128xf32>
    %mul3A_155 = arith.mulf %max3A_52, %mul3A_154 : vector<1000x128xf32>
    %reduce_max3A_156 = arith.constant dense<0xFF800000> : vector<128xf32>
    %reduce_max3A_157 = vector.multi_reduction <maximumf>, %mul3A_155, %reduce_max3A_156 [0] : vector<1000x128xf32> to vector<128xf32>
    %broadcast_in_dim3A_158 = vector.shape_cast %reduce_max3A_157 : vector<128xf32> to vector<1x128xf32>
    %slice3A_159 = vector.extract_strided_slice %convert_element_type3A_64 {offsets = [0, 13], sizes = [1000, 1], strides = [1, 1]} : vector<1000x16xf32> to vector<1000x1xf32>
    %mul3A_160 = vector.broadcast %slice3A_159 : vector<1000x1xf32> to vector<1000x128xf32>
    %mul3A_161 = arith.mulf %max3A_52, %mul3A_160 : vector<1000x128xf32>
    %reduce_max3A_162 = arith.constant dense<0xFF800000> : vector<128xf32>
    %reduce_max3A_163 = vector.multi_reduction <maximumf>, %mul3A_161, %reduce_max3A_162 [0] : vector<1000x128xf32> to vector<128xf32>
    %broadcast_in_dim3A_164 = vector.shape_cast %reduce_max3A_163 : vector<128xf32> to vector<1x128xf32>
    %slice3A_165 = vector.extract_strided_slice %convert_element_type3A_64 {offsets = [0, 14], sizes = [1000, 1], strides = [1, 1]} : vector<1000x16xf32> to vector<1000x1xf32>
    %mul3A_166 = vector.broadcast %slice3A_165 : vector<1000x1xf32> to vector<1000x128xf32>
    %mul3A_167 = arith.mulf %max3A_52, %mul3A_166 : vector<1000x128xf32>
    %reduce_max3A_168 = arith.constant dense<0xFF800000> : vector<128xf32>
    %reduce_max3A_169 = vector.multi_reduction <maximumf>, %mul3A_167, %reduce_max3A_168 [0] : vector<1000x128xf32> to vector<128xf32>
    %broadcast_in_dim3A_170 = vector.shape_cast %reduce_max3A_169 : vector<128xf32> to vector<1x128xf32>
    %slice3A_171 = vector.extract_strided_slice %convert_element_type3A_64 {offsets = [0, 15], sizes = [1000, 1], strides = [1, 1]} : vector<1000x16xf32> to vector<1000x1xf32>
    %mul3A_172 = vector.broadcast %slice3A_171 : vector<1000x1xf32> to vector<1000x128xf32>
    %mul3A_173 = arith.mulf %max3A_52, %mul3A_172 : vector<1000x128xf32>
    %reduce_max3A_174 = arith.constant dense<0xFF800000> : vector<128xf32>
    %reduce_max3A_175 = vector.multi_reduction <maximumf>, %mul3A_173, %reduce_max3A_174 [0] : vector<1000x128xf32> to vector<128xf32>
    %broadcast_in_dim3A_176 = vector.shape_cast %reduce_max3A_175 : vector<128xf32> to vector<1x128xf32>
    %get3A_177 = arith.constant 0 : index
    %get3A_178 = arith.constant 0 : index
    %get3A_179 = vector.load %arg19[%get3A_177, %get3A_178] : memref<16x128xf32, #tpu.memory_space<vmem>>, vector<16x128xf32>
    %concatenate3A = tpu.concatenate %broadcast_in_dim3A_86, %broadcast_in_dim3A_92, %broadcast_in_dim3A_98, %broadcast_in_dim3A_104, %broadcast_in_dim3A_110, %broadcast_in_dim3A_116, %broadcast_in_dim3A_122, %broadcast_in_dim3A_128, %broadcast_in_dim3A_134, %broadcast_in_dim3A_140, %broadcast_in_dim3A_146, %broadcast_in_dim3A_152, %broadcast_in_dim3A_158, %broadcast_in_dim3A_164, %broadcast_in_dim3A_170, %broadcast_in_dim3A_176 in 0 : vector<1x128xf32>, vector<1x128xf32>, vector<1x128xf32>, vector<1x128xf32>, vector<1x128xf32>, vector<1x128xf32>, vector<1x128xf32>, vector<1x128xf32>, vector<1x128xf32>, vector<1x128xf32>, vector<1x128xf32>, vector<1x128xf32>, vector<1x128xf32>, vector<1x128xf32>, vector<1x128xf32>, vector<1x128xf32> -> vector<16x128xf32>
    %max3A_180 = arith.maximumf %get3A_179, %concatenate3A : vector<16x128xf32>
    %swap3A_181 = arith.constant 0 : index
    %swap3A_182 = arith.constant 0 : index
    %swap3A_183 = vector.load %arg19[%swap3A_181, %swap3A_182] : memref<16x128xf32, #tpu.memory_space<vmem>>, vector<16x128xf32>
    tpu.vector_store %arg19[%swap3A_181, %swap3A_182], %max3A_180 {strides = array<i32>} : memref<16x128xf32, #tpu.memory_space<vmem>>, vector<16x128xf32>,
    %eq3A_184 = arith.constant 9 : i32
    %eq3A_185 = arith.cmpi eq, %arg0, %eq3A_184 : i32
    %convert_element_type3A_186 = arith.extui %eq3A_185 : i1 to i32
    %cond3A_187 = arith.constant 0 : i32
    %cond3A_188 = arith.cmpi ne, %convert_element_type3A_186, %cond3A_187 : i32
    scf.if %cond3A_188 {
      %get3A_189 = arith.constant 0 : index
      %get3A_190 = arith.constant 0 : index
      %get3A_191 = vector.load %arg20[%get3A_189, %get3A_190] : memref<16x128xf32, #tpu.memory_space<vmem>>, vector<16x128xf32>
      %get3A_192 = arith.constant 0 : index
      %get3A_193 = arith.constant 0 : index
      %get3A_194 = vector.load %arg18[%get3A_192, %get3A_193] : memref<16x128xf32, #tpu.memory_space<vmem>>, vector<16x128xf32>
      %max3A_195 = arith.constant 1.000000e+00 : f32
      %max3A_196 = vector.broadcast %max3A_195 : f32 to vector<16x128xf32>
      %max3A_197 = arith.maximumf %get3A_191, %max3A_196 : vector<16x128xf32>
      %div3A_198 = arith.divf %get3A_194, %max3A_197 : vector<16x128xf32>
      %gt3A = arith.constant 0.000000e+00 : f32
      %gt3A_199 = vector.broadcast %gt3A : f32 to vector<16x128xf32>
      %gt3A_200 = arith.cmpf ogt, %get3A_191, %gt3A_199 : vector<16x128xf32>
      %get3A_201 = arith.constant 0 : index
      %get3A_202 = arith.constant 0 : index
      %get3A_203 = vector.load %arg19[%get3A_201, %get3A_202] : memref<16x128xf32, #tpu.memory_space<vmem>>, vector<16x128xf32>
      %jit3A = arith.constant 0.000000e+00 : f32
      %broadcast_in_dim3A_204 = vector.broadcast %jit3A : f32 to vector<16x128xf32>
      %select_n3A = arith.select %gt3A_200, %get3A_203, %broadcast_in_dim3A_204 : vector<16x128xi1>, vector<16x128xf32>
      %concatenate3A_205 = tpu.concatenate %div3A_198, %select_n3A in 1 : vector<16x128xf32>, vector<16x128xf32> -> vector<16x256xf32>
      %get3A_206 = arith.constant 0 : index
      %get3A_207 = arith.constant 0 : index
      %get3A_208 = vector.load %arg8[%get3A_206, %get3A_207] : memref<256x128xf32, #tpu.memory_space<vmem>>, vector<256x128xf32>
      %dot_general3A_209 = arith.constant dense<0.000000e+00> : vector<16x128xf32>
      %dot_general3A_210 = tpu.matmul %concatenate3A_205, %get3A_208, %dot_general3A_209 {dimension_numbers = #tpu.dot_dimension_numbers<[1], [0], [0], [1], [0, 0, 1, 1], [], []>, transpose_lhs_hint = false} : vector<16x256xf32>, vector<256x128xf32>, vector<16x128xf32> -> vector<16x128xf32>
      %get3A_211 = arith.constant 0 : index
      %get3A_212 = arith.constant 0 : index
      %get3A_213 = vector.load %arg9[%get3A_211, %get3A_212] : memref<1x128xf32, #tpu.memory_space<vmem>>, vector<1x128xf32>
      %add3A_214 = vector.broadcast %get3A_213 : vector<1x128xf32> to vector<16x128xf32>
      %add3A_215 = arith.addf %dot_general3A_210, %add3A_214 : vector<16x128xf32>
      %tanh3A = math.tanh %add3A_215 : vector<16x128xf32>
      %get3A_216 = arith.constant 0 : index
      %get3A_217 = arith.constant 0 : index
      %get3A_218 = vector.load %arg10[%get3A_216, %get3A_217] : memref<128x256xf32, #tpu.memory_space<vmem>>, vector<128x256xf32>
      %dot_general3A_219 = arith.constant dense<0.000000e+00> : vector<16x256xf32>
      %dot_general3A_220 = tpu.matmul %tanh3A, %get3A_218, %dot_general3A_219 {dimension_numbers = #tpu.dot_dimension_numbers<[1], [0], [0], [1], [0, 0, 1, 1], [], []>, transpose_lhs_hint = false} : vector<16x128xf32>, vector<128x256xf32>, vector<16x256xf32> -> vector<16x256xf32>
      %get3A_221 = arith.constant 0 : index
      %get3A_222 = arith.constant 0 : index
      %get3A_223 = vector.load %arg11[%get3A_221, %get3A_222] : memref<1x256xf32, #tpu.memory_space<vmem>>, vector<1x256xf32>
      %add3A_224 = vector.broadcast %get3A_223 : vector<1x256xf32> to vector<16x256xf32>
      %add3A_225 = arith.addf %dot_general3A_220, %add3A_224 : vector<16x256xf32>
      %swap3A_226 = arith.constant 0 : index
      %swap3A_227 = arith.constant 0 : index
      %swap3A_228 = vector.load %arg16[%swap3A_226, %swap3A_227] : memref<16x256xf32, #tpu.memory_space<vmem>>, vector<16x256xf32>
      tpu.vector_store %arg16[%swap3A_226, %swap3A_227], %add3A_225 {strides = array<i32>} : memref<16x256xf32, #tpu.memory_space<vmem>>, vector<16x256xf32>,
      %get3A_229 = arith.constant 0 : index
      %get3A_230 = arith.constant 0 : index
      %get3A_231 = vector.load %arg12[%get3A_229, %get3A_230] : memref<256x128xf32, #tpu.memory_space<vmem>>, vector<256x128xf32>
      %dot_general3A_232 = arith.constant dense<0.000000e+00> : vector<16x128xf32>
      %dot_general3A_233 = tpu.matmul %concatenate3A_205, %get3A_231, %dot_general3A_232 {dimension_numbers = #tpu.dot_dimension_numbers<[1], [0], [0], [1], [0, 0, 1, 1], [], []>, transpose_lhs_hint = false} : vector<16x256xf32>, vector<256x128xf32>, vector<16x128xf32> -> vector<16x128xf32>
      %get3A_234 = arith.constant 0 : index
      %get3A_235 = arith.constant 0 : index
      %get3A_236 = vector.load %arg13[%get3A_234, %get3A_235] : memref<1x128xf32, #tpu.memory_space<vmem>>, vector<1x128xf32>
      %add3A_237 = vector.broadcast %get3A_236 : vector<1x128xf32> to vector<16x128xf32>
      %add3A_238 = arith.addf %dot_general3A_233, %add3A_237 : vector<16x128xf32>
      %tanh3A_239 = math.tanh %add3A_238 : vector<16x128xf32>
      %get3A_240 = arith.constant 0 : index
      %get3A_241 = arith.constant 0 : index
      %get3A_242 = vector.load %arg14[%get3A_240, %get3A_241] : memref<128x128xf32, #tpu.memory_space<vmem>>, vector<128x128xf32>
      %dot_general3A_243 = arith.constant dense<0.000000e+00> : vector<16x128xf32>
      %dot_general3A_244 = tpu.matmul %tanh3A_239, %get3A_242, %dot_general3A_243 {dimension_numbers = #tpu.dot_dimension_numbers<[1], [0], [0], [1], [0, 0, 1, 1], [], []>, transpose_lhs_hint = false} : vector<16x128xf32>, vector<128x128xf32>, vector<16x128xf32> -> vector<16x128xf32>
      %get3A_245 = arith.constant 0 : index
      %get3A_246 = arith.constant 0 : index
      %get3A_247 = vector.load %arg15[%get3A_245, %get3A_246] : memref<1x128xf32, #tpu.memory_space<vmem>>, vector<1x128xf32>
      %add3A_248 = vector.broadcast %get3A_247 : vector<1x128xf32> to vector<16x128xf32>
      %add3A_249 = arith.addf %dot_general3A_244, %add3A_248 : vector<16x128xf32>
      %swap3A_250 = arith.constant 0 : index
      %swap3A_251 = arith.constant 0 : index
      %swap3A_252 = vector.load %arg17[%swap3A_250, %swap3A_251] : memref<16x128xf32, #tpu.memory_space<vmem>>, vector<16x128xf32>
      tpu.vector_store %arg17[%swap3A_250, %swap3A_251], %add3A_249 {strides = array<i32>} : memref<16x128xf32, #tpu.memory_space<vmem>>, vector<16x128xf32>,
    } else {
    }
    return
  }
  func.func @transform_0(%arg0: i32) -> (i32, i32, i32) {
    %c0_i32 = arith.constant 0 : i32
    %c0_i32_0 = arith.constant 0 : i32
    %c0_i32_1 = arith.constant 0 : i32
    return %c0_i32, %arg0, %c0_i32_0 : i32, i32, i32
  }
  func.func @transform_1(%arg0: i32) -> (i32, i32) {
    %c0_i32 = arith.constant 0 : i32
    %c0_i32_0 = arith.constant 0 : i32
    return %arg0, %c0_i32 : i32, i32
  }
  func.func @transform_2(%arg0: i32) -> (i32, i32) {
    %c0_i32 = arith.constant 0 : i32
    %c0_i32_0 = arith.constant 0 : i32
    return %arg0, %c0_i32 : i32, i32
  }
  func.func @transform_3(%arg0: i32) -> (i32, i32) {
    %c0_i32 = arith.constant 0 : i32
    %c0_i32_0 = arith.constant 0 : i32
    %c0_i32_1 = arith.constant 0 : i32
    return %c0_i32, %c0_i32_0 : i32, i32
  }
  func.func @transform_4(%arg0: i32) -> (i32, i32) {
    %c0_i32 = arith.constant 0 : i32
    %c0_i32_0 = arith.constant 0 : i32
    %c0_i32_1 = arith.constant 0 : i32
    return %c0_i32, %c0_i32_0 : i32, i32
  }
  func.func @transform_5(%arg0: i32) -> (i32, i32) {
    %c0_i32 = arith.constant 0 : i32
    %c0_i32_0 = arith.constant 0 : i32
    %c0_i32_1 = arith.constant 0 : i32
    return %c0_i32, %c0_i32_0 : i32, i32
  }
  func.func @transform_6(%arg0: i32) -> (i32, i32, i32) {
    %c0_i32 = arith.constant 0 : i32
    %c0_i32_0 = arith.constant 0 : i32
    %c0_i32_1 = arith.constant 0 : i32
    return %arg0, %c0_i32, %c0_i32_0 : i32, i32, i32
  }
  func.func @transform_7(%arg0: i32) -> (i32, i32) {
    %c0_i32 = arith.constant 0 : i32
    %c0_i32_0 = arith.constant 0 : i32
    %c0_i32_1 = arith.constant 0 : i32
    return %c0_i32, %c0_i32_0 : i32, i32
  }
  func.func @transform_8(%arg0: i32) -> (i32, i32) {
    %c0_i32 = arith.constant 0 : i32
    %c0_i32_0 = arith.constant 0 : i32
    %c0_i32_1 = arith.constant 0 : i32
    return %c0_i32, %c0_i32_0 : i32, i32
  }
  func.func @transform_9(%arg0: i32) -> (i32, i32) {
    %c0_i32 = arith.constant 0 : i32
    %c0_i32_0 = arith.constant 0 : i32
    %c0_i32_1 = arith.constant 0 : i32
    return %c0_i32, %c0_i32_0 : i32, i32
  }
  func.func @transform_10(%arg0: i32) -> (i32, i32) {
    %c0_i32 = arith.constant 0 : i32
    %c0_i32_0 = arith.constant 0 : i32
    %c0_i32_1 = arith.constant 0 : i32
    return %c0_i32, %c0_i32_0 : i32, i32
  }
  func.func @transform_11(%arg0: i32) -> (i32, i32) {
    %c0_i32 = arith.constant 0 : i32
    %c0_i32_0 = arith.constant 0 : i32
    %c0_i32_1 = arith.constant 0 : i32
    return %c0_i32, %c0_i32_0 : i32, i32
  }
  func.func @transform_12(%arg0: i32) -> (i32, i32) {
    %c0_i32 = arith.constant 0 : i32
    %c0_i32_0 = arith.constant 0 : i32
    %c0_i32_1 = arith.constant 0 : i32
    return %c0_i32, %c0_i32_0 : i32, i32
  }
  func.func @transform_13(%arg0: i32) -> (i32, i32) {
    %c0_i32 = arith.constant 0 : i32
    %c0_i32_0 = arith.constant 0 : i32
    %c0_i32_1 = arith.constant 0 : i32
    return %c0_i32, %c0_i32_0 : i32, i32
  }
  func.func @transform_14(%arg0: i32) -> (i32, i32) {
    %c0_i32 = arith.constant 0 : i32
    %c0_i32_0 = arith.constant 0 : i32
    %c0_i32_1 = arith.constant 0 : i32
    return %c0_i32, %c0_i32_0 : i32, i32
  }
  func.func @transform_15(%arg0: i32) -> (i32, i32) {
    %c0_i32 = arith.constant 0 : i32
    %c0_i32_0 = arith.constant 0 : i32
    %c0_i32_1 = arith.constant 0 : i32
    return %c0_i32, %c0_i32_0 : i32, i32
  }
  func.func @transform_16(%arg0: i32) -> (i32, i32) {
    %c0_i32 = arith.constant 0 : i32
    %c0_i32_0 = arith.constant 0 : i32
    %c0_i32_1 = arith.constant 0 : i32
    return %c0_i32, %c0_i32_0 : i32, i32
  }
}

</mosaic_0001>

<sc_bundles>
// kernel: kernel.11.cloned.1.call-start
scs
__scs_entry_jumppad:
0x0: {  	(pc) =	sbr.rel $0x88, $3  }
0x1: {  	(tag) =	ssettag $0x0;
	lr =	simm.s32 $0x1  }
0x2: {  	[smem:$0x3F8A] =	sst lr;
	_ =	strace $0xD0000000  }
0x3: {  	_ = 	snop  }
0x4: {  	_ = 	snop  }
0x5: {  	_ = 	snop  }
0x6: {  	_ = 	snop  }
0x7: {  	_ = 	snop  }
__scs_overlays_trampoline_lowered:
0x8: {  	[smem:$0x3F99] =	sst s0  }
0x9: {  	[smem:$0x3F9A] =	sst s1  }
0xa: {  	[smem:$0x3F9B] =	sst s2  }
0xb: {  	[smem:$0x3F9C] =	sst s3  }
0xc: {  	[smem:$0x3F9D] =	sst s4  }
0xd: {  	[smem:$0x3F9E] =	sst s5  }
0xe: {  	[smem:$0x3F9F] =	sst s6  }
0xf: {  	[smem:$0x3FA0] =	sst s7  }
0x10: {  	[smem:$0x3FA1] =	sst s8  }
0x11: {  	[smem:$0x3FA2] =	sst s9;
	s0 =	simm.s32 @!p0 $0x0  }
0x12: {  	s1 =	sld [smem:$0x3F88];
	s0 =	simm.s32 @p0 $0x1  }
0x13: {  	[smem:$0x3FA3] =	sst s0;
	s0 =	simm.s32 @!p1 $0x0  }
0x14: {  	s2 =	sld [smem:$0x3F87];
	s0 =	simm.s32 @p1 $0x1  }
0x15: {  	[smem:$0x3FA4] =	sst s0;
	s0 =	simm.s32 @!p2 $0x0  }
0x16: {  	s3 =	sld [smem:$0x3FDB];
	s0 =	simm.s32 @p2 $0x1  }
0x17: {  	s4 =	simm.s32 $0x1BF5;
	[smem:$0x3FA6] =	sst s0  }
0x18: {  	s0 =	sld [smem:$0x3F89];
	_ =	swait.ge [sflag:s4], $0x0  }
0x19: {  	s7 =	sld [smem:$0x3F8A]  }
0x1a: {  	s8 =	sadd.s32 $0xFFFFE003, lr  }
0x1b: {  	s9 =	sadd.s32 $0xFFFFFEF7, lr;
	s5 =	simm.s32 $0xFFFFFFFF;
	p2 =	slt.u32 s8, $0xFFFFF086  }
0x1c: {  	p1 =	slt.u32 s9, $0xF7A;
	s5 =	simm.s32 @!p2 $0x0  }
0x1d: {  	s5 =	simm.s32 @p1 $0x1;
	p0 =	seq.s32 s7, s2  }
0x1e: {  	s7 =	smul.u32 @!p0 $0xF7A, s2;
	p2 =	seq.s32 @!p0 s5, $0x0  }
0x1f: {  	s9 =	smul.u32 $0xF7A, s1;
	s8 =	simm.s32 @!p0 $0x1BF5;
	p2 =	por !p2, p0  }
0x20: {  	[sflag:s8] =	ssyncset.s32 @!p0 $0xFFFFF086;
	s6 =	sadd.s32 @!p0 s3, s7;
	s7 =	simm.s32 @!p0 $0x108  }
0x21: {  	s3 =	sadd.s32 s3, s9;
	s6 =	sadd.s32 @!p0 $0x88, s6;
	s7 =	simm.s32 @p2 $0x1082  }
0x22: {  	[simem:s7], [sflag:s8] =	dma.local @!p0 [hbm:s6], $0xF7A  }
0x23: {  	s9 =	sor.u32 $0xD0000000, s2;
	s6 =	simm.s32 $0x108;
	_ =	swait.ge @!p0 [sflag:s8], $0x0  }
0x24: {  	s3 =	sadd.s32 $0x88, s3;
	s6 =	simm.s32 @!p1 $0x1082;
	[sflag:s4] =	ssyncset.s32 $0xFFFFF086  }
0x25: {  	[simem:s6], [sflag:s4] =	dma.local [hbm:s3], $0xF7A  }
0x26: {  	[smem:$0x3F8A] =	sst s1;
	(tag) =	ssettag s2;
	_ =	strace s9  }
0x27: {  	s1 =	sld [smem:$0x3F9A]  }
0x28: {  	s2 =	sld [smem:$0x3F9B]  }
0x29: {  	s4 =	sld [smem:$0x3F9D]  }
0x2a: {  	p0 =	seq.s32 s5, $0x0;
	s5 =	sld [smem:$0x3F9E]  }
0x2b: {  	s6 =	sld [smem:$0x3F9F]  }
0x2c: {  	s7 =	sld [smem:$0x3FA0]  }
0x2d: {  	s3 =	simm.s32 $0x108;
	s8 =	sld [smem:$0x3FA1]  }
0x2e: {  	s3 =	simm.s32 @!p0 $0x1082;
	s9 =	sld [smem:$0x3FA2]  }
0x2f: {  	lr =	sadd.s32 s0, s3;
	s0 =	sld [smem:$0x3F99]  }
0x30: {  	s3 =	sld [smem:$0x3F9C]  }
0x31: {  	[smem:$0x3FA5] =	sst s10  }
0x32: {  	s10 =	sld [smem:$0x3FA3];
	_ =	sdelay $0x3  }
0x33: {  	p0 =	seq.s32 s10, $0x1;
	s10 =	sld [smem:$0x3FA5];
	_ =	sdelay $0x3  }
0x34: {  	[smem:$0x3FA5] =	sst s10  }
0x35: {  	s10 =	sld [smem:$0x3FA4];
	_ =	sdelay $0x3  }
0x36: {  	p1 =	seq.s32 s10, $0x1;
	s10 =	sld [smem:$0x3FA5];
	_ =	sdelay $0x3  }
0x37: {  	[smem:$0x3FA5] =	sst s10  }
0x38: {  	s10 =	sld [smem:$0x3FA6]  }
0x39: {  	_ = 	snop;
	(pc) =	sbr.ind lr, $3  }
0x3a: {  	_ = 	snop  }
0x3b: {  	_ = 	snop  }
0x3c: {  	p2 =	seq.s32 s10, $0x1;
	s10 =	sld [smem:$0x3FA5]  }
0x3d: {  	_ =	shalt  }
0x3e: {  	_ =	shalt  }
0x3f: {  	_ =	shalt  }
0x40: {  	_ =	shalt  }
0x41: {  	_ =	shalt  }
0x42: {  	_ =	shalt  }
0x43: {  	_ =	shalt  }
0x44: {  	_ =	shalt  }
0x45: {  	_ =	shalt  }
0x46: {  	_ =	shalt  }
0x47: {  	_ =	shalt  }
0x48: {  	_ =	shalt  }
0x49: {  	_ =	shalt  }
0x4a: {  	_ =	shalt  }
0x4b: {  	_ =	shalt  }
0x4c: {  	_ =	shalt  }
0x4d: {  	_ =	shalt  }
0x4e: {  	_ =	shalt  }
0x4f: {  	_ =	shalt  }
0x50: {  	_ =	shalt  }
0x51: {  	_ =	shalt  }
0x52: {  	_ =	shalt  }
0x53: {  	_ =	shalt  }
0x54: {  	_ =	shalt  }
0x55: {  	_ =	shalt  }
0x56: {  	_ =	shalt  }
0x57: {  	_ =	shalt  }
0x58: {  	_ =	shalt  }
0x59: {  	_ =	shalt  }
0x5a: {  	_ =	shalt  }
0x5b: {  	_ =	shalt  }
0x5c: {  	_ =	shalt  }
0x5d: {  	_ =	shalt  }
0x5e: {  	_ =	shalt  }
0x5f: {  	_ =	shalt  }
0x60: {  	_ =	shalt  }
0x61: {  	_ =	shalt  }
0x62: {  	_ =	shalt  }
0x63: {  	_ =	shalt  }
0x64: {  	_ =	shalt  }
0x65: {  	_ =	shalt  }
0x66: {  	_ =	shalt  }
0x67: {  	_ =	shalt  }
0x68: {  	_ =	shalt  }
0x69: {  	_ =	shalt  }
0x6a: {  	_ =	shalt  }
0x6b: {  	_ =	shalt  }
0x6c: {  	_ =	shalt  }
0x6d: {  	_ =	shalt  }
0x6e: {  	_ =	shalt  }
0x6f: {  	_ =	shalt  }
0x70: {  	_ =	shalt  }
0x71: {  	_ =	shalt  }
0x72: {  	_ =	shalt  }
0x73: {  	_ =	shalt  }
0x74: {  	_ =	shalt  }
0x75: {  	_ =	shalt  }
0x76: {  	_ =	shalt  }
0x77: {  	_ =	shalt  }
0x78: {  	_ =	shalt  }
0x79: {  	_ =	shalt  }
0x7a: {  	_ =	shalt  }
0x7b: {  	_ =	shalt  }
0x7c: {  	_ =	shalt  }
0x7d: {  	_ =	shalt  }
0x7e: {  	_ =	shalt  }
0x7f: {  	_ =	shalt  }
0x80: {  	_ =	shalt  }
0x81: {  	_ =	shalt  }
0x82: {  	_ =	shalt  }
0x83: {  	_ =	shalt  }
0x84: {  	_ =	shalt  }
0x85: {  	_ =	shalt  }
0x86: {  	_ =	shalt  }
0x87: {  	_ =	shalt  }
.Lfunc_end0:
.L_simem_size_0:
called_computation_lowered:
.L_overlay_start_0:
0x88: {  	s2 =	sld [smem:$0x3FD9]  }
0x89: {  	s3 =	sld [smem:$0x3FFE];
	_ =	sdelay $0x1  }
0x8a: {  	s1 =	srdreg.scid  }
0x8b: {  	s0 =	sand.u32 $0x1, s1  }
0x8c: {  	s16 =	sshll.u32 s0, $0xA;
	s2 =	sadd.s32 s3, s2  }
0x8d: {  	s2 =	sadd.s32 s2, s16  }
0x8e: {  	[smem:$0x3FB1] =	sst s2  }
0x8f: {  	_ = 	snop  }
0x90: {  	(tm) =	ssettm $0x1  }
0x91: {  	s17 =	sld [smem:$0x3FFB];
	_ =	sdelay $0x3  }
0x92: {  	_ =	strace s17  }
0x93: {  	s2 =	sld [smem:$0x3FFC];
	_ =	sdelay $0x3  }
0x94: {  	_ =	strace s2  }
0x95: {  	s2 =	sld [smem:$0x3FFD];
	_ =	sdelay $0x3  }
0x96: {  	_ =	strace s2  }
0x97: {  	_ =	strace $0x8FFFFFFF  }
0x98: {  	s18 =	sld [smem:$0x3FDB];
	_ =	sdelay $0x1  }
0x99: {  	s19 =	simm.s32 $_scs_section_size  }
0x9a: {  	s4 =	simm.s32 $_size__tile_overlayer_lowered;
	s5 =	simm.s32 $_tile_overlayer_lowered  }
0x9b: {  	s22 =	simm.s32 $0x1BFF;
	s21 =	sshll.u32 s5, $0x1;
	s2 =	sadd.s32 s19, s18  }
0x9c: {  	s6 =	simm.s32 $0x0;
	s20 =	sshll.u32 s4, $0x1;
	s4 =	sadd.s32 s21, s2  }
0x9d: {  	[timem:s6], [sflag:s22] =	dma.local [hbm:s4], s20  }
0x9e: {  	_ =	swait.ge [sflag:s22], s20  }
0x9f: {  	s3 =	ssub.s32 $0x0, s20;
	[sflag:s22] =	ssyncset.done $0x0  }
0xa0: {  	[sflag:s22] =	ssyncadd.s32 s3;
	_ =	sdelay $0x1  }
0xa1: {  	s23 =	simm.s32 $0x1B8B  }
0xa2: {  	_ =	swait.ge [sflag:s23], $0x1  }
0xa3: {  	[sflag:s23] =	ssyncset.done $0x0  }
0xa4: {  	s25 =	simm.s32 $0x1B8E;
	s24 =	sld [smem:$0x3FFE];
	[sflag:s23] =	ssyncadd.s32 $0xFFFFFFFF  }
0xa5: {  	s26 =	simm.s32 $execute0_lowered;
	[smem:$0x3FD2] =	sst s25  }
0xa6: {  	s4 =	sshll.u32 s26, $0x1;
	_ =	strace $0x80000046;
	[dreg:$0x1] =	wrdreg $0xFFFFFFFF  }
0xa7: {  	s28 =	simm.s32 $_size_execute0_lowered;
	s2 =	sadd.s32 s2, s4;
	[dreg:$0x0] =	wrdreg $0x0  }
0xa8: {  	s4 =	sshll.u32 s28, $0x1;
	[dreg:$0x2] =	wrdreg s2  }
0xa9: {  	[dreg:$0x3] =	wrdreg s4  }
0xaa: {  	[dreg:$0x4] =	wrdreg $0xC0  }
0xab: {  	_ =	task [dreg:s6], $0x5FFFF  }
0xac: {  	[dreg:$0x1] =	wrdreg $0xFFFFFFFF  }
0xad: {  	[dreg:$0x0] =	wrdreg $0x60  }
0xae: {  	[dreg:$0x2] =	wrdreg s24  }
0xaf: {  	[dreg:$0x3] =	wrdreg $0x0  }
0xb0: {  	[dreg:$0x4] =	wrdreg $0x9  }
0xb1: {  	_ =	task.clear_ibuf [dreg:s6], $0x5FFFF;
	_ =	strace $0x90000046  }
0xb2: {  	s29 =	simm.s32 $0x9;
	_ =	strace $0x80000048  }
0xb3: {  	_ =	swait.ge [sflag:s29], $0x1  }
0xb4: {  	[sflag:s29] =	ssyncadd.s32 $0xFFFFFFFF  }
0xb5: {  	_ =	strace $0x90000048  }
0xb6: {  	_ =	sfence  }
0xb7: {  	s30 =	sld [smem:$0x0];
	_ =	sdelay $0x2  }
0xb8: {  	s31 =	sshll.u32 s1, $0xD;
	s1 =	sshrl.u32 s1, $0x2  }
0xb9: {  	s3 =	sand.u32 $0x4000, s31;
	s1 =	sadd.s32 s1, s30  }
0xba: {  	s0 =	sor.u32 s3, s0;
	s1 =	sshll.u32 s1, $0x11  }
0xbb: {  	s0 =	sor.u32 s1, s0  }
0xbc: {  	s0 =	sadd.s32 $0x8F2B, s0  }
0xbd: {  	[sflag:s0] =	ssyncadd.remote.s32 $0x1  }
0xbe: {  	_ =	sfence.sel $0xFFFF  }
0xbf: {  	[dreg:$0x0] =	wrdreg $0xFFFFFFFF;
	(pc) =	sbr.abs _section_cstart, $3  }
0xc0: {  	[dreg:$0x1] =	wrdreg $0xFFFFFFFF  }
0xc1: {  	_ =	task.clear_ibuf [dreg:s6], $0x2FFFF;
	_ =	strace $0x9FFFFFFF  }
0xc2: {  	(tm) =	ssettm $0x7FFFFFFF  }
0xc3: {  	_ =	shalt  }
tec
execute0_lowered:
.L_overlay_start_1:
0x0: {  	(tag) =	ssettag $0x1  }
0x1: {  	s1 =	srdreg.scid;
	s7 =	rddreg [dreg:$0x0]  }
0x2: {  	s0 =	stileid.u32;
	s2 =	rddreg [dreg:$0x1]  }
0x3: {  	s3 =	simm.s32 $0x0;
	s15 =	simm.s32 $0x15400;
	s16 =	simm.s32 $0x1  }
0x4: {  	s17 =	simm.s32 $0x14000;
	s18 =	simm.s32 $0x80;
	s21 =	simm.s32 $0x0  }
0x5: {  	s6 =	sand.u32 $0x1, s1;
	s28 =	sshll.u32 s0, $0x1;
	s9 =	smul.u32 $0x14000, s0  }
0x6: {  	[smem:$0x7FF] =	sst s3;
	s10 =	smul.u32 $0x50000, s0;
	s5 =	sadd.s32 $0x18000, s7  }
0x7: {  	s19 =	sshll.u32 s0, $0x6;
	s1 =	sor.u32 s6, s28;
	s8 =	smul.u32 $0x140000, s6  }
0x8: {  	s29 =	ssub.s32 $0x2, s6;
	s19 =	sor.u32 $0x1C01, s19;
	s4 =	smul.u32 $0x2800, s1  }
0x9: {  	s1 =	rddreg [dreg:$0x2];
	_ =	strace $0x80000047;
	s30 =	sshrl.u32 s10, $0x2  }
0xa: {  	s31 =	sshrl.u32 s29, $0x1;
	s8 =	sadd.s32 s9, s8;
	s6 =	sadd.s32 s30, s2  }
0xb: {  	s14 =	ssub.s32 s29, s31;
	s4 =	sshrl.u32 s4, $0x3;
	s8 =	sshrl.u32 s8, $0x3  }
0xc: {  	s9 =	sadd.s32 $0xC000, s6;
	s10 =	sadd.s32 $0x10000, s6;
	s14 =	smax.u32 s14, $0x1  }
0xd: {  	s20 =	sshrl.u32 s6, $0x3;
	s12 =	sadd.s32 s4, s7;
	s4 =	sadd.s32 $0x18800, s7  }
0xe: {  	s13 =	sadd.s32 s8, s7;
	s7 =	sadd.s32 $0x4000, s6;
	s8 =	sadd.s32 $0x8000, s6  }
0xf: {  	s11 =	sadd.s32 $0xE000, s12;
	s12 =	sadd.s32 $0xE280, s12;
	s13 =	sadd.s32 $0x19000, s13  }
.LBB2_1:
0x10: {  	[tilespmem:s15], [sflag:$0x1] =	stream.linear.gather [hbm4b:s5+s3], $0x4000, $0x38;
	[tilespmem:$0x19400] =	vst v63  }
0x11: {  	_ =	swait.ge [sflag:s16], $0x4000  }
0x12: {  	[sflag:s16] =	ssyncset.done $0x0  }
0x13: {  	[sflag:s16] =	ssyncadd.s32 $0xFFFFC000  }
0x14: {  	[spmem:s6] =	stream.linear.scatter [tilespmem:s15], [sflag:$0x1], $0x4000, $0x38;
	[tilespmem:$0x19400] =	vst v63  }
0x15: {  	_ =	swait.ge [sflag:s16], $0x4000  }
0x16: {  	[sflag:s16] =	ssyncset.done $0x0  }
0x17: {  	[sflag:s16] =	ssyncadd.s32 $0xFFFFC000  }
0x18: {  	[spmem:s7] =	stream.linear.scatter [tilespmem:s15], [sflag:$0x1], $0x4000, $0x38;
	[tilespmem:$0x19400] =	vst v63  }
0x19: {  	_ =	swait.ge [sflag:s16], $0x4000  }
0x1a: {  	[sflag:s16] =	ssyncset.done $0x0  }
0x1b: {  	[sflag:s16] =	ssyncadd.s32 $0xFFFFC000  }
0x1c: {  	[spmem:s8] =	stream.linear.scatter [tilespmem:s15], [sflag:$0x1], $0x4000, $0x38;
	[tilespmem:$0x19400] =	vst v63  }
0x1d: {  	_ =	swait.ge [sflag:s16], $0x4000  }
0x1e: {  	[sflag:s16] =	ssyncset.done $0x0  }
0x1f: {  	[sflag:s16] =	ssyncadd.s32 $0xFFFFC000  }
0x20: {  	[spmem:s9] =	stream.linear.scatter [tilespmem:s15], [sflag:$0x1], $0x4000, $0x38;
	[tilespmem:$0x19400] =	vst v63  }
0x21: {  	_ =	swait.ge [sflag:s16], $0x4000  }
0x22: {  	[sflag:s16] =	ssyncset.done $0x0  }
0x23: {  	[sflag:s16] =	ssyncadd.s32 $0xFFFFC000  }
0x24: {  	[spmem:s10] =	stream.linear.scatter [tilespmem:s15], [sflag:$0x1], $0x4000, $0x38;
	[tilespmem:$0x19400] =	vst v63  }
0x25: {  	_ =	swait.ge [sflag:s16], $0x4000  }
0x26: {  	[sflag:s16] =	ssyncset.done $0x0  }
0x27: {  	[sflag:s16] =	ssyncadd.s32 $0xFFFFC000  }
0x28: {  	[tilespmem:s15], [sflag:$0x1] =	stream.linear.gather [hbm4b:s4+s3], $0x4000, $0x38;
	[tilespmem:$0x19400] =	vst v63  }
0x29: {  	_ =	swait.ge [sflag:s16], $0x4000  }
0x2a: {  	[sflag:s16] =	ssyncset.done $0x0  }
0x2b: {  	[sflag:s16] =	ssyncadd.s32 $0xFFFFC000  }
0x2c: {  	[bflag:$0x0] =	sbarrier.arrive $0xFFFF  }
0x2d: {  	[tilespmem:s17], [sflag:$0x1] =	stream.linear.gather [hbm4b:s11+s3], $0x1400, $0x38;
	[tilespmem:$0x19400] =	vst v63  }
0x2e: {  	_ =	swait.ge [sflag:s16], $0x1400  }
0x2f: {  	[sflag:s16] =	ssyncset.done $0x0  }
0x30: {  	s22 =	simm.s32 $0x14000;
	[sflag:s16] =	ssyncadd.s32 $0xFFFFEC00  }
0x31: {  	[spmem:s2] =	stream.indirect.scatter.add.f32 [tilespmem:s15], [sflag:$0x1], $0x80, s22, s18, $0xb8;
	[tilespmem:$0x19400] =	vst v63  }
0x32: {  	s22 =	simm.s32 $0x200;
	_ =	swait.ge [sflag:s16], $0x4000  }
.LBB2_2:
0x33: {  	s23 =	sshra.s32 s22, $0x2;
	[sflag:s16] =	ssyncset.done $0x0;
	p0 =	sne.s32 s22, $0x4E00  }
.Ltmp0:
0x34: {  	s23 =	sadd.s32 $0x14000, s23;
	[sflag:s16] =	ssyncadd.s32 $0xFFFFC000;
	(pc) =	sbr.rel @p0 .LBB2_2-.Ltmp0, $3  }
0x35: {  	[spmem:s2] =	stream.indirect.scatter.add.f32 [tilespmem:s15], [sflag:$0x1], $0x80, s23, s18, $0xb8;
	[tilespmem:$0x19400] =	vst v63  }
0x36: {  	s22 =	sadd.s32 $0x200, s22;
	_ =	sdelay $0x1  }
0x37: {  	_ =	swait.ge [sflag:s16], $0x4000  }
0x38: {  	[sflag:s16] =	ssyncset.done $0x0  }
0x39: {  	s22 =	simm.s32 $0x0;
	[sflag:s16] =	ssyncadd.s32 $0xFFFFC000  }
0x3a: {  	[tilespmem:s17], [sflag:$0x1] =	stream.linear.gather [hbm4b:s12+s22], $0x1400, $0x38;
	[tilespmem:$0x19400] =	vst v63  }
0x3b: {  	_ =	swait.ge [sflag:s16], $0x1400  }
0x3c: {  	[sflag:s16] =	ssyncset.done $0x0  }
0x3d: {  	s31 =	simm.s32 $0x14000;
	[sflag:s16] =	ssyncadd.s32 $0xFFFFEC00  }
0x3e: {  	[spmem:s2] =	stream.indirect.scatter.add.f32 [tilespmem:s15], [sflag:$0x1], $0x80, s31, s18, $0xb8;
	[tilespmem:$0x19400] =	vst v63  }
0x3f: {  	s22 =	simm.s32 $0x200;
	_ =	swait.ge [sflag:s16], $0x4000  }
.LBB2_4:
0x40: {  	s23 =	sshra.s32 s22, $0x2;
	[sflag:s16] =	ssyncset.done $0x0;
	p0 =	sne.s32 s22, $0x4E00  }
.Ltmp1:
0x41: {  	s23 =	sadd.s32 $0x14000, s23;
	[sflag:s16] =	ssyncadd.s32 $0xFFFFC000;
	(pc) =	sbr.rel @p0 .LBB2_4-.Ltmp1, $3  }
0x42: {  	[spmem:s2] =	stream.indirect.scatter.add.f32 [tilespmem:s15], [sflag:$0x1], $0x80, s23, s18, $0xb8;
	[tilespmem:$0x19400] =	vst v63  }
0x43: {  	s22 =	sadd.s32 $0x200, s22;
	_ =	sdelay $0x1  }
0x44: {  	_ =	swait.ge [sflag:s16], $0x4000  }
0x45: {  	[sflag:s16] =	ssyncset.done $0x0;
	s21 =	sadd.s32 $0x1, s21  }
0x46: {  	[sflag:s16] =	ssyncadd.s32 $0xFFFFC000;
	p0 =	sne.s32 s21, s14  }
.Ltmp2:
0x47: {  	[bflag:$0x0] =	sbarrier.arrive $0xFFFF;
	(pc) =	sbr.rel @p0 .LBB2_1-.Ltmp2, $4  }
0x48: {  	[hbm:s13], [sflag:s19] =	dma.local [spmem:s20], $0x2800  }
0x49: {  	_ =	swait.ge [sflag:s16], $0x2800  }
0x4a: {  	[sflag:s16] =	ssyncset.done $0x0  }
0x4b: {  	[sflag:s16] =	ssyncadd.s32 $0xFFFFD800  }
0x4c: {  	_ =	sfence.sel $0x180000  }
0x4d: {  	[bflag:$0x0] =	sbarrier.arrive $0xFFFF  }
0x4e: {  	p0 =	sne.s32 s0, $0x0;
	_ =	strace $0x90000047  }
0x4f: {  	s0 =	sadd.s32 @!p0 $0x100000, s1;
	[bflag:$0x2] =	sbarrier.arrive $0xFFFF  }
0x50: {  	[sflag:s0] =	ssyncadd.tile.s32 @!p0 $0x1;
	_ =	shalt  }
.Lfunc_end2:
_tile_overlayer_lowered:
.L_overlay_start_2:
0x51: {  	(tag) =	ssettag $0x2  }
0x52: {  	s0 =	rddreg [dreg:$0x0];
	s2 =	stileid.u32  }
0x53: {  	s1 =	rddreg [dreg:$0x1];
	p0 =	sne.s32 s2, $0x0  }
0x54: {  	s3 =	rddreg [dreg:$0x2];
	[bflag:$0x3] =	sbarrier.arrive $0xFFFF;
	s2 =	simm.s32 @!p0 $0x1C01  }
0x55: {  	[timem:s3], [sflag:s2] =	dma.local @!p0 [hbm:s0], s1  }
0x56: {  	s0 =	simm.s32 @!p0 $0x1  }
0x57: {  	_ =	swait.ge @!p0 [sflag:s0], s1  }
0x58: {  	s1 =	ssub.s32 @!p0 $0x0, s1;
	[sflag:s0] =	ssyncset.done @!p0 $0x0  }
0x59: {  	[sflag:s0] =	ssyncadd.s32 @!p0 s1  }
0x5a: {  	[bflag:$0x3] =	sbarrier.arrive $0xFFFF  }
0x5b: {  	_ =	shalt  }

// kernel: kernel.14.cloned.1.call-start
scs
__scs_entry_jumppad:
0x0: {  	(pc) =	sbr.rel $0x88, $3  }
0x1: {  	(tag) =	ssettag $0x0;
	lr =	simm.s32 $0x1  }
0x2: {  	[smem:$0x3F8A] =	sst lr;
	_ =	strace $0xD0000000  }
0x3: {  	_ = 	snop  }
0x4: {  	_ = 	snop  }
0x5: {  	_ = 	snop  }
0x6: {  	_ = 	snop  }
0x7: {  	_ = 	snop  }
__scs_overlays_trampoline_lowered:
0x8: {  	[smem:$0x3F99] =	sst s0  }
0x9: {  	[smem:$0x3F9A] =	sst s1  }
0xa: {  	[smem:$0x3F9B] =	sst s2  }
0xb: {  	[smem:$0x3F9C] =	sst s3  }
0xc: {  	[smem:$0x3F9D] =	sst s4  }
0xd: {  	[smem:$0x3F9E] =	sst s5  }
0xe: {  	[smem:$0x3F9F] =	sst s6  }
0xf: {  	[smem:$0x3FA0] =	sst s7  }
0x10: {  	[smem:$0x3FA1] =	sst s8  }
0x11: {  	[smem:$0x3FA2] =	sst s9;
	s0 =	simm.s32 @!p0 $0x0  }
0x12: {  	s1 =	sld [smem:$0x3F88];
	s0 =	simm.s32 @p0 $0x1  }
0x13: {  	[smem:$0x3FA3] =	sst s0;
	s0 =	simm.s32 @!p1 $0x0  }
0x14: {  	s2 =	sld [smem:$0x3F87];
	s0 =	simm.s32 @p1 $0x1  }
0x15: {  	[smem:$0x3FA4] =	sst s0;
	s0 =	simm.s32 @!p2 $0x0  }
0x16: {  	s3 =	sld [smem:$0x3FDB];
	s0 =	simm.s32 @p2 $0x1  }
0x17: {  	s4 =	simm.s32 $0x1BF5;
	[smem:$0x3FA6] =	sst s0  }
0x18: {  	s0 =	sld [smem:$0x3F89];
	_ =	swait.ge [sflag:s4], $0x0  }
0x19: {  	s7 =	sld [smem:$0x3F8A]  }
0x1a: {  	s8 =	sadd.s32 $0xFFFFE003, lr  }
0x1b: {  	s9 =	sadd.s32 $0xFFFFFEF7, lr;
	s5 =	simm.s32 $0xFFFFFFFF;
	p2 =	slt.u32 s8, $0xFFFFF086  }
0x1c: {  	p1 =	slt.u32 s9, $0xF7A;
	s5 =	simm.s32 @!p2 $0x0  }
0x1d: {  	s5 =	simm.s32 @p1 $0x1;
	p0 =	seq.s32 s7, s2  }
0x1e: {  	s7 =	smul.u32 @!p0 $0xF7A, s2;
	p2 =	seq.s32 @!p0 s5, $0x0  }
0x1f: {  	s9 =	smul.u32 $0xF7A, s1;
	s8 =	simm.s32 @!p0 $0x1BF5;
	p2 =	por !p2, p0  }
0x20: {  	[sflag:s8] =	ssyncset.s32 @!p0 $0xFFFFF086;
	s6 =	sadd.s32 @!p0 s3, s7;
	s7 =	simm.s32 @!p0 $0x108  }
0x21: {  	s3 =	sadd.s32 s3, s9;
	s6 =	sadd.s32 @!p0 $0x88, s6;
	s7 =	simm.s32 @p2 $0x1082  }
0x22: {  	[simem:s7], [sflag:s8] =	dma.local @!p0 [hbm:s6], $0xF7A  }
0x23: {  	s9 =	sor.u32 $0xD0000000, s2;
	s6 =	simm.s32 $0x108;
	_ =	swait.ge @!p0 [sflag:s8], $0x0  }
0x24: {  	s3 =	sadd.s32 $0x88, s3;
	s6 =	simm.s32 @!p1 $0x1082;
	[sflag:s4] =	ssyncset.s32 $0xFFFFF086  }
0x25: {  	[simem:s6], [sflag:s4] =	dma.local [hbm:s3], $0xF7A  }
0x26: {  	[smem:$0x3F8A] =	sst s1;
	(tag) =	ssettag s2;
	_ =	strace s9  }
0x27: {  	s1 =	sld [smem:$0x3F9A]  }
0x28: {  	s2 =	sld [smem:$0x3F9B]  }
0x29: {  	s4 =	sld [smem:$0x3F9D]  }
0x2a: {  	p0 =	seq.s32 s5, $0x0;
	s5 =	sld [smem:$0x3F9E]  }
0x2b: {  	s6 =	sld [smem:$0x3F9F]  }
0x2c: {  	s7 =	sld [smem:$0x3FA0]  }
0x2d: {  	s3 =	simm.s32 $0x108;
	s8 =	sld [smem:$0x3FA1]  }
0x2e: {  	s3 =	simm.s32 @!p0 $0x1082;
	s9 =	sld [smem:$0x3FA2]  }
0x2f: {  	lr =	sadd.s32 s0, s3;
	s0 =	sld [smem:$0x3F99]  }
0x30: {  	s3 =	sld [smem:$0x3F9C]  }
0x31: {  	[smem:$0x3FA5] =	sst s10  }
0x32: {  	s10 =	sld [smem:$0x3FA3];
	_ =	sdelay $0x3  }
0x33: {  	p0 =	seq.s32 s10, $0x1;
	s10 =	sld [smem:$0x3FA5];
	_ =	sdelay $0x3  }
0x34: {  	[smem:$0x3FA5] =	sst s10  }
0x35: {  	s10 =	sld [smem:$0x3FA4];
	_ =	sdelay $0x3  }
0x36: {  	p1 =	seq.s32 s10, $0x1;
	s10 =	sld [smem:$0x3FA5];
	_ =	sdelay $0x3  }
0x37: {  	[smem:$0x3FA5] =	sst s10  }
0x38: {  	s10 =	sld [smem:$0x3FA6]  }
0x39: {  	_ = 	snop;
	(pc) =	sbr.ind lr, $3  }
0x3a: {  	_ = 	snop  }
0x3b: {  	_ = 	snop  }
0x3c: {  	p2 =	seq.s32 s10, $0x1;
	s10 =	sld [smem:$0x3FA5]  }
0x3d: {  	_ =	shalt  }
0x3e: {  	_ =	shalt  }
0x3f: {  	_ =	shalt  }
0x40: {  	_ =	shalt  }
0x41: {  	_ =	shalt  }
0x42: {  	_ =	shalt  }
0x43: {  	_ =	shalt  }
0x44: {  	_ =	shalt  }
0x45: {  	_ =	shalt  }
0x46: {  	_ =	shalt  }
0x47: {  	_ =	shalt  }
0x48: {  	_ =	shalt  }
0x49: {  	_ =	shalt  }
0x4a: {  	_ =	shalt  }
0x4b: {  	_ =	shalt  }
0x4c: {  	_ =	shalt  }
0x4d: {  	_ =	shalt  }
0x4e: {  	_ =	shalt  }
0x4f: {  	_ =	shalt  }
0x50: {  	_ =	shalt  }
0x51: {  	_ =	shalt  }
0x52: {  	_ =	shalt  }
0x53: {  	_ =	shalt  }
0x54: {  	_ =	shalt  }
0x55: {  	_ =	shalt  }
0x56: {  	_ =	shalt  }
0x57: {  	_ =	shalt  }
0x58: {  	_ =	shalt  }
0x59: {  	_ =	shalt  }
0x5a: {  	_ =	shalt  }
0x5b: {  	_ =	shalt  }
0x5c: {  	_ =	shalt  }
0x5d: {  	_ =	shalt  }
0x5e: {  	_ =	shalt  }
0x5f: {  	_ =	shalt  }
0x60: {  	_ =	shalt  }
0x61: {  	_ =	shalt  }
0x62: {  	_ =	shalt  }
0x63: {  	_ =	shalt  }
0x64: {  	_ =	shalt  }
0x65: {  	_ =	shalt  }
0x66: {  	_ =	shalt  }
0x67: {  	_ =	shalt  }
0x68: {  	_ =	shalt  }
0x69: {  	_ =	shalt  }
0x6a: {  	_ =	shalt  }
0x6b: {  	_ =	shalt  }
0x6c: {  	_ =	shalt  }
0x6d: {  	_ =	shalt  }
0x6e: {  	_ =	shalt  }
0x6f: {  	_ =	shalt  }
0x70: {  	_ =	shalt  }
0x71: {  	_ =	shalt  }
0x72: {  	_ =	shalt  }
0x73: {  	_ =	shalt  }
0x74: {  	_ =	shalt  }
0x75: {  	_ =	shalt  }
0x76: {  	_ =	shalt  }
0x77: {  	_ =	shalt  }
0x78: {  	_ =	shalt  }
0x79: {  	_ =	shalt  }
0x7a: {  	_ =	shalt  }
0x7b: {  	_ =	shalt  }
0x7c: {  	_ =	shalt  }
0x7d: {  	_ =	shalt  }
0x7e: {  	_ =	shalt  }
0x7f: {  	_ =	shalt  }
0x80: {  	_ =	shalt  }
0x81: {  	_ =	shalt  }
0x82: {  	_ =	shalt  }
0x83: {  	_ =	shalt  }
0x84: {  	_ =	shalt  }
0x85: {  	_ =	shalt  }
0x86: {  	_ =	shalt  }
0x87: {  	_ =	shalt  }
.Lfunc_end0:
.L_simem_size_0:
called_computation.1_lowered:
.L_overlay_start_0:
0x88: {  	s2 =	sld [smem:$0x3FD9]  }
0x89: {  	s3 =	sld [smem:$0x3FFE];
	_ =	sdelay $0x1  }
0x8a: {  	s1 =	srdreg.scid  }
0x8b: {  	s0 =	sand.u32 $0x1, s1  }
0x8c: {  	s16 =	sshll.u32 s0, $0xA;
	s2 =	sadd.s32 s3, s2  }
0x8d: {  	s2 =	sadd.s32 s2, s16  }
0x8e: {  	[smem:$0x3FB1] =	sst s2  }
0x8f: {  	_ = 	snop  }
0x90: {  	(tm) =	ssettm $0x1  }
0x91: {  	s17 =	sld [smem:$0x3FFB];
	_ =	sdelay $0x3  }
0x92: {  	_ =	strace s17  }
0x93: {  	s2 =	sld [smem:$0x3FFC];
	_ =	sdelay $0x3  }
0x94: {  	_ =	strace s2  }
0x95: {  	s2 =	sld [smem:$0x3FFD];
	_ =	sdelay $0x3  }
0x96: {  	_ =	strace s2  }
0x97: {  	_ =	strace $0x8FFFFFFF  }
0x98: {  	s18 =	sld [smem:$0x3FDB];
	_ =	sdelay $0x1  }
0x99: {  	s19 =	simm.s32 $_scs_section_size  }
0x9a: {  	s4 =	simm.s32 $_size__tile_overlayer_lowered;
	s5 =	simm.s32 $_tile_overlayer_lowered  }
0x9b: {  	s22 =	simm.s32 $0x1BFF;
	s21 =	sshll.u32 s5, $0x1;
	s2 =	sadd.s32 s19, s18  }
0x9c: {  	s6 =	simm.s32 $0x0;
	s20 =	sshll.u32 s4, $0x1;
	s4 =	sadd.s32 s21, s2  }
0x9d: {  	[timem:s6], [sflag:s22] =	dma.local [hbm:s4], s20  }
0x9e: {  	_ =	swait.ge [sflag:s22], s20  }
0x9f: {  	s3 =	ssub.s32 $0x0, s20;
	[sflag:s22] =	ssyncset.done $0x0  }
0xa0: {  	[sflag:s22] =	ssyncadd.s32 s3;
	_ =	sdelay $0x1  }
0xa1: {  	s23 =	simm.s32 $0x1B8B  }
0xa2: {  	_ =	swait.ge [sflag:s23], $0x1  }
0xa3: {  	[sflag:s23] =	ssyncset.done $0x0  }
0xa4: {  	s25 =	simm.s32 $0x1B8E;
	s24 =	sld [smem:$0x3FFE];
	[sflag:s23] =	ssyncadd.s32 $0xFFFFFFFF  }
0xa5: {  	s26 =	simm.s32 $execute0_lowered;
	[smem:$0x3FD2] =	sst s25  }
0xa6: {  	s4 =	sshll.u32 s26, $0x1;
	_ =	strace $0x80000049;
	[dreg:$0x1] =	wrdreg $0xFFFFFFFF  }
0xa7: {  	s28 =	simm.s32 $_size_execute0_lowered;
	s2 =	sadd.s32 s2, s4;
	[dreg:$0x0] =	wrdreg $0x0  }
0xa8: {  	s4 =	sshll.u32 s28, $0x1;
	[dreg:$0x2] =	wrdreg s2  }
0xa9: {  	[dreg:$0x3] =	wrdreg s4  }
0xaa: {  	[dreg:$0x4] =	wrdreg $0xC0  }
0xab: {  	_ =	task [dreg:s6], $0x5FFFF  }
0xac: {  	[dreg:$0x1] =	wrdreg $0xFFFFFFFF  }
0xad: {  	[dreg:$0x0] =	wrdreg $0x60  }
0xae: {  	[dreg:$0x2] =	wrdreg s24  }
0xaf: {  	[dreg:$0x3] =	wrdreg $0x0  }
0xb0: {  	[dreg:$0x4] =	wrdreg $0x9  }
0xb1: {  	_ =	task.clear_ibuf [dreg:s6], $0x5FFFF;
	_ =	strace $0x90000049  }
0xb2: {  	s29 =	simm.s32 $0x9;
	_ =	strace $0x8000004B  }
0xb3: {  	_ =	swait.ge [sflag:s29], $0x1  }
0xb4: {  	[sflag:s29] =	ssyncadd.s32 $0xFFFFFFFF  }
0xb5: {  	_ =	strace $0x9000004B  }
0xb6: {  	_ =	sfence  }
0xb7: {  	s30 =	sld [smem:$0x0];
	_ =	sdelay $0x2  }
0xb8: {  	s31 =	sshll.u32 s1, $0xD;
	s1 =	sshrl.u32 s1, $0x2  }
0xb9: {  	s3 =	sand.u32 $0x4000, s31;
	s1 =	sadd.s32 s1, s30  }
0xba: {  	s0 =	sor.u32 s3, s0;
	s1 =	sshll.u32 s1, $0x11  }
0xbb: {  	s0 =	sor.u32 s1, s0  }
0xbc: {  	s0 =	sadd.s32 $0x8F2B, s0  }
0xbd: {  	[sflag:s0] =	ssyncadd.remote.s32 $0x1  }
0xbe: {  	_ =	sfence.sel $0xFFFF  }
0xbf: {  	[dreg:$0x0] =	wrdreg $0xFFFFFFFF;
	(pc) =	sbr.abs _section_cstart, $3  }
0xc0: {  	[dreg:$0x1] =	wrdreg $0xFFFFFFFF  }
0xc1: {  	_ =	task.clear_ibuf [dreg:s6], $0x2FFFF;
	_ =	strace $0x9FFFFFFF  }
0xc2: {  	(tm) =	ssettm $0x7FFFFFFF  }
0xc3: {  	_ =	shalt  }
tec
execute0_lowered:
.L_overlay_start_1:
0x0: {  	(tag) =	ssettag $0x1  }
0x1: {  	s1 =	srdreg.scid;
	s7 =	rddreg [dreg:$0x0]  }
0x2: {  	s0 =	stileid.u32;
	s2 =	rddreg [dreg:$0x1]  }
0x3: {  	s3 =	simm.s32 $0x0;
	s17 =	simm.s32 $0x16800;
	s18 =	simm.s32 $0x3  }
0x4: {  	s19 =	simm.s32 $0x14000;
	s20 =	simm.s32 $0x15400;
	s21 =	simm.s32 $0x80  }
0x5: {  	s22 =	simm.s32 $0x1A800;
	s23 =	simm.s32 $0x1;
	s28 =	simm.s32 $0x16780  }
0x6: {  	s29 =	simm.s32 $0x0;
	s6 =	sand.u32 $0x1, s1;
	s9 =	smul.u32 $0x14000, s0  }
0x7: {  	s24 =	sshll.u32 s0, $0x1;
	[smem:$0x7FF] =	sst s3;
	s10 =	smul.u32 $0x50000, s0  }
0x8: {  	s25 =	sadd.s32 $0x18000, s7;
	s1 =	sor.u32 s6, s24;
	s8 =	smul.u32 $0x140000, s6  }
0x9: {  	_ =	strace $0x8000004A;
	[dreg:$0x3] =	wrdreg s25;
	s26 =	ssub.s32 $0x2, s6  }
0xa: {  	s24 =	simm.s32 $0x2;
	s25 =	simm.s32 $0x15380;
	s4 =	smul.u32 $0x2800, s1  }
0xb: {  	s30 =	sshrl.u32 s10, $0x2;
	s31 =	sshrl.u32 s26, $0x1;
	s8 =	sadd.s32 s9, s8  }
0xc: {  	s6 =	sadd.s32 s30, s2;
	s16 =	ssub.s32 s26, s31;
	s26 =	simm.s32 $0x16700  }
0xd: {  	s5 =	sshrl.u32 s4, $0x3;
	s4 =	sadd.s32 $0x18800, s7;
	s8 =	sshrl.u32 s8, $0x3  }
0xe: {  	s9 =	sadd.s32 $0xC000, s6;
	s10 =	sadd.s32 $0x10000, s6;
	s16 =	smax.u32 s16, $0x1  }
0xf: {  	s14 =	sadd.s32 s5, s7;
	s15 =	sadd.s32 s8, s7;
	s7 =	sadd.s32 $0x4000, s6  }
0x10: {  	s8 =	sadd.s32 $0x8000, s6;
	s11 =	sadd.s32 $0x4000, s14;
	s12 =	sadd.s32 $0xE000, s14  }
0x11: {  	s13 =	sadd.s32 $0x4280, s14;
	s14 =	sadd.s32 $0xE280, s14;
	s15 =	sadd.s32 $0x3FA00, s15  }
.LBB2_1:
0x12: {  	s0 =	rddreg [dreg:$0x3]  }
0x13: {  	[tilespmem:s17], [sflag:$0x3] =	stream.linear.gather [hbm4b:s0+s3], $0x4000, $0x38;
	[tilespmem:$0x1E800] =	vst v63  }
0x14: {  	_ =	swait.ge [sflag:s18], $0x4000  }
0x15: {  	[sflag:s18] =	ssyncset.done $0x0  }
0x16: {  	[sflag:s18] =	ssyncadd.s32 $0xFFFFC000  }
0x17: {  	[spmem:s6] =	stream.linear.scatter [tilespmem:s17], [sflag:$0x3], $0x4000, $0x38;
	[tilespmem:$0x1E800] =	vst v63  }
0x18: {  	_ =	swait.ge [sflag:s18], $0x4000  }
0x19: {  	[sflag:s18] =	ssyncset.done $0x0  }
0x1a: {  	[sflag:s18] =	ssyncadd.s32 $0xFFFFC000  }
0x1b: {  	[spmem:s7] =	stream.linear.scatter [tilespmem:s17], [sflag:$0x3], $0x4000, $0x38;
	[tilespmem:$0x1E800] =	vst v63  }
0x1c: {  	_ =	swait.ge [sflag:s18], $0x4000  }
0x1d: {  	[sflag:s18] =	ssyncset.done $0x0  }
0x1e: {  	[sflag:s18] =	ssyncadd.s32 $0xFFFFC000  }
0x1f: {  	[spmem:s8] =	stream.linear.scatter [tilespmem:s17], [sflag:$0x3], $0x4000, $0x38;
	[tilespmem:$0x1E800] =	vst v63  }
0x20: {  	_ =	swait.ge [sflag:s18], $0x4000  }
0x21: {  	[sflag:s18] =	ssyncset.done $0x0  }
0x22: {  	[sflag:s18] =	ssyncadd.s32 $0xFFFFC000  }
0x23: {  	[spmem:s9] =	stream.linear.scatter [tilespmem:s17], [sflag:$0x3], $0x4000, $0x38;
	[tilespmem:$0x1E800] =	vst v63  }
0x24: {  	_ =	swait.ge [sflag:s18], $0x4000  }
0x25: {  	[sflag:s18] =	ssyncset.done $0x0  }
0x26: {  	[sflag:s18] =	ssyncadd.s32 $0xFFFFC000  }
0x27: {  	[spmem:s10] =	stream.linear.scatter [tilespmem:s17], [sflag:$0x3], $0x4000, $0x38;
	[tilespmem:$0x1E800] =	vst v63  }
0x28: {  	_ =	swait.ge [sflag:s18], $0x4000  }
0x29: {  	[sflag:s18] =	ssyncset.done $0x0  }
0x2a: {  	[sflag:s18] =	ssyncadd.s32 $0xFFFFC000  }
0x2b: {  	[bflag:$0x0] =	sbarrier.arrive $0xFFFF  }
0x2c: {  	[tilespmem:s19], [sflag:$0x3] =	stream.linear.gather [hbm4b:s11+s3], $0x1400, $0x38;
	[tilespmem:$0x1E800] =	vst v63  }
0x2d: {  	_ =	swait.ge [sflag:s18], $0x1400  }
0x2e: {  	[sflag:s18] =	ssyncset.done $0x0  }
0x2f: {  	[sflag:s18] =	ssyncadd.s32 $0xFFFFEC00  }
0x30: {  	[tilespmem:s20], [sflag:$0x3] =	stream.linear.gather [hbm4b:s12+s3], $0x1400, $0x38;
	[tilespmem:$0x1E800] =	vst v63  }
0x31: {  	_ =	swait.ge [sflag:s18], $0x1400  }
0x32: {  	[sflag:s18] =	ssyncset.done $0x0  }
0x33: {  	[sflag:s18] =	ssyncadd.s32 $0xFFFFEC00  }
0x34: {  	[tilespmem:s17], [sflag:$0x1] =	stream.indirect.gather [hbm4b:s4+s21], $0x80, s19, s21, $0xb8;
	[tilespmem:$0x1E800] =	vst v63  }
0x35: {  	s30 =	simm.s32 $0x14080  }
0x36: {  	[tilespmem:s22], [sflag:$0x2] =	stream.indirect.gather [hbm4b:s4+s21], $0x80, s30, s21, $0xb8;
	[tilespmem:$0x1E800] =	vst v63  }
0x37: {  	_ =	swait.ge [sflag:s23], $0x4000  }
0x38: {  	[sflag:s23] =	ssyncset.done $0x0  }
0x39: {  	s30 =	simm.s32 $0x15400;
	[sflag:s23] =	ssyncadd.s32 $0xFFFFC000  }
0x3a: {  	[spmem:s2] =	stream.indirect.scatter.add.f32 [tilespmem:s17], [sflag:$0x3], $0x80, s30, s21, $0xb8;
	[tilespmem:$0x1E800] =	vst v63  }
0x3b: {  	_ =	swait.ge [sflag:s18], $0x4000  }
0x3c: {  	[sflag:s18] =	ssyncset.done $0x0  }
0x3d: {  	s30 =	simm.s32 $0x14100;
	[sflag:s18] =	ssyncadd.s32 $0xFFFFC000  }
0x3e: {  	[tilespmem:s17], [sflag:$0x1] =	stream.indirect.gather [hbm4b:s4+s21], $0x80, s30, s21, $0xb8;
	[tilespmem:$0x1E800] =	vst v63  }
0x3f: {  	_ =	swait.ge [sflag:s24], $0x4000  }
0x40: {  	[sflag:s24] =	ssyncset.done $0x0  }
0x41: {  	s30 =	simm.s32 $0x15480;
	[sflag:s24] =	ssyncadd.s32 $0xFFFFC000  }
0x42: {  	[spmem:s2] =	stream.indirect.scatter.add.f32 [tilespmem:s22], [sflag:$0x3], $0x80, s30, s21, $0xb8;
	[tilespmem:$0x1E800] =	vst v63  }
0x43: {  	_ =	swait.ge [sflag:s18], $0x4000  }
0x44: {  	s31 =	simm.s32 $0x800;
	s30 =	simm.s32 $0x100;
	[sflag:s18] =	ssyncset.done $0x0  }
.LBB2_2:
0x45: {  	s1 =	sadd.s32 $0x14080, s30  }
0x46: {  	[sflag:s18] =	ssyncadd.s32 $0xFFFFC000;
	s0 =	smov.u32 s31;
	s5 =	sadd.s32 $0x400, s31  }
0x47: {  	[tilespmem:s22], [sflag:$0x2] =	stream.indirect.gather [hbm4b:s4+s21], $0x80, s1, s21, $0xb8;
	[tilespmem:$0x1E800] =	vst v63  }
0x48: {  	p0 =	sne.s32 s31, $0x4800;
	_ =	swait.ge [sflag:s23], $0x4000  }
0x49: {  	[sflag:s23] =	ssyncset.done $0x0  }
0x4a: {  	s1 =	sadd.s32 $0x15400, s30;
	[sflag:s23] =	ssyncadd.s32 $0xFFFFC000  }
0x4b: {  	[spmem:s2] =	stream.indirect.scatter.add.f32 [tilespmem:s17], [sflag:$0x3], $0x80, s1, s21, $0xb8;
	[tilespmem:$0x1E800] =	vst v63  }
0x4c: {  	_ =	swait.ge [sflag:s18], $0x4000  }
0x4d: {  	[sflag:s18] =	ssyncset.done $0x0  }
0x4e: {  	s1 =	sadd.s32 $0x14100, s30;
	[sflag:s18] =	ssyncadd.s32 $0xFFFFC000  }
0x4f: {  	[tilespmem:s17], [sflag:$0x1] =	stream.indirect.gather [hbm4b:s4+s21], $0x80, s1, s21, $0xb8;
	[tilespmem:$0x1E800] =	vst v63  }
0x50: {  	_ =	swait.ge [sflag:s24], $0x4000  }
.Ltmp0:
0x51: {  	[sflag:s24] =	ssyncset.done $0x0;
	(pc) =	sbr.rel @p0 .LBB2_2-.Ltmp0, $4  }
0x52: {  	s1 =	sadd.s32 $0x15480, s30;
	[sflag:s24] =	ssyncadd.s32 $0xFFFFC000  }
0x53: {  	[spmem:s2] =	stream.indirect.scatter.add.f32 [tilespmem:s22], [sflag:$0x3], $0x80, s1, s21, $0xb8;
	[tilespmem:$0x1E800] =	vst v63  }
0x54: {  	_ =	swait.ge [sflag:s18], $0x4000  }
0x55: {  	s31 =	smov.u32 s5;
	s30 =	sshra.s32 s0, $0x2;
	[sflag:s18] =	ssyncset.done $0x0  }
0x56: {  	s0 =	sadd.s32 $0x14080, s30;
	[sflag:s18] =	ssyncadd.s32 $0xFFFFC000  }
0x57: {  	[tilespmem:s22], [sflag:$0x2] =	stream.indirect.gather [hbm4b:s4+s21], $0x80, s0, s21, $0xb8;
	[tilespmem:$0x1E800] =	vst v63  }
0x58: {  	_ =	swait.ge [sflag:s23], $0x4000  }
0x59: {  	[sflag:s23] =	ssyncset.done $0x0  }
0x5a: {  	s1 =	sadd.s32 $0x15400, s30;
	[sflag:s23] =	ssyncadd.s32 $0xFFFFC000  }
0x5b: {  	[spmem:s2] =	stream.indirect.scatter.add.f32 [tilespmem:s17], [sflag:$0x3], $0x80, s1, s21, $0xb8;
	[tilespmem:$0x1E800] =	vst v63  }
0x5c: {  	_ =	swait.ge [sflag:s18], $0x4000  }
0x5d: {  	[sflag:s18] =	ssyncset.done $0x0  }
0x5e: {  	s5 =	sadd.s32 $0x14100, s30;
	[sflag:s18] =	ssyncadd.s32 $0xFFFFC000  }
0x5f: {  	[tilespmem:s17], [sflag:$0x1] =	stream.indirect.gather [hbm4b:s4+s21], $0x80, s5, s21, $0xb8;
	[tilespmem:$0x1E800] =	vst v63  }
0x60: {  	_ =	swait.ge [sflag:s24], $0x4000  }
0x61: {  	[sflag:s24] =	ssyncset.done $0x0  }
0x62: {  	s1 =	sadd.s32 $0x15480, s30;
	[sflag:s24] =	ssyncadd.s32 $0xFFFFC000  }
0x63: {  	[spmem:s2] =	stream.indirect.scatter.add.f32 [tilespmem:s22], [sflag:$0x3], $0x80, s1, s21, $0xb8;
	[tilespmem:$0x1E800] =	vst v63  }
0x64: {  	_ =	swait.ge [sflag:s18], $0x4000  }
0x65: {  	[sflag:s18] =	ssyncset.done $0x0  }
0x66: {  	[sflag:s18] =	ssyncadd.s32 $0xFFFFC000  }
0x67: {  	[tilespmem:s22], [sflag:$0x2] =	stream.indirect.gather [hbm4b:s4+s21], $0x80, s25, s21, $0xb8;
	[tilespmem:$0x1E800] =	vst v63  }
0x68: {  	_ =	swait.ge [sflag:s23], $0x4000  }
0x69: {  	[sflag:s23] =	ssyncset.done $0x0  }
0x6a: {  	[sflag:s23] =	ssyncadd.s32 $0xFFFFC000  }
0x6b: {  	[spmem:s2] =	stream.indirect.scatter.add.f32 [tilespmem:s17], [sflag:$0x3], $0x80, s26, s21, $0xb8;
	[tilespmem:$0x1E800] =	vst v63  }
0x6c: {  	_ =	swait.ge [sflag:s18], $0x4000  }
0x6d: {  	[sflag:s18] =	ssyncset.done $0x0  }
0x6e: {  	[sflag:s18] =	ssyncadd.s32 $0xFFFFC000  }
0x6f: {  	_ =	swait.ge [sflag:s24], $0x4000  }
0x70: {  	[sflag:s24] =	ssyncset.done $0x0  }
0x71: {  	[sflag:s24] =	ssyncadd.s32 $0xFFFFC000  }
0x72: {  	[spmem:s2] =	stream.indirect.scatter.add.f32 [tilespmem:s22], [sflag:$0x3], $0x80, s28, s21, $0xb8;
	[tilespmem:$0x1E800] =	vst v63  }
0x73: {  	_ =	swait.ge [sflag:s18], $0x4000  }
0x74: {  	[sflag:s18] =	ssyncset.done $0x0  }
0x75: {  	s5 =	simm.s32 $0x0;
	[sflag:s18] =	ssyncadd.s32 $0xFFFFC000  }
0x76: {  	[tilespmem:s19], [sflag:$0x3] =	stream.linear.gather [hbm4b:s13+s5], $0x1400, $0x38;
	[tilespmem:$0x1E800] =	vst v63  }
0x77: {  	_ =	swait.ge [sflag:s18], $0x1400  }
0x78: {  	[sflag:s18] =	ssyncset.done $0x0  }
0x79: {  	[sflag:s18] =	ssyncadd.s32 $0xFFFFEC00  }
0x7a: {  	[tilespmem:s20], [sflag:$0x3] =	stream.linear.gather [hbm4b:s14+s5], $0x1400, $0x38;
	[tilespmem:$0x1E800] =	vst v63  }
0x7b: {  	_ =	swait.ge [sflag:s18], $0x1400  }
0x7c: {  	[sflag:s18] =	ssyncset.done $0x0  }
0x7d: {  	[sflag:s18] =	ssyncadd.s32 $0xFFFFEC00  }
0x7e: {  	[tilespmem:s17], [sflag:$0x1] =	stream.indirect.gather [hbm4b:s4+s21], $0x80, s19, s21, $0xb8;
	[tilespmem:$0x1E800] =	vst v63  }
0x7f: {  	s1 =	simm.s32 $0x14080  }
0x80: {  	[tilespmem:s22], [sflag:$0x2] =	stream.indirect.gather [hbm4b:s4+s21], $0x80, s1, s21, $0xb8;
	[tilespmem:$0x1E800] =	vst v63  }
0x81: {  	_ =	swait.ge [sflag:s23], $0x4000  }
0x82: {  	[sflag:s23] =	ssyncset.done $0x0  }
0x83: {  	s5 =	simm.s32 $0x15400;
	[sflag:s23] =	ssyncadd.s32 $0xFFFFC000  }
0x84: {  	[spmem:s2] =	stream.indirect.scatter.add.f32 [tilespmem:s17], [sflag:$0x3], $0x80, s5, s21, $0xb8;
	[tilespmem:$0x1E800] =	vst v63  }
0x85: {  	_ =	swait.ge [sflag:s18], $0x4000  }
0x86: {  	[sflag:s18] =	ssyncset.done $0x0  }
0x87: {  	s1 =	simm.s32 $0x14100;
	[sflag:s18] =	ssyncadd.s32 $0xFFFFC000  }
0x88: {  	[tilespmem:s17], [sflag:$0x1] =	stream.indirect.gather [hbm4b:s4+s21], $0x80, s1, s21, $0xb8;
	[tilespmem:$0x1E800] =	vst v63  }
0x89: {  	_ =	swait.ge [sflag:s24], $0x4000  }
0x8a: {  	[sflag:s24] =	ssyncset.done $0x0  }
0x8b: {  	s5 =	simm.s32 $0x15480;
	[sflag:s24] =	ssyncadd.s32 $0xFFFFC000  }
0x8c: {  	[spmem:s2] =	stream.indirect.scatter.add.f32 [tilespmem:s22], [sflag:$0x3], $0x80, s5, s21, $0xb8;
	[tilespmem:$0x1E800] =	vst v63  }
0x8d: {  	_ =	swait.ge [sflag:s18], $0x4000  }
0x8e: {  	s31 =	simm.s32 $0x800;
	s30 =	simm.s32 $0x100;
	[sflag:s18] =	ssyncset.done $0x0  }
.LBB2_4:
0x8f: {  	s0 =	sadd.s32 $0x14080, s30  }
0x90: {  	[sflag:s18] =	ssyncadd.s32 $0xFFFFC000;
	s1 =	smov.u32 s31;
	s5 =	sadd.s32 $0x400, s31  }
0x91: {  	[tilespmem:s22], [sflag:$0x2] =	stream.indirect.gather [hbm4b:s4+s21], $0x80, s0, s21, $0xb8;
	[tilespmem:$0x1E800] =	vst v63  }
0x92: {  	p0 =	sne.s32 s31, $0x4800;
	_ =	swait.ge [sflag:s23], $0x4000  }
0x93: {  	[sflag:s23] =	ssyncset.done $0x0  }
0x94: {  	s0 =	sadd.s32 $0x15400, s30;
	[sflag:s23] =	ssyncadd.s32 $0xFFFFC000  }
0x95: {  	[spmem:s2] =	stream.indirect.scatter.add.f32 [tilespmem:s17], [sflag:$0x3], $0x80, s0, s21, $0xb8;
	[tilespmem:$0x1E800] =	vst v63  }
0x96: {  	_ =	swait.ge [sflag:s18], $0x4000  }
0x97: {  	[sflag:s18] =	ssyncset.done $0x0  }
0x98: {  	s0 =	sadd.s32 $0x14100, s30;
	[sflag:s18] =	ssyncadd.s32 $0xFFFFC000  }
0x99: {  	[tilespmem:s17], [sflag:$0x1] =	stream.indirect.gather [hbm4b:s4+s21], $0x80, s0, s21, $0xb8;
	[tilespmem:$0x1E800] =	vst v63  }
0x9a: {  	_ =	swait.ge [sflag:s24], $0x4000  }
.Ltmp1:
0x9b: {  	[sflag:s24] =	ssyncset.done $0x0;
	(pc) =	sbr.rel @p0 .LBB2_4-.Ltmp1, $4  }
0x9c: {  	s0 =	sadd.s32 $0x15480, s30;
	[sflag:s24] =	ssyncadd.s32 $0xFFFFC000  }
0x9d: {  	[spmem:s2] =	stream.indirect.scatter.add.f32 [tilespmem:s22], [sflag:$0x3], $0x80, s0, s21, $0xb8;
	[tilespmem:$0x1E800] =	vst v63  }
0x9e: {  	_ =	swait.ge [sflag:s18], $0x4000  }
0x9f: {  	s31 =	smov.u32 s5;
	s30 =	sshra.s32 s1, $0x2;
	[sflag:s18] =	ssyncset.done $0x0  }
0xa0: {  	s0 =	sadd.s32 $0x14080, s30;
	[sflag:s18] =	ssyncadd.s32 $0xFFFFC000  }
0xa1: {  	[tilespmem:s22], [sflag:$0x2] =	stream.indirect.gather [hbm4b:s4+s21], $0x80, s0, s21, $0xb8;
	[tilespmem:$0x1E800] =	vst v63  }
0xa2: {  	_ =	swait.ge [sflag:s23], $0x4000  }
0xa3: {  	[sflag:s23] =	ssyncset.done $0x0  }
0xa4: {  	s1 =	sadd.s32 $0x15400, s30;
	[sflag:s23] =	ssyncadd.s32 $0xFFFFC000  }
0xa5: {  	[spmem:s2] =	stream.indirect.scatter.add.f32 [tilespmem:s17], [sflag:$0x3], $0x80, s1, s21, $0xb8;
	[tilespmem:$0x1E800] =	vst v63  }
0xa6: {  	_ =	swait.ge [sflag:s18], $0x4000  }
0xa7: {  	[sflag:s18] =	ssyncset.done $0x0  }
0xa8: {  	s5 =	sadd.s32 $0x14100, s30;
	[sflag:s18] =	ssyncadd.s32 $0xFFFFC000  }
0xa9: {  	[tilespmem:s17], [sflag:$0x1] =	stream.indirect.gather [hbm4b:s4+s21], $0x80, s5, s21, $0xb8;
	[tilespmem:$0x1E800] =	vst v63  }
0xaa: {  	_ =	swait.ge [sflag:s24], $0x4000  }
0xab: {  	[sflag:s24] =	ssyncset.done $0x0  }
0xac: {  	s30 =	sadd.s32 $0x15480, s30;
	[sflag:s24] =	ssyncadd.s32 $0xFFFFC000  }
0xad: {  	[spmem:s2] =	stream.indirect.scatter.add.f32 [tilespmem:s22], [sflag:$0x3], $0x80, s30, s21, $0xb8;
	[tilespmem:$0x1E800] =	vst v63  }
0xae: {  	_ =	swait.ge [sflag:s18], $0x4000  }
0xaf: {  	[sflag:s18] =	ssyncset.done $0x0  }
0xb0: {  	[sflag:s18] =	ssyncadd.s32 $0xFFFFC000  }
0xb1: {  	[tilespmem:s22], [sflag:$0x2] =	stream.indirect.gather [hbm4b:s4+s21], $0x80, s25, s21, $0xb8;
	[tilespmem:$0x1E800] =	vst v63  }
0xb2: {  	_ =	swait.ge [sflag:s23], $0x4000  }
0xb3: {  	[sflag:s23] =	ssyncset.done $0x0  }
0xb4: {  	[sflag:s23] =	ssyncadd.s32 $0xFFFFC000  }
0xb5: {  	[spmem:s2] =	stream.indirect.scatter.add.f32 [tilespmem:s17], [sflag:$0x3], $0x80, s26, s21, $0xb8;
	[tilespmem:$0x1E800] =	vst v63  }
0xb6: {  	_ =	swait.ge [sflag:s18], $0x4000  }
0xb7: {  	[sflag:s18] =	ssyncset.done $0x0  }
0xb8: {  	[sflag:s18] =	ssyncadd.s32 $0xFFFFC000  }
0xb9: {  	_ =	swait.ge [sflag:s24], $0x4000  }
0xba: {  	[sflag:s24] =	ssyncset.done $0x0  }
0xbb: {  	[sflag:s24] =	ssyncadd.s32 $0xFFFFC000  }
0xbc: {  	[spmem:s2] =	stream.indirect.scatter.add.f32 [tilespmem:s22], [sflag:$0x3], $0x80, s28, s21, $0xb8;
	[tilespmem:$0x1E800] =	vst v63  }
0xbd: {  	s31 =	stileid.u32;
	_ =	swait.ge [sflag:s18], $0x4000  }
0xbe: {  	s29 =	sadd.s32 $0x1, s29;
	s0 =	sshll.u32 s31, $0x6;
	[sflag:s18] =	ssyncset.done $0x0  }
0xbf: {  	p0 =	sne.s32 s29, s16;
	s0 =	sor.u32 $0x1C03, s0;
	[sflag:s18] =	ssyncadd.s32 $0xFFFFC000  }
.Ltmp2:
0xc0: {  	s1 =	sshrl.u32 s6, $0x3;
	[bflag:$0x0] =	sbarrier.arrive $0xFFFF;
	(pc) =	sbr.rel @p0 .LBB2_1-.Ltmp2, $4  }
0xc1: {  	[hbm:s15], [sflag:s0] =	dma.local [spmem:s1], $0x2800  }
0xc2: {  	_ =	swait.ge [sflag:s18], $0x2800  }
0xc3: {  	[sflag:s18] =	ssyncset.done $0x0  }
0xc4: {  	[sflag:s18] =	ssyncadd.s32 $0xFFFFD800  }
0xc5: {  	_ =	sfence.sel $0x180000  }
0xc6: {  	[bflag:$0x0] =	sbarrier.arrive $0xFFFF  }
0xc7: {  	_ =	strace $0x9000004A  }
0xc8: {  	s0 =	stileid.u32;
	[bflag:$0x2] =	sbarrier.arrive $0xFFFF  }
0xc9: {  	p0 =	sne.s32 s0, $0x0;
	s0 =	rddreg [dreg:$0x2]  }
0xca: {  	s0 =	sadd.s32 @!p0 $0x100000, s0  }
0xcb: {  	[sflag:s0] =	ssyncadd.tile.s32 @!p0 $0x1;
	_ =	shalt  }
.Lfunc_end2:
_tile_overlayer_lowered:
.L_overlay_start_2:
0xcc: {  	(tag) =	ssettag $0x2  }
0xcd: {  	s0 =	rddreg [dreg:$0x0];
	s2 =	stileid.u32  }
0xce: {  	s1 =	rddreg [dreg:$0x1];
	p0 =	sne.s32 s2, $0x0  }
0xcf: {  	s3 =	rddreg [dreg:$0x2];
	[bflag:$0x3] =	sbarrier.arrive $0xFFFF;
	s2 =	simm.s32 @!p0 $0x1C03  }
0xd0: {  	[timem:s3], [sflag:s2] =	dma.local @!p0 [hbm:s0], s1  }
0xd1: {  	s0 =	simm.s32 @!p0 $0x3  }
0xd2: {  	_ =	swait.ge @!p0 [sflag:s0], s1  }
0xd3: {  	s1 =	ssub.s32 @!p0 $0x0, s1;
	[sflag:s0] =	ssyncset.done @!p0 $0x0  }
0xd4: {  	[sflag:s0] =	ssyncadd.s32 @!p0 s1  }
0xd5: {  	[bflag:$0x3] =	sbarrier.arrive $0xFFFF  }
0xd6: {  	_ =	shalt  }

// kernel: kernel.17.cloned.1.call-start
scs
__scs_entry_jumppad:
0x0: {  	(pc) =	sbr.rel $0x88, $3  }
0x1: {  	(tag) =	ssettag $0x0;
	lr =	simm.s32 $0x1  }
0x2: {  	[smem:$0x3F8A] =	sst lr;
	_ =	strace $0xD0000000  }
0x3: {  	_ = 	snop  }
0x4: {  	_ = 	snop  }
0x5: {  	_ = 	snop  }
0x6: {  	_ = 	snop  }
0x7: {  	_ = 	snop  }
__scs_overlays_trampoline_lowered:
0x8: {  	[smem:$0x3F99] =	sst s0  }
0x9: {  	[smem:$0x3F9A] =	sst s1  }
0xa: {  	[smem:$0x3F9B] =	sst s2  }
0xb: {  	[smem:$0x3F9C] =	sst s3  }
0xc: {  	[smem:$0x3F9D] =	sst s4  }
0xd: {  	[smem:$0x3F9E] =	sst s5  }
0xe: {  	[smem:$0x3F9F] =	sst s6  }
0xf: {  	[smem:$0x3FA0] =	sst s7  }
0x10: {  	[smem:$0x3FA1] =	sst s8  }
0x11: {  	[smem:$0x3FA2] =	sst s9;
	s0 =	simm.s32 @!p0 $0x0  }
0x12: {  	s1 =	sld [smem:$0x3F88];
	s0 =	simm.s32 @p0 $0x1  }
0x13: {  	[smem:$0x3FA3] =	sst s0;
	s0 =	simm.s32 @!p1 $0x0  }
0x14: {  	s2 =	sld [smem:$0x3F87];
	s0 =	simm.s32 @p1 $0x1  }
0x15: {  	[smem:$0x3FA4] =	sst s0;
	s0 =	simm.s32 @!p2 $0x0  }
0x16: {  	s3 =	sld [smem:$0x3FDB];
	s0 =	simm.s32 @p2 $0x1  }
0x17: {  	s4 =	simm.s32 $0x1BF5;
	[smem:$0x3FA6] =	sst s0  }
0x18: {  	s0 =	sld [smem:$0x3F89];
	_ =	swait.ge [sflag:s4], $0x0  }
0x19: {  	s7 =	sld [smem:$0x3F8A]  }
0x1a: {  	s8 =	sadd.s32 $0xFFFFE003, lr  }
0x1b: {  	s9 =	sadd.s32 $0xFFFFFEF7, lr;
	s5 =	simm.s32 $0xFFFFFFFF;
	p2 =	slt.u32 s8, $0xFFFFF086  }
0x1c: {  	p1 =	slt.u32 s9, $0xF7A;
	s5 =	simm.s32 @!p2 $0x0  }
0x1d: {  	s5 =	simm.s32 @p1 $0x1;
	p0 =	seq.s32 s7, s2  }
0x1e: {  	s7 =	smul.u32 @!p0 $0xF7A, s2;
	p2 =	seq.s32 @!p0 s5, $0x0  }
0x1f: {  	s9 =	smul.u32 $0xF7A, s1;
	s8 =	simm.s32 @!p0 $0x1BF5;
	p2 =	por !p2, p0  }
0x20: {  	[sflag:s8] =	ssyncset.s32 @!p0 $0xFFFFF086;
	s6 =	sadd.s32 @!p0 s3, s7;
	s7 =	simm.s32 @!p0 $0x108  }
0x21: {  	s3 =	sadd.s32 s3, s9;
	s6 =	sadd.s32 @!p0 $0x88, s6;
	s7 =	simm.s32 @p2 $0x1082  }
0x22: {  	[simem:s7], [sflag:s8] =	dma.local @!p0 [hbm:s6], $0xF7A  }
0x23: {  	s9 =	sor.u32 $0xD0000000, s2;
	s6 =	simm.s32 $0x108;
	_ =	swait.ge @!p0 [sflag:s8], $0x0  }
0x24: {  	s3 =	sadd.s32 $0x88, s3;
	s6 =	simm.s32 @!p1 $0x1082;
	[sflag:s4] =	ssyncset.s32 $0xFFFFF086  }
0x25: {  	[simem:s6], [sflag:s4] =	dma.local [hbm:s3], $0xF7A  }
0x26: {  	[smem:$0x3F8A] =	sst s1;
	(tag) =	ssettag s2;
	_ =	strace s9  }
0x27: {  	s1 =	sld [smem:$0x3F9A]  }
0x28: {  	s2 =	sld [smem:$0x3F9B]  }
0x29: {  	s4 =	sld [smem:$0x3F9D]  }
0x2a: {  	p0 =	seq.s32 s5, $0x0;
	s5 =	sld [smem:$0x3F9E]  }
0x2b: {  	s6 =	sld [smem:$0x3F9F]  }
0x2c: {  	s7 =	sld [smem:$0x3FA0]  }
0x2d: {  	s3 =	simm.s32 $0x108;
	s8 =	sld [smem:$0x3FA1]  }
0x2e: {  	s3 =	simm.s32 @!p0 $0x1082;
	s9 =	sld [smem:$0x3FA2]  }
0x2f: {  	lr =	sadd.s32 s0, s3;
	s0 =	sld [smem:$0x3F99]  }
0x30: {  	s3 =	sld [smem:$0x3F9C]  }
0x31: {  	[smem:$0x3FA5] =	sst s10  }
0x32: {  	s10 =	sld [smem:$0x3FA3];
	_ =	sdelay $0x3  }
0x33: {  	p0 =	seq.s32 s10, $0x1;
	s10 =	sld [smem:$0x3FA5];
	_ =	sdelay $0x3  }
0x34: {  	[smem:$0x3FA5] =	sst s10  }
0x35: {  	s10 =	sld [smem:$0x3FA4];
	_ =	sdelay $0x3  }
0x36: {  	p1 =	seq.s32 s10, $0x1;
	s10 =	sld [smem:$0x3FA5];
	_ =	sdelay $0x3  }
0x37: {  	[smem:$0x3FA5] =	sst s10  }
0x38: {  	s10 =	sld [smem:$0x3FA6]  }
0x39: {  	_ = 	snop;
	(pc) =	sbr.ind lr, $3  }
0x3a: {  	_ = 	snop  }
0x3b: {  	_ = 	snop  }
0x3c: {  	p2 =	seq.s32 s10, $0x1;
	s10 =	sld [smem:$0x3FA5]  }
0x3d: {  	_ =	shalt  }
0x3e: {  	_ =	shalt  }
0x3f: {  	_ =	shalt  }
0x40: {  	_ =	shalt  }
0x41: {  	_ =	shalt  }
0x42: {  	_ =	shalt  }
0x43: {  	_ =	shalt  }
0x44: {  	_ =	shalt  }
0x45: {  	_ =	shalt  }
0x46: {  	_ =	shalt  }
0x47: {  	_ =	shalt  }
0x48: {  	_ =	shalt  }
0x49: {  	_ =	shalt  }
0x4a: {  	_ =	shalt  }
0x4b: {  	_ =	shalt  }
0x4c: {  	_ =	shalt  }
0x4d: {  	_ =	shalt  }
0x4e: {  	_ =	shalt  }
0x4f: {  	_ =	shalt  }
0x50: {  	_ =	shalt  }
0x51: {  	_ =	shalt  }
0x52: {  	_ =	shalt  }
0x53: {  	_ =	shalt  }
0x54: {  	_ =	shalt  }
0x55: {  	_ =	shalt  }
0x56: {  	_ =	shalt  }
0x57: {  	_ =	shalt  }
0x58: {  	_ =	shalt  }
0x59: {  	_ =	shalt  }
0x5a: {  	_ =	shalt  }
0x5b: {  	_ =	shalt  }
0x5c: {  	_ =	shalt  }
0x5d: {  	_ =	shalt  }
0x5e: {  	_ =	shalt  }
0x5f: {  	_ =	shalt  }
0x60: {  	_ =	shalt  }
0x61: {  	_ =	shalt  }
0x62: {  	_ =	shalt  }
0x63: {  	_ =	shalt  }
0x64: {  	_ =	shalt  }
0x65: {  	_ =	shalt  }
0x66: {  	_ =	shalt  }
0x67: {  	_ =	shalt  }
0x68: {  	_ =	shalt  }
0x69: {  	_ =	shalt  }
0x6a: {  	_ =	shalt  }
0x6b: {  	_ =	shalt  }
0x6c: {  	_ =	shalt  }
0x6d: {  	_ =	shalt  }
0x6e: {  	_ =	shalt  }
0x6f: {  	_ =	shalt  }
0x70: {  	_ =	shalt  }
0x71: {  	_ =	shalt  }
0x72: {  	_ =	shalt  }
0x73: {  	_ =	shalt  }
0x74: {  	_ =	shalt  }
0x75: {  	_ =	shalt  }
0x76: {  	_ =	shalt  }
0x77: {  	_ =	shalt  }
0x78: {  	_ =	shalt  }
0x79: {  	_ =	shalt  }
0x7a: {  	_ =	shalt  }
0x7b: {  	_ =	shalt  }
0x7c: {  	_ =	shalt  }
0x7d: {  	_ =	shalt  }
0x7e: {  	_ =	shalt  }
0x7f: {  	_ =	shalt  }
0x80: {  	_ =	shalt  }
0x81: {  	_ =	shalt  }
0x82: {  	_ =	shalt  }
0x83: {  	_ =	shalt  }
0x84: {  	_ =	shalt  }
0x85: {  	_ =	shalt  }
0x86: {  	_ =	shalt  }
0x87: {  	_ =	shalt  }
.Lfunc_end0:
.L_simem_size_0:
called_computation.2_lowered:
.L_overlay_start_0:
0x88: {  	s2 =	sld [smem:$0x3FD9]  }
0x89: {  	s3 =	sld [smem:$0x3FFE];
	_ =	sdelay $0x1  }
0x8a: {  	s1 =	srdreg.scid  }
0x8b: {  	s0 =	sand.u32 $0x1, s1  }
0x8c: {  	s16 =	sshll.u32 s0, $0xA;
	s2 =	sadd.s32 s3, s2  }
0x8d: {  	s2 =	sadd.s32 s2, s16  }
0x8e: {  	[smem:$0x3FB1] =	sst s2  }
0x8f: {  	_ = 	snop  }
0x90: {  	(tm) =	ssettm $0x1  }
0x91: {  	s17 =	sld [smem:$0x3FFB];
	_ =	sdelay $0x3  }
0x92: {  	_ =	strace s17  }
0x93: {  	s2 =	sld [smem:$0x3FFC];
	_ =	sdelay $0x3  }
0x94: {  	_ =	strace s2  }
0x95: {  	s2 =	sld [smem:$0x3FFD];
	_ =	sdelay $0x3  }
0x96: {  	_ =	strace s2  }
0x97: {  	_ =	strace $0x8FFFFFFF  }
0x98: {  	s18 =	sld [smem:$0x3FDB];
	_ =	sdelay $0x1  }
0x99: {  	s19 =	simm.s32 $_scs_section_size  }
0x9a: {  	s4 =	simm.s32 $_size__tile_overlayer_lowered;
	s5 =	simm.s32 $_tile_overlayer_lowered  }
0x9b: {  	s22 =	simm.s32 $0x1BFF;
	s21 =	sshll.u32 s5, $0x1;
	s2 =	sadd.s32 s19, s18  }
0x9c: {  	s6 =	simm.s32 $0x0;
	s20 =	sshll.u32 s4, $0x1;
	s4 =	sadd.s32 s21, s2  }
0x9d: {  	[timem:s6], [sflag:s22] =	dma.local [hbm:s4], s20  }
0x9e: {  	_ =	swait.ge [sflag:s22], s20  }
0x9f: {  	s3 =	ssub.s32 $0x0, s20;
	[sflag:s22] =	ssyncset.done $0x0  }
0xa0: {  	[sflag:s22] =	ssyncadd.s32 s3;
	_ =	sdelay $0x1  }
0xa1: {  	s23 =	simm.s32 $0x1B8B  }
0xa2: {  	_ =	swait.ge [sflag:s23], $0x1  }
0xa3: {  	[sflag:s23] =	ssyncset.done $0x0  }
0xa4: {  	s25 =	simm.s32 $0x1B8E;
	s24 =	sld [smem:$0x3FFE];
	[sflag:s23] =	ssyncadd.s32 $0xFFFFFFFF  }
0xa5: {  	s26 =	simm.s32 $execute0_lowered;
	[smem:$0x3FD2] =	sst s25  }
0xa6: {  	s4 =	sshll.u32 s26, $0x1;
	_ =	strace $0x8000004C;
	[dreg:$0x1] =	wrdreg $0xFFFFFFFF  }
0xa7: {  	s28 =	simm.s32 $_size_execute0_lowered;
	s2 =	sadd.s32 s2, s4;
	[dreg:$0x0] =	wrdreg $0x0  }
0xa8: {  	s4 =	sshll.u32 s28, $0x1;
	[dreg:$0x2] =	wrdreg s2  }
0xa9: {  	[dreg:$0x3] =	wrdreg s4  }
0xaa: {  	[dreg:$0x4] =	wrdreg $0xC0  }
0xab: {  	_ =	task [dreg:s6], $0x5FFFF  }
0xac: {  	[dreg:$0x1] =	wrdreg $0xFFFFFFFF  }
0xad: {  	[dreg:$0x0] =	wrdreg $0x60  }
0xae: {  	[dreg:$0x2] =	wrdreg s24  }
0xaf: {  	[dreg:$0x3] =	wrdreg $0x0  }
0xb0: {  	[dreg:$0x4] =	wrdreg $0x9  }
0xb1: {  	_ =	task.clear_ibuf [dreg:s6], $0x5FFFF;
	_ =	strace $0x9000004C  }
0xb2: {  	s29 =	simm.s32 $0x9;
	_ =	strace $0x8000004E  }
0xb3: {  	_ =	swait.ge [sflag:s29], $0x1  }
0xb4: {  	[sflag:s29] =	ssyncadd.s32 $0xFFFFFFFF  }
0xb5: {  	_ =	strace $0x9000004E  }
0xb6: {  	_ =	sfence  }
0xb7: {  	s30 =	sld [smem:$0x0];
	_ =	sdelay $0x2  }
0xb8: {  	s31 =	sshll.u32 s1, $0xD;
	s1 =	sshrl.u32 s1, $0x2  }
0xb9: {  	s3 =	sand.u32 $0x4000, s31;
	s1 =	sadd.s32 s1, s30  }
0xba: {  	s0 =	sor.u32 s3, s0;
	s1 =	sshll.u32 s1, $0x11  }
0xbb: {  	s0 =	sor.u32 s1, s0  }
0xbc: {  	s0 =	sadd.s32 $0x8F2B, s0  }
0xbd: {  	[sflag:s0] =	ssyncadd.remote.s32 $0x1  }
0xbe: {  	_ =	sfence.sel $0xFFFF  }
0xbf: {  	[dreg:$0x0] =	wrdreg $0xFFFFFFFF;
	(pc) =	sbr.abs _section_cstart, $3  }
0xc0: {  	[dreg:$0x1] =	wrdreg $0xFFFFFFFF  }
0xc1: {  	_ =	task.clear_ibuf [dreg:s6], $0x2FFFF;
	_ =	strace $0x9FFFFFFF  }
0xc2: {  	(tm) =	ssettm $0x7FFFFFFF  }
0xc3: {  	_ =	shalt  }
tec
execute0_lowered:
.L_overlay_start_1:
0x0: {  	(tag) =	ssettag $0x1  }
0x1: {  	s1 =	srdreg.scid;
	s7 =	rddreg [dreg:$0x0]  }
0x2: {  	s0 =	stileid.u32;
	s2 =	rddreg [dreg:$0x1]  }
0x3: {  	s3 =	simm.s32 $0x0;
	s17 =	simm.s32 $0x16800;
	s18 =	simm.s32 $0x3  }
0x4: {  	s19 =	simm.s32 $0x14000;
	s20 =	simm.s32 $0x15400;
	s21 =	simm.s32 $0x80  }
0x5: {  	s22 =	simm.s32 $0x1A800;
	s23 =	simm.s32 $0x1;
	s28 =	simm.s32 $0x16780  }
0x6: {  	s29 =	simm.s32 $0x0;
	s6 =	sand.u32 $0x1, s1;
	s9 =	smul.u32 $0x14000, s0  }
0x7: {  	s24 =	sshll.u32 s0, $0x1;
	[smem:$0x7FF] =	sst s3;
	s10 =	smul.u32 $0x50000, s0  }
0x8: {  	s25 =	sadd.s32 $0x18000, s7;
	s1 =	sor.u32 s6, s24;
	s8 =	smul.u32 $0x140000, s6  }
0x9: {  	_ =	strace $0x8000004D;
	[dreg:$0x3] =	wrdreg s25;
	s26 =	ssub.s32 $0x2, s6  }
0xa: {  	s24 =	simm.s32 $0x2;
	s25 =	simm.s32 $0x15380;
	s4 =	smul.u32 $0x2800, s1  }
0xb: {  	s30 =	sshrl.u32 s10, $0x2;
	s31 =	sshrl.u32 s26, $0x1;
	s8 =	sadd.s32 s9, s8  }
0xc: {  	s6 =	sadd.s32 s30, s2;
	s16 =	ssub.s32 s26, s31;
	s26 =	simm.s32 $0x16700  }
0xd: {  	s5 =	sshrl.u32 s4, $0x3;
	s4 =	sadd.s32 $0x18800, s7;
	s8 =	sshrl.u32 s8, $0x3  }
0xe: {  	s9 =	sadd.s32 $0xC000, s6;
	s10 =	sadd.s32 $0x10000, s6;
	s16 =	smax.u32 s16, $0x1  }
0xf: {  	s14 =	sadd.s32 s5, s7;
	s15 =	sadd.s32 s8, s7;
	s7 =	sadd.s32 $0x4000, s6  }
0x10: {  	s8 =	sadd.s32 $0x8000, s6;
	s11 =	sadd.s32 $0x4000, s14;
	s12 =	sadd.s32 $0xE000, s14  }
0x11: {  	s13 =	sadd.s32 $0x4280, s14;
	s14 =	sadd.s32 $0xE280, s14;
	s15 =	sadd.s32 $0x3FA00, s15  }
.LBB2_1:
0x12: {  	s0 =	rddreg [dreg:$0x3]  }
0x13: {  	[tilespmem:s17], [sflag:$0x3] =	stream.linear.gather [hbm4b:s0+s3], $0x4000, $0x38;
	[tilespmem:$0x1E800] =	vst v63  }
0x14: {  	_ =	swait.ge [sflag:s18], $0x4000  }
0x15: {  	[sflag:s18] =	ssyncset.done $0x0  }
0x16: {  	[sflag:s18] =	ssyncadd.s32 $0xFFFFC000  }
0x17: {  	[spmem:s6] =	stream.linear.scatter [tilespmem:s17], [sflag:$0x3], $0x4000, $0x38;
	[tilespmem:$0x1E800] =	vst v63  }
0x18: {  	_ =	swait.ge [sflag:s18], $0x4000  }
0x19: {  	[sflag:s18] =	ssyncset.done $0x0  }
0x1a: {  	[sflag:s18] =	ssyncadd.s32 $0xFFFFC000  }
0x1b: {  	[spmem:s7] =	stream.linear.scatter [tilespmem:s17], [sflag:$0x3], $0x4000, $0x38;
	[tilespmem:$0x1E800] =	vst v63  }
0x1c: {  	_ =	swait.ge [sflag:s18], $0x4000  }
0x1d: {  	[sflag:s18] =	ssyncset.done $0x0  }
0x1e: {  	[sflag:s18] =	ssyncadd.s32 $0xFFFFC000  }
0x1f: {  	[spmem:s8] =	stream.linear.scatter [tilespmem:s17], [sflag:$0x3], $0x4000, $0x38;
	[tilespmem:$0x1E800] =	vst v63  }
0x20: {  	_ =	swait.ge [sflag:s18], $0x4000  }
0x21: {  	[sflag:s18] =	ssyncset.done $0x0  }
0x22: {  	[sflag:s18] =	ssyncadd.s32 $0xFFFFC000  }
0x23: {  	[spmem:s9] =	stream.linear.scatter [tilespmem:s17], [sflag:$0x3], $0x4000, $0x38;
	[tilespmem:$0x1E800] =	vst v63  }
0x24: {  	_ =	swait.ge [sflag:s18], $0x4000  }
0x25: {  	[sflag:s18] =	ssyncset.done $0x0  }
0x26: {  	[sflag:s18] =	ssyncadd.s32 $0xFFFFC000  }
0x27: {  	[spmem:s10] =	stream.linear.scatter [tilespmem:s17], [sflag:$0x3], $0x4000, $0x38;
	[tilespmem:$0x1E800] =	vst v63  }
0x28: {  	_ =	swait.ge [sflag:s18], $0x4000  }
0x29: {  	[sflag:s18] =	ssyncset.done $0x0  }
0x2a: {  	[sflag:s18] =	ssyncadd.s32 $0xFFFFC000  }
0x2b: {  	[bflag:$0x0] =	sbarrier.arrive $0xFFFF  }
0x2c: {  	[tilespmem:s19], [sflag:$0x3] =	stream.linear.gather [hbm4b:s11+s3], $0x1400, $0x38;
	[tilespmem:$0x1E800] =	vst v63  }
0x2d: {  	_ =	swait.ge [sflag:s18], $0x1400  }
0x2e: {  	[sflag:s18] =	ssyncset.done $0x0  }
0x2f: {  	[sflag:s18] =	ssyncadd.s32 $0xFFFFEC00  }
0x30: {  	[tilespmem:s20], [sflag:$0x3] =	stream.linear.gather [hbm4b:s12+s3], $0x1400, $0x38;
	[tilespmem:$0x1E800] =	vst v63  }
0x31: {  	_ =	swait.ge [sflag:s18], $0x1400  }
0x32: {  	[sflag:s18] =	ssyncset.done $0x0  }
0x33: {  	[sflag:s18] =	ssyncadd.s32 $0xFFFFEC00  }
0x34: {  	[tilespmem:s17], [sflag:$0x1] =	stream.indirect.gather [hbm4b:s4+s21], $0x80, s19, s21, $0xb8;
	[tilespmem:$0x1E800] =	vst v63  }
0x35: {  	s30 =	simm.s32 $0x14080  }
0x36: {  	[tilespmem:s22], [sflag:$0x2] =	stream.indirect.gather [hbm4b:s4+s21], $0x80, s30, s21, $0xb8;
	[tilespmem:$0x1E800] =	vst v63  }
0x37: {  	_ =	swait.ge [sflag:s23], $0x4000  }
0x38: {  	[sflag:s23] =	ssyncset.done $0x0  }
0x39: {  	s30 =	simm.s32 $0x15400;
	[sflag:s23] =	ssyncadd.s32 $0xFFFFC000  }
0x3a: {  	[spmem:s2] =	stream.indirect.scatter.add.f32 [tilespmem:s17], [sflag:$0x3], $0x80, s30, s21, $0xb8;
	[tilespmem:$0x1E800] =	vst v63  }
0x3b: {  	_ =	swait.ge [sflag:s18], $0x4000  }
0x3c: {  	[sflag:s18] =	ssyncset.done $0x0  }
0x3d: {  	s30 =	simm.s32 $0x14100;
	[sflag:s18] =	ssyncadd.s32 $0xFFFFC000  }
0x3e: {  	[tilespmem:s17], [sflag:$0x1] =	stream.indirect.gather [hbm4b:s4+s21], $0x80, s30, s21, $0xb8;
	[tilespmem:$0x1E800] =	vst v63  }
0x3f: {  	_ =	swait.ge [sflag:s24], $0x4000  }
0x40: {  	[sflag:s24] =	ssyncset.done $0x0  }
0x41: {  	s30 =	simm.s32 $0x15480;
	[sflag:s24] =	ssyncadd.s32 $0xFFFFC000  }
0x42: {  	[spmem:s2] =	stream.indirect.scatter.add.f32 [tilespmem:s22], [sflag:$0x3], $0x80, s30, s21, $0xb8;
	[tilespmem:$0x1E800] =	vst v63  }
0x43: {  	_ =	swait.ge [sflag:s18], $0x4000  }
0x44: {  	s31 =	simm.s32 $0x800;
	s30 =	simm.s32 $0x100;
	[sflag:s18] =	ssyncset.done $0x0  }
.LBB2_2:
0x45: {  	s1 =	sadd.s32 $0x14080, s30  }
0x46: {  	[sflag:s18] =	ssyncadd.s32 $0xFFFFC000;
	s0 =	smov.u32 s31;
	s5 =	sadd.s32 $0x400, s31  }
0x47: {  	[tilespmem:s22], [sflag:$0x2] =	stream.indirect.gather [hbm4b:s4+s21], $0x80, s1, s21, $0xb8;
	[tilespmem:$0x1E800] =	vst v63  }
0x48: {  	p0 =	sne.s32 s31, $0x4800;
	_ =	swait.ge [sflag:s23], $0x4000  }
0x49: {  	[sflag:s23] =	ssyncset.done $0x0  }
0x4a: {  	s1 =	sadd.s32 $0x15400, s30;
	[sflag:s23] =	ssyncadd.s32 $0xFFFFC000  }
0x4b: {  	[spmem:s2] =	stream.indirect.scatter.add.f32 [tilespmem:s17], [sflag:$0x3], $0x80, s1, s21, $0xb8;
	[tilespmem:$0x1E800] =	vst v63  }
0x4c: {  	_ =	swait.ge [sflag:s18], $0x4000  }
0x4d: {  	[sflag:s18] =	ssyncset.done $0x0  }
0x4e: {  	s1 =	sadd.s32 $0x14100, s30;
	[sflag:s18] =	ssyncadd.s32 $0xFFFFC000  }
0x4f: {  	[tilespmem:s17], [sflag:$0x1] =	stream.indirect.gather [hbm4b:s4+s21], $0x80, s1, s21, $0xb8;
	[tilespmem:$0x1E800] =	vst v63  }
0x50: {  	_ =	swait.ge [sflag:s24], $0x4000  }
.Ltmp0:
0x51: {  	[sflag:s24] =	ssyncset.done $0x0;
	(pc) =	sbr.rel @p0 .LBB2_2-.Ltmp0, $4  }
0x52: {  	s1 =	sadd.s32 $0x15480, s30;
	[sflag:s24] =	ssyncadd.s32 $0xFFFFC000  }
0x53: {  	[spmem:s2] =	stream.indirect.scatter.add.f32 [tilespmem:s22], [sflag:$0x3], $0x80, s1, s21, $0xb8;
	[tilespmem:$0x1E800] =	vst v63  }
0x54: {  	_ =	swait.ge [sflag:s18], $0x4000  }
0x55: {  	s31 =	smov.u32 s5;
	s30 =	sshra.s32 s0, $0x2;
	[sflag:s18] =	ssyncset.done $0x0  }
0x56: {  	s0 =	sadd.s32 $0x14080, s30;
	[sflag:s18] =	ssyncadd.s32 $0xFFFFC000  }
0x57: {  	[tilespmem:s22], [sflag:$0x2] =	stream.indirect.gather [hbm4b:s4+s21], $0x80, s0, s21, $0xb8;
	[tilespmem:$0x1E800] =	vst v63  }
0x58: {  	_ =	swait.ge [sflag:s23], $0x4000  }
0x59: {  	[sflag:s23] =	ssyncset.done $0x0  }
0x5a: {  	s1 =	sadd.s32 $0x15400, s30;
	[sflag:s23] =	ssyncadd.s32 $0xFFFFC000  }
0x5b: {  	[spmem:s2] =	stream.indirect.scatter.add.f32 [tilespmem:s17], [sflag:$0x3], $0x80, s1, s21, $0xb8;
	[tilespmem:$0x1E800] =	vst v63  }
0x5c: {  	_ =	swait.ge [sflag:s18], $0x4000  }
0x5d: {  	[sflag:s18] =	ssyncset.done $0x0  }
0x5e: {  	s5 =	sadd.s32 $0x14100, s30;
	[sflag:s18] =	ssyncadd.s32 $0xFFFFC000  }
0x5f: {  	[tilespmem:s17], [sflag:$0x1] =	stream.indirect.gather [hbm4b:s4+s21], $0x80, s5, s21, $0xb8;
	[tilespmem:$0x1E800] =	vst v63  }
0x60: {  	_ =	swait.ge [sflag:s24], $0x4000  }
0x61: {  	[sflag:s24] =	ssyncset.done $0x0  }
0x62: {  	s1 =	sadd.s32 $0x15480, s30;
	[sflag:s24] =	ssyncadd.s32 $0xFFFFC000  }
0x63: {  	[spmem:s2] =	stream.indirect.scatter.add.f32 [tilespmem:s22], [sflag:$0x3], $0x80, s1, s21, $0xb8;
	[tilespmem:$0x1E800] =	vst v63  }
0x64: {  	_ =	swait.ge [sflag:s18], $0x4000  }
0x65: {  	[sflag:s18] =	ssyncset.done $0x0  }
0x66: {  	[sflag:s18] =	ssyncadd.s32 $0xFFFFC000  }
0x67: {  	[tilespmem:s22], [sflag:$0x2] =	stream.indirect.gather [hbm4b:s4+s21], $0x80, s25, s21, $0xb8;
	[tilespmem:$0x1E800] =	vst v63  }
0x68: {  	_ =	swait.ge [sflag:s23], $0x4000  }
0x69: {  	[sflag:s23] =	ssyncset.done $0x0  }
0x6a: {  	[sflag:s23] =	ssyncadd.s32 $0xFFFFC000  }
0x6b: {  	[spmem:s2] =	stream.indirect.scatter.add.f32 [tilespmem:s17], [sflag:$0x3], $0x80, s26, s21, $0xb8;
	[tilespmem:$0x1E800] =	vst v63  }
0x6c: {  	_ =	swait.ge [sflag:s18], $0x4000  }
0x6d: {  	[sflag:s18] =	ssyncset.done $0x0  }
0x6e: {  	[sflag:s18] =	ssyncadd.s32 $0xFFFFC000  }
0x6f: {  	_ =	swait.ge [sflag:s24], $0x4000  }
0x70: {  	[sflag:s24] =	ssyncset.done $0x0  }
0x71: {  	[sflag:s24] =	ssyncadd.s32 $0xFFFFC000  }
0x72: {  	[spmem:s2] =	stream.indirect.scatter.add.f32 [tilespmem:s22], [sflag:$0x3], $0x80, s28, s21, $0xb8;
	[tilespmem:$0x1E800] =	vst v63  }
0x73: {  	_ =	swait.ge [sflag:s18], $0x4000  }
0x74: {  	[sflag:s18] =	ssyncset.done $0x0  }
0x75: {  	s5 =	simm.s32 $0x0;
	[sflag:s18] =	ssyncadd.s32 $0xFFFFC000  }
0x76: {  	[tilespmem:s19], [sflag:$0x3] =	stream.linear.gather [hbm4b:s13+s5], $0x1400, $0x38;
	[tilespmem:$0x1E800] =	vst v63  }
0x77: {  	_ =	swait.ge [sflag:s18], $0x1400  }
0x78: {  	[sflag:s18] =	ssyncset.done $0x0  }
0x79: {  	[sflag:s18] =	ssyncadd.s32 $0xFFFFEC00  }
0x7a: {  	[tilespmem:s20], [sflag:$0x3] =	stream.linear.gather [hbm4b:s14+s5], $0x1400, $0x38;
	[tilespmem:$0x1E800] =	vst v63  }
0x7b: {  	_ =	swait.ge [sflag:s18], $0x1400  }
0x7c: {  	[sflag:s18] =	ssyncset.done $0x0  }
0x7d: {  	[sflag:s18] =	ssyncadd.s32 $0xFFFFEC00  }
0x7e: {  	[tilespmem:s17], [sflag:$0x1] =	stream.indirect.gather [hbm4b:s4+s21], $0x80, s19, s21, $0xb8;
	[tilespmem:$0x1E800] =	vst v63  }
0x7f: {  	s1 =	simm.s32 $0x14080  }
0x80: {  	[tilespmem:s22], [sflag:$0x2] =	stream.indirect.gather [hbm4b:s4+s21], $0x80, s1, s21, $0xb8;
	[tilespmem:$0x1E800] =	vst v63  }
0x81: {  	_ =	swait.ge [sflag:s23], $0x4000  }
0x82: {  	[sflag:s23] =	ssyncset.done $0x0  }
0x83: {  	s5 =	simm.s32 $0x15400;
	[sflag:s23] =	ssyncadd.s32 $0xFFFFC000  }
0x84: {  	[spmem:s2] =	stream.indirect.scatter.add.f32 [tilespmem:s17], [sflag:$0x3], $0x80, s5, s21, $0xb8;
	[tilespmem:$0x1E800] =	vst v63  }
0x85: {  	_ =	swait.ge [sflag:s18], $0x4000  }
0x86: {  	[sflag:s18] =	ssyncset.done $0x0  }
0x87: {  	s1 =	simm.s32 $0x14100;
	[sflag:s18] =	ssyncadd.s32 $0xFFFFC000  }
0x88: {  	[tilespmem:s17], [sflag:$0x1] =	stream.indirect.gather [hbm4b:s4+s21], $0x80, s1, s21, $0xb8;
	[tilespmem:$0x1E800] =	vst v63  }
0x89: {  	_ =	swait.ge [sflag:s24], $0x4000  }
0x8a: {  	[sflag:s24] =	ssyncset.done $0x0  }
0x8b: {  	s5 =	simm.s32 $0x15480;
	[sflag:s24] =	ssyncadd.s32 $0xFFFFC000  }
0x8c: {  	[spmem:s2] =	stream.indirect.scatter.add.f32 [tilespmem:s22], [sflag:$0x3], $0x80, s5, s21, $0xb8;
	[tilespmem:$0x1E800] =	vst v63  }
0x8d: {  	_ =	swait.ge [sflag:s18], $0x4000  }
0x8e: {  	s31 =	simm.s32 $0x800;
	s30 =	simm.s32 $0x100;
	[sflag:s18] =	ssyncset.done $0x0  }
.LBB2_4:
0x8f: {  	s0 =	sadd.s32 $0x14080, s30  }
0x90: {  	[sflag:s18] =	ssyncadd.s32 $0xFFFFC000;
	s1 =	smov.u32 s31;
	s5 =	sadd.s32 $0x400, s31  }
0x91: {  	[tilespmem:s22], [sflag:$0x2] =	stream.indirect.gather [hbm4b:s4+s21], $0x80, s0, s21, $0xb8;
	[tilespmem:$0x1E800] =	vst v63  }
0x92: {  	p0 =	sne.s32 s31, $0x4800;
	_ =	swait.ge [sflag:s23], $0x4000  }
0x93: {  	[sflag:s23] =	ssyncset.done $0x0  }
0x94: {  	s0 =	sadd.s32 $0x15400, s30;
	[sflag:s23] =	ssyncadd.s32 $0xFFFFC000  }
0x95: {  	[spmem:s2] =	stream.indirect.scatter.add.f32 [tilespmem:s17], [sflag:$0x3], $0x80, s0, s21, $0xb8;
	[tilespmem:$0x1E800] =	vst v63  }
0x96: {  	_ =	swait.ge [sflag:s18], $0x4000  }
0x97: {  	[sflag:s18] =	ssyncset.done $0x0  }
0x98: {  	s0 =	sadd.s32 $0x14100, s30;
	[sflag:s18] =	ssyncadd.s32 $0xFFFFC000  }
0x99: {  	[tilespmem:s17], [sflag:$0x1] =	stream.indirect.gather [hbm4b:s4+s21], $0x80, s0, s21, $0xb8;
	[tilespmem:$0x1E800] =	vst v63  }
0x9a: {  	_ =	swait.ge [sflag:s24], $0x4000  }
.Ltmp1:
0x9b: {  	[sflag:s24] =	ssyncset.done $0x0;
	(pc) =	sbr.rel @p0 .LBB2_4-.Ltmp1, $4  }
0x9c: {  	s0 =	sadd.s32 $0x15480, s30;
	[sflag:s24] =	ssyncadd.s32 $0xFFFFC000  }
0x9d: {  	[spmem:s2] =	stream.indirect.scatter.add.f32 [tilespmem:s22], [sflag:$0x3], $0x80, s0, s21, $0xb8;
	[tilespmem:$0x1E800] =	vst v63  }
0x9e: {  	_ =	swait.ge [sflag:s18], $0x4000  }
0x9f: {  	s31 =	smov.u32 s5;
	s30 =	sshra.s32 s1, $0x2;
	[sflag:s18] =	ssyncset.done $0x0  }
0xa0: {  	s0 =	sadd.s32 $0x14080, s30;
	[sflag:s18] =	ssyncadd.s32 $0xFFFFC000  }
0xa1: {  	[tilespmem:s22], [sflag:$0x2] =	stream.indirect.gather [hbm4b:s4+s21], $0x80, s0, s21, $0xb8;
	[tilespmem:$0x1E800] =	vst v63  }
0xa2: {  	_ =	swait.ge [sflag:s23], $0x4000  }
0xa3: {  	[sflag:s23] =	ssyncset.done $0x0  }
0xa4: {  	s1 =	sadd.s32 $0x15400, s30;
	[sflag:s23] =	ssyncadd.s32 $0xFFFFC000  }
0xa5: {  	[spmem:s2] =	stream.indirect.scatter.add.f32 [tilespmem:s17], [sflag:$0x3], $0x80, s1, s21, $0xb8;
	[tilespmem:$0x1E800] =	vst v63  }
0xa6: {  	_ =	swait.ge [sflag:s18], $0x4000  }
0xa7: {  	[sflag:s18] =	ssyncset.done $0x0  }
0xa8: {  	s5 =	sadd.s32 $0x14100, s30;
	[sflag:s18] =	ssyncadd.s32 $0xFFFFC000  }
0xa9: {  	[tilespmem:s17], [sflag:$0x1] =	stream.indirect.gather [hbm4b:s4+s21], $0x80, s5, s21, $0xb8;
	[tilespmem:$0x1E800] =	vst v63  }
0xaa: {  	_ =	swait.ge [sflag:s24], $0x4000  }
0xab: {  	[sflag:s24] =	ssyncset.done $0x0  }
0xac: {  	s30 =	sadd.s32 $0x15480, s30;
	[sflag:s24] =	ssyncadd.s32 $0xFFFFC000  }
0xad: {  	[spmem:s2] =	stream.indirect.scatter.add.f32 [tilespmem:s22], [sflag:$0x3], $0x80, s30, s21, $0xb8;
	[tilespmem:$0x1E800] =	vst v63  }
0xae: {  	_ =	swait.ge [sflag:s18], $0x4000  }
0xaf: {  	[sflag:s18] =	ssyncset.done $0x0  }
0xb0: {  	[sflag:s18] =	ssyncadd.s32 $0xFFFFC000  }
0xb1: {  	[tilespmem:s22], [sflag:$0x2] =	stream.indirect.gather [hbm4b:s4+s21], $0x80, s25, s21, $0xb8;
	[tilespmem:$0x1E800] =	vst v63  }
0xb2: {  	_ =	swait.ge [sflag:s23], $0x4000  }
0xb3: {  	[sflag:s23] =	ssyncset.done $0x0  }
0xb4: {  	[sflag:s23] =	ssyncadd.s32 $0xFFFFC000  }
0xb5: {  	[spmem:s2] =	stream.indirect.scatter.add.f32 [tilespmem:s17], [sflag:$0x3], $0x80, s26, s21, $0xb8;
	[tilespmem:$0x1E800] =	vst v63  }
0xb6: {  	_ =	swait.ge [sflag:s18], $0x4000  }
0xb7: {  	[sflag:s18] =	ssyncset.done $0x0  }
0xb8: {  	[sflag:s18] =	ssyncadd.s32 $0xFFFFC000  }
0xb9: {  	_ =	swait.ge [sflag:s24], $0x4000  }
0xba: {  	[sflag:s24] =	ssyncset.done $0x0  }
0xbb: {  	[sflag:s24] =	ssyncadd.s32 $0xFFFFC000  }
0xbc: {  	[spmem:s2] =	stream.indirect.scatter.add.f32 [tilespmem:s22], [sflag:$0x3], $0x80, s28, s21, $0xb8;
	[tilespmem:$0x1E800] =	vst v63  }
0xbd: {  	s31 =	stileid.u32;
	_ =	swait.ge [sflag:s18], $0x4000  }
0xbe: {  	s29 =	sadd.s32 $0x1, s29;
	s0 =	sshll.u32 s31, $0x6;
	[sflag:s18] =	ssyncset.done $0x0  }
0xbf: {  	p0 =	sne.s32 s29, s16;
	s0 =	sor.u32 $0x1C03, s0;
	[sflag:s18] =	ssyncadd.s32 $0xFFFFC000  }
.Ltmp2:
0xc0: {  	s1 =	sshrl.u32 s6, $0x3;
	[bflag:$0x0] =	sbarrier.arrive $0xFFFF;
	(pc) =	sbr.rel @p0 .LBB2_1-.Ltmp2, $4  }
0xc1: {  	[hbm:s15], [sflag:s0] =	dma.local [spmem:s1], $0x2800  }
0xc2: {  	_ =	swait.ge [sflag:s18], $0x2800  }
0xc3: {  	[sflag:s18] =	ssyncset.done $0x0  }
0xc4: {  	[sflag:s18] =	ssyncadd.s32 $0xFFFFD800  }
0xc5: {  	_ =	sfence.sel $0x180000  }
0xc6: {  	[bflag:$0x0] =	sbarrier.arrive $0xFFFF  }
0xc7: {  	_ =	strace $0x9000004D  }
0xc8: {  	s0 =	stileid.u32;
	[bflag:$0x2] =	sbarrier.arrive $0xFFFF  }
0xc9: {  	p0 =	sne.s32 s0, $0x0;
	s0 =	rddreg [dreg:$0x2]  }
0xca: {  	s0 =	sadd.s32 @!p0 $0x100000, s0  }
0xcb: {  	[sflag:s0] =	ssyncadd.tile.s32 @!p0 $0x1;
	_ =	shalt  }
.Lfunc_end2:
_tile_overlayer_lowered:
.L_overlay_start_2:
0xcc: {  	(tag) =	ssettag $0x2  }
0xcd: {  	s0 =	rddreg [dreg:$0x0];
	s2 =	stileid.u32  }
0xce: {  	s1 =	rddreg [dreg:$0x1];
	p0 =	sne.s32 s2, $0x0  }
0xcf: {  	s3 =	rddreg [dreg:$0x2];
	[bflag:$0x3] =	sbarrier.arrive $0xFFFF;
	s2 =	simm.s32 @!p0 $0x1C03  }
0xd0: {  	[timem:s3], [sflag:s2] =	dma.local @!p0 [hbm:s0], s1  }
0xd1: {  	s0 =	simm.s32 @!p0 $0x3  }
0xd2: {  	_ =	swait.ge @!p0 [sflag:s0], s1  }
0xd3: {  	s1 =	ssub.s32 @!p0 $0x0, s1;
	[sflag:s0] =	ssyncset.done @!p0 $0x0  }
0xd4: {  	[sflag:s0] =	ssyncadd.s32 @!p0 s1  }
0xd5: {  	[bflag:$0x3] =	sbarrier.arrive $0xFFFF  }
0xd6: {  	_ =	shalt  }

// kernel: kernel.20.cloned.1.call-start
scs
__scs_entry_jumppad:
0x0: {  	(pc) =	sbr.rel $0x88, $3  }
0x1: {  	(tag) =	ssettag $0x0;
	lr =	simm.s32 $0x1  }
0x2: {  	[smem:$0x3F8A] =	sst lr;
	_ =	strace $0xD0000000  }
0x3: {  	_ = 	snop  }
0x4: {  	_ = 	snop  }
0x5: {  	_ = 	snop  }
0x6: {  	_ = 	snop  }
0x7: {  	_ = 	snop  }
__scs_overlays_trampoline_lowered:
0x8: {  	[smem:$0x3F99] =	sst s0  }
0x9: {  	[smem:$0x3F9A] =	sst s1  }
0xa: {  	[smem:$0x3F9B] =	sst s2  }
0xb: {  	[smem:$0x3F9C] =	sst s3  }
0xc: {  	[smem:$0x3F9D] =	sst s4  }
0xd: {  	[smem:$0x3F9E] =	sst s5  }
0xe: {  	[smem:$0x3F9F] =	sst s6  }
0xf: {  	[smem:$0x3FA0] =	sst s7  }
0x10: {  	[smem:$0x3FA1] =	sst s8  }
0x11: {  	[smem:$0x3FA2] =	sst s9;
	s0 =	simm.s32 @!p0 $0x0  }
0x12: {  	s1 =	sld [smem:$0x3F88];
	s0 =	simm.s32 @p0 $0x1  }
0x13: {  	[smem:$0x3FA3] =	sst s0;
	s0 =	simm.s32 @!p1 $0x0  }
0x14: {  	s2 =	sld [smem:$0x3F87];
	s0 =	simm.s32 @p1 $0x1  }
0x15: {  	[smem:$0x3FA4] =	sst s0;
	s0 =	simm.s32 @!p2 $0x0  }
0x16: {  	s3 =	sld [smem:$0x3FDB];
	s0 =	simm.s32 @p2 $0x1  }
0x17: {  	s4 =	simm.s32 $0x1BF5;
	[smem:$0x3FA6] =	sst s0  }
0x18: {  	s0 =	sld [smem:$0x3F89];
	_ =	swait.ge [sflag:s4], $0x0  }
0x19: {  	s7 =	sld [smem:$0x3F8A]  }
0x1a: {  	s8 =	sadd.s32 $0xFFFFE003, lr  }
0x1b: {  	s9 =	sadd.s32 $0xFFFFFEF7, lr;
	s5 =	simm.s32 $0xFFFFFFFF;
	p2 =	slt.u32 s8, $0xFFFFF086  }
0x1c: {  	p1 =	slt.u32 s9, $0xF7A;
	s5 =	simm.s32 @!p2 $0x0  }
0x1d: {  	s5 =	simm.s32 @p1 $0x1;
	p0 =	seq.s32 s7, s2  }
0x1e: {  	s7 =	smul.u32 @!p0 $0xF7A, s2;
	p2 =	seq.s32 @!p0 s5, $0x0  }
0x1f: {  	s9 =	smul.u32 $0xF7A, s1;
	s8 =	simm.s32 @!p0 $0x1BF5;
	p2 =	por !p2, p0  }
0x20: {  	[sflag:s8] =	ssyncset.s32 @!p0 $0xFFFFF086;
	s6 =	sadd.s32 @!p0 s3, s7;
	s7 =	simm.s32 @!p0 $0x108  }
0x21: {  	s3 =	sadd.s32 s3, s9;
	s6 =	sadd.s32 @!p0 $0x88, s6;
	s7 =	simm.s32 @p2 $0x1082  }
0x22: {  	[simem:s7], [sflag:s8] =	dma.local @!p0 [hbm:s6], $0xF7A  }
0x23: {  	s9 =	sor.u32 $0xD0000000, s2;
	s6 =	simm.s32 $0x108;
	_ =	swait.ge @!p0 [sflag:s8], $0x0  }
0x24: {  	s3 =	sadd.s32 $0x88, s3;
	s6 =	simm.s32 @!p1 $0x1082;
	[sflag:s4] =	ssyncset.s32 $0xFFFFF086  }
0x25: {  	[simem:s6], [sflag:s4] =	dma.local [hbm:s3], $0xF7A  }
0x26: {  	[smem:$0x3F8A] =	sst s1;
	(tag) =	ssettag s2;
	_ =	strace s9  }
0x27: {  	s1 =	sld [smem:$0x3F9A]  }
0x28: {  	s2 =	sld [smem:$0x3F9B]  }
0x29: {  	s4 =	sld [smem:$0x3F9D]  }
0x2a: {  	p0 =	seq.s32 s5, $0x0;
	s5 =	sld [smem:$0x3F9E]  }
0x2b: {  	s6 =	sld [smem:$0x3F9F]  }
0x2c: {  	s7 =	sld [smem:$0x3FA0]  }
0x2d: {  	s3 =	simm.s32 $0x108;
	s8 =	sld [smem:$0x3FA1]  }
0x2e: {  	s3 =	simm.s32 @!p0 $0x1082;
	s9 =	sld [smem:$0x3FA2]  }
0x2f: {  	lr =	sadd.s32 s0, s3;
	s0 =	sld [smem:$0x3F99]  }
0x30: {  	s3 =	sld [smem:$0x3F9C]  }
0x31: {  	[smem:$0x3FA5] =	sst s10  }
0x32: {  	s10 =	sld [smem:$0x3FA3];
	_ =	sdelay $0x3  }
0x33: {  	p0 =	seq.s32 s10, $0x1;
	s10 =	sld [smem:$0x3FA5];
	_ =	sdelay $0x3  }
0x34: {  	[smem:$0x3FA5] =	sst s10  }
0x35: {  	s10 =	sld [smem:$0x3FA4];
	_ =	sdelay $0x3  }
0x36: {  	p1 =	seq.s32 s10, $0x1;
	s10 =	sld [smem:$0x3FA5];
	_ =	sdelay $0x3  }
0x37: {  	[smem:$0x3FA5] =	sst s10  }
0x38: {  	s10 =	sld [smem:$0x3FA6]  }
0x39: {  	_ = 	snop;
	(pc) =	sbr.ind lr, $3  }
0x3a: {  	_ = 	snop  }
0x3b: {  	_ = 	snop  }
0x3c: {  	p2 =	seq.s32 s10, $0x1;
	s10 =	sld [smem:$0x3FA5]  }
0x3d: {  	_ =	shalt  }
0x3e: {  	_ =	shalt  }
0x3f: {  	_ =	shalt  }
0x40: {  	_ =	shalt  }
0x41: {  	_ =	shalt  }
0x42: {  	_ =	shalt  }
0x43: {  	_ =	shalt  }
0x44: {  	_ =	shalt  }
0x45: {  	_ =	shalt  }
0x46: {  	_ =	shalt  }
0x47: {  	_ =	shalt  }
0x48: {  	_ =	shalt  }
0x49: {  	_ =	shalt  }
0x4a: {  	_ =	shalt  }
0x4b: {  	_ =	shalt  }
0x4c: {  	_ =	shalt  }
0x4d: {  	_ =	shalt  }
0x4e: {  	_ =	shalt  }
0x4f: {  	_ =	shalt  }
0x50: {  	_ =	shalt  }
0x51: {  	_ =	shalt  }
0x52: {  	_ =	shalt  }
0x53: {  	_ =	shalt  }
0x54: {  	_ =	shalt  }
0x55: {  	_ =	shalt  }
0x56: {  	_ =	shalt  }
0x57: {  	_ =	shalt  }
0x58: {  	_ =	shalt  }
0x59: {  	_ =	shalt  }
0x5a: {  	_ =	shalt  }
0x5b: {  	_ =	shalt  }
0x5c: {  	_ =	shalt  }
0x5d: {  	_ =	shalt  }
0x5e: {  	_ =	shalt  }
0x5f: {  	_ =	shalt  }
0x60: {  	_ =	shalt  }
0x61: {  	_ =	shalt  }
0x62: {  	_ =	shalt  }
0x63: {  	_ =	shalt  }
0x64: {  	_ =	shalt  }
0x65: {  	_ =	shalt  }
0x66: {  	_ =	shalt  }
0x67: {  	_ =	shalt  }
0x68: {  	_ =	shalt  }
0x69: {  	_ =	shalt  }
0x6a: {  	_ =	shalt  }
0x6b: {  	_ =	shalt  }
0x6c: {  	_ =	shalt  }
0x6d: {  	_ =	shalt  }
0x6e: {  	_ =	shalt  }
0x6f: {  	_ =	shalt  }
0x70: {  	_ =	shalt  }
0x71: {  	_ =	shalt  }
0x72: {  	_ =	shalt  }
0x73: {  	_ =	shalt  }
0x74: {  	_ =	shalt  }
0x75: {  	_ =	shalt  }
0x76: {  	_ =	shalt  }
0x77: {  	_ =	shalt  }
0x78: {  	_ =	shalt  }
0x79: {  	_ =	shalt  }
0x7a: {  	_ =	shalt  }
0x7b: {  	_ =	shalt  }
0x7c: {  	_ =	shalt  }
0x7d: {  	_ =	shalt  }
0x7e: {  	_ =	shalt  }
0x7f: {  	_ =	shalt  }
0x80: {  	_ =	shalt  }
0x81: {  	_ =	shalt  }
0x82: {  	_ =	shalt  }
0x83: {  	_ =	shalt  }
0x84: {  	_ =	shalt  }
0x85: {  	_ =	shalt  }
0x86: {  	_ =	shalt  }
0x87: {  	_ =	shalt  }
.Lfunc_end0:
.L_simem_size_0:
called_computation.3_lowered:
.L_overlay_start_0:
0x88: {  	s2 =	sld [smem:$0x3FD9]  }
0x89: {  	s3 =	sld [smem:$0x3FFE];
	_ =	sdelay $0x1  }
0x8a: {  	s1 =	srdreg.scid  }
0x8b: {  	s0 =	sand.u32 $0x1, s1  }
0x8c: {  	s16 =	sshll.u32 s0, $0xA;
	s2 =	sadd.s32 s3, s2  }
0x8d: {  	s2 =	sadd.s32 s2, s16  }
0x8e: {  	[smem:$0x3FB1] =	sst s2  }
0x8f: {  	_ = 	snop  }
0x90: {  	(tm) =	ssettm $0x1  }
0x91: {  	s17 =	sld [smem:$0x3FFB];
	_ =	sdelay $0x3  }
0x92: {  	_ =	strace s17  }
0x93: {  	s2 =	sld [smem:$0x3FFC];
	_ =	sdelay $0x3  }
0x94: {  	_ =	strace s2  }
0x95: {  	s2 =	sld [smem:$0x3FFD];
	_ =	sdelay $0x3  }
0x96: {  	_ =	strace s2  }
0x97: {  	_ =	strace $0x8FFFFFFF  }
0x98: {  	s18 =	sld [smem:$0x3FDB];
	_ =	sdelay $0x1  }
0x99: {  	s19 =	simm.s32 $_scs_section_size  }
0x9a: {  	s4 =	simm.s32 $_size__tile_overlayer_lowered;
	s5 =	simm.s32 $_tile_overlayer_lowered  }
0x9b: {  	s22 =	simm.s32 $0x1BFF;
	s21 =	sshll.u32 s5, $0x1;
	s2 =	sadd.s32 s19, s18  }
0x9c: {  	s6 =	simm.s32 $0x0;
	s20 =	sshll.u32 s4, $0x1;
	s4 =	sadd.s32 s21, s2  }
0x9d: {  	[timem:s6], [sflag:s22] =	dma.local [hbm:s4], s20  }
0x9e: {  	_ =	swait.ge [sflag:s22], s20  }
0x9f: {  	s3 =	ssub.s32 $0x0, s20;
	[sflag:s22] =	ssyncset.done $0x0  }
0xa0: {  	[sflag:s22] =	ssyncadd.s32 s3;
	_ =	sdelay $0x1  }
0xa1: {  	s23 =	simm.s32 $0x1B8B  }
0xa2: {  	_ =	swait.ge [sflag:s23], $0x1  }
0xa3: {  	[sflag:s23] =	ssyncset.done $0x0  }
0xa4: {  	s25 =	simm.s32 $0x1B8E;
	s24 =	sld [smem:$0x3FFE];
	[sflag:s23] =	ssyncadd.s32 $0xFFFFFFFF  }
0xa5: {  	s26 =	simm.s32 $execute0_lowered;
	[smem:$0x3FD2] =	sst s25  }
0xa6: {  	s4 =	sshll.u32 s26, $0x1;
	_ =	strace $0x8000004F;
	[dreg:$0x1] =	wrdreg $0xFFFFFFFF  }
0xa7: {  	s28 =	simm.s32 $_size_execute0_lowered;
	s2 =	sadd.s32 s2, s4;
	[dreg:$0x0] =	wrdreg $0x0  }
0xa8: {  	s4 =	sshll.u32 s28, $0x1;
	[dreg:$0x2] =	wrdreg s2  }
0xa9: {  	[dreg:$0x3] =	wrdreg s4  }
0xaa: {  	[dreg:$0x4] =	wrdreg $0xC0  }
0xab: {  	_ =	task [dreg:s6], $0x5FFFF  }
0xac: {  	[dreg:$0x1] =	wrdreg $0xFFFFFFFF  }
0xad: {  	[dreg:$0x0] =	wrdreg $0x60  }
0xae: {  	[dreg:$0x2] =	wrdreg s24  }
0xaf: {  	[dreg:$0x3] =	wrdreg $0x0  }
0xb0: {  	[dreg:$0x4] =	wrdreg $0x9  }
0xb1: {  	_ =	task.clear_ibuf [dreg:s6], $0x5FFFF;
	_ =	strace $0x9000004F  }
0xb2: {  	s29 =	simm.s32 $0x9;
	_ =	strace $0x80000051  }
0xb3: {  	_ =	swait.ge [sflag:s29], $0x1  }
0xb4: {  	[sflag:s29] =	ssyncadd.s32 $0xFFFFFFFF  }
0xb5: {  	_ =	strace $0x90000051  }
0xb6: {  	_ =	sfence  }
0xb7: {  	s30 =	sld [smem:$0x0];
	_ =	sdelay $0x2  }
0xb8: {  	s31 =	sshll.u32 s1, $0xD;
	s1 =	sshrl.u32 s1, $0x2  }
0xb9: {  	s3 =	sand.u32 $0x4000, s31;
	s1 =	sadd.s32 s1, s30  }
0xba: {  	s0 =	sor.u32 s3, s0;
	s1 =	sshll.u32 s1, $0x11  }
0xbb: {  	s0 =	sor.u32 s1, s0  }
0xbc: {  	s0 =	sadd.s32 $0x8F2B, s0  }
0xbd: {  	[sflag:s0] =	ssyncadd.remote.s32 $0x1  }
0xbe: {  	_ =	sfence.sel $0xFFFF  }
0xbf: {  	[dreg:$0x0] =	wrdreg $0xFFFFFFFF;
	(pc) =	sbr.abs _section_cstart, $3  }
0xc0: {  	[dreg:$0x1] =	wrdreg $0xFFFFFFFF  }
0xc1: {  	_ =	task.clear_ibuf [dreg:s6], $0x2FFFF;
	_ =	strace $0x9FFFFFFF  }
0xc2: {  	(tm) =	ssettm $0x7FFFFFFF  }
0xc3: {  	_ =	shalt  }
tec
execute0_lowered:
.L_overlay_start_1:
0x0: {  	(tag) =	ssettag $0x1  }
0x1: {  	s1 =	srdreg.scid;
	s7 =	rddreg [dreg:$0x0]  }
0x2: {  	s0 =	stileid.u32;
	s2 =	rddreg [dreg:$0x1]  }
0x3: {  	s3 =	simm.s32 $0x0;
	s17 =	simm.s32 $0x16800;
	s18 =	simm.s32 $0x3  }
0x4: {  	s19 =	simm.s32 $0x14000;
	s20 =	simm.s32 $0x15400;
	s21 =	simm.s32 $0x80  }
0x5: {  	s22 =	simm.s32 $0x1A800;
	s23 =	simm.s32 $0x1;
	s28 =	simm.s32 $0x16780  }
0x6: {  	s29 =	simm.s32 $0x0;
	s6 =	sand.u32 $0x1, s1;
	s9 =	smul.u32 $0x14000, s0  }
0x7: {  	s24 =	sshll.u32 s0, $0x1;
	[smem:$0x7FF] =	sst s3;
	s10 =	smul.u32 $0x50000, s0  }
0x8: {  	s25 =	sadd.s32 $0x18000, s7;
	s1 =	sor.u32 s6, s24;
	s8 =	smul.u32 $0x140000, s6  }
0x9: {  	_ =	strace $0x80000050;
	[dreg:$0x3] =	wrdreg s25;
	s26 =	ssub.s32 $0x2, s6  }
0xa: {  	s24 =	simm.s32 $0x2;
	s25 =	simm.s32 $0x15380;
	s4 =	smul.u32 $0x2800, s1  }
0xb: {  	s30 =	sshrl.u32 s10, $0x2;
	s31 =	sshrl.u32 s26, $0x1;
	s8 =	sadd.s32 s9, s8  }
0xc: {  	s6 =	sadd.s32 s30, s2;
	s16 =	ssub.s32 s26, s31;
	s26 =	simm.s32 $0x16700  }
0xd: {  	s5 =	sshrl.u32 s4, $0x3;
	s4 =	sadd.s32 $0x18800, s7;
	s8 =	sshrl.u32 s8, $0x3  }
0xe: {  	s9 =	sadd.s32 $0xC000, s6;
	s10 =	sadd.s32 $0x10000, s6;
	s16 =	smax.u32 s16, $0x1  }
0xf: {  	s14 =	sadd.s32 s5, s7;
	s15 =	sadd.s32 s8, s7;
	s7 =	sadd.s32 $0x4000, s6  }
0x10: {  	s8 =	sadd.s32 $0x8000, s6;
	s11 =	sadd.s32 $0x4000, s14;
	s12 =	sadd.s32 $0xE000, s14  }
0x11: {  	s13 =	sadd.s32 $0x4280, s14;
	s14 =	sadd.s32 $0xE280, s14;
	s15 =	sadd.s32 $0x3FA00, s15  }
.LBB2_1:
0x12: {  	s0 =	rddreg [dreg:$0x3]  }
0x13: {  	[tilespmem:s17], [sflag:$0x3] =	stream.linear.gather [hbm4b:s0+s3], $0x4000, $0x38;
	[tilespmem:$0x1E800] =	vst v63  }
0x14: {  	_ =	swait.ge [sflag:s18], $0x4000  }
0x15: {  	[sflag:s18] =	ssyncset.done $0x0  }
0x16: {  	[sflag:s18] =	ssyncadd.s32 $0xFFFFC000  }
0x17: {  	[spmem:s6] =	stream.linear.scatter [tilespmem:s17], [sflag:$0x3], $0x4000, $0x38;
	[tilespmem:$0x1E800] =	vst v63  }
0x18: {  	_ =	swait.ge [sflag:s18], $0x4000  }
0x19: {  	[sflag:s18] =	ssyncset.done $0x0  }
0x1a: {  	[sflag:s18] =	ssyncadd.s32 $0xFFFFC000  }
0x1b: {  	[spmem:s7] =	stream.linear.scatter [tilespmem:s17], [sflag:$0x3], $0x4000, $0x38;
	[tilespmem:$0x1E800] =	vst v63  }
0x1c: {  	_ =	swait.ge [sflag:s18], $0x4000  }
0x1d: {  	[sflag:s18] =	ssyncset.done $0x0  }
0x1e: {  	[sflag:s18] =	ssyncadd.s32 $0xFFFFC000  }
0x1f: {  	[spmem:s8] =	stream.linear.scatter [tilespmem:s17], [sflag:$0x3], $0x4000, $0x38;
	[tilespmem:$0x1E800] =	vst v63  }
0x20: {  	_ =	swait.ge [sflag:s18], $0x4000  }
0x21: {  	[sflag:s18] =	ssyncset.done $0x0  }
0x22: {  	[sflag:s18] =	ssyncadd.s32 $0xFFFFC000  }
0x23: {  	[spmem:s9] =	stream.linear.scatter [tilespmem:s17], [sflag:$0x3], $0x4000, $0x38;
	[tilespmem:$0x1E800] =	vst v63  }
0x24: {  	_ =	swait.ge [sflag:s18], $0x4000  }
0x25: {  	[sflag:s18] =	ssyncset.done $0x0  }
0x26: {  	[sflag:s18] =	ssyncadd.s32 $0xFFFFC000  }
0x27: {  	[spmem:s10] =	stream.linear.scatter [tilespmem:s17], [sflag:$0x3], $0x4000, $0x38;
	[tilespmem:$0x1E800] =	vst v63  }
0x28: {  	_ =	swait.ge [sflag:s18], $0x4000  }
0x29: {  	[sflag:s18] =	ssyncset.done $0x0  }
0x2a: {  	[sflag:s18] =	ssyncadd.s32 $0xFFFFC000  }
0x2b: {  	[bflag:$0x0] =	sbarrier.arrive $0xFFFF  }
0x2c: {  	[tilespmem:s19], [sflag:$0x3] =	stream.linear.gather [hbm4b:s11+s3], $0x1400, $0x38;
	[tilespmem:$0x1E800] =	vst v63  }
0x2d: {  	_ =	swait.ge [sflag:s18], $0x1400  }
0x2e: {  	[sflag:s18] =	ssyncset.done $0x0  }
0x2f: {  	[sflag:s18] =	ssyncadd.s32 $0xFFFFEC00  }
0x30: {  	[tilespmem:s20], [sflag:$0x3] =	stream.linear.gather [hbm4b:s12+s3], $0x1400, $0x38;
	[tilespmem:$0x1E800] =	vst v63  }
0x31: {  	_ =	swait.ge [sflag:s18], $0x1400  }
0x32: {  	[sflag:s18] =	ssyncset.done $0x0  }
0x33: {  	[sflag:s18] =	ssyncadd.s32 $0xFFFFEC00  }
0x34: {  	[tilespmem:s17], [sflag:$0x1] =	stream.indirect.gather [hbm4b:s4+s21], $0x80, s19, s21, $0xb8;
	[tilespmem:$0x1E800] =	vst v63  }
0x35: {  	s30 =	simm.s32 $0x14080  }
0x36: {  	[tilespmem:s22], [sflag:$0x2] =	stream.indirect.gather [hbm4b:s4+s21], $0x80, s30, s21, $0xb8;
	[tilespmem:$0x1E800] =	vst v63  }
0x37: {  	_ =	swait.ge [sflag:s23], $0x4000  }
0x38: {  	[sflag:s23] =	ssyncset.done $0x0  }
0x39: {  	s30 =	simm.s32 $0x15400;
	[sflag:s23] =	ssyncadd.s32 $0xFFFFC000  }
0x3a: {  	[spmem:s2] =	stream.indirect.scatter.add.f32 [tilespmem:s17], [sflag:$0x3], $0x80, s30, s21, $0xb8;
	[tilespmem:$0x1E800] =	vst v63  }
0x3b: {  	_ =	swait.ge [sflag:s18], $0x4000  }
0x3c: {  	[sflag:s18] =	ssyncset.done $0x0  }
0x3d: {  	s30 =	simm.s32 $0x14100;
	[sflag:s18] =	ssyncadd.s32 $0xFFFFC000  }
0x3e: {  	[tilespmem:s17], [sflag:$0x1] =	stream.indirect.gather [hbm4b:s4+s21], $0x80, s30, s21, $0xb8;
	[tilespmem:$0x1E800] =	vst v63  }
0x3f: {  	_ =	swait.ge [sflag:s24], $0x4000  }
0x40: {  	[sflag:s24] =	ssyncset.done $0x0  }
0x41: {  	s30 =	simm.s32 $0x15480;
	[sflag:s24] =	ssyncadd.s32 $0xFFFFC000  }
0x42: {  	[spmem:s2] =	stream.indirect.scatter.add.f32 [tilespmem:s22], [sflag:$0x3], $0x80, s30, s21, $0xb8;
	[tilespmem:$0x1E800] =	vst v63  }
0x43: {  	_ =	swait.ge [sflag:s18], $0x4000  }
0x44: {  	s31 =	simm.s32 $0x800;
	s30 =	simm.s32 $0x100;
	[sflag:s18] =	ssyncset.done $0x0  }
.LBB2_2:
0x45: {  	s1 =	sadd.s32 $0x14080, s30  }
0x46: {  	[sflag:s18] =	ssyncadd.s32 $0xFFFFC000;
	s0 =	smov.u32 s31;
	s5 =	sadd.s32 $0x400, s31  }
0x47: {  	[tilespmem:s22], [sflag:$0x2] =	stream.indirect.gather [hbm4b:s4+s21], $0x80, s1, s21, $0xb8;
	[tilespmem:$0x1E800] =	vst v63  }
0x48: {  	p0 =	sne.s32 s31, $0x4800;
	_ =	swait.ge [sflag:s23], $0x4000  }
0x49: {  	[sflag:s23] =	ssyncset.done $0x0  }
0x4a: {  	s1 =	sadd.s32 $0x15400, s30;
	[sflag:s23] =	ssyncadd.s32 $0xFFFFC000  }
0x4b: {  	[spmem:s2] =	stream.indirect.scatter.add.f32 [tilespmem:s17], [sflag:$0x3], $0x80, s1, s21, $0xb8;
	[tilespmem:$0x1E800] =	vst v63  }
0x4c: {  	_ =	swait.ge [sflag:s18], $0x4000  }
0x4d: {  	[sflag:s18] =	ssyncset.done $0x0  }
0x4e: {  	s1 =	sadd.s32 $0x14100, s30;
	[sflag:s18] =	ssyncadd.s32 $0xFFFFC000  }
0x4f: {  	[tilespmem:s17], [sflag:$0x1] =	stream.indirect.gather [hbm4b:s4+s21], $0x80, s1, s21, $0xb8;
	[tilespmem:$0x1E800] =	vst v63  }
0x50: {  	_ =	swait.ge [sflag:s24], $0x4000  }
.Ltmp0:
0x51: {  	[sflag:s24] =	ssyncset.done $0x0;
	(pc) =	sbr.rel @p0 .LBB2_2-.Ltmp0, $4  }
0x52: {  	s1 =	sadd.s32 $0x15480, s30;
	[sflag:s24] =	ssyncadd.s32 $0xFFFFC000  }
0x53: {  	[spmem:s2] =	stream.indirect.scatter.add.f32 [tilespmem:s22], [sflag:$0x3], $0x80, s1, s21, $0xb8;
	[tilespmem:$0x1E800] =	vst v63  }
0x54: {  	_ =	swait.ge [sflag:s18], $0x4000  }
0x55: {  	s31 =	smov.u32 s5;
	s30 =	sshra.s32 s0, $0x2;
	[sflag:s18] =	ssyncset.done $0x0  }
0x56: {  	s0 =	sadd.s32 $0x14080, s30;
	[sflag:s18] =	ssyncadd.s32 $0xFFFFC000  }
0x57: {  	[tilespmem:s22], [sflag:$0x2] =	stream.indirect.gather [hbm4b:s4+s21], $0x80, s0, s21, $0xb8;
	[tilespmem:$0x1E800] =	vst v63  }
0x58: {  	_ =	swait.ge [sflag:s23], $0x4000  }
0x59: {  	[sflag:s23] =	ssyncset.done $0x0  }
0x5a: {  	s1 =	sadd.s32 $0x15400, s30;
	[sflag:s23] =	ssyncadd.s32 $0xFFFFC000  }
0x5b: {  	[spmem:s2] =	stream.indirect.scatter.add.f32 [tilespmem:s17], [sflag:$0x3], $0x80, s1, s21, $0xb8;
	[tilespmem:$0x1E800] =	vst v63  }
0x5c: {  	_ =	swait.ge [sflag:s18], $0x4000  }
0x5d: {  	[sflag:s18] =	ssyncset.done $0x0  }
0x5e: {  	s5 =	sadd.s32 $0x14100, s30;
	[sflag:s18] =	ssyncadd.s32 $0xFFFFC000  }
0x5f: {  	[tilespmem:s17], [sflag:$0x1] =	stream.indirect.gather [hbm4b:s4+s21], $0x80, s5, s21, $0xb8;
	[tilespmem:$0x1E800] =	vst v63  }
0x60: {  	_ =	swait.ge [sflag:s24], $0x4000  }
0x61: {  	[sflag:s24] =	ssyncset.done $0x0  }
0x62: {  	s1 =	sadd.s32 $0x15480, s30;
	[sflag:s24] =	ssyncadd.s32 $0xFFFFC000  }
0x63: {  	[spmem:s2] =	stream.indirect.scatter.add.f32 [tilespmem:s22], [sflag:$0x3], $0x80, s1, s21, $0xb8;
	[tilespmem:$0x1E800] =	vst v63  }
0x64: {  	_ =	swait.ge [sflag:s18], $0x4000  }
0x65: {  	[sflag:s18] =	ssyncset.done $0x0  }
0x66: {  	[sflag:s18] =	ssyncadd.s32 $0xFFFFC000  }
0x67: {  	[tilespmem:s22], [sflag:$0x2] =	stream.indirect.gather [hbm4b:s4+s21], $0x80, s25, s21, $0xb8;
	[tilespmem:$0x1E800] =	vst v63  }
0x68: {  	_ =	swait.ge [sflag:s23], $0x4000  }
0x69: {  	[sflag:s23] =	ssyncset.done $0x0  }
0x6a: {  	[sflag:s23] =	ssyncadd.s32 $0xFFFFC000  }
0x6b: {  	[spmem:s2] =	stream.indirect.scatter.add.f32 [tilespmem:s17], [sflag:$0x3], $0x80, s26, s21, $0xb8;
	[tilespmem:$0x1E800] =	vst v63  }
0x6c: {  	_ =	swait.ge [sflag:s18], $0x4000  }
0x6d: {  	[sflag:s18] =	ssyncset.done $0x0  }
0x6e: {  	[sflag:s18] =	ssyncadd.s32 $0xFFFFC000  }
0x6f: {  	_ =	swait.ge [sflag:s24], $0x4000  }
0x70: {  	[sflag:s24] =	ssyncset.done $0x0  }
0x71: {  	[sflag:s24] =	ssyncadd.s32 $0xFFFFC000  }
0x72: {  	[spmem:s2] =	stream.indirect.scatter.add.f32 [tilespmem:s22], [sflag:$0x3], $0x80, s28, s21, $0xb8;
	[tilespmem:$0x1E800] =	vst v63  }
0x73: {  	_ =	swait.ge [sflag:s18], $0x4000  }
0x74: {  	[sflag:s18] =	ssyncset.done $0x0  }
0x75: {  	s5 =	simm.s32 $0x0;
	[sflag:s18] =	ssyncadd.s32 $0xFFFFC000  }
0x76: {  	[tilespmem:s19], [sflag:$0x3] =	stream.linear.gather [hbm4b:s13+s5], $0x1400, $0x38;
	[tilespmem:$0x1E800] =	vst v63  }
0x77: {  	_ =	swait.ge [sflag:s18], $0x1400  }
0x78: {  	[sflag:s18] =	ssyncset.done $0x0  }
0x79: {  	[sflag:s18] =	ssyncadd.s32 $0xFFFFEC00  }
0x7a: {  	[tilespmem:s20], [sflag:$0x3] =	stream.linear.gather [hbm4b:s14+s5], $0x1400, $0x38;
	[tilespmem:$0x1E800] =	vst v63  }
0x7b: {  	_ =	swait.ge [sflag:s18], $0x1400  }
0x7c: {  	[sflag:s18] =	ssyncset.done $0x0  }
0x7d: {  	[sflag:s18] =	ssyncadd.s32 $0xFFFFEC00  }
0x7e: {  	[tilespmem:s17], [sflag:$0x1] =	stream.indirect.gather [hbm4b:s4+s21], $0x80, s19, s21, $0xb8;
	[tilespmem:$0x1E800] =	vst v63  }
0x7f: {  	s1 =	simm.s32 $0x14080  }
0x80: {  	[tilespmem:s22], [sflag:$0x2] =	stream.indirect.gather [hbm4b:s4+s21], $0x80, s1, s21, $0xb8;
	[tilespmem:$0x1E800] =	vst v63  }
0x81: {  	_ =	swait.ge [sflag:s23], $0x4000  }
0x82: {  	[sflag:s23] =	ssyncset.done $0x0  }
0x83: {  	s5 =	simm.s32 $0x15400;
	[sflag:s23] =	ssyncadd.s32 $0xFFFFC000  }
0x84: {  	[spmem:s2] =	stream.indirect.scatter.add.f32 [tilespmem:s17], [sflag:$0x3], $0x80, s5, s21, $0xb8;
	[tilespmem:$0x1E800] =	vst v63  }
0x85: {  	_ =	swait.ge [sflag:s18], $0x4000  }
0x86: {  	[sflag:s18] =	ssyncset.done $0x0  }
0x87: {  	s1 =	simm.s32 $0x14100;
	[sflag:s18] =	ssyncadd.s32 $0xFFFFC000  }
0x88: {  	[tilespmem:s17], [sflag:$0x1] =	stream.indirect.gather [hbm4b:s4+s21], $0x80, s1, s21, $0xb8;
	[tilespmem:$0x1E800] =	vst v63  }
0x89: {  	_ =	swait.ge [sflag:s24], $0x4000  }
0x8a: {  	[sflag:s24] =	ssyncset.done $0x0  }
0x8b: {  	s5 =	simm.s32 $0x15480;
	[sflag:s24] =	ssyncadd.s32 $0xFFFFC000  }
0x8c: {  	[spmem:s2] =	stream.indirect.scatter.add.f32 [tilespmem:s22], [sflag:$0x3], $0x80, s5, s21, $0xb8;
	[tilespmem:$0x1E800] =	vst v63  }
0x8d: {  	_ =	swait.ge [sflag:s18], $0x4000  }
0x8e: {  	s31 =	simm.s32 $0x800;
	s30 =	simm.s32 $0x100;
	[sflag:s18] =	ssyncset.done $0x0  }
.LBB2_4:
0x8f: {  	s0 =	sadd.s32 $0x14080, s30  }
0x90: {  	[sflag:s18] =	ssyncadd.s32 $0xFFFFC000;
	s1 =	smov.u32 s31;
	s5 =	sadd.s32 $0x400, s31  }
0x91: {  	[tilespmem:s22], [sflag:$0x2] =	stream.indirect.gather [hbm4b:s4+s21], $0x80, s0, s21, $0xb8;
	[tilespmem:$0x1E800] =	vst v63  }
0x92: {  	p0 =	sne.s32 s31, $0x4800;
	_ =	swait.ge [sflag:s23], $0x4000  }
0x93: {  	[sflag:s23] =	ssyncset.done $0x0  }
0x94: {  	s0 =	sadd.s32 $0x15400, s30;
	[sflag:s23] =	ssyncadd.s32 $0xFFFFC000  }
0x95: {  	[spmem:s2] =	stream.indirect.scatter.add.f32 [tilespmem:s17], [sflag:$0x3], $0x80, s0, s21, $0xb8;
	[tilespmem:$0x1E800] =	vst v63  }
0x96: {  	_ =	swait.ge [sflag:s18], $0x4000  }
0x97: {  	[sflag:s18] =	ssyncset.done $0x0  }
0x98: {  	s0 =	sadd.s32 $0x14100, s30;
	[sflag:s18] =	ssyncadd.s32 $0xFFFFC000  }
0x99: {  	[tilespmem:s17], [sflag:$0x1] =	stream.indirect.gather [hbm4b:s4+s21], $0x80, s0, s21, $0xb8;
	[tilespmem:$0x1E800] =	vst v63  }
0x9a: {  	_ =	swait.ge [sflag:s24], $0x4000  }
.Ltmp1:
0x9b: {  	[sflag:s24] =	ssyncset.done $0x0;
	(pc) =	sbr.rel @p0 .LBB2_4-.Ltmp1, $4  }
0x9c: {  	s0 =	sadd.s32 $0x15480, s30;
	[sflag:s24] =	ssyncadd.s32 $0xFFFFC000  }
0x9d: {  	[spmem:s2] =	stream.indirect.scatter.add.f32 [tilespmem:s22], [sflag:$0x3], $0x80, s0, s21, $0xb8;
	[tilespmem:$0x1E800] =	vst v63  }
0x9e: {  	_ =	swait.ge [sflag:s18], $0x4000  }
0x9f: {  	s31 =	smov.u32 s5;
	s30 =	sshra.s32 s1, $0x2;
	[sflag:s18] =	ssyncset.done $0x0  }
0xa0: {  	s0 =	sadd.s32 $0x14080, s30;
	[sflag:s18] =	ssyncadd.s32 $0xFFFFC000  }
0xa1: {  	[tilespmem:s22], [sflag:$0x2] =	stream.indirect.gather [hbm4b:s4+s21], $0x80, s0, s21, $0xb8;
	[tilespmem:$0x1E800] =	vst v63  }
0xa2: {  	_ =	swait.ge [sflag:s23], $0x4000  }
0xa3: {  	[sflag:s23] =	ssyncset.done $0x0  }
0xa4: {  	s1 =	sadd.s32 $0x15400, s30;
	[sflag:s23] =	ssyncadd.s32 $0xFFFFC000  }
0xa5: {  	[spmem:s2] =	stream.indirect.scatter.add.f32 [tilespmem:s17], [sflag:$0x3], $0x80, s1, s21, $0xb8;
	[tilespmem:$0x1E800] =	vst v63  }
0xa6: {  	_ =	swait.ge [sflag:s18], $0x4000  }
0xa7: {  	[sflag:s18] =	ssyncset.done $0x0  }
0xa8: {  	s5 =	sadd.s32 $0x14100, s30;
	[sflag:s18] =	ssyncadd.s32 $0xFFFFC000  }
0xa9: {  	[tilespmem:s17], [sflag:$0x1] =	stream.indirect.gather [hbm4b:s4+s21], $0x80, s5, s21, $0xb8;
	[tilespmem:$0x1E800] =	vst v63  }
0xaa: {  	_ =	swait.ge [sflag:s24], $0x4000  }
0xab: {  	[sflag:s24] =	ssyncset.done $0x0  }
0xac: {  	s30 =	sadd.s32 $0x15480, s30;
	[sflag:s24] =	ssyncadd.s32 $0xFFFFC000  }
0xad: {  	[spmem:s2] =	stream.indirect.scatter.add.f32 [tilespmem:s22], [sflag:$0x3], $0x80, s30, s21, $0xb8;
	[tilespmem:$0x1E800] =	vst v63  }
0xae: {  	_ =	swait.ge [sflag:s18], $0x4000  }
0xaf: {  	[sflag:s18] =	ssyncset.done $0x0  }
0xb0: {  	[sflag:s18] =	ssyncadd.s32 $0xFFFFC000  }
0xb1: {  	[tilespmem:s22], [sflag:$0x2] =	stream.indirect.gather [hbm4b:s4+s21], $0x80, s25, s21, $0xb8;
	[tilespmem:$0x1E800] =	vst v63  }
0xb2: {  	_ =	swait.ge [sflag:s23], $0x4000  }
0xb3: {  	[sflag:s23] =	ssyncset.done $0x0  }
0xb4: {  	[sflag:s23] =	ssyncadd.s32 $0xFFFFC000  }
0xb5: {  	[spmem:s2] =	stream.indirect.scatter.add.f32 [tilespmem:s17], [sflag:$0x3], $0x80, s26, s21, $0xb8;
	[tilespmem:$0x1E800] =	vst v63  }
0xb6: {  	_ =	swait.ge [sflag:s18], $0x4000  }
0xb7: {  	[sflag:s18] =	ssyncset.done $0x0  }
0xb8: {  	[sflag:s18] =	ssyncadd.s32 $0xFFFFC000  }
0xb9: {  	_ =	swait.ge [sflag:s24], $0x4000  }
0xba: {  	[sflag:s24] =	ssyncset.done $0x0  }
0xbb: {  	[sflag:s24] =	ssyncadd.s32 $0xFFFFC000  }
0xbc: {  	[spmem:s2] =	stream.indirect.scatter.add.f32 [tilespmem:s22], [sflag:$0x3], $0x80, s28, s21, $0xb8;
	[tilespmem:$0x1E800] =	vst v63  }
0xbd: {  	s31 =	stileid.u32;
	_ =	swait.ge [sflag:s18], $0x4000  }
0xbe: {  	s29 =	sadd.s32 $0x1, s29;
	s0 =	sshll.u32 s31, $0x6;
	[sflag:s18] =	ssyncset.done $0x0  }
0xbf: {  	p0 =	sne.s32 s29, s16;
	s0 =	sor.u32 $0x1C03, s0;
	[sflag:s18] =	ssyncadd.s32 $0xFFFFC000  }
.Ltmp2:
0xc0: {  	s1 =	sshrl.u32 s6, $0x3;
	[bflag:$0x0] =	sbarrier.arrive $0xFFFF;
	(pc) =	sbr.rel @p0 .LBB2_1-.Ltmp2, $4  }
0xc1: {  	[hbm:s15], [sflag:s0] =	dma.local [spmem:s1], $0x2800  }
0xc2: {  	_ =	swait.ge [sflag:s18], $0x2800  }
0xc3: {  	[sflag:s18] =	ssyncset.done $0x0  }
0xc4: {  	[sflag:s18] =	ssyncadd.s32 $0xFFFFD800  }
0xc5: {  	_ =	sfence.sel $0x180000  }
0xc6: {  	[bflag:$0x0] =	sbarrier.arrive $0xFFFF  }
0xc7: {  	_ =	strace $0x90000050  }
0xc8: {  	s0 =	stileid.u32;
	[bflag:$0x2] =	sbarrier.arrive $0xFFFF  }
0xc9: {  	p0 =	sne.s32 s0, $0x0;
	s0 =	rddreg [dreg:$0x2]  }
0xca: {  	s0 =	sadd.s32 @!p0 $0x100000, s0  }
0xcb: {  	[sflag:s0] =	ssyncadd.tile.s32 @!p0 $0x1;
	_ =	shalt  }
.Lfunc_end2:
_tile_overlayer_lowered:
.L_overlay_start_2:
0xcc: {  	(tag) =	ssettag $0x2  }
0xcd: {  	s0 =	rddreg [dreg:$0x0];
	s2 =	stileid.u32  }
0xce: {  	s1 =	rddreg [dreg:$0x1];
	p0 =	sne.s32 s2, $0x0  }
0xcf: {  	s3 =	rddreg [dreg:$0x2];
	[bflag:$0x3] =	sbarrier.arrive $0xFFFF;
	s2 =	simm.s32 @!p0 $0x1C03  }
0xd0: {  	[timem:s3], [sflag:s2] =	dma.local @!p0 [hbm:s0], s1  }
0xd1: {  	s0 =	simm.s32 @!p0 $0x3  }
0xd2: {  	_ =	swait.ge @!p0 [sflag:s0], s1  }
0xd3: {  	s1 =	ssub.s32 @!p0 $0x0, s1;
	[sflag:s0] =	ssyncset.done @!p0 $0x0  }
0xd4: {  	[sflag:s0] =	ssyncadd.s32 @!p0 s1  }
0xd5: {  	[bflag:$0x3] =	sbarrier.arrive $0xFFFF  }
0xd6: {  	_ =	shalt  }

</sc_bundles>
